<compile_context>
chip_gen: v7x
topology: tpu7x:2x2x1
jax: 0.10.2.dev20260603
libtpu: 0.0.44.dev20260713+nightly
codegen_flags: <defaults>
</compile_context>

<pallas_src>
import functools

import jax
import jax.numpy as jnp
from jax import lax
from jax.experimental import pallas as pl
from jax.experimental.pallas import tpu as pltpu
from jax.experimental.pallas import tpu_sc as plsc

LANES = 16
NUM_CORES = 2
NUM_SUBCORES = 16
NUM_WORKERS = NUM_CORES * NUM_SUBCORES
NX = 5
NE = 2
LOOKAHEAD = 3


def _sc_add_posemb(x, embed_weight, off_arr, *, tc):
    B, T, D = x.shape
    rows_per_worker = T // NUM_WORKERS
    n_chunks = rows_per_worker // tc
    n_units = n_chunks * B
    vregs_per_unit = tc * D // LANES
    vregs_per_row = D // LANES

    mesh = plsc.VectorSubcoreMesh(core_axis_name="c", subcore_axis_name="s")

    @functools.partial(
        pl.kernel,
        mesh=mesh,
        out_type=jax.ShapeDtypeStruct((B, T, D), jnp.float32),
        scratch_types=(
            [pltpu.VMEM((tc, D), jnp.float32) for _ in range(NE)]
            + [pltpu.VMEM((tc, D), jnp.float32) for _ in range(NX)]
            + [pltpu.VMEM((rows_per_worker,), jnp.int32)]
            + [pltpu.VMEM((LANES,), jnp.int32)]
            + [pltpu.SemaphoreType.DMA for _ in range(NE + 2 * NX)]
        ),
    )
    def body(x_hbm, emb_hbm, off_hbm, out_hbm, *scratch):
        emb_bufs = scratch[:NE]
        x_bufs = scratch[NE:NE + NX]
        idx_flat = scratch[NE + NX]
        off_v = scratch[NE + NX + 1]
        esems = scratch[NE + NX + 2:NE + NX + 2 + NE]
        lsems = scratch[NE + NX + 2 + NE:NE + NX + 2 + NE + NX]
        ssems = scratch[NE + NX + 2 + NE + NX:]

        wid = lax.axis_index("s") * NUM_CORES + lax.axis_index("c")
        pltpu.sync_copy(off_hbm, off_v)
        offset = off_v[pl.ds(0, LANES)][0]
        base = wid * rows_per_worker

        for k in range(rows_per_worker // LANES):
            idx_flat[pl.ds(k * LANES, LANES)] = (
                lax.iota(jnp.int32, LANES) + (base + offset + k * LANES)
            )

        def start_emb(c):
            return pltpu.async_copy(
                emb_hbm.at[idx_flat.at[pl.ds(c * tc, tc)]],
                emb_bufs[c % NE], esems[c % NE])

        def start_xload(u):
            c, b = u // B, u % B
            t0 = pl.multiple_of(base + c * tc, 8)
            return pltpu.async_copy(x_hbm.at[b, pl.ds(t0, tc)],
                                    x_bufs[u % NX], lsems[u % NX])

        def start_store(u):
            c, b = u // B, u % B
            t0 = pl.multiple_of(base + c * tc, 8)
            return pltpu.async_copy(x_bufs[u % NX],
                                    out_hbm.at[b, pl.ds(t0, tc)], ssems[u % NX])

        def compute(u):
            emb_v, x_v = emb_bufs[(u // B) % NE], x_bufs[u % NX]

            @plsc.parallel_loop(0, vregs_per_unit, unroll=8)
            def vreg_body(j):
                r = lax.shift_right_logical(j, 6) if vregs_per_row == 64 else j // vregs_per_row
                col = (j - r * vregs_per_row) * LANES
                e = emb_v[r, pl.ds(col, LANES)]
                plsc.addupdate(x_v.at[r, pl.ds(col, LANES)], e)

        embs = [None] * n_chunks
        loads = [None] * n_units
        stores = [None] * n_units
        for v in range(min(LOOKAHEAD, n_units)):
            if v % B == 0:
                embs[v // B] = start_emb(v // B)
            loads[v] = start_xload(v)
        for u in range(n_units):
            v = u + LOOKAHEAD
            if v < n_units:
                if v - NX >= 0:
                    stores[v - NX].wait()
                if v % B == 0:
                    embs[v // B] = start_emb(v // B)
                loads[v] = start_xload(v)
            if u % B == 0:
                embs[u // B].wait()
            loads[u].wait()
            compute(u)
            stores[u] = start_store(u)
        for u in range(max(0, n_units - NX), n_units):
            stores[u].wait()

    return body(x, embed_weight, off_arr)


def kernel(x, embed_weight, offset):
    off_arr = jnp.full((LANES,), offset, dtype=jnp.int32)
    return _sc_add_posemb(x, embed_weight, off_arr, tc=16)

# --- scband reference (transcript-rebuilt; emitter-appended) ---
"""Pipeline reference for scband-learned-positional-embedding-78039555768481 (READ-ONLY COPY).

The authoritative reference and input builder live on the scoring server;
editing this copy changes nothing except your own understanding.
"""

import jax, jax.numpy as jnp
import numpy as np

DIM = 1024
MAX_LEN = 4096
B, T = 4, 4096

def setup_inputs(seed: int = 0) -> dict:
    key = jax.random.key(seed)
    k_x, k_w = jax.random.split(key)
    x = jax.random.normal(k_x, (B, T, DIM), dtype=jnp.float32)
    # nn.init.normal_(std=0.02)
    embed_weight = jax.random.normal(k_w, (MAX_LEN, DIM), dtype=jnp.float32) * 0.02
    offset = 0
    return {"x": x, "embed_weight": embed_weight, "offset": offset}

def reference(x, embed_weight, offset=0):
    seq_len = x.shape[1]
    positions = jnp.arange(seq_len) + offset
    pos_emb = jnp.take(embed_weight, positions, axis=0)  # (T, D) embedding gather
    out = x + pos_emb[None, :, :]
    # dropout p=0.0 -> identity (eval/no-op)
    return out

if __name__ == "__main__":
    import jax
    _d = setup_inputs()
    print(jax.jit(kernel)(*tuple(_d.values())))

</pallas_src>

<mosaic_0001>
#map = affine_map<(d0, d1) -> (0, 0, 0)>
#map1 = affine_map<(d0, d1) -> (0, 0)>
#map2 = affine_map<(d0, d1) -> (0)>
module attributes {stable_mosaic.version = 14 : i64} {
  func.func @body(%arg0: i32, %arg1: i32, %arg2: memref<4x4096x1024xf32, #tpu.memory_space<hbm>>, %arg3: memref<4096x1024xf32, #tpu.memory_space<hbm>>, %arg4: memref<16xi32, #tpu.memory_space<hbm>>, %arg5: memref<4x4096x1024xf32, #tpu.memory_space<hbm>>, %arg6: memref<16x1024xf32, #tpu.memory_space<vmem>>, %arg7: memref<16x1024xf32, #tpu.memory_space<vmem>>, %arg8: memref<16x1024xf32, #tpu.memory_space<vmem>>, %arg9: memref<16x1024xf32, #tpu.memory_space<vmem>>, %arg10: memref<16x1024xf32, #tpu.memory_space<vmem>>, %arg11: memref<16x1024xf32, #tpu.memory_space<vmem>>, %arg12: memref<16x1024xf32, #tpu.memory_space<vmem>>, %arg13: memref<128xi32, #tpu.memory_space<vmem>>, %arg14: memref<16xi32, #tpu.memory_space<vmem>>, %arg15: memref<!tpu.dma_semaphore, #tpu.memory_space<semaphore_mem>>, %arg16: memref<!tpu.dma_semaphore, #tpu.memory_space<semaphore_mem>>, %arg17: memref<!tpu.dma_semaphore, #tpu.memory_space<semaphore_mem>>, %arg18: memref<!tpu.dma_semaphore, #tpu.memory_space<semaphore_mem>>, %arg19: memref<!tpu.dma_semaphore, #tpu.memory_space<semaphore_mem>>, %arg20: memref<!tpu.dma_semaphore, #tpu.memory_space<semaphore_mem>>, %arg21: memref<!tpu.dma_semaphore, #tpu.memory_space<semaphore_mem>>, %arg22: memref<!tpu.dma_semaphore, #tpu.memory_space<semaphore_mem>>, %arg23: memref<!tpu.dma_semaphore, #tpu.memory_space<semaphore_mem>>, %arg24: memref<!tpu.dma_semaphore, #tpu.memory_space<semaphore_mem>>, %arg25: memref<!tpu.dma_semaphore, #tpu.memory_space<semaphore_mem>>, %arg26: memref<!tpu.dma_semaphore, #tpu.memory_space<semaphore_mem>>) attributes {dimension_semantics = [#tpu.dimension_semantics<core_parallel>, #tpu.dimension_semantics<subcore_parallel>], iteration_bounds = array<i64: 2, 16>, scalar_prefetch = 0 : i64, scratch_operands = 21 : i64, tpu.core_type = #tpu.core_type<sc_vector_subcore>, window_params = [{transform_indices = #map}, {transform_indices = #map1}, {transform_indices = #map2}, {transform_indices = #map}]} {
    %mul3A = arith.constant 2 : i32
    %mul3A_0 = arith.muli %arg1, %mul3A : i32
    %add3A = arith.addi %mul3A_0, %arg0 : i32
    "tpu.region"() ({
      %run_scoped3A = tpu.sem_alloc : memref<!tpu.dma_semaphore, #tpu.memory_space<semaphore_mem>>
      tpu.enqueue_dma source(%arg4 : memref<16xi32, #tpu.memory_space<hbm>>) target(%arg14 : memref<16xi32, #tpu.memory_space<vmem>>) target_semaphore(%run_scoped3A : memref<!tpu.dma_semaphore, #tpu.memory_space<semaphore_mem>>)
      tpu.wait_dma2 semaphore(%run_scoped3A : memref<!tpu.dma_semaphore, #tpu.memory_space<semaphore_mem>>) src(%arg4 : memref<16xi32, #tpu.memory_space<hbm>>) dst(%arg14 : memref<16xi32, #tpu.memory_space<vmem>>)
      tpu.yield
    }) : () -> ()
    %get3A = arith.constant 0 : index
    %get3A_1 = tpu.vector_load %arg14[%get3A] {strides = array<i32>} : memref<16xi32, #tpu.memory_space<vmem>>, vector<16xi32>,
    %get3A_2 = vector.shape_cast %get3A_1 : vector<16xi32> to vector<16xi32>
    %slice3A = vector.extract_strided_slice %get3A_2 {offsets = [0], sizes = [1], strides = [1]} : vector<16xi32> to vector<1xi32>
    %squeeze3A = vector.extract %slice3A[0] : i32 from vector<1xi32>
    %mul3A_3 = arith.constant 128 : i32
    %mul3A_4 = arith.muli %add3A, %mul3A_3 : i32
    %iota3A = tpu.iota {dimensions = array<i32: 0>} : vector<16xi32>
    %add3A_5 = arith.addi %mul3A_4, %squeeze3A : i32
    %add3A_6 = arith.constant 0 : i32
    %add3A_7 = arith.addi %add3A_5, %add3A_6 : i32
    %add3A_8 = vector.broadcast %add3A_7 : i32 to vector<16xi32>
    %add3A_9 = arith.addi %iota3A, %add3A_8 : vector<16xi32>
    %swap3A = arith.constant 0 : index
    %swap3A_10 = tpu.vector_load %arg13[%swap3A] {strides = array<i32>} : memref<128xi32, #tpu.memory_space<vmem>>, vector<16xi32>,
    %swap3A_11 = vector.shape_cast %swap3A_10 : vector<16xi32> to vector<16xi32>
    %swap3A_12 = vector.shape_cast %add3A_9 : vector<16xi32> to vector<16xi32>
    tpu.vector_store %arg13[%swap3A], %swap3A_12 {strides = array<i32>} : memref<128xi32, #tpu.memory_space<vmem>>, vector<16xi32>,
    %iota3A_13 = tpu.iota {dimensions = array<i32: 0>} : vector<16xi32>
    %add3A_14 = arith.addi %mul3A_4, %squeeze3A : i32
    %add3A_15 = arith.constant 16 : i32
    %add3A_16 = arith.addi %add3A_14, %add3A_15 : i32
    %add3A_17 = vector.broadcast %add3A_16 : i32 to vector<16xi32>
    %add3A_18 = arith.addi %iota3A_13, %add3A_17 : vector<16xi32>
    %swap3A_19 = arith.constant 16 : index
    %swap3A_20 = tpu.vector_load %arg13[%swap3A_19] {strides = array<i32>} : memref<128xi32, #tpu.memory_space<vmem>>, vector<16xi32>,
    %swap3A_21 = vector.shape_cast %swap3A_20 : vector<16xi32> to vector<16xi32>
    %swap3A_22 = vector.shape_cast %add3A_18 : vector<16xi32> to vector<16xi32>
    tpu.vector_store %arg13[%swap3A_19], %swap3A_22 {strides = array<i32>} : memref<128xi32, #tpu.memory_space<vmem>>, vector<16xi32>,
    %iota3A_23 = tpu.iota {dimensions = array<i32: 0>} : vector<16xi32>
    %add3A_24 = arith.addi %mul3A_4, %squeeze3A : i32
    %add3A_25 = arith.constant 32 : i32
    %add3A_26 = arith.addi %add3A_24, %add3A_25 : i32
    %add3A_27 = vector.broadcast %add3A_26 : i32 to vector<16xi32>
    %add3A_28 = arith.addi %iota3A_23, %add3A_27 : vector<16xi32>
    %swap3A_29 = arith.constant 32 : index
    %swap3A_30 = tpu.vector_load %arg13[%swap3A_29] {strides = array<i32>} : memref<128xi32, #tpu.memory_space<vmem>>, vector<16xi32>,
    %swap3A_31 = vector.shape_cast %swap3A_30 : vector<16xi32> to vector<16xi32>
    %swap3A_32 = vector.shape_cast %add3A_28 : vector<16xi32> to vector<16xi32>
    tpu.vector_store %arg13[%swap3A_29], %swap3A_32 {strides = array<i32>} : memref<128xi32, #tpu.memory_space<vmem>>, vector<16xi32>,
    %iota3A_33 = tpu.iota {dimensions = array<i32: 0>} : vector<16xi32>
    %add3A_34 = arith.addi %mul3A_4, %squeeze3A : i32
    %add3A_35 = arith.constant 48 : i32
    %add3A_36 = arith.addi %add3A_34, %add3A_35 : i32
    %add3A_37 = vector.broadcast %add3A_36 : i32 to vector<16xi32>
    %add3A_38 = arith.addi %iota3A_33, %add3A_37 : vector<16xi32>
    %swap3A_39 = arith.constant 48 : index
    %swap3A_40 = tpu.vector_load %arg13[%swap3A_39] {strides = array<i32>} : memref<128xi32, #tpu.memory_space<vmem>>, vector<16xi32>,
    %swap3A_41 = vector.shape_cast %swap3A_40 : vector<16xi32> to vector<16xi32>
    %swap3A_42 = vector.shape_cast %add3A_38 : vector<16xi32> to vector<16xi32>
    tpu.vector_store %arg13[%swap3A_39], %swap3A_42 {strides = array<i32>} : memref<128xi32, #tpu.memory_space<vmem>>, vector<16xi32>,
    %iota3A_43 = tpu.iota {dimensions = array<i32: 0>} : vector<16xi32>
    %add3A_44 = arith.addi %mul3A_4, %squeeze3A : i32
    %add3A_45 = arith.constant 64 : i32
    %add3A_46 = arith.addi %add3A_44, %add3A_45 : i32
    %add3A_47 = vector.broadcast %add3A_46 : i32 to vector<16xi32>
    %add3A_48 = arith.addi %iota3A_43, %add3A_47 : vector<16xi32>
    %swap3A_49 = arith.constant 64 : index
    %swap3A_50 = tpu.vector_load %arg13[%swap3A_49] {strides = array<i32>} : memref<128xi32, #tpu.memory_space<vmem>>, vector<16xi32>,
    %swap3A_51 = vector.shape_cast %swap3A_50 : vector<16xi32> to vector<16xi32>
    %swap3A_52 = vector.shape_cast %add3A_48 : vector<16xi32> to vector<16xi32>
    tpu.vector_store %arg13[%swap3A_49], %swap3A_52 {strides = array<i32>} : memref<128xi32, #tpu.memory_space<vmem>>, vector<16xi32>,
    %iota3A_53 = tpu.iota {dimensions = array<i32: 0>} : vector<16xi32>
    %add3A_54 = arith.addi %mul3A_4, %squeeze3A : i32
    %add3A_55 = arith.constant 80 : i32
    %add3A_56 = arith.addi %add3A_54, %add3A_55 : i32
    %add3A_57 = vector.broadcast %add3A_56 : i32 to vector<16xi32>
    %add3A_58 = arith.addi %iota3A_53, %add3A_57 : vector<16xi32>
    %swap3A_59 = arith.constant 80 : index
    %swap3A_60 = tpu.vector_load %arg13[%swap3A_59] {strides = array<i32>} : memref<128xi32, #tpu.memory_space<vmem>>, vector<16xi32>,
    %swap3A_61 = vector.shape_cast %swap3A_60 : vector<16xi32> to vector<16xi32>
    %swap3A_62 = vector.shape_cast %add3A_58 : vector<16xi32> to vector<16xi32>
    tpu.vector_store %arg13[%swap3A_59], %swap3A_62 {strides = array<i32>} : memref<128xi32, #tpu.memory_space<vmem>>, vector<16xi32>,
    %iota3A_63 = tpu.iota {dimensions = array<i32: 0>} : vector<16xi32>
    %add3A_64 = arith.addi %mul3A_4, %squeeze3A : i32
    %add3A_65 = arith.constant 96 : i32
    %add3A_66 = arith.addi %add3A_64, %add3A_65 : i32
    %add3A_67 = vector.broadcast %add3A_66 : i32 to vector<16xi32>
    %add3A_68 = arith.addi %iota3A_63, %add3A_67 : vector<16xi32>
    %swap3A_69 = arith.constant 96 : index
    %swap3A_70 = tpu.vector_load %arg13[%swap3A_69] {strides = array<i32>} : memref<128xi32, #tpu.memory_space<vmem>>, vector<16xi32>,
    %swap3A_71 = vector.shape_cast %swap3A_70 : vector<16xi32> to vector<16xi32>
    %swap3A_72 = vector.shape_cast %add3A_68 : vector<16xi32> to vector<16xi32>
    tpu.vector_store %arg13[%swap3A_69], %swap3A_72 {strides = array<i32>} : memref<128xi32, #tpu.memory_space<vmem>>, vector<16xi32>,
    %iota3A_73 = tpu.iota {dimensions = array<i32: 0>} : vector<16xi32>
    %add3A_74 = arith.addi %mul3A_4, %squeeze3A : i32
    %add3A_75 = arith.constant 112 : i32
    %add3A_76 = arith.addi %add3A_74, %add3A_75 : i32
    %add3A_77 = vector.broadcast %add3A_76 : i32 to vector<16xi32>
    %add3A_78 = arith.addi %iota3A_73, %add3A_77 : vector<16xi32>
    %swap3A_79 = arith.constant 112 : index
    %swap3A_80 = tpu.vector_load %arg13[%swap3A_79] {strides = array<i32>} : memref<128xi32, #tpu.memory_space<vmem>>, vector<16xi32>,
    %swap3A_81 = vector.shape_cast %swap3A_80 : vector<16xi32> to vector<16xi32>
    %swap3A_82 = vector.shape_cast %add3A_78 : vector<16xi32> to vector<16xi32>
    tpu.vector_store %arg13[%swap3A_79], %swap3A_82 {strides = array<i32>} : memref<128xi32, #tpu.memory_space<vmem>>, vector<16xi32>,
    %dma_start3A = arith.constant 0 : i32
    %dma_start3A_83 = tpu.memref_slice %arg13[%dma_start3A] : memref<128xi32, #tpu.memory_space<vmem>> -> memref<16xi32, #tpu.memory_space<vmem>>
    %dma_start3A_84 = arith.constant 0 : i32
    %dma_start3A_85 = arith.constant 0 : i32
    %dma_start3A_86 = tpu.memref_slice %arg3[%dma_start3A_84, %dma_start3A_85] : memref<4096x1024xf32, #tpu.memory_space<hbm>> -> memref<4096x1024xf32, #tpu.memory_space<hbm>>
    tpu.enqueue_indirect_dma source(%dma_start3A_86 : memref<4096x1024xf32, #tpu.memory_space<hbm>>) target(%arg6 : memref<16x1024xf32, #tpu.memory_space<vmem>>) offsets(%dma_start3A_83 : memref<16xi32, #tpu.memory_space<vmem>>) semaphore(%arg15 : memref<!tpu.dma_semaphore, #tpu.memory_space<semaphore_mem>>)
    %add3A_87 = arith.constant 0 : i32
    %add3A_88 = arith.addi %mul3A_4, %add3A_87 : i32
    %multiple_of3A = tpu.assume_multiple %add3A_88, 8 : i32
    %dma_start3A_89 = arith.constant 0 : i32
    %dma_start3A_90 = arith.constant 0 : i32
    %dma_start3A_91 = tpu.memref_slice %arg2[%dma_start3A_89, %multiple_of3A, %dma_start3A_90] : memref<4x4096x1024xf32, #tpu.memory_space<hbm>> -> memref<1x16x1024xf32, #tpu.memory_space<hbm>>
    %dma_start3A_92 = tpu.memref_squeeze %dma_start3A_91 : memref<1x16x1024xf32, #tpu.memory_space<hbm>> -> memref<16x1024xf32, #tpu.memory_space<hbm>>
    %dma_start3A_93 = arith.constant 0 : i32
    %dma_start3A_94 = tpu.memref_slice %arg2[%dma_start3A_89, %multiple_of3A, %dma_start3A_93] : memref<4x4096x1024xf32, #tpu.memory_space<hbm>> -> memref<1x16x1024xf32, #tpu.memory_space<hbm>>
    %dma_start3A_95 = tpu.memref_squeeze %dma_start3A_94 : memref<1x16x1024xf32, #tpu.memory_space<hbm>> -> memref<16x1024xf32, #tpu.memory_space<hbm>>
    tpu.enqueue_dma source(%dma_start3A_95 : memref<16x1024xf32, #tpu.memory_space<hbm>>) target(%arg8 : memref<16x1024xf32, #tpu.memory_space<vmem>>) target_semaphore(%arg17 : memref<!tpu.dma_semaphore, #tpu.memory_space<semaphore_mem>>)
    %add3A_96 = arith.constant 0 : i32
    %add3A_97 = arith.addi %mul3A_4, %add3A_96 : i32
    %multiple_of3A_98 = tpu.assume_multiple %add3A_97, 8 : i32
    %dma_start3A_99 = arith.constant 1 : i32
    %dma_start3A_100 = arith.constant 0 : i32
    %dma_start3A_101 = tpu.memref_slice %arg2[%dma_start3A_99, %multiple_of3A_98, %dma_start3A_100] : memref<4x4096x1024xf32, #tpu.memory_space<hbm>> -> memref<1x16x1024xf32, #tpu.memory_space<hbm>>
    %dma_start3A_102 = tpu.memref_squeeze %dma_start3A_101 : memref<1x16x1024xf32, #tpu.memory_space<hbm>> -> memref<16x1024xf32, #tpu.memory_space<hbm>>
    %dma_start3A_103 = arith.constant 0 : i32
    %dma_start3A_104 = tpu.memref_slice %arg2[%dma_start3A_99, %multiple_of3A_98, %dma_start3A_103] : memref<4x4096x1024xf32, #tpu.memory_space<hbm>> -> memref<1x16x1024xf32, #tpu.memory_space<hbm>>
    %dma_start3A_105 = tpu.memref_squeeze %dma_start3A_104 : memref<1x16x1024xf32, #tpu.memory_space<hbm>> -> memref<16x1024xf32, #tpu.memory_space<hbm>>
    tpu.enqueue_dma source(%dma_start3A_105 : memref<16x1024xf32, #tpu.memory_space<hbm>>) target(%arg9 : memref<16x1024xf32, #tpu.memory_space<vmem>>) target_semaphore(%arg18 : memref<!tpu.dma_semaphore, #tpu.memory_space<semaphore_mem>>)
    %add3A_106 = arith.constant 0 : i32
    %add3A_107 = arith.addi %mul3A_4, %add3A_106 : i32
    %multiple_of3A_108 = tpu.assume_multiple %add3A_107, 8 : i32
    %dma_start3A_109 = arith.constant 2 : i32
    %dma_start3A_110 = arith.constant 0 : i32
    %dma_start3A_111 = tpu.memref_slice %arg2[%dma_start3A_109, %multiple_of3A_108, %dma_start3A_110] : memref<4x4096x1024xf32, #tpu.memory_space<hbm>> -> memref<1x16x1024xf32, #tpu.memory_space<hbm>>
    %dma_start3A_112 = tpu.memref_squeeze %dma_start3A_111 : memref<1x16x1024xf32, #tpu.memory_space<hbm>> -> memref<16x1024xf32, #tpu.memory_space<hbm>>
    %dma_start3A_113 = arith.constant 0 : i32
    %dma_start3A_114 = tpu.memref_slice %arg2[%dma_start3A_109, %multiple_of3A_108, %dma_start3A_113] : memref<4x4096x1024xf32, #tpu.memory_space<hbm>> -> memref<1x16x1024xf32, #tpu.memory_space<hbm>>
    %dma_start3A_115 = tpu.memref_squeeze %dma_start3A_114 : memref<1x16x1024xf32, #tpu.memory_space<hbm>> -> memref<16x1024xf32, #tpu.memory_space<hbm>>
    tpu.enqueue_dma source(%dma_start3A_115 : memref<16x1024xf32, #tpu.memory_space<hbm>>) target(%arg10 : memref<16x1024xf32, #tpu.memory_space<vmem>>) target_semaphore(%arg19 : memref<!tpu.dma_semaphore, #tpu.memory_space<semaphore_mem>>)
    %add3A_116 = arith.constant 0 : i32
    %add3A_117 = arith.addi %mul3A_4, %add3A_116 : i32
    %multiple_of3A_118 = tpu.assume_multiple %add3A_117, 8 : i32
    %dma_start3A_119 = arith.constant 3 : i32
    %dma_start3A_120 = arith.constant 0 : i32
    %dma_start3A_121 = tpu.memref_slice %arg2[%dma_start3A_119, %multiple_of3A_118, %dma_start3A_120] : memref<4x4096x1024xf32, #tpu.memory_space<hbm>> -> memref<1x16x1024xf32, #tpu.memory_space<hbm>>
    %dma_start3A_122 = tpu.memref_squeeze %dma_start3A_121 : memref<1x16x1024xf32, #tpu.memory_space<hbm>> -> memref<16x1024xf32, #tpu.memory_space<hbm>>
    %dma_start3A_123 = arith.constant 0 : i32
    %dma_start3A_124 = tpu.memref_slice %arg2[%dma_start3A_119, %multiple_of3A_118, %dma_start3A_123] : memref<4x4096x1024xf32, #tpu.memory_space<hbm>> -> memref<1x16x1024xf32, #tpu.memory_space<hbm>>
    %dma_start3A_125 = tpu.memref_squeeze %dma_start3A_124 : memref<1x16x1024xf32, #tpu.memory_space<hbm>> -> memref<16x1024xf32, #tpu.memory_space<hbm>>
    tpu.enqueue_dma source(%dma_start3A_125 : memref<16x1024xf32, #tpu.memory_space<hbm>>) target(%arg11 : memref<16x1024xf32, #tpu.memory_space<vmem>>) target_semaphore(%arg20 : memref<!tpu.dma_semaphore, #tpu.memory_space<semaphore_mem>>)
    %dma_wait3A = arith.constant 0 : i32
    %dma_wait3A_126 = tpu.memref_slice %arg13[%dma_wait3A] : memref<128xi32, #tpu.memory_space<vmem>> -> memref<16xi32, #tpu.memory_space<vmem>>
    %dma_wait3A_127 = arith.constant 0 : i32
    %dma_wait3A_128 = arith.constant 0 : i32
    %dma_wait3A_129 = tpu.memref_slice %arg3[%dma_wait3A_127, %dma_wait3A_128] : memref<4096x1024xf32, #tpu.memory_space<hbm>> -> memref<4096x1024xf32, #tpu.memory_space<hbm>>
    tpu.wait_indirect_dma semaphore(%arg15 : memref<!tpu.dma_semaphore, #tpu.memory_space<semaphore_mem>>) src(%dma_wait3A_129 : memref<4096x1024xf32, #tpu.memory_space<hbm>>) dst(%arg6 : memref<16x1024xf32, #tpu.memory_space<vmem>>)
    %dma_wait3A_130 = arith.constant 0 : i32
    %dma_wait3A_131 = arith.constant 0 : i32
    %dma_wait3A_132 = tpu.memref_slice %arg2[%dma_wait3A_130, %multiple_of3A, %dma_wait3A_131] : memref<4x4096x1024xf32, #tpu.memory_space<hbm>> -> memref<1x16x1024xf32, #tpu.memory_space<hbm>>
    %dma_wait3A_133 = tpu.memref_squeeze %dma_wait3A_132 : memref<1x16x1024xf32, #tpu.memory_space<hbm>> -> memref<16x1024xf32, #tpu.memory_space<hbm>>
    %dma_wait3A_134 = arith.constant 0 : i32
    %dma_wait3A_135 = tpu.memref_slice %arg2[%dma_wait3A_130, %multiple_of3A, %dma_wait3A_134] : memref<4x4096x1024xf32, #tpu.memory_space<hbm>> -> memref<1x16x1024xf32, #tpu.memory_space<hbm>>
    %dma_wait3A_136 = tpu.memref_squeeze %dma_wait3A_135 : memref<1x16x1024xf32, #tpu.memory_space<hbm>> -> memref<16x1024xf32, #tpu.memory_space<hbm>>
    tpu.wait_dma2 semaphore(%arg17 : memref<!tpu.dma_semaphore, #tpu.memory_space<semaphore_mem>>) src(%dma_wait3A_136 : memref<16x1024xf32, #tpu.memory_space<hbm>>) dst(%arg8 : memref<16x1024xf32, #tpu.memory_space<vmem>>)
    %parallel_loop3A = arith.constant 0 : i32
    %parallel_loop3A_137 = arith.constant 1024 : i32
    %parallel_loop3A_138 = arith.constant 1 : i32
    scf.for %parallel_loop3A_1343 = %parallel_loop3A to %parallel_loop3A_137 step %parallel_loop3A_138  : i32 {
      %parallel_loop3A_1344 = arith.constant 6 : i32
      %parallel_loop3A_1345 = arith.shrui %parallel_loop3A_1343, %parallel_loop3A_1344 : i32
      %parallel_loop3A_1346 = arith.constant 64 : i32
      %parallel_loop3A_1347 = arith.muli %parallel_loop3A_1345, %parallel_loop3A_1346 : i32
      %parallel_loop3A_1348 = arith.subi %parallel_loop3A_1343, %parallel_loop3A_1347 : i32
      %parallel_loop3A_1349 = arith.constant 16 : i32
      %parallel_loop3A_1350 = arith.muli %parallel_loop3A_1348, %parallel_loop3A_1349 : i32
      %parallel_loop3A_1351 = arith.index_cast %parallel_loop3A_1345 : i32 to index
      %parallel_loop3A_1352 = arith.index_cast %parallel_loop3A_1350 : i32 to index
      %parallel_loop3A_1353 = tpu.vector_load %arg6[%parallel_loop3A_1351, %parallel_loop3A_1352] {strides = array<i32>} : memref<16x1024xf32, #tpu.memory_space<vmem>>, vector<1x16xf32>,
      %parallel_loop3A_1354 = vector.shape_cast %parallel_loop3A_1353 : vector<1x16xf32> to vector<16xf32>
      %parallel_loop3A_1355 = arith.index_cast %parallel_loop3A_1345 : i32 to index
      %parallel_loop3A_1356 = arith.index_cast %parallel_loop3A_1350 : i32 to index
      %parallel_loop3A_1357 = tpu.vector_load %arg8[%parallel_loop3A_1355, %parallel_loop3A_1356] {strides = array<i32>} : memref<16x1024xf32, #tpu.memory_space<vmem>>, vector<1x16xf32>,
      %parallel_loop3A_1358 = vector.shape_cast %parallel_loop3A_1357 : vector<1x16xf32> to vector<16xf32>
      %parallel_loop3A_1359 = vector.shape_cast %parallel_loop3A_1354 : vector<16xf32> to vector<1x16xf32>
      tpu.vector_store %arg8[%parallel_loop3A_1355, %parallel_loop3A_1356], %parallel_loop3A_1359 {add = true, strides = array<i32>} : memref<16x1024xf32, #tpu.memory_space<vmem>>, vector<1x16xf32>,
    } {sc.loop_unroll_factor = 8 : i64, sc.parallel_access}
    %add3A_139 = arith.constant 0 : i32
    %add3A_140 = arith.addi %mul3A_4, %add3A_139 : i32
    %multiple_of3A_141 = tpu.assume_multiple %add3A_140, 8 : i32
    %dma_start3A_142 = arith.constant 0 : i32
    %dma_start3A_143 = arith.constant 0 : i32
    %dma_start3A_144 = tpu.memref_slice %arg5[%dma_start3A_142, %multiple_of3A_141, %dma_start3A_143] : memref<4x4096x1024xf32, #tpu.memory_space<hbm>> -> memref<1x16x1024xf32, #tpu.memory_space<hbm>>
    %dma_start3A_145 = tpu.memref_squeeze %dma_start3A_144 : memref<1x16x1024xf32, #tpu.memory_space<hbm>> -> memref<16x1024xf32, #tpu.memory_space<hbm>>
    %dma_start3A_146 = arith.constant 0 : i32
    %dma_start3A_147 = tpu.memref_slice %arg5[%dma_start3A_142, %multiple_of3A_141, %dma_start3A_146] : memref<4x4096x1024xf32, #tpu.memory_space<hbm>> -> memref<1x16x1024xf32, #tpu.memory_space<hbm>>
    %dma_start3A_148 = tpu.memref_squeeze %dma_start3A_147 : memref<1x16x1024xf32, #tpu.memory_space<hbm>> -> memref<16x1024xf32, #tpu.memory_space<hbm>>
    tpu.enqueue_dma source(%arg8 : memref<16x1024xf32, #tpu.memory_space<vmem>>) target(%dma_start3A_148 : memref<16x1024xf32, #tpu.memory_space<hbm>>) target_semaphore(%arg22 : memref<!tpu.dma_semaphore, #tpu.memory_space<semaphore_mem>>)
    %dma_start3A_149 = arith.constant 16 : i32
    %dma_start3A_150 = tpu.memref_slice %arg13[%dma_start3A_149] : memref<128xi32, #tpu.memory_space<vmem>> -> memref<16xi32, #tpu.memory_space<vmem>>
    %dma_start3A_151 = arith.constant 0 : i32
    %dma_start3A_152 = arith.constant 0 : i32
    %dma_start3A_153 = tpu.memref_slice %arg3[%dma_start3A_151, %dma_start3A_152] : memref<4096x1024xf32, #tpu.memory_space<hbm>> -> memref<4096x1024xf32, #tpu.memory_space<hbm>>
    tpu.enqueue_indirect_dma source(%dma_start3A_153 : memref<4096x1024xf32, #tpu.memory_space<hbm>>) target(%arg7 : memref<16x1024xf32, #tpu.memory_space<vmem>>) offsets(%dma_start3A_150 : memref<16xi32, #tpu.memory_space<vmem>>) semaphore(%arg16 : memref<!tpu.dma_semaphore, #tpu.memory_space<semaphore_mem>>)
    %add3A_154 = arith.constant 16 : i32
    %add3A_155 = arith.addi %mul3A_4, %add3A_154 : i32
    %multiple_of3A_156 = tpu.assume_multiple %add3A_155, 8 : i32
    %dma_start3A_157 = arith.constant 0 : i32
    %dma_start3A_158 = arith.constant 0 : i32
    %dma_start3A_159 = tpu.memref_slice %arg2[%dma_start3A_157, %multiple_of3A_156, %dma_start3A_158] : memref<4x4096x1024xf32, #tpu.memory_space<hbm>> -> memref<1x16x1024xf32, #tpu.memory_space<hbm>>
    %dma_start3A_160 = tpu.memref_squeeze %dma_start3A_159 : memref<1x16x1024xf32, #tpu.memory_space<hbm>> -> memref<16x1024xf32, #tpu.memory_space<hbm>>
    %dma_start3A_161 = arith.constant 0 : i32
    %dma_start3A_162 = tpu.memref_slice %arg2[%dma_start3A_157, %multiple_of3A_156, %dma_start3A_161] : memref<4x4096x1024xf32, #tpu.memory_space<hbm>> -> memref<1x16x1024xf32, #tpu.memory_space<hbm>>
    %dma_start3A_163 = tpu.memref_squeeze %dma_start3A_162 : memref<1x16x1024xf32, #tpu.memory_space<hbm>> -> memref<16x1024xf32, #tpu.memory_space<hbm>>
    tpu.enqueue_dma source(%dma_start3A_163 : memref<16x1024xf32, #tpu.memory_space<hbm>>) target(%arg12 : memref<16x1024xf32, #tpu.memory_space<vmem>>) target_semaphore(%arg21 : memref<!tpu.dma_semaphore, #tpu.memory_space<semaphore_mem>>)
    %dma_wait3A_164 = arith.constant 1 : i32
    %dma_wait3A_165 = arith.constant 0 : i32
    %dma_wait3A_166 = tpu.memref_slice %arg2[%dma_wait3A_164, %multiple_of3A_98, %dma_wait3A_165] : memref<4x4096x1024xf32, #tpu.memory_space<hbm>> -> memref<1x16x1024xf32, #tpu.memory_space<hbm>>
    %dma_wait3A_167 = tpu.memref_squeeze %dma_wait3A_166 : memref<1x16x1024xf32, #tpu.memory_space<hbm>> -> memref<16x1024xf32, #tpu.memory_space<hbm>>
    %dma_wait3A_168 = arith.constant 0 : i32
    %dma_wait3A_169 = tpu.memref_slice %arg2[%dma_wait3A_164, %multiple_of3A_98, %dma_wait3A_168] : memref<4x4096x1024xf32, #tpu.memory_space<hbm>> -> memref<1x16x1024xf32, #tpu.memory_space<hbm>>
    %dma_wait3A_170 = tpu.memref_squeeze %dma_wait3A_169 : memref<1x16x1024xf32, #tpu.memory_space<hbm>> -> memref<16x1024xf32, #tpu.memory_space<hbm>>
    tpu.wait_dma2 semaphore(%arg18 : memref<!tpu.dma_semaphore, #tpu.memory_space<semaphore_mem>>) src(%dma_wait3A_170 : memref<16x1024xf32, #tpu.memory_space<hbm>>) dst(%arg9 : memref<16x1024xf32, #tpu.memory_space<vmem>>)
    %parallel_loop3A_171 = arith.constant 0 : i32
    %parallel_loop3A_172 = arith.constant 1024 : i32
    %parallel_loop3A_173 = arith.constant 1 : i32
    scf.for %parallel_loop3A_1343 = %parallel_loop3A_171 to %parallel_loop3A_172 step %parallel_loop3A_173  : i32 {
      %parallel_loop3A_1344 = arith.constant 6 : i32
      %parallel_loop3A_1345 = arith.shrui %parallel_loop3A_1343, %parallel_loop3A_1344 : i32
      %parallel_loop3A_1346 = arith.constant 64 : i32
      %parallel_loop3A_1347 = arith.muli %parallel_loop3A_1345, %parallel_loop3A_1346 : i32
      %parallel_loop3A_1348 = arith.subi %parallel_loop3A_1343, %parallel_loop3A_1347 : i32
      %parallel_loop3A_1349 = arith.constant 16 : i32
      %parallel_loop3A_1350 = arith.muli %parallel_loop3A_1348, %parallel_loop3A_1349 : i32
      %parallel_loop3A_1351 = arith.index_cast %parallel_loop3A_1345 : i32 to index
      %parallel_loop3A_1352 = arith.index_cast %parallel_loop3A_1350 : i32 to index
      %parallel_loop3A_1353 = tpu.vector_load %arg6[%parallel_loop3A_1351, %parallel_loop3A_1352] {strides = array<i32>} : memref<16x1024xf32, #tpu.memory_space<vmem>>, vector<1x16xf32>,
      %parallel_loop3A_1354 = vector.shape_cast %parallel_loop3A_1353 : vector<1x16xf32> to vector<16xf32>
      %parallel_loop3A_1355 = arith.index_cast %parallel_loop3A_1345 : i32 to index
      %parallel_loop3A_1356 = arith.index_cast %parallel_loop3A_1350 : i32 to index
      %parallel_loop3A_1357 = tpu.vector_load %arg9[%parallel_loop3A_1355, %parallel_loop3A_1356] {strides = array<i32>} : memref<16x1024xf32, #tpu.memory_space<vmem>>, vector<1x16xf32>,
      %parallel_loop3A_1358 = vector.shape_cast %parallel_loop3A_1357 : vector<1x16xf32> to vector<16xf32>
      %parallel_loop3A_1359 = vector.shape_cast %parallel_loop3A_1354 : vector<16xf32> to vector<1x16xf32>
      tpu.vector_store %arg9[%parallel_loop3A_1355, %parallel_loop3A_1356], %parallel_loop3A_1359 {add = true, strides = array<i32>} : memref<16x1024xf32, #tpu.memory_space<vmem>>, vector<1x16xf32>,
    } {sc.loop_unroll_factor = 8 : i64, sc.parallel_access}
    %add3A_174 = arith.constant 0 : i32
    %add3A_175 = arith.addi %mul3A_4, %add3A_174 : i32
    %multiple_of3A_176 = tpu.assume_multiple %add3A_175, 8 : i32
    %dma_start3A_177 = arith.constant 1 : i32
    %dma_start3A_178 = arith.constant 0 : i32
    %dma_start3A_179 = tpu.memref_slice %arg5[%dma_start3A_177, %multiple_of3A_176, %dma_start3A_178] : memref<4x4096x1024xf32, #tpu.memory_space<hbm>> -> memref<1x16x1024xf32, #tpu.memory_space<hbm>>
    %dma_start3A_180 = tpu.memref_squeeze %dma_start3A_179 : memref<1x16x1024xf32, #tpu.memory_space<hbm>> -> memref<16x1024xf32, #tpu.memory_space<hbm>>
    %dma_start3A_181 = arith.constant 0 : i32
    %dma_start3A_182 = tpu.memref_slice %arg5[%dma_start3A_177, %multiple_of3A_176, %dma_start3A_181] : memref<4x4096x1024xf32, #tpu.memory_space<hbm>> -> memref<1x16x1024xf32, #tpu.memory_space<hbm>>
    %dma_start3A_183 = tpu.memref_squeeze %dma_start3A_182 : memref<1x16x1024xf32, #tpu.memory_space<hbm>> -> memref<16x1024xf32, #tpu.memory_space<hbm>>
    tpu.enqueue_dma source(%arg9 : memref<16x1024xf32, #tpu.memory_space<vmem>>) target(%dma_start3A_183 : memref<16x1024xf32, #tpu.memory_space<hbm>>) target_semaphore(%arg23 : memref<!tpu.dma_semaphore, #tpu.memory_space<semaphore_mem>>)
    %dma_wait3A_184 = arith.constant 0 : i32
    %dma_wait3A_185 = arith.constant 0 : i32
    %dma_wait3A_186 = tpu.memref_slice %arg5[%dma_wait3A_184, %multiple_of3A_141, %dma_wait3A_185] : memref<4x4096x1024xf32, #tpu.memory_space<hbm>> -> memref<1x16x1024xf32, #tpu.memory_space<hbm>>
    %dma_wait3A_187 = tpu.memref_squeeze %dma_wait3A_186 : memref<1x16x1024xf32, #tpu.memory_space<hbm>> -> memref<16x1024xf32, #tpu.memory_space<hbm>>
    %dma_wait3A_188 = arith.constant 0 : i32
    %dma_wait3A_189 = tpu.memref_slice %arg5[%dma_wait3A_184, %multiple_of3A_141, %dma_wait3A_188] : memref<4x4096x1024xf32, #tpu.memory_space<hbm>> -> memref<1x16x1024xf32, #tpu.memory_space<hbm>>
    %dma_wait3A_190 = tpu.memref_squeeze %dma_wait3A_189 : memref<1x16x1024xf32, #tpu.memory_space<hbm>> -> memref<16x1024xf32, #tpu.memory_space<hbm>>
    tpu.wait_dma2 semaphore(%arg22 : memref<!tpu.dma_semaphore, #tpu.memory_space<semaphore_mem>>) src(%arg8 : memref<16x1024xf32, #tpu.memory_space<vmem>>) dst(%dma_wait3A_190 : memref<16x1024xf32, #tpu.memory_space<hbm>>)
    %add3A_191 = arith.constant 16 : i32
    %add3A_192 = arith.addi %mul3A_4, %add3A_191 : i32
    %multiple_of3A_193 = tpu.assume_multiple %add3A_192, 8 : i32
    %dma_start3A_194 = arith.constant 1 : i32
    %dma_start3A_195 = arith.constant 0 : i32
    %dma_start3A_196 = tpu.memref_slice %arg2[%dma_start3A_194, %multiple_of3A_193, %dma_start3A_195] : memref<4x4096x1024xf32, #tpu.memory_space<hbm>> -> memref<1x16x1024xf32, #tpu.memory_space<hbm>>
    %dma_start3A_197 = tpu.memref_squeeze %dma_start3A_196 : memref<1x16x1024xf32, #tpu.memory_space<hbm>> -> memref<16x1024xf32, #tpu.memory_space<hbm>>
    %dma_start3A_198 = arith.constant 0 : i32
    %dma_start3A_199 = tpu.memref_slice %arg2[%dma_start3A_194, %multiple_of3A_193, %dma_start3A_198] : memref<4x4096x1024xf32, #tpu.memory_space<hbm>> -> memref<1x16x1024xf32, #tpu.memory_space<hbm>>
    %dma_start3A_200 = tpu.memref_squeeze %dma_start3A_199 : memref<1x16x1024xf32, #tpu.memory_space<hbm>> -> memref<16x1024xf32, #tpu.memory_space<hbm>>
    tpu.enqueue_dma source(%dma_start3A_200 : memref<16x1024xf32, #tpu.memory_space<hbm>>) target(%arg8 : memref<16x1024xf32, #tpu.memory_space<vmem>>) target_semaphore(%arg17 : memref<!tpu.dma_semaphore, #tpu.memory_space<semaphore_mem>>)
    %dma_wait3A_201 = arith.constant 2 : i32
    %dma_wait3A_202 = arith.constant 0 : i32
    %dma_wait3A_203 = tpu.memref_slice %arg2[%dma_wait3A_201, %multiple_of3A_108, %dma_wait3A_202] : memref<4x4096x1024xf32, #tpu.memory_space<hbm>> -> memref<1x16x1024xf32, #tpu.memory_space<hbm>>
    %dma_wait3A_204 = tpu.memref_squeeze %dma_wait3A_203 : memref<1x16x1024xf32, #tpu.memory_space<hbm>> -> memref<16x1024xf32, #tpu.memory_space<hbm>>
    %dma_wait3A_205 = arith.constant 0 : i32
    %dma_wait3A_206 = tpu.memref_slice %arg2[%dma_wait3A_201, %multiple_of3A_108, %dma_wait3A_205] : memref<4x4096x1024xf32, #tpu.memory_space<hbm>> -> memref<1x16x1024xf32, #tpu.memory_space<hbm>>
    %dma_wait3A_207 = tpu.memref_squeeze %dma_wait3A_206 : memref<1x16x1024xf32, #tpu.memory_space<hbm>> -> memref<16x1024xf32, #tpu.memory_space<hbm>>
    tpu.wait_dma2 semaphore(%arg19 : memref<!tpu.dma_semaphore, #tpu.memory_space<semaphore_mem>>) src(%dma_wait3A_207 : memref<16x1024xf32, #tpu.memory_space<hbm>>) dst(%arg10 : memref<16x1024xf32, #tpu.memory_space<vmem>>)
    %parallel_loop3A_208 = arith.constant 0 : i32
    %parallel_loop3A_209 = arith.constant 1024 : i32
    %parallel_loop3A_210 = arith.constant 1 : i32
    scf.for %parallel_loop3A_1343 = %parallel_loop3A_208 to %parallel_loop3A_209 step %parallel_loop3A_210  : i32 {
      %parallel_loop3A_1344 = arith.constant 6 : i32
      %parallel_loop3A_1345 = arith.shrui %parallel_loop3A_1343, %parallel_loop3A_1344 : i32
      %parallel_loop3A_1346 = arith.constant 64 : i32
      %parallel_loop3A_1347 = arith.muli %parallel_loop3A_1345, %parallel_loop3A_1346 : i32
      %parallel_loop3A_1348 = arith.subi %parallel_loop3A_1343, %parallel_loop3A_1347 : i32
      %parallel_loop3A_1349 = arith.constant 16 : i32
      %parallel_loop3A_1350 = arith.muli %parallel_loop3A_1348, %parallel_loop3A_1349 : i32
      %parallel_loop3A_1351 = arith.index_cast %parallel_loop3A_1345 : i32 to index
      %parallel_loop3A_1352 = arith.index_cast %parallel_loop3A_1350 : i32 to index
      %parallel_loop3A_1353 = tpu.vector_load %arg6[%parallel_loop3A_1351, %parallel_loop3A_1352] {strides = array<i32>} : memref<16x1024xf32, #tpu.memory_space<vmem>>, vector<1x16xf32>,
      %parallel_loop3A_1354 = vector.shape_cast %parallel_loop3A_1353 : vector<1x16xf32> to vector<16xf32>
      %parallel_loop3A_1355 = arith.index_cast %parallel_loop3A_1345 : i32 to index
      %parallel_loop3A_1356 = arith.index_cast %parallel_loop3A_1350 : i32 to index
      %parallel_loop3A_1357 = tpu.vector_load %arg10[%parallel_loop3A_1355, %parallel_loop3A_1356] {strides = array<i32>} : memref<16x1024xf32, #tpu.memory_space<vmem>>, vector<1x16xf32>,
      %parallel_loop3A_1358 = vector.shape_cast %parallel_loop3A_1357 : vector<1x16xf32> to vector<16xf32>
      %parallel_loop3A_1359 = vector.shape_cast %parallel_loop3A_1354 : vector<16xf32> to vector<1x16xf32>
      tpu.vector_store %arg10[%parallel_loop3A_1355, %parallel_loop3A_1356], %parallel_loop3A_1359 {add = true, strides = array<i32>} : memref<16x1024xf32, #tpu.memory_space<vmem>>, vector<1x16xf32>,
    } {sc.loop_unroll_factor = 8 : i64, sc.parallel_access}
    %add3A_211 = arith.constant 0 : i32
    %add3A_212 = arith.addi %mul3A_4, %add3A_211 : i32
    %multiple_of3A_213 = tpu.assume_multiple %add3A_212, 8 : i32
    %dma_start3A_214 = arith.constant 2 : i32
    %dma_start3A_215 = arith.constant 0 : i32
    %dma_start3A_216 = tpu.memref_slice %arg5[%dma_start3A_214, %multiple_of3A_213, %dma_start3A_215] : memref<4x4096x1024xf32, #tpu.memory_space<hbm>> -> memref<1x16x1024xf32, #tpu.memory_space<hbm>>
    %dma_start3A_217 = tpu.memref_squeeze %dma_start3A_216 : memref<1x16x1024xf32, #tpu.memory_space<hbm>> -> memref<16x1024xf32, #tpu.memory_space<hbm>>
    %dma_start3A_218 = arith.constant 0 : i32
    %dma_start3A_219 = tpu.memref_slice %arg5[%dma_start3A_214, %multiple_of3A_213, %dma_start3A_218] : memref<4x4096x1024xf32, #tpu.memory_space<hbm>> -> memref<1x16x1024xf32, #tpu.memory_space<hbm>>
    %dma_start3A_220 = tpu.memref_squeeze %dma_start3A_219 : memref<1x16x1024xf32, #tpu.memory_space<hbm>> -> memref<16x1024xf32, #tpu.memory_space<hbm>>
    tpu.enqueue_dma source(%arg10 : memref<16x1024xf32, #tpu.memory_space<vmem>>) target(%dma_start3A_220 : memref<16x1024xf32, #tpu.memory_space<hbm>>) target_semaphore(%arg24 : memref<!tpu.dma_semaphore, #tpu.memory_space<semaphore_mem>>)
    %dma_wait3A_221 = arith.constant 1 : i32
    %dma_wait3A_222 = arith.constant 0 : i32
    %dma_wait3A_223 = tpu.memref_slice %arg5[%dma_wait3A_221, %multiple_of3A_176, %dma_wait3A_222] : memref<4x4096x1024xf32, #tpu.memory_space<hbm>> -> memref<1x16x1024xf32, #tpu.memory_space<hbm>>
    %dma_wait3A_224 = tpu.memref_squeeze %dma_wait3A_223 : memref<1x16x1024xf32, #tpu.memory_space<hbm>> -> memref<16x1024xf32, #tpu.memory_space<hbm>>
    %dma_wait3A_225 = arith.constant 0 : i32
    %dma_wait3A_226 = tpu.memref_slice %arg5[%dma_wait3A_221, %multiple_of3A_176, %dma_wait3A_225] : memref<4x4096x1024xf32, #tpu.memory_space<hbm>> -> memref<1x16x1024xf32, #tpu.memory_space<hbm>>
    %dma_wait3A_227 = tpu.memref_squeeze %dma_wait3A_226 : memref<1x16x1024xf32, #tpu.memory_space<hbm>> -> memref<16x1024xf32, #tpu.memory_space<hbm>>
    tpu.wait_dma2 semaphore(%arg23 : memref<!tpu.dma_semaphore, #tpu.memory_space<semaphore_mem>>) src(%arg9 : memref<16x1024xf32, #tpu.memory_space<vmem>>) dst(%dma_wait3A_227 : memref<16x1024xf32, #tpu.memory_space<hbm>>)
    %add3A_228 = arith.constant 16 : i32
    %add3A_229 = arith.addi %mul3A_4, %add3A_228 : i32
    %multiple_of3A_230 = tpu.assume_multiple %add3A_229, 8 : i32
    %dma_start3A_231 = arith.constant 2 : i32
    %dma_start3A_232 = arith.constant 0 : i32
    %dma_start3A_233 = tpu.memref_slice %arg2[%dma_start3A_231, %multiple_of3A_230, %dma_start3A_232] : memref<4x4096x1024xf32, #tpu.memory_space<hbm>> -> memref<1x16x1024xf32, #tpu.memory_space<hbm>>
    %dma_start3A_234 = tpu.memref_squeeze %dma_start3A_233 : memref<1x16x1024xf32, #tpu.memory_space<hbm>> -> memref<16x1024xf32, #tpu.memory_space<hbm>>
    %dma_start3A_235 = arith.constant 0 : i32
    %dma_start3A_236 = tpu.memref_slice %arg2[%dma_start3A_231, %multiple_of3A_230, %dma_start3A_235] : memref<4x4096x1024xf32, #tpu.memory_space<hbm>> -> memref<1x16x1024xf32, #tpu.memory_space<hbm>>
    %dma_start3A_237 = tpu.memref_squeeze %dma_start3A_236 : memref<1x16x1024xf32, #tpu.memory_space<hbm>> -> memref<16x1024xf32, #tpu.memory_space<hbm>>
    tpu.enqueue_dma source(%dma_start3A_237 : memref<16x1024xf32, #tpu.memory_space<hbm>>) target(%arg9 : memref<16x1024xf32, #tpu.memory_space<vmem>>) target_semaphore(%arg18 : memref<!tpu.dma_semaphore, #tpu.memory_space<semaphore_mem>>)
    %dma_wait3A_238 = arith.constant 3 : i32
    %dma_wait3A_239 = arith.constant 0 : i32
    %dma_wait3A_240 = tpu.memref_slice %arg2[%dma_wait3A_238, %multiple_of3A_118, %dma_wait3A_239] : memref<4x4096x1024xf32, #tpu.memory_space<hbm>> -> memref<1x16x1024xf32, #tpu.memory_space<hbm>>
    %dma_wait3A_241 = tpu.memref_squeeze %dma_wait3A_240 : memref<1x16x1024xf32, #tpu.memory_space<hbm>> -> memref<16x1024xf32, #tpu.memory_space<hbm>>
    %dma_wait3A_242 = arith.constant 0 : i32
    %dma_wait3A_243 = tpu.memref_slice %arg2[%dma_wait3A_238, %multiple_of3A_118, %dma_wait3A_242] : memref<4x4096x1024xf32, #tpu.memory_space<hbm>> -> memref<1x16x1024xf32, #tpu.memory_space<hbm>>
    %dma_wait3A_244 = tpu.memref_squeeze %dma_wait3A_243 : memref<1x16x1024xf32, #tpu.memory_space<hbm>> -> memref<16x1024xf32, #tpu.memory_space<hbm>>
    tpu.wait_dma2 semaphore(%arg20 : memref<!tpu.dma_semaphore, #tpu.memory_space<semaphore_mem>>) src(%dma_wait3A_244 : memref<16x1024xf32, #tpu.memory_space<hbm>>) dst(%arg11 : memref<16x1024xf32, #tpu.memory_space<vmem>>)
    %parallel_loop3A_245 = arith.constant 0 : i32
    %parallel_loop3A_246 = arith.constant 1024 : i32
    %parallel_loop3A_247 = arith.constant 1 : i32
    scf.for %parallel_loop3A_1343 = %parallel_loop3A_245 to %parallel_loop3A_246 step %parallel_loop3A_247  : i32 {
      %parallel_loop3A_1344 = arith.constant 6 : i32
      %parallel_loop3A_1345 = arith.shrui %parallel_loop3A_1343, %parallel_loop3A_1344 : i32
      %parallel_loop3A_1346 = arith.constant 64 : i32
      %parallel_loop3A_1347 = arith.muli %parallel_loop3A_1345, %parallel_loop3A_1346 : i32
      %parallel_loop3A_1348 = arith.subi %parallel_loop3A_1343, %parallel_loop3A_1347 : i32
      %parallel_loop3A_1349 = arith.constant 16 : i32
      %parallel_loop3A_1350 = arith.muli %parallel_loop3A_1348, %parallel_loop3A_1349 : i32
      %parallel_loop3A_1351 = arith.index_cast %parallel_loop3A_1345 : i32 to index
      %parallel_loop3A_1352 = arith.index_cast %parallel_loop3A_1350 : i32 to index
      %parallel_loop3A_1353 = tpu.vector_load %arg6[%parallel_loop3A_1351, %parallel_loop3A_1352] {strides = array<i32>} : memref<16x1024xf32, #tpu.memory_space<vmem>>, vector<1x16xf32>,
      %parallel_loop3A_1354 = vector.shape_cast %parallel_loop3A_1353 : vector<1x16xf32> to vector<16xf32>
      %parallel_loop3A_1355 = arith.index_cast %parallel_loop3A_1345 : i32 to index
      %parallel_loop3A_1356 = arith.index_cast %parallel_loop3A_1350 : i32 to index
      %parallel_loop3A_1357 = tpu.vector_load %arg11[%parallel_loop3A_1355, %parallel_loop3A_1356] {strides = array<i32>} : memref<16x1024xf32, #tpu.memory_space<vmem>>, vector<1x16xf32>,
      %parallel_loop3A_1358 = vector.shape_cast %parallel_loop3A_1357 : vector<1x16xf32> to vector<16xf32>
      %parallel_loop3A_1359 = vector.shape_cast %parallel_loop3A_1354 : vector<16xf32> to vector<1x16xf32>
      tpu.vector_store %arg11[%parallel_loop3A_1355, %parallel_loop3A_1356], %parallel_loop3A_1359 {add = true, strides = array<i32>} : memref<16x1024xf32, #tpu.memory_space<vmem>>, vector<1x16xf32>,
    } {sc.loop_unroll_factor = 8 : i64, sc.parallel_access}
    %add3A_248 = arith.constant 0 : i32
    %add3A_249 = arith.addi %mul3A_4, %add3A_248 : i32
    %multiple_of3A_250 = tpu.assume_multiple %add3A_249, 8 : i32
    %dma_start3A_251 = arith.constant 3 : i32
    %dma_start3A_252 = arith.constant 0 : i32
    %dma_start3A_253 = tpu.memref_slice %arg5[%dma_start3A_251, %multiple_of3A_250, %dma_start3A_252] : memref<4x4096x1024xf32, #tpu.memory_space<hbm>> -> memref<1x16x1024xf32, #tpu.memory_space<hbm>>
    %dma_start3A_254 = tpu.memref_squeeze %dma_start3A_253 : memref<1x16x1024xf32, #tpu.memory_space<hbm>> -> memref<16x1024xf32, #tpu.memory_space<hbm>>
    %dma_start3A_255 = arith.constant 0 : i32
    %dma_start3A_256 = tpu.memref_slice %arg5[%dma_start3A_251, %multiple_of3A_250, %dma_start3A_255] : memref<4x4096x1024xf32, #tpu.memory_space<hbm>> -> memref<1x16x1024xf32, #tpu.memory_space<hbm>>
    %dma_start3A_257 = tpu.memref_squeeze %dma_start3A_256 : memref<1x16x1024xf32, #tpu.memory_space<hbm>> -> memref<16x1024xf32, #tpu.memory_space<hbm>>
    tpu.enqueue_dma source(%arg11 : memref<16x1024xf32, #tpu.memory_space<vmem>>) target(%dma_start3A_257 : memref<16x1024xf32, #tpu.memory_space<hbm>>) target_semaphore(%arg25 : memref<!tpu.dma_semaphore, #tpu.memory_space<semaphore_mem>>)
    %dma_wait3A_258 = arith.constant 2 : i32
    %dma_wait3A_259 = arith.constant 0 : i32
    %dma_wait3A_260 = tpu.memref_slice %arg5[%dma_wait3A_258, %multiple_of3A_213, %dma_wait3A_259] : memref<4x4096x1024xf32, #tpu.memory_space<hbm>> -> memref<1x16x1024xf32, #tpu.memory_space<hbm>>
    %dma_wait3A_261 = tpu.memref_squeeze %dma_wait3A_260 : memref<1x16x1024xf32, #tpu.memory_space<hbm>> -> memref<16x1024xf32, #tpu.memory_space<hbm>>
    %dma_wait3A_262 = arith.constant 0 : i32
    %dma_wait3A_263 = tpu.memref_slice %arg5[%dma_wait3A_258, %multiple_of3A_213, %dma_wait3A_262] : memref<4x4096x1024xf32, #tpu.memory_space<hbm>> -> memref<1x16x1024xf32, #tpu.memory_space<hbm>>
    %dma_wait3A_264 = tpu.memref_squeeze %dma_wait3A_263 : memref<1x16x1024xf32, #tpu.memory_space<hbm>> -> memref<16x1024xf32, #tpu.memory_space<hbm>>
    tpu.wait_dma2 semaphore(%arg24 : memref<!tpu.dma_semaphore, #tpu.memory_space<semaphore_mem>>) src(%arg10 : memref<16x1024xf32, #tpu.memory_space<vmem>>) dst(%dma_wait3A_264 : memref<16x1024xf32, #tpu.memory_space<hbm>>)
    %add3A_265 = arith.constant 16 : i32
    %add3A_266 = arith.addi %mul3A_4, %add3A_265 : i32
    %multiple_of3A_267 = tpu.assume_multiple %add3A_266, 8 : i32
    %dma_start3A_268 = arith.constant 3 : i32
    %dma_start3A_269 = arith.constant 0 : i32
    %dma_start3A_270 = tpu.memref_slice %arg2[%dma_start3A_268, %multiple_of3A_267, %dma_start3A_269] : memref<4x4096x1024xf32, #tpu.memory_space<hbm>> -> memref<1x16x1024xf32, #tpu.memory_space<hbm>>
    %dma_start3A_271 = tpu.memref_squeeze %dma_start3A_270 : memref<1x16x1024xf32, #tpu.memory_space<hbm>> -> memref<16x1024xf32, #tpu.memory_space<hbm>>
    %dma_start3A_272 = arith.constant 0 : i32
    %dma_start3A_273 = tpu.memref_slice %arg2[%dma_start3A_268, %multiple_of3A_267, %dma_start3A_272] : memref<4x4096x1024xf32, #tpu.memory_space<hbm>> -> memref<1x16x1024xf32, #tpu.memory_space<hbm>>
    %dma_start3A_274 = tpu.memref_squeeze %dma_start3A_273 : memref<1x16x1024xf32, #tpu.memory_space<hbm>> -> memref<16x1024xf32, #tpu.memory_space<hbm>>
    tpu.enqueue_dma source(%dma_start3A_274 : memref<16x1024xf32, #tpu.memory_space<hbm>>) target(%arg10 : memref<16x1024xf32, #tpu.memory_space<vmem>>) target_semaphore(%arg19 : memref<!tpu.dma_semaphore, #tpu.memory_space<semaphore_mem>>)
    %dma_wait3A_275 = arith.constant 16 : i32
    %dma_wait3A_276 = tpu.memref_slice %arg13[%dma_wait3A_275] : memref<128xi32, #tpu.memory_space<vmem>> -> memref<16xi32, #tpu.memory_space<vmem>>
    %dma_wait3A_277 = arith.constant 0 : i32
    %dma_wait3A_278 = arith.constant 0 : i32
    %dma_wait3A_279 = tpu.memref_slice %arg3[%dma_wait3A_277, %dma_wait3A_278] : memref<4096x1024xf32, #tpu.memory_space<hbm>> -> memref<4096x1024xf32, #tpu.memory_space<hbm>>
    tpu.wait_indirect_dma semaphore(%arg16 : memref<!tpu.dma_semaphore, #tpu.memory_space<semaphore_mem>>) src(%dma_wait3A_279 : memref<4096x1024xf32, #tpu.memory_space<hbm>>) dst(%arg7 : memref<16x1024xf32, #tpu.memory_space<vmem>>)
    %dma_wait3A_280 = arith.constant 0 : i32
    %dma_wait3A_281 = arith.constant 0 : i32
    %dma_wait3A_282 = tpu.memref_slice %arg2[%dma_wait3A_280, %multiple_of3A_156, %dma_wait3A_281] : memref<4x4096x1024xf32, #tpu.memory_space<hbm>> -> memref<1x16x1024xf32, #tpu.memory_space<hbm>>
    %dma_wait3A_283 = tpu.memref_squeeze %dma_wait3A_282 : memref<1x16x1024xf32, #tpu.memory_space<hbm>> -> memref<16x1024xf32, #tpu.memory_space<hbm>>
    %dma_wait3A_284 = arith.constant 0 : i32
    %dma_wait3A_285 = tpu.memref_slice %arg2[%dma_wait3A_280, %multiple_of3A_156, %dma_wait3A_284] : memref<4x4096x1024xf32, #tpu.memory_space<hbm>> -> memref<1x16x1024xf32, #tpu.memory_space<hbm>>
    %dma_wait3A_286 = tpu.memref_squeeze %dma_wait3A_285 : memref<1x16x1024xf32, #tpu.memory_space<hbm>> -> memref<16x1024xf32, #tpu.memory_space<hbm>>
    tpu.wait_dma2 semaphore(%arg21 : memref<!tpu.dma_semaphore, #tpu.memory_space<semaphore_mem>>) src(%dma_wait3A_286 : memref<16x1024xf32, #tpu.memory_space<hbm>>) dst(%arg12 : memref<16x1024xf32, #tpu.memory_space<vmem>>)
    %parallel_loop3A_287 = arith.constant 0 : i32
    %parallel_loop3A_288 = arith.constant 1024 : i32
    %parallel_loop3A_289 = arith.constant 1 : i32
    scf.for %parallel_loop3A_1343 = %parallel_loop3A_287 to %parallel_loop3A_288 step %parallel_loop3A_289  : i32 {
      %parallel_loop3A_1344 = arith.constant 6 : i32
      %parallel_loop3A_1345 = arith.shrui %parallel_loop3A_1343, %parallel_loop3A_1344 : i32
      %parallel_loop3A_1346 = arith.constant 64 : i32
      %parallel_loop3A_1347 = arith.muli %parallel_loop3A_1345, %parallel_loop3A_1346 : i32
      %parallel_loop3A_1348 = arith.subi %parallel_loop3A_1343, %parallel_loop3A_1347 : i32
      %parallel_loop3A_1349 = arith.constant 16 : i32
      %parallel_loop3A_1350 = arith.muli %parallel_loop3A_1348, %parallel_loop3A_1349 : i32
      %parallel_loop3A_1351 = arith.index_cast %parallel_loop3A_1345 : i32 to index
      %parallel_loop3A_1352 = arith.index_cast %parallel_loop3A_1350 : i32 to index
      %parallel_loop3A_1353 = tpu.vector_load %arg7[%parallel_loop3A_1351, %parallel_loop3A_1352] {strides = array<i32>} : memref<16x1024xf32, #tpu.memory_space<vmem>>, vector<1x16xf32>,
      %parallel_loop3A_1354 = vector.shape_cast %parallel_loop3A_1353 : vector<1x16xf32> to vector<16xf32>
      %parallel_loop3A_1355 = arith.index_cast %parallel_loop3A_1345 : i32 to index
      %parallel_loop3A_1356 = arith.index_cast %parallel_loop3A_1350 : i32 to index
      %parallel_loop3A_1357 = tpu.vector_load %arg12[%parallel_loop3A_1355, %parallel_loop3A_1356] {strides = array<i32>} : memref<16x1024xf32, #tpu.memory_space<vmem>>, vector<1x16xf32>,
      %parallel_loop3A_1358 = vector.shape_cast %parallel_loop3A_1357 : vector<1x16xf32> to vector<16xf32>
      %parallel_loop3A_1359 = vector.shape_cast %parallel_loop3A_1354 : vector<16xf32> to vector<1x16xf32>
      tpu.vector_store %arg12[%parallel_loop3A_1355, %parallel_loop3A_1356], %parallel_loop3A_1359 {add = true, strides = array<i32>} : memref<16x1024xf32, #tpu.memory_space<vmem>>, vector<1x16xf32>,
    } {sc.loop_unroll_factor = 8 : i64, sc.parallel_access}
    %add3A_290 = arith.constant 16 : i32
    %add3A_291 = arith.addi %mul3A_4, %add3A_290 : i32
    %multiple_of3A_292 = tpu.assume_multiple %add3A_291, 8 : i32
    %dma_start3A_293 = arith.constant 0 : i32
    %dma_start3A_294 = arith.constant 0 : i32
    %dma_start3A_295 = tpu.memref_slice %arg5[%dma_start3A_293, %multiple_of3A_292, %dma_start3A_294] : memref<4x4096x1024xf32, #tpu.memory_space<hbm>> -> memref<1x16x1024xf32, #tpu.memory_space<hbm>>
    %dma_start3A_296 = tpu.memref_squeeze %dma_start3A_295 : memref<1x16x1024xf32, #tpu.memory_space<hbm>> -> memref<16x1024xf32, #tpu.memory_space<hbm>>
    %dma_start3A_297 = arith.constant 0 : i32
    %dma_start3A_298 = tpu.memref_slice %arg5[%dma_start3A_293, %multiple_of3A_292, %dma_start3A_297] : memref<4x4096x1024xf32, #tpu.memory_space<hbm>> -> memref<1x16x1024xf32, #tpu.memory_space<hbm>>
    %dma_start3A_299 = tpu.memref_squeeze %dma_start3A_298 : memref<1x16x1024xf32, #tpu.memory_space<hbm>> -> memref<16x1024xf32, #tpu.memory_space<hbm>>
    tpu.enqueue_dma source(%arg12 : memref<16x1024xf32, #tpu.memory_space<vmem>>) target(%dma_start3A_299 : memref<16x1024xf32, #tpu.memory_space<hbm>>) target_semaphore(%arg26 : memref<!tpu.dma_semaphore, #tpu.memory_space<semaphore_mem>>)
    %dma_wait3A_300 = arith.constant 3 : i32
    %dma_wait3A_301 = arith.constant 0 : i32
    %dma_wait3A_302 = tpu.memref_slice %arg5[%dma_wait3A_300, %multiple_of3A_250, %dma_wait3A_301] : memref<4x4096x1024xf32, #tpu.memory_space<hbm>> -> memref<1x16x1024xf32, #tpu.memory_space<hbm>>
    %dma_wait3A_303 = tpu.memref_squeeze %dma_wait3A_302 : memref<1x16x1024xf32, #tpu.memory_space<hbm>> -> memref<16x1024xf32, #tpu.memory_space<hbm>>
    %dma_wait3A_304 = arith.constant 0 : i32
    %dma_wait3A_305 = tpu.memref_slice %arg5[%dma_wait3A_300, %multiple_of3A_250, %dma_wait3A_304] : memref<4x4096x1024xf32, #tpu.memory_space<hbm>> -> memref<1x16x1024xf32, #tpu.memory_space<hbm>>
    %dma_wait3A_306 = tpu.memref_squeeze %dma_wait3A_305 : memref<1x16x1024xf32, #tpu.memory_space<hbm>> -> memref<16x1024xf32, #tpu.memory_space<hbm>>
    tpu.wait_dma2 semaphore(%arg25 : memref<!tpu.dma_semaphore, #tpu.memory_space<semaphore_mem>>) src(%arg11 : memref<16x1024xf32, #tpu.memory_space<vmem>>) dst(%dma_wait3A_306 : memref<16x1024xf32, #tpu.memory_space<hbm>>)
    %dma_start3A_307 = arith.constant 32 : i32
    %dma_start3A_308 = tpu.memref_slice %arg13[%dma_start3A_307] : memref<128xi32, #tpu.memory_space<vmem>> -> memref<16xi32, #tpu.memory_space<vmem>>
    %dma_start3A_309 = arith.constant 0 : i32
    %dma_start3A_310 = arith.constant 0 : i32
    %dma_start3A_311 = tpu.memref_slice %arg3[%dma_start3A_309, %dma_start3A_310] : memref<4096x1024xf32, #tpu.memory_space<hbm>> -> memref<4096x1024xf32, #tpu.memory_space<hbm>>
    tpu.enqueue_indirect_dma source(%dma_start3A_311 : memref<4096x1024xf32, #tpu.memory_space<hbm>>) target(%arg6 : memref<16x1024xf32, #tpu.memory_space<vmem>>) offsets(%dma_start3A_308 : memref<16xi32, #tpu.memory_space<vmem>>) semaphore(%arg15 : memref<!tpu.dma_semaphore, #tpu.memory_space<semaphore_mem>>)
    %add3A_312 = arith.constant 32 : i32
    %add3A_313 = arith.addi %mul3A_4, %add3A_312 : i32
    %multiple_of3A_314 = tpu.assume_multiple %add3A_313, 8 : i32
    %dma_start3A_315 = arith.constant 0 : i32
    %dma_start3A_316 = arith.constant 0 : i32
    %dma_start3A_317 = tpu.memref_slice %arg2[%dma_start3A_315, %multiple_of3A_314, %dma_start3A_316] : memref<4x4096x1024xf32, #tpu.memory_space<hbm>> -> memref<1x16x1024xf32, #tpu.memory_space<hbm>>
    %dma_start3A_318 = tpu.memref_squeeze %dma_start3A_317 : memref<1x16x1024xf32, #tpu.memory_space<hbm>> -> memref<16x1024xf32, #tpu.memory_space<hbm>>
    %dma_start3A_319 = arith.constant 0 : i32
    %dma_start3A_320 = tpu.memref_slice %arg2[%dma_start3A_315, %multiple_of3A_314, %dma_start3A_319] : memref<4x4096x1024xf32, #tpu.memory_space<hbm>> -> memref<1x16x1024xf32, #tpu.memory_space<hbm>>
    %dma_start3A_321 = tpu.memref_squeeze %dma_start3A_320 : memref<1x16x1024xf32, #tpu.memory_space<hbm>> -> memref<16x1024xf32, #tpu.memory_space<hbm>>
    tpu.enqueue_dma source(%dma_start3A_321 : memref<16x1024xf32, #tpu.memory_space<hbm>>) target(%arg11 : memref<16x1024xf32, #tpu.memory_space<vmem>>) target_semaphore(%arg20 : memref<!tpu.dma_semaphore, #tpu.memory_space<semaphore_mem>>)
    %dma_wait3A_322 = arith.constant 1 : i32
    %dma_wait3A_323 = arith.constant 0 : i32
    %dma_wait3A_324 = tpu.memref_slice %arg2[%dma_wait3A_322, %multiple_of3A_193, %dma_wait3A_323] : memref<4x4096x1024xf32, #tpu.memory_space<hbm>> -> memref<1x16x1024xf32, #tpu.memory_space<hbm>>
    %dma_wait3A_325 = tpu.memref_squeeze %dma_wait3A_324 : memref<1x16x1024xf32, #tpu.memory_space<hbm>> -> memref<16x1024xf32, #tpu.memory_space<hbm>>
    %dma_wait3A_326 = arith.constant 0 : i32
    %dma_wait3A_327 = tpu.memref_slice %arg2[%dma_wait3A_322, %multiple_of3A_193, %dma_wait3A_326] : memref<4x4096x1024xf32, #tpu.memory_space<hbm>> -> memref<1x16x1024xf32, #tpu.memory_space<hbm>>
    %dma_wait3A_328 = tpu.memref_squeeze %dma_wait3A_327 : memref<1x16x1024xf32, #tpu.memory_space<hbm>> -> memref<16x1024xf32, #tpu.memory_space<hbm>>
    tpu.wait_dma2 semaphore(%arg17 : memref<!tpu.dma_semaphore, #tpu.memory_space<semaphore_mem>>) src(%dma_wait3A_328 : memref<16x1024xf32, #tpu.memory_space<hbm>>) dst(%arg8 : memref<16x1024xf32, #tpu.memory_space<vmem>>)
    %parallel_loop3A_329 = arith.constant 0 : i32
    %parallel_loop3A_330 = arith.constant 1024 : i32
    %parallel_loop3A_331 = arith.constant 1 : i32
    scf.for %parallel_loop3A_1343 = %parallel_loop3A_329 to %parallel_loop3A_330 step %parallel_loop3A_331  : i32 {
      %parallel_loop3A_1344 = arith.constant 6 : i32
      %parallel_loop3A_1345 = arith.shrui %parallel_loop3A_1343, %parallel_loop3A_1344 : i32
      %parallel_loop3A_1346 = arith.constant 64 : i32
      %parallel_loop3A_1347 = arith.muli %parallel_loop3A_1345, %parallel_loop3A_1346 : i32
      %parallel_loop3A_1348 = arith.subi %parallel_loop3A_1343, %parallel_loop3A_1347 : i32
      %parallel_loop3A_1349 = arith.constant 16 : i32
      %parallel_loop3A_1350 = arith.muli %parallel_loop3A_1348, %parallel_loop3A_1349 : i32
      %parallel_loop3A_1351 = arith.index_cast %parallel_loop3A_1345 : i32 to index
      %parallel_loop3A_1352 = arith.index_cast %parallel_loop3A_1350 : i32 to index
      %parallel_loop3A_1353 = tpu.vector_load %arg7[%parallel_loop3A_1351, %parallel_loop3A_1352] {strides = array<i32>} : memref<16x1024xf32, #tpu.memory_space<vmem>>, vector<1x16xf32>,
      %parallel_loop3A_1354 = vector.shape_cast %parallel_loop3A_1353 : vector<1x16xf32> to vector<16xf32>
      %parallel_loop3A_1355 = arith.index_cast %parallel_loop3A_1345 : i32 to index
      %parallel_loop3A_1356 = arith.index_cast %parallel_loop3A_1350 : i32 to index
      %parallel_loop3A_1357 = tpu.vector_load %arg8[%parallel_loop3A_1355, %parallel_loop3A_1356] {strides = array<i32>} : memref<16x1024xf32, #tpu.memory_space<vmem>>, vector<1x16xf32>,
      %parallel_loop3A_1358 = vector.shape_cast %parallel_loop3A_1357 : vector<1x16xf32> to vector<16xf32>
      %parallel_loop3A_1359 = vector.shape_cast %parallel_loop3A_1354 : vector<16xf32> to vector<1x16xf32>
      tpu.vector_store %arg8[%parallel_loop3A_1355, %parallel_loop3A_1356], %parallel_loop3A_1359 {add = true, strides = array<i32>} : memref<16x1024xf32, #tpu.memory_space<vmem>>, vector<1x16xf32>,
    } {sc.loop_unroll_factor = 8 : i64, sc.parallel_access}
    %add3A_332 = arith.constant 16 : i32
    %add3A_333 = arith.addi %mul3A_4, %add3A_332 : i32
    %multiple_of3A_334 = tpu.assume_multiple %add3A_333, 8 : i32
    %dma_start3A_335 = arith.constant 1 : i32
    %dma_start3A_336 = arith.constant 0 : i32
    %dma_start3A_337 = tpu.memref_slice %arg5[%dma_start3A_335, %multiple_of3A_334, %dma_start3A_336] : memref<4x4096x1024xf32, #tpu.memory_space<hbm>> -> memref<1x16x1024xf32, #tpu.memory_space<hbm>>
    %dma_start3A_338 = tpu.memref_squeeze %dma_start3A_337 : memref<1x16x1024xf32, #tpu.memory_space<hbm>> -> memref<16x1024xf32, #tpu.memory_space<hbm>>
    %dma_start3A_339 = arith.constant 0 : i32
    %dma_start3A_340 = tpu.memref_slice %arg5[%dma_start3A_335, %multiple_of3A_334, %dma_start3A_339] : memref<4x4096x1024xf32, #tpu.memory_space<hbm>> -> memref<1x16x1024xf32, #tpu.memory_space<hbm>>
    %dma_start3A_341 = tpu.memref_squeeze %dma_start3A_340 : memref<1x16x1024xf32, #tpu.memory_space<hbm>> -> memref<16x1024xf32, #tpu.memory_space<hbm>>
    tpu.enqueue_dma source(%arg8 : memref<16x1024xf32, #tpu.memory_space<vmem>>) target(%dma_start3A_341 : memref<16x1024xf32, #tpu.memory_space<hbm>>) target_semaphore(%arg22 : memref<!tpu.dma_semaphore, #tpu.memory_space<semaphore_mem>>)
    %dma_wait3A_342 = arith.constant 0 : i32
    %dma_wait3A_343 = arith.constant 0 : i32
    %dma_wait3A_344 = tpu.memref_slice %arg5[%dma_wait3A_342, %multiple_of3A_292, %dma_wait3A_343] : memref<4x4096x1024xf32, #tpu.memory_space<hbm>> -> memref<1x16x1024xf32, #tpu.memory_space<hbm>>
    %dma_wait3A_345 = tpu.memref_squeeze %dma_wait3A_344 : memref<1x16x1024xf32, #tpu.memory_space<hbm>> -> memref<16x1024xf32, #tpu.memory_space<hbm>>
    %dma_wait3A_346 = arith.constant 0 : i32
    %dma_wait3A_347 = tpu.memref_slice %arg5[%dma_wait3A_342, %multiple_of3A_292, %dma_wait3A_346] : memref<4x4096x1024xf32, #tpu.memory_space<hbm>> -> memref<1x16x1024xf32, #tpu.memory_space<hbm>>
    %dma_wait3A_348 = tpu.memref_squeeze %dma_wait3A_347 : memref<1x16x1024xf32, #tpu.memory_space<hbm>> -> memref<16x1024xf32, #tpu.memory_space<hbm>>
    tpu.wait_dma2 semaphore(%arg26 : memref<!tpu.dma_semaphore, #tpu.memory_space<semaphore_mem>>) src(%arg12 : memref<16x1024xf32, #tpu.memory_space<vmem>>) dst(%dma_wait3A_348 : memref<16x1024xf32, #tpu.memory_space<hbm>>)
    %add3A_349 = arith.constant 32 : i32
    %add3A_350 = arith.addi %mul3A_4, %add3A_349 : i32
    %multiple_of3A_351 = tpu.assume_multiple %add3A_350, 8 : i32
    %dma_start3A_352 = arith.constant 1 : i32
    %dma_start3A_353 = arith.constant 0 : i32
    %dma_start3A_354 = tpu.memref_slice %arg2[%dma_start3A_352, %multiple_of3A_351, %dma_start3A_353] : memref<4x4096x1024xf32, #tpu.memory_space<hbm>> -> memref<1x16x1024xf32, #tpu.memory_space<hbm>>
    %dma_start3A_355 = tpu.memref_squeeze %dma_start3A_354 : memref<1x16x1024xf32, #tpu.memory_space<hbm>> -> memref<16x1024xf32, #tpu.memory_space<hbm>>
    %dma_start3A_356 = arith.constant 0 : i32
    %dma_start3A_357 = tpu.memref_slice %arg2[%dma_start3A_352, %multiple_of3A_351, %dma_start3A_356] : memref<4x4096x1024xf32, #tpu.memory_space<hbm>> -> memref<1x16x1024xf32, #tpu.memory_space<hbm>>
    %dma_start3A_358 = tpu.memref_squeeze %dma_start3A_357 : memref<1x16x1024xf32, #tpu.memory_space<hbm>> -> memref<16x1024xf32, #tpu.memory_space<hbm>>
    tpu.enqueue_dma source(%dma_start3A_358 : memref<16x1024xf32, #tpu.memory_space<hbm>>) target(%arg12 : memref<16x1024xf32, #tpu.memory_space<vmem>>) target_semaphore(%arg21 : memref<!tpu.dma_semaphore, #tpu.memory_space<semaphore_mem>>)
    %dma_wait3A_359 = arith.constant 2 : i32
    %dma_wait3A_360 = arith.constant 0 : i32
    %dma_wait3A_361 = tpu.memref_slice %arg2[%dma_wait3A_359, %multiple_of3A_230, %dma_wait3A_360] : memref<4x4096x1024xf32, #tpu.memory_space<hbm>> -> memref<1x16x1024xf32, #tpu.memory_space<hbm>>
    %dma_wait3A_362 = tpu.memref_squeeze %dma_wait3A_361 : memref<1x16x1024xf32, #tpu.memory_space<hbm>> -> memref<16x1024xf32, #tpu.memory_space<hbm>>
    %dma_wait3A_363 = arith.constant 0 : i32
    %dma_wait3A_364 = tpu.memref_slice %arg2[%dma_wait3A_359, %multiple_of3A_230, %dma_wait3A_363] : memref<4x4096x1024xf32, #tpu.memory_space<hbm>> -> memref<1x16x1024xf32, #tpu.memory_space<hbm>>
    %dma_wait3A_365 = tpu.memref_squeeze %dma_wait3A_364 : memref<1x16x1024xf32, #tpu.memory_space<hbm>> -> memref<16x1024xf32, #tpu.memory_space<hbm>>
    tpu.wait_dma2 semaphore(%arg18 : memref<!tpu.dma_semaphore, #tpu.memory_space<semaphore_mem>>) src(%dma_wait3A_365 : memref<16x1024xf32, #tpu.memory_space<hbm>>) dst(%arg9 : memref<16x1024xf32, #tpu.memory_space<vmem>>)
    %parallel_loop3A_366 = arith.constant 0 : i32
    %parallel_loop3A_367 = arith.constant 1024 : i32
    %parallel_loop3A_368 = arith.constant 1 : i32
    scf.for %parallel_loop3A_1343 = %parallel_loop3A_366 to %parallel_loop3A_367 step %parallel_loop3A_368  : i32 {
      %parallel_loop3A_1344 = arith.constant 6 : i32
      %parallel_loop3A_1345 = arith.shrui %parallel_loop3A_1343, %parallel_loop3A_1344 : i32
      %parallel_loop3A_1346 = arith.constant 64 : i32
      %parallel_loop3A_1347 = arith.muli %parallel_loop3A_1345, %parallel_loop3A_1346 : i32
      %parallel_loop3A_1348 = arith.subi %parallel_loop3A_1343, %parallel_loop3A_1347 : i32
      %parallel_loop3A_1349 = arith.constant 16 : i32
      %parallel_loop3A_1350 = arith.muli %parallel_loop3A_1348, %parallel_loop3A_1349 : i32
      %parallel_loop3A_1351 = arith.index_cast %parallel_loop3A_1345 : i32 to index
      %parallel_loop3A_1352 = arith.index_cast %parallel_loop3A_1350 : i32 to index
      %parallel_loop3A_1353 = tpu.vector_load %arg7[%parallel_loop3A_1351, %parallel_loop3A_1352] {strides = array<i32>} : memref<16x1024xf32, #tpu.memory_space<vmem>>, vector<1x16xf32>,
      %parallel_loop3A_1354 = vector.shape_cast %parallel_loop3A_1353 : vector<1x16xf32> to vector<16xf32>
      %parallel_loop3A_1355 = arith.index_cast %parallel_loop3A_1345 : i32 to index
      %parallel_loop3A_1356 = arith.index_cast %parallel_loop3A_1350 : i32 to index
      %parallel_loop3A_1357 = tpu.vector_load %arg9[%parallel_loop3A_1355, %parallel_loop3A_1356] {strides = array<i32>} : memref<16x1024xf32, #tpu.memory_space<vmem>>, vector<1x16xf32>,
      %parallel_loop3A_1358 = vector.shape_cast %parallel_loop3A_1357 : vector<1x16xf32> to vector<16xf32>
      %parallel_loop3A_1359 = vector.shape_cast %parallel_loop3A_1354 : vector<16xf32> to vector<1x16xf32>
      tpu.vector_store %arg9[%parallel_loop3A_1355, %parallel_loop3A_1356], %parallel_loop3A_1359 {add = true, strides = array<i32>} : memref<16x1024xf32, #tpu.memory_space<vmem>>, vector<1x16xf32>,
    } {sc.loop_unroll_factor = 8 : i64, sc.parallel_access}
    %add3A_369 = arith.constant 16 : i32
    %add3A_370 = arith.addi %mul3A_4, %add3A_369 : i32
    %multiple_of3A_371 = tpu.assume_multiple %add3A_370, 8 : i32
    %dma_start3A_372 = arith.constant 2 : i32
    %dma_start3A_373 = arith.constant 0 : i32
    %dma_start3A_374 = tpu.memref_slice %arg5[%dma_start3A_372, %multiple_of3A_371, %dma_start3A_373] : memref<4x4096x1024xf32, #tpu.memory_space<hbm>> -> memref<1x16x1024xf32, #tpu.memory_space<hbm>>
    %dma_start3A_375 = tpu.memref_squeeze %dma_start3A_374 : memref<1x16x1024xf32, #tpu.memory_space<hbm>> -> memref<16x1024xf32, #tpu.memory_space<hbm>>
    %dma_start3A_376 = arith.constant 0 : i32
    %dma_start3A_377 = tpu.memref_slice %arg5[%dma_start3A_372, %multiple_of3A_371, %dma_start3A_376] : memref<4x4096x1024xf32, #tpu.memory_space<hbm>> -> memref<1x16x1024xf32, #tpu.memory_space<hbm>>
    %dma_start3A_378 = tpu.memref_squeeze %dma_start3A_377 : memref<1x16x1024xf32, #tpu.memory_space<hbm>> -> memref<16x1024xf32, #tpu.memory_space<hbm>>
    tpu.enqueue_dma source(%arg9 : memref<16x1024xf32, #tpu.memory_space<vmem>>) target(%dma_start3A_378 : memref<16x1024xf32, #tpu.memory_space<hbm>>) target_semaphore(%arg23 : memref<!tpu.dma_semaphore, #tpu.memory_space<semaphore_mem>>)
    %dma_wait3A_379 = arith.constant 1 : i32
    %dma_wait3A_380 = arith.constant 0 : i32
    %dma_wait3A_381 = tpu.memref_slice %arg5[%dma_wait3A_379, %multiple_of3A_334, %dma_wait3A_380] : memref<4x4096x1024xf32, #tpu.memory_space<hbm>> -> memref<1x16x1024xf32, #tpu.memory_space<hbm>>
    %dma_wait3A_382 = tpu.memref_squeeze %dma_wait3A_381 : memref<1x16x1024xf32, #tpu.memory_space<hbm>> -> memref<16x1024xf32, #tpu.memory_space<hbm>>
    %dma_wait3A_383 = arith.constant 0 : i32
    %dma_wait3A_384 = tpu.memref_slice %arg5[%dma_wait3A_379, %multiple_of3A_334, %dma_wait3A_383] : memref<4x4096x1024xf32, #tpu.memory_space<hbm>> -> memref<1x16x1024xf32, #tpu.memory_space<hbm>>
    %dma_wait3A_385 = tpu.memref_squeeze %dma_wait3A_384 : memref<1x16x1024xf32, #tpu.memory_space<hbm>> -> memref<16x1024xf32, #tpu.memory_space<hbm>>
    tpu.wait_dma2 semaphore(%arg22 : memref<!tpu.dma_semaphore, #tpu.memory_space<semaphore_mem>>) src(%arg8 : memref<16x1024xf32, #tpu.memory_space<vmem>>) dst(%dma_wait3A_385 : memref<16x1024xf32, #tpu.memory_space<hbm>>)
    %add3A_386 = arith.constant 32 : i32
    %add3A_387 = arith.addi %mul3A_4, %add3A_386 : i32
    %multiple_of3A_388 = tpu.assume_multiple %add3A_387, 8 : i32
    %dma_start3A_389 = arith.constant 2 : i32
    %dma_start3A_390 = arith.constant 0 : i32
    %dma_start3A_391 = tpu.memref_slice %arg2[%dma_start3A_389, %multiple_of3A_388, %dma_start3A_390] : memref<4x4096x1024xf32, #tpu.memory_space<hbm>> -> memref<1x16x1024xf32, #tpu.memory_space<hbm>>
    %dma_start3A_392 = tpu.memref_squeeze %dma_start3A_391 : memref<1x16x1024xf32, #tpu.memory_space<hbm>> -> memref<16x1024xf32, #tpu.memory_space<hbm>>
    %dma_start3A_393 = arith.constant 0 : i32
    %dma_start3A_394 = tpu.memref_slice %arg2[%dma_start3A_389, %multiple_of3A_388, %dma_start3A_393] : memref<4x4096x1024xf32, #tpu.memory_space<hbm>> -> memref<1x16x1024xf32, #tpu.memory_space<hbm>>
    %dma_start3A_395 = tpu.memref_squeeze %dma_start3A_394 : memref<1x16x1024xf32, #tpu.memory_space<hbm>> -> memref<16x1024xf32, #tpu.memory_space<hbm>>
    tpu.enqueue_dma source(%dma_start3A_395 : memref<16x1024xf32, #tpu.memory_space<hbm>>) target(%arg8 : memref<16x1024xf32, #tpu.memory_space<vmem>>) target_semaphore(%arg17 : memref<!tpu.dma_semaphore, #tpu.memory_space<semaphore_mem>>)
    %dma_wait3A_396 = arith.constant 3 : i32
    %dma_wait3A_397 = arith.constant 0 : i32
    %dma_wait3A_398 = tpu.memref_slice %arg2[%dma_wait3A_396, %multiple_of3A_267, %dma_wait3A_397] : memref<4x4096x1024xf32, #tpu.memory_space<hbm>> -> memref<1x16x1024xf32, #tpu.memory_space<hbm>>
    %dma_wait3A_399 = tpu.memref_squeeze %dma_wait3A_398 : memref<1x16x1024xf32, #tpu.memory_space<hbm>> -> memref<16x1024xf32, #tpu.memory_space<hbm>>
    %dma_wait3A_400 = arith.constant 0 : i32
    %dma_wait3A_401 = tpu.memref_slice %arg2[%dma_wait3A_396, %multiple_of3A_267, %dma_wait3A_400] : memref<4x4096x1024xf32, #tpu.memory_space<hbm>> -> memref<1x16x1024xf32, #tpu.memory_space<hbm>>
    %dma_wait3A_402 = tpu.memref_squeeze %dma_wait3A_401 : memref<1x16x1024xf32, #tpu.memory_space<hbm>> -> memref<16x1024xf32, #tpu.memory_space<hbm>>
    tpu.wait_dma2 semaphore(%arg19 : memref<!tpu.dma_semaphore, #tpu.memory_space<semaphore_mem>>) src(%dma_wait3A_402 : memref<16x1024xf32, #tpu.memory_space<hbm>>) dst(%arg10 : memref<16x1024xf32, #tpu.memory_space<vmem>>)
    %parallel_loop3A_403 = arith.constant 0 : i32
    %parallel_loop3A_404 = arith.constant 1024 : i32
    %parallel_loop3A_405 = arith.constant 1 : i32
    scf.for %parallel_loop3A_1343 = %parallel_loop3A_403 to %parallel_loop3A_404 step %parallel_loop3A_405  : i32 {
      %parallel_loop3A_1344 = arith.constant 6 : i32
      %parallel_loop3A_1345 = arith.shrui %parallel_loop3A_1343, %parallel_loop3A_1344 : i32
      %parallel_loop3A_1346 = arith.constant 64 : i32
      %parallel_loop3A_1347 = arith.muli %parallel_loop3A_1345, %parallel_loop3A_1346 : i32
      %parallel_loop3A_1348 = arith.subi %parallel_loop3A_1343, %parallel_loop3A_1347 : i32
      %parallel_loop3A_1349 = arith.constant 16 : i32
      %parallel_loop3A_1350 = arith.muli %parallel_loop3A_1348, %parallel_loop3A_1349 : i32
      %parallel_loop3A_1351 = arith.index_cast %parallel_loop3A_1345 : i32 to index
      %parallel_loop3A_1352 = arith.index_cast %parallel_loop3A_1350 : i32 to index
      %parallel_loop3A_1353 = tpu.vector_load %arg7[%parallel_loop3A_1351, %parallel_loop3A_1352] {strides = array<i32>} : memref<16x1024xf32, #tpu.memory_space<vmem>>, vector<1x16xf32>,
      %parallel_loop3A_1354 = vector.shape_cast %parallel_loop3A_1353 : vector<1x16xf32> to vector<16xf32>
      %parallel_loop3A_1355 = arith.index_cast %parallel_loop3A_1345 : i32 to index
      %parallel_loop3A_1356 = arith.index_cast %parallel_loop3A_1350 : i32 to index
      %parallel_loop3A_1357 = tpu.vector_load %arg10[%parallel_loop3A_1355, %parallel_loop3A_1356] {strides = array<i32>} : memref<16x1024xf32, #tpu.memory_space<vmem>>, vector<1x16xf32>,
      %parallel_loop3A_1358 = vector.shape_cast %parallel_loop3A_1357 : vector<1x16xf32> to vector<16xf32>
      %parallel_loop3A_1359 = vector.shape_cast %parallel_loop3A_1354 : vector<16xf32> to vector<1x16xf32>
      tpu.vector_store %arg10[%parallel_loop3A_1355, %parallel_loop3A_1356], %parallel_loop3A_1359 {add = true, strides = array<i32>} : memref<16x1024xf32, #tpu.memory_space<vmem>>, vector<1x16xf32>,
    } {sc.loop_unroll_factor = 8 : i64, sc.parallel_access}
    %add3A_406 = arith.constant 16 : i32
    %add3A_407 = arith.addi %mul3A_4, %add3A_406 : i32
    %multiple_of3A_408 = tpu.assume_multiple %add3A_407, 8 : i32
    %dma_start3A_409 = arith.constant 3 : i32
    %dma_start3A_410 = arith.constant 0 : i32
    %dma_start3A_411 = tpu.memref_slice %arg5[%dma_start3A_409, %multiple_of3A_408, %dma_start3A_410] : memref<4x4096x1024xf32, #tpu.memory_space<hbm>> -> memref<1x16x1024xf32, #tpu.memory_space<hbm>>
    %dma_start3A_412 = tpu.memref_squeeze %dma_start3A_411 : memref<1x16x1024xf32, #tpu.memory_space<hbm>> -> memref<16x1024xf32, #tpu.memory_space<hbm>>
    %dma_start3A_413 = arith.constant 0 : i32
    %dma_start3A_414 = tpu.memref_slice %arg5[%dma_start3A_409, %multiple_of3A_408, %dma_start3A_413] : memref<4x4096x1024xf32, #tpu.memory_space<hbm>> -> memref<1x16x1024xf32, #tpu.memory_space<hbm>>
    %dma_start3A_415 = tpu.memref_squeeze %dma_start3A_414 : memref<1x16x1024xf32, #tpu.memory_space<hbm>> -> memref<16x1024xf32, #tpu.memory_space<hbm>>
    tpu.enqueue_dma source(%arg10 : memref<16x1024xf32, #tpu.memory_space<vmem>>) target(%dma_start3A_415 : memref<16x1024xf32, #tpu.memory_space<hbm>>) target_semaphore(%arg24 : memref<!tpu.dma_semaphore, #tpu.memory_space<semaphore_mem>>)
    %dma_wait3A_416 = arith.constant 2 : i32
    %dma_wait3A_417 = arith.constant 0 : i32
    %dma_wait3A_418 = tpu.memref_slice %arg5[%dma_wait3A_416, %multiple_of3A_371, %dma_wait3A_417] : memref<4x4096x1024xf32, #tpu.memory_space<hbm>> -> memref<1x16x1024xf32, #tpu.memory_space<hbm>>
    %dma_wait3A_419 = tpu.memref_squeeze %dma_wait3A_418 : memref<1x16x1024xf32, #tpu.memory_space<hbm>> -> memref<16x1024xf32, #tpu.memory_space<hbm>>
    %dma_wait3A_420 = arith.constant 0 : i32
    %dma_wait3A_421 = tpu.memref_slice %arg5[%dma_wait3A_416, %multiple_of3A_371, %dma_wait3A_420] : memref<4x4096x1024xf32, #tpu.memory_space<hbm>> -> memref<1x16x1024xf32, #tpu.memory_space<hbm>>
    %dma_wait3A_422 = tpu.memref_squeeze %dma_wait3A_421 : memref<1x16x1024xf32, #tpu.memory_space<hbm>> -> memref<16x1024xf32, #tpu.memory_space<hbm>>
    tpu.wait_dma2 semaphore(%arg23 : memref<!tpu.dma_semaphore, #tpu.memory_space<semaphore_mem>>) src(%arg9 : memref<16x1024xf32, #tpu.memory_space<vmem>>) dst(%dma_wait3A_422 : memref<16x1024xf32, #tpu.memory_space<hbm>>)
    %add3A_423 = arith.constant 32 : i32
    %add3A_424 = arith.addi %mul3A_4, %add3A_423 : i32
    %multiple_of3A_425 = tpu.assume_multiple %add3A_424, 8 : i32
    %dma_start3A_426 = arith.constant 3 : i32
    %dma_start3A_427 = arith.constant 0 : i32
    %dma_start3A_428 = tpu.memref_slice %arg2[%dma_start3A_426, %multiple_of3A_425, %dma_start3A_427] : memref<4x4096x1024xf32, #tpu.memory_space<hbm>> -> memref<1x16x1024xf32, #tpu.memory_space<hbm>>
    %dma_start3A_429 = tpu.memref_squeeze %dma_start3A_428 : memref<1x16x1024xf32, #tpu.memory_space<hbm>> -> memref<16x1024xf32, #tpu.memory_space<hbm>>
    %dma_start3A_430 = arith.constant 0 : i32
    %dma_start3A_431 = tpu.memref_slice %arg2[%dma_start3A_426, %multiple_of3A_425, %dma_start3A_430] : memref<4x4096x1024xf32, #tpu.memory_space<hbm>> -> memref<1x16x1024xf32, #tpu.memory_space<hbm>>
    %dma_start3A_432 = tpu.memref_squeeze %dma_start3A_431 : memref<1x16x1024xf32, #tpu.memory_space<hbm>> -> memref<16x1024xf32, #tpu.memory_space<hbm>>
    tpu.enqueue_dma source(%dma_start3A_432 : memref<16x1024xf32, #tpu.memory_space<hbm>>) target(%arg9 : memref<16x1024xf32, #tpu.memory_space<vmem>>) target_semaphore(%arg18 : memref<!tpu.dma_semaphore, #tpu.memory_space<semaphore_mem>>)
    %dma_wait3A_433 = arith.constant 32 : i32
    %dma_wait3A_434 = tpu.memref_slice %arg13[%dma_wait3A_433] : memref<128xi32, #tpu.memory_space<vmem>> -> memref<16xi32, #tpu.memory_space<vmem>>
    %dma_wait3A_435 = arith.constant 0 : i32
    %dma_wait3A_436 = arith.constant 0 : i32
    %dma_wait3A_437 = tpu.memref_slice %arg3[%dma_wait3A_435, %dma_wait3A_436] : memref<4096x1024xf32, #tpu.memory_space<hbm>> -> memref<4096x1024xf32, #tpu.memory_space<hbm>>
    tpu.wait_indirect_dma semaphore(%arg15 : memref<!tpu.dma_semaphore, #tpu.memory_space<semaphore_mem>>) src(%dma_wait3A_437 : memref<4096x1024xf32, #tpu.memory_space<hbm>>) dst(%arg6 : memref<16x1024xf32, #tpu.memory_space<vmem>>)
    %dma_wait3A_438 = arith.constant 0 : i32
    %dma_wait3A_439 = arith.constant 0 : i32
    %dma_wait3A_440 = tpu.memref_slice %arg2[%dma_wait3A_438, %multiple_of3A_314, %dma_wait3A_439] : memref<4x4096x1024xf32, #tpu.memory_space<hbm>> -> memref<1x16x1024xf32, #tpu.memory_space<hbm>>
    %dma_wait3A_441 = tpu.memref_squeeze %dma_wait3A_440 : memref<1x16x1024xf32, #tpu.memory_space<hbm>> -> memref<16x1024xf32, #tpu.memory_space<hbm>>
    %dma_wait3A_442 = arith.constant 0 : i32
    %dma_wait3A_443 = tpu.memref_slice %arg2[%dma_wait3A_438, %multiple_of3A_314, %dma_wait3A_442] : memref<4x4096x1024xf32, #tpu.memory_space<hbm>> -> memref<1x16x1024xf32, #tpu.memory_space<hbm>>
    %dma_wait3A_444 = tpu.memref_squeeze %dma_wait3A_443 : memref<1x16x1024xf32, #tpu.memory_space<hbm>> -> memref<16x1024xf32, #tpu.memory_space<hbm>>
    tpu.wait_dma2 semaphore(%arg20 : memref<!tpu.dma_semaphore, #tpu.memory_space<semaphore_mem>>) src(%dma_wait3A_444 : memref<16x1024xf32, #tpu.memory_space<hbm>>) dst(%arg11 : memref<16x1024xf32, #tpu.memory_space<vmem>>)
    %parallel_loop3A_445 = arith.constant 0 : i32
    %parallel_loop3A_446 = arith.constant 1024 : i32
    %parallel_loop3A_447 = arith.constant 1 : i32
    scf.for %parallel_loop3A_1343 = %parallel_loop3A_445 to %parallel_loop3A_446 step %parallel_loop3A_447  : i32 {
      %parallel_loop3A_1344 = arith.constant 6 : i32
      %parallel_loop3A_1345 = arith.shrui %parallel_loop3A_1343, %parallel_loop3A_1344 : i32
      %parallel_loop3A_1346 = arith.constant 64 : i32
      %parallel_loop3A_1347 = arith.muli %parallel_loop3A_1345, %parallel_loop3A_1346 : i32
      %parallel_loop3A_1348 = arith.subi %parallel_loop3A_1343, %parallel_loop3A_1347 : i32
      %parallel_loop3A_1349 = arith.constant 16 : i32
      %parallel_loop3A_1350 = arith.muli %parallel_loop3A_1348, %parallel_loop3A_1349 : i32
      %parallel_loop3A_1351 = arith.index_cast %parallel_loop3A_1345 : i32 to index
      %parallel_loop3A_1352 = arith.index_cast %parallel_loop3A_1350 : i32 to index
      %parallel_loop3A_1353 = tpu.vector_load %arg6[%parallel_loop3A_1351, %parallel_loop3A_1352] {strides = array<i32>} : memref<16x1024xf32, #tpu.memory_space<vmem>>, vector<1x16xf32>,
      %parallel_loop3A_1354 = vector.shape_cast %parallel_loop3A_1353 : vector<1x16xf32> to vector<16xf32>
      %parallel_loop3A_1355 = arith.index_cast %parallel_loop3A_1345 : i32 to index
      %parallel_loop3A_1356 = arith.index_cast %parallel_loop3A_1350 : i32 to index
      %parallel_loop3A_1357 = tpu.vector_load %arg11[%parallel_loop3A_1355, %parallel_loop3A_1356] {strides = array<i32>} : memref<16x1024xf32, #tpu.memory_space<vmem>>, vector<1x16xf32>,
      %parallel_loop3A_1358 = vector.shape_cast %parallel_loop3A_1357 : vector<1x16xf32> to vector<16xf32>
      %parallel_loop3A_1359 = vector.shape_cast %parallel_loop3A_1354 : vector<16xf32> to vector<1x16xf32>
      tpu.vector_store %arg11[%parallel_loop3A_1355, %parallel_loop3A_1356], %parallel_loop3A_1359 {add = true, strides = array<i32>} : memref<16x1024xf32, #tpu.memory_space<vmem>>, vector<1x16xf32>,
    } {sc.loop_unroll_factor = 8 : i64, sc.parallel_access}
    %add3A_448 = arith.constant 32 : i32
    %add3A_449 = arith.addi %mul3A_4, %add3A_448 : i32
    %multiple_of3A_450 = tpu.assume_multiple %add3A_449, 8 : i32
    %dma_start3A_451 = arith.constant 0 : i32
    %dma_start3A_452 = arith.constant 0 : i32
    %dma_start3A_453 = tpu.memref_slice %arg5[%dma_start3A_451, %multiple_of3A_450, %dma_start3A_452] : memref<4x4096x1024xf32, #tpu.memory_space<hbm>> -> memref<1x16x1024xf32, #tpu.memory_space<hbm>>
    %dma_start3A_454 = tpu.memref_squeeze %dma_start3A_453 : memref<1x16x1024xf32, #tpu.memory_space<hbm>> -> memref<16x1024xf32, #tpu.memory_space<hbm>>
    %dma_start3A_455 = arith.constant 0 : i32
    %dma_start3A_456 = tpu.memref_slice %arg5[%dma_start3A_451, %multiple_of3A_450, %dma_start3A_455] : memref<4x4096x1024xf32, #tpu.memory_space<hbm>> -> memref<1x16x1024xf32, #tpu.memory_space<hbm>>
    %dma_start3A_457 = tpu.memref_squeeze %dma_start3A_456 : memref<1x16x1024xf32, #tpu.memory_space<hbm>> -> memref<16x1024xf32, #tpu.memory_space<hbm>>
    tpu.enqueue_dma source(%arg11 : memref<16x1024xf32, #tpu.memory_space<vmem>>) target(%dma_start3A_457 : memref<16x1024xf32, #tpu.memory_space<hbm>>) target_semaphore(%arg25 : memref<!tpu.dma_semaphore, #tpu.memory_space<semaphore_mem>>)
    %dma_wait3A_458 = arith.constant 3 : i32
    %dma_wait3A_459 = arith.constant 0 : i32
    %dma_wait3A_460 = tpu.memref_slice %arg5[%dma_wait3A_458, %multiple_of3A_408, %dma_wait3A_459] : memref<4x4096x1024xf32, #tpu.memory_space<hbm>> -> memref<1x16x1024xf32, #tpu.memory_space<hbm>>
    %dma_wait3A_461 = tpu.memref_squeeze %dma_wait3A_460 : memref<1x16x1024xf32, #tpu.memory_space<hbm>> -> memref<16x1024xf32, #tpu.memory_space<hbm>>
    %dma_wait3A_462 = arith.constant 0 : i32
    %dma_wait3A_463 = tpu.memref_slice %arg5[%dma_wait3A_458, %multiple_of3A_408, %dma_wait3A_462] : memref<4x4096x1024xf32, #tpu.memory_space<hbm>> -> memref<1x16x1024xf32, #tpu.memory_space<hbm>>
    %dma_wait3A_464 = tpu.memref_squeeze %dma_wait3A_463 : memref<1x16x1024xf32, #tpu.memory_space<hbm>> -> memref<16x1024xf32, #tpu.memory_space<hbm>>
    tpu.wait_dma2 semaphore(%arg24 : memref<!tpu.dma_semaphore, #tpu.memory_space<semaphore_mem>>) src(%arg10 : memref<16x1024xf32, #tpu.memory_space<vmem>>) dst(%dma_wait3A_464 : memref<16x1024xf32, #tpu.memory_space<hbm>>)
    %dma_start3A_465 = arith.constant 48 : i32
    %dma_start3A_466 = tpu.memref_slice %arg13[%dma_start3A_465] : memref<128xi32, #tpu.memory_space<vmem>> -> memref<16xi32, #tpu.memory_space<vmem>>
    %dma_start3A_467 = arith.constant 0 : i32
    %dma_start3A_468 = arith.constant 0 : i32
    %dma_start3A_469 = tpu.memref_slice %arg3[%dma_start3A_467, %dma_start3A_468] : memref<4096x1024xf32, #tpu.memory_space<hbm>> -> memref<4096x1024xf32, #tpu.memory_space<hbm>>
    tpu.enqueue_indirect_dma source(%dma_start3A_469 : memref<4096x1024xf32, #tpu.memory_space<hbm>>) target(%arg7 : memref<16x1024xf32, #tpu.memory_space<vmem>>) offsets(%dma_start3A_466 : memref<16xi32, #tpu.memory_space<vmem>>) semaphore(%arg16 : memref<!tpu.dma_semaphore, #tpu.memory_space<semaphore_mem>>)
    %add3A_470 = arith.constant 48 : i32
    %add3A_471 = arith.addi %mul3A_4, %add3A_470 : i32
    %multiple_of3A_472 = tpu.assume_multiple %add3A_471, 8 : i32
    %dma_start3A_473 = arith.constant 0 : i32
    %dma_start3A_474 = arith.constant 0 : i32
    %dma_start3A_475 = tpu.memref_slice %arg2[%dma_start3A_473, %multiple_of3A_472, %dma_start3A_474] : memref<4x4096x1024xf32, #tpu.memory_space<hbm>> -> memref<1x16x1024xf32, #tpu.memory_space<hbm>>
    %dma_start3A_476 = tpu.memref_squeeze %dma_start3A_475 : memref<1x16x1024xf32, #tpu.memory_space<hbm>> -> memref<16x1024xf32, #tpu.memory_space<hbm>>
    %dma_start3A_477 = arith.constant 0 : i32
    %dma_start3A_478 = tpu.memref_slice %arg2[%dma_start3A_473, %multiple_of3A_472, %dma_start3A_477] : memref<4x4096x1024xf32, #tpu.memory_space<hbm>> -> memref<1x16x1024xf32, #tpu.memory_space<hbm>>
    %dma_start3A_479 = tpu.memref_squeeze %dma_start3A_478 : memref<1x16x1024xf32, #tpu.memory_space<hbm>> -> memref<16x1024xf32, #tpu.memory_space<hbm>>
    tpu.enqueue_dma source(%dma_start3A_479 : memref<16x1024xf32, #tpu.memory_space<hbm>>) target(%arg10 : memref<16x1024xf32, #tpu.memory_space<vmem>>) target_semaphore(%arg19 : memref<!tpu.dma_semaphore, #tpu.memory_space<semaphore_mem>>)
    %dma_wait3A_480 = arith.constant 1 : i32
    %dma_wait3A_481 = arith.constant 0 : i32
    %dma_wait3A_482 = tpu.memref_slice %arg2[%dma_wait3A_480, %multiple_of3A_351, %dma_wait3A_481] : memref<4x4096x1024xf32, #tpu.memory_space<hbm>> -> memref<1x16x1024xf32, #tpu.memory_space<hbm>>
    %dma_wait3A_483 = tpu.memref_squeeze %dma_wait3A_482 : memref<1x16x1024xf32, #tpu.memory_space<hbm>> -> memref<16x1024xf32, #tpu.memory_space<hbm>>
    %dma_wait3A_484 = arith.constant 0 : i32
    %dma_wait3A_485 = tpu.memref_slice %arg2[%dma_wait3A_480, %multiple_of3A_351, %dma_wait3A_484] : memref<4x4096x1024xf32, #tpu.memory_space<hbm>> -> memref<1x16x1024xf32, #tpu.memory_space<hbm>>
    %dma_wait3A_486 = tpu.memref_squeeze %dma_wait3A_485 : memref<1x16x1024xf32, #tpu.memory_space<hbm>> -> memref<16x1024xf32, #tpu.memory_space<hbm>>
    tpu.wait_dma2 semaphore(%arg21 : memref<!tpu.dma_semaphore, #tpu.memory_space<semaphore_mem>>) src(%dma_wait3A_486 : memref<16x1024xf32, #tpu.memory_space<hbm>>) dst(%arg12 : memref<16x1024xf32, #tpu.memory_space<vmem>>)
    %parallel_loop3A_487 = arith.constant 0 : i32
    %parallel_loop3A_488 = arith.constant 1024 : i32
    %parallel_loop3A_489 = arith.constant 1 : i32
    scf.for %parallel_loop3A_1343 = %parallel_loop3A_487 to %parallel_loop3A_488 step %parallel_loop3A_489  : i32 {
      %parallel_loop3A_1344 = arith.constant 6 : i32
      %parallel_loop3A_1345 = arith.shrui %parallel_loop3A_1343, %parallel_loop3A_1344 : i32
      %parallel_loop3A_1346 = arith.constant 64 : i32
      %parallel_loop3A_1347 = arith.muli %parallel_loop3A_1345, %parallel_loop3A_1346 : i32
      %parallel_loop3A_1348 = arith.subi %parallel_loop3A_1343, %parallel_loop3A_1347 : i32
      %parallel_loop3A_1349 = arith.constant 16 : i32
      %parallel_loop3A_1350 = arith.muli %parallel_loop3A_1348, %parallel_loop3A_1349 : i32
      %parallel_loop3A_1351 = arith.index_cast %parallel_loop3A_1345 : i32 to index
      %parallel_loop3A_1352 = arith.index_cast %parallel_loop3A_1350 : i32 to index
      %parallel_loop3A_1353 = tpu.vector_load %arg6[%parallel_loop3A_1351, %parallel_loop3A_1352] {strides = array<i32>} : memref<16x1024xf32, #tpu.memory_space<vmem>>, vector<1x16xf32>,
      %parallel_loop3A_1354 = vector.shape_cast %parallel_loop3A_1353 : vector<1x16xf32> to vector<16xf32>
      %parallel_loop3A_1355 = arith.index_cast %parallel_loop3A_1345 : i32 to index
      %parallel_loop3A_1356 = arith.index_cast %parallel_loop3A_1350 : i32 to index
      %parallel_loop3A_1357 = tpu.vector_load %arg12[%parallel_loop3A_1355, %parallel_loop3A_1356] {strides = array<i32>} : memref<16x1024xf32, #tpu.memory_space<vmem>>, vector<1x16xf32>,
      %parallel_loop3A_1358 = vector.shape_cast %parallel_loop3A_1357 : vector<1x16xf32> to vector<16xf32>
      %parallel_loop3A_1359 = vector.shape_cast %parallel_loop3A_1354 : vector<16xf32> to vector<1x16xf32>
      tpu.vector_store %arg12[%parallel_loop3A_1355, %parallel_loop3A_1356], %parallel_loop3A_1359 {add = true, strides = array<i32>} : memref<16x1024xf32, #tpu.memory_space<vmem>>, vector<1x16xf32>,
    } {sc.loop_unroll_factor = 8 : i64, sc.parallel_access}
    %add3A_490 = arith.constant 32 : i32
    %add3A_491 = arith.addi %mul3A_4, %add3A_490 : i32
    %multiple_of3A_492 = tpu.assume_multiple %add3A_491, 8 : i32
    %dma_start3A_493 = arith.constant 1 : i32
    %dma_start3A_494 = arith.constant 0 : i32
    %dma_start3A_495 = tpu.memref_slice %arg5[%dma_start3A_493, %multiple_of3A_492, %dma_start3A_494] : memref<4x4096x1024xf32, #tpu.memory_space<hbm>> -> memref<1x16x1024xf32, #tpu.memory_space<hbm>>
    %dma_start3A_496 = tpu.memref_squeeze %dma_start3A_495 : memref<1x16x1024xf32, #tpu.memory_space<hbm>> -> memref<16x1024xf32, #tpu.memory_space<hbm>>
    %dma_start3A_497 = arith.constant 0 : i32
    %dma_start3A_498 = tpu.memref_slice %arg5[%dma_start3A_493, %multiple_of3A_492, %dma_start3A_497] : memref<4x4096x1024xf32, #tpu.memory_space<hbm>> -> memref<1x16x1024xf32, #tpu.memory_space<hbm>>
    %dma_start3A_499 = tpu.memref_squeeze %dma_start3A_498 : memref<1x16x1024xf32, #tpu.memory_space<hbm>> -> memref<16x1024xf32, #tpu.memory_space<hbm>>
    tpu.enqueue_dma source(%arg12 : memref<16x1024xf32, #tpu.memory_space<vmem>>) target(%dma_start3A_499 : memref<16x1024xf32, #tpu.memory_space<hbm>>) target_semaphore(%arg26 : memref<!tpu.dma_semaphore, #tpu.memory_space<semaphore_mem>>)
    %dma_wait3A_500 = arith.constant 0 : i32
    %dma_wait3A_501 = arith.constant 0 : i32
    %dma_wait3A_502 = tpu.memref_slice %arg5[%dma_wait3A_500, %multiple_of3A_450, %dma_wait3A_501] : memref<4x4096x1024xf32, #tpu.memory_space<hbm>> -> memref<1x16x1024xf32, #tpu.memory_space<hbm>>
    %dma_wait3A_503 = tpu.memref_squeeze %dma_wait3A_502 : memref<1x16x1024xf32, #tpu.memory_space<hbm>> -> memref<16x1024xf32, #tpu.memory_space<hbm>>
    %dma_wait3A_504 = arith.constant 0 : i32
    %dma_wait3A_505 = tpu.memref_slice %arg5[%dma_wait3A_500, %multiple_of3A_450, %dma_wait3A_504] : memref<4x4096x1024xf32, #tpu.memory_space<hbm>> -> memref<1x16x1024xf32, #tpu.memory_space<hbm>>
    %dma_wait3A_506 = tpu.memref_squeeze %dma_wait3A_505 : memref<1x16x1024xf32, #tpu.memory_space<hbm>> -> memref<16x1024xf32, #tpu.memory_space<hbm>>
    tpu.wait_dma2 semaphore(%arg25 : memref<!tpu.dma_semaphore, #tpu.memory_space<semaphore_mem>>) src(%arg11 : memref<16x1024xf32, #tpu.memory_space<vmem>>) dst(%dma_wait3A_506 : memref<16x1024xf32, #tpu.memory_space<hbm>>)
    %add3A_507 = arith.constant 48 : i32
    %add3A_508 = arith.addi %mul3A_4, %add3A_507 : i32
    %multiple_of3A_509 = tpu.assume_multiple %add3A_508, 8 : i32
    %dma_start3A_510 = arith.constant 1 : i32
    %dma_start3A_511 = arith.constant 0 : i32
    %dma_start3A_512 = tpu.memref_slice %arg2[%dma_start3A_510, %multiple_of3A_509, %dma_start3A_511] : memref<4x4096x1024xf32, #tpu.memory_space<hbm>> -> memref<1x16x1024xf32, #tpu.memory_space<hbm>>
    %dma_start3A_513 = tpu.memref_squeeze %dma_start3A_512 : memref<1x16x1024xf32, #tpu.memory_space<hbm>> -> memref<16x1024xf32, #tpu.memory_space<hbm>>
    %dma_start3A_514 = arith.constant 0 : i32
    %dma_start3A_515 = tpu.memref_slice %arg2[%dma_start3A_510, %multiple_of3A_509, %dma_start3A_514] : memref<4x4096x1024xf32, #tpu.memory_space<hbm>> -> memref<1x16x1024xf32, #tpu.memory_space<hbm>>
    %dma_start3A_516 = tpu.memref_squeeze %dma_start3A_515 : memref<1x16x1024xf32, #tpu.memory_space<hbm>> -> memref<16x1024xf32, #tpu.memory_space<hbm>>
    tpu.enqueue_dma source(%dma_start3A_516 : memref<16x1024xf32, #tpu.memory_space<hbm>>) target(%arg11 : memref<16x1024xf32, #tpu.memory_space<vmem>>) target_semaphore(%arg20 : memref<!tpu.dma_semaphore, #tpu.memory_space<semaphore_mem>>)
    %dma_wait3A_517 = arith.constant 2 : i32
    %dma_wait3A_518 = arith.constant 0 : i32
    %dma_wait3A_519 = tpu.memref_slice %arg2[%dma_wait3A_517, %multiple_of3A_388, %dma_wait3A_518] : memref<4x4096x1024xf32, #tpu.memory_space<hbm>> -> memref<1x16x1024xf32, #tpu.memory_space<hbm>>
    %dma_wait3A_520 = tpu.memref_squeeze %dma_wait3A_519 : memref<1x16x1024xf32, #tpu.memory_space<hbm>> -> memref<16x1024xf32, #tpu.memory_space<hbm>>
    %dma_wait3A_521 = arith.constant 0 : i32
    %dma_wait3A_522 = tpu.memref_slice %arg2[%dma_wait3A_517, %multiple_of3A_388, %dma_wait3A_521] : memref<4x4096x1024xf32, #tpu.memory_space<hbm>> -> memref<1x16x1024xf32, #tpu.memory_space<hbm>>
    %dma_wait3A_523 = tpu.memref_squeeze %dma_wait3A_522 : memref<1x16x1024xf32, #tpu.memory_space<hbm>> -> memref<16x1024xf32, #tpu.memory_space<hbm>>
    tpu.wait_dma2 semaphore(%arg17 : memref<!tpu.dma_semaphore, #tpu.memory_space<semaphore_mem>>) src(%dma_wait3A_523 : memref<16x1024xf32, #tpu.memory_space<hbm>>) dst(%arg8 : memref<16x1024xf32, #tpu.memory_space<vmem>>)
    %parallel_loop3A_524 = arith.constant 0 : i32
    %parallel_loop3A_525 = arith.constant 1024 : i32
    %parallel_loop3A_526 = arith.constant 1 : i32
    scf.for %parallel_loop3A_1343 = %parallel_loop3A_524 to %parallel_loop3A_525 step %parallel_loop3A_526  : i32 {
      %parallel_loop3A_1344 = arith.constant 6 : i32
      %parallel_loop3A_1345 = arith.shrui %parallel_loop3A_1343, %parallel_loop3A_1344 : i32
      %parallel_loop3A_1346 = arith.constant 64 : i32
      %parallel_loop3A_1347 = arith.muli %parallel_loop3A_1345, %parallel_loop3A_1346 : i32
      %parallel_loop3A_1348 = arith.subi %parallel_loop3A_1343, %parallel_loop3A_1347 : i32
      %parallel_loop3A_1349 = arith.constant 16 : i32
      %parallel_loop3A_1350 = arith.muli %parallel_loop3A_1348, %parallel_loop3A_1349 : i32
      %parallel_loop3A_1351 = arith.index_cast %parallel_loop3A_1345 : i32 to index
      %parallel_loop3A_1352 = arith.index_cast %parallel_loop3A_1350 : i32 to index
      %parallel_loop3A_1353 = tpu.vector_load %arg6[%parallel_loop3A_1351, %parallel_loop3A_1352] {strides = array<i32>} : memref<16x1024xf32, #tpu.memory_space<vmem>>, vector<1x16xf32>,
      %parallel_loop3A_1354 = vector.shape_cast %parallel_loop3A_1353 : vector<1x16xf32> to vector<16xf32>
      %parallel_loop3A_1355 = arith.index_cast %parallel_loop3A_1345 : i32 to index
      %parallel_loop3A_1356 = arith.index_cast %parallel_loop3A_1350 : i32 to index
      %parallel_loop3A_1357 = tpu.vector_load %arg8[%parallel_loop3A_1355, %parallel_loop3A_1356] {strides = array<i32>} : memref<16x1024xf32, #tpu.memory_space<vmem>>, vector<1x16xf32>,
      %parallel_loop3A_1358 = vector.shape_cast %parallel_loop3A_1357 : vector<1x16xf32> to vector<16xf32>
      %parallel_loop3A_1359 = vector.shape_cast %parallel_loop3A_1354 : vector<16xf32> to vector<1x16xf32>
      tpu.vector_store %arg8[%parallel_loop3A_1355, %parallel_loop3A_1356], %parallel_loop3A_1359 {add = true, strides = array<i32>} : memref<16x1024xf32, #tpu.memory_space<vmem>>, vector<1x16xf32>,
    } {sc.loop_unroll_factor = 8 : i64, sc.parallel_access}
    %add3A_527 = arith.constant 32 : i32
    %add3A_528 = arith.addi %mul3A_4, %add3A_527 : i32
    %multiple_of3A_529 = tpu.assume_multiple %add3A_528, 8 : i32
    %dma_start3A_530 = arith.constant 2 : i32
    %dma_start3A_531 = arith.constant 0 : i32
    %dma_start3A_532 = tpu.memref_slice %arg5[%dma_start3A_530, %multiple_of3A_529, %dma_start3A_531] : memref<4x4096x1024xf32, #tpu.memory_space<hbm>> -> memref<1x16x1024xf32, #tpu.memory_space<hbm>>
    %dma_start3A_533 = tpu.memref_squeeze %dma_start3A_532 : memref<1x16x1024xf32, #tpu.memory_space<hbm>> -> memref<16x1024xf32, #tpu.memory_space<hbm>>
    %dma_start3A_534 = arith.constant 0 : i32
    %dma_start3A_535 = tpu.memref_slice %arg5[%dma_start3A_530, %multiple_of3A_529, %dma_start3A_534] : memref<4x4096x1024xf32, #tpu.memory_space<hbm>> -> memref<1x16x1024xf32, #tpu.memory_space<hbm>>
    %dma_start3A_536 = tpu.memref_squeeze %dma_start3A_535 : memref<1x16x1024xf32, #tpu.memory_space<hbm>> -> memref<16x1024xf32, #tpu.memory_space<hbm>>
    tpu.enqueue_dma source(%arg8 : memref<16x1024xf32, #tpu.memory_space<vmem>>) target(%dma_start3A_536 : memref<16x1024xf32, #tpu.memory_space<hbm>>) target_semaphore(%arg22 : memref<!tpu.dma_semaphore, #tpu.memory_space<semaphore_mem>>)
    %dma_wait3A_537 = arith.constant 1 : i32
    %dma_wait3A_538 = arith.constant 0 : i32
    %dma_wait3A_539 = tpu.memref_slice %arg5[%dma_wait3A_537, %multiple_of3A_492, %dma_wait3A_538] : memref<4x4096x1024xf32, #tpu.memory_space<hbm>> -> memref<1x16x1024xf32, #tpu.memory_space<hbm>>
    %dma_wait3A_540 = tpu.memref_squeeze %dma_wait3A_539 : memref<1x16x1024xf32, #tpu.memory_space<hbm>> -> memref<16x1024xf32, #tpu.memory_space<hbm>>
    %dma_wait3A_541 = arith.constant 0 : i32
    %dma_wait3A_542 = tpu.memref_slice %arg5[%dma_wait3A_537, %multiple_of3A_492, %dma_wait3A_541] : memref<4x4096x1024xf32, #tpu.memory_space<hbm>> -> memref<1x16x1024xf32, #tpu.memory_space<hbm>>
    %dma_wait3A_543 = tpu.memref_squeeze %dma_wait3A_542 : memref<1x16x1024xf32, #tpu.memory_space<hbm>> -> memref<16x1024xf32, #tpu.memory_space<hbm>>
    tpu.wait_dma2 semaphore(%arg26 : memref<!tpu.dma_semaphore, #tpu.memory_space<semaphore_mem>>) src(%arg12 : memref<16x1024xf32, #tpu.memory_space<vmem>>) dst(%dma_wait3A_543 : memref<16x1024xf32, #tpu.memory_space<hbm>>)
    %add3A_544 = arith.constant 48 : i32
    %add3A_545 = arith.addi %mul3A_4, %add3A_544 : i32
    %multiple_of3A_546 = tpu.assume_multiple %add3A_545, 8 : i32
    %dma_start3A_547 = arith.constant 2 : i32
    %dma_start3A_548 = arith.constant 0 : i32
    %dma_start3A_549 = tpu.memref_slice %arg2[%dma_start3A_547, %multiple_of3A_546, %dma_start3A_548] : memref<4x4096x1024xf32, #tpu.memory_space<hbm>> -> memref<1x16x1024xf32, #tpu.memory_space<hbm>>
    %dma_start3A_550 = tpu.memref_squeeze %dma_start3A_549 : memref<1x16x1024xf32, #tpu.memory_space<hbm>> -> memref<16x1024xf32, #tpu.memory_space<hbm>>
    %dma_start3A_551 = arith.constant 0 : i32
    %dma_start3A_552 = tpu.memref_slice %arg2[%dma_start3A_547, %multiple_of3A_546, %dma_start3A_551] : memref<4x4096x1024xf32, #tpu.memory_space<hbm>> -> memref<1x16x1024xf32, #tpu.memory_space<hbm>>
    %dma_start3A_553 = tpu.memref_squeeze %dma_start3A_552 : memref<1x16x1024xf32, #tpu.memory_space<hbm>> -> memref<16x1024xf32, #tpu.memory_space<hbm>>
    tpu.enqueue_dma source(%dma_start3A_553 : memref<16x1024xf32, #tpu.memory_space<hbm>>) target(%arg12 : memref<16x1024xf32, #tpu.memory_space<vmem>>) target_semaphore(%arg21 : memref<!tpu.dma_semaphore, #tpu.memory_space<semaphore_mem>>)
    %dma_wait3A_554 = arith.constant 3 : i32
    %dma_wait3A_555 = arith.constant 0 : i32
    %dma_wait3A_556 = tpu.memref_slice %arg2[%dma_wait3A_554, %multiple_of3A_425, %dma_wait3A_555] : memref<4x4096x1024xf32, #tpu.memory_space<hbm>> -> memref<1x16x1024xf32, #tpu.memory_space<hbm>>
    %dma_wait3A_557 = tpu.memref_squeeze %dma_wait3A_556 : memref<1x16x1024xf32, #tpu.memory_space<hbm>> -> memref<16x1024xf32, #tpu.memory_space<hbm>>
    %dma_wait3A_558 = arith.constant 0 : i32
    %dma_wait3A_559 = tpu.memref_slice %arg2[%dma_wait3A_554, %multiple_of3A_425, %dma_wait3A_558] : memref<4x4096x1024xf32, #tpu.memory_space<hbm>> -> memref<1x16x1024xf32, #tpu.memory_space<hbm>>
    %dma_wait3A_560 = tpu.memref_squeeze %dma_wait3A_559 : memref<1x16x1024xf32, #tpu.memory_space<hbm>> -> memref<16x1024xf32, #tpu.memory_space<hbm>>
    tpu.wait_dma2 semaphore(%arg18 : memref<!tpu.dma_semaphore, #tpu.memory_space<semaphore_mem>>) src(%dma_wait3A_560 : memref<16x1024xf32, #tpu.memory_space<hbm>>) dst(%arg9 : memref<16x1024xf32, #tpu.memory_space<vmem>>)
    %parallel_loop3A_561 = arith.constant 0 : i32
    %parallel_loop3A_562 = arith.constant 1024 : i32
    %parallel_loop3A_563 = arith.constant 1 : i32
    scf.for %parallel_loop3A_1343 = %parallel_loop3A_561 to %parallel_loop3A_562 step %parallel_loop3A_563  : i32 {
      %parallel_loop3A_1344 = arith.constant 6 : i32
      %parallel_loop3A_1345 = arith.shrui %parallel_loop3A_1343, %parallel_loop3A_1344 : i32
      %parallel_loop3A_1346 = arith.constant 64 : i32
      %parallel_loop3A_1347 = arith.muli %parallel_loop3A_1345, %parallel_loop3A_1346 : i32
      %parallel_loop3A_1348 = arith.subi %parallel_loop3A_1343, %parallel_loop3A_1347 : i32
      %parallel_loop3A_1349 = arith.constant 16 : i32
      %parallel_loop3A_1350 = arith.muli %parallel_loop3A_1348, %parallel_loop3A_1349 : i32
      %parallel_loop3A_1351 = arith.index_cast %parallel_loop3A_1345 : i32 to index
      %parallel_loop3A_1352 = arith.index_cast %parallel_loop3A_1350 : i32 to index
      %parallel_loop3A_1353 = tpu.vector_load %arg6[%parallel_loop3A_1351, %parallel_loop3A_1352] {strides = array<i32>} : memref<16x1024xf32, #tpu.memory_space<vmem>>, vector<1x16xf32>,
      %parallel_loop3A_1354 = vector.shape_cast %parallel_loop3A_1353 : vector<1x16xf32> to vector<16xf32>
      %parallel_loop3A_1355 = arith.index_cast %parallel_loop3A_1345 : i32 to index
      %parallel_loop3A_1356 = arith.index_cast %parallel_loop3A_1350 : i32 to index
      %parallel_loop3A_1357 = tpu.vector_load %arg9[%parallel_loop3A_1355, %parallel_loop3A_1356] {strides = array<i32>} : memref<16x1024xf32, #tpu.memory_space<vmem>>, vector<1x16xf32>,
      %parallel_loop3A_1358 = vector.shape_cast %parallel_loop3A_1357 : vector<1x16xf32> to vector<16xf32>
      %parallel_loop3A_1359 = vector.shape_cast %parallel_loop3A_1354 : vector<16xf32> to vector<1x16xf32>
      tpu.vector_store %arg9[%parallel_loop3A_1355, %parallel_loop3A_1356], %parallel_loop3A_1359 {add = true, strides = array<i32>} : memref<16x1024xf32, #tpu.memory_space<vmem>>, vector<1x16xf32>,
    } {sc.loop_unroll_factor = 8 : i64, sc.parallel_access}
    %add3A_564 = arith.constant 32 : i32
    %add3A_565 = arith.addi %mul3A_4, %add3A_564 : i32
    %multiple_of3A_566 = tpu.assume_multiple %add3A_565, 8 : i32
    %dma_start3A_567 = arith.constant 3 : i32
    %dma_start3A_568 = arith.constant 0 : i32
    %dma_start3A_569 = tpu.memref_slice %arg5[%dma_start3A_567, %multiple_of3A_566, %dma_start3A_568] : memref<4x4096x1024xf32, #tpu.memory_space<hbm>> -> memref<1x16x1024xf32, #tpu.memory_space<hbm>>
    %dma_start3A_570 = tpu.memref_squeeze %dma_start3A_569 : memref<1x16x1024xf32, #tpu.memory_space<hbm>> -> memref<16x1024xf32, #tpu.memory_space<hbm>>
    %dma_start3A_571 = arith.constant 0 : i32
    %dma_start3A_572 = tpu.memref_slice %arg5[%dma_start3A_567, %multiple_of3A_566, %dma_start3A_571] : memref<4x4096x1024xf32, #tpu.memory_space<hbm>> -> memref<1x16x1024xf32, #tpu.memory_space<hbm>>
    %dma_start3A_573 = tpu.memref_squeeze %dma_start3A_572 : memref<1x16x1024xf32, #tpu.memory_space<hbm>> -> memref<16x1024xf32, #tpu.memory_space<hbm>>
    tpu.enqueue_dma source(%arg9 : memref<16x1024xf32, #tpu.memory_space<vmem>>) target(%dma_start3A_573 : memref<16x1024xf32, #tpu.memory_space<hbm>>) target_semaphore(%arg23 : memref<!tpu.dma_semaphore, #tpu.memory_space<semaphore_mem>>)
    %dma_wait3A_574 = arith.constant 2 : i32
    %dma_wait3A_575 = arith.constant 0 : i32
    %dma_wait3A_576 = tpu.memref_slice %arg5[%dma_wait3A_574, %multiple_of3A_529, %dma_wait3A_575] : memref<4x4096x1024xf32, #tpu.memory_space<hbm>> -> memref<1x16x1024xf32, #tpu.memory_space<hbm>>
    %dma_wait3A_577 = tpu.memref_squeeze %dma_wait3A_576 : memref<1x16x1024xf32, #tpu.memory_space<hbm>> -> memref<16x1024xf32, #tpu.memory_space<hbm>>
    %dma_wait3A_578 = arith.constant 0 : i32
    %dma_wait3A_579 = tpu.memref_slice %arg5[%dma_wait3A_574, %multiple_of3A_529, %dma_wait3A_578] : memref<4x4096x1024xf32, #tpu.memory_space<hbm>> -> memref<1x16x1024xf32, #tpu.memory_space<hbm>>
    %dma_wait3A_580 = tpu.memref_squeeze %dma_wait3A_579 : memref<1x16x1024xf32, #tpu.memory_space<hbm>> -> memref<16x1024xf32, #tpu.memory_space<hbm>>
    tpu.wait_dma2 semaphore(%arg22 : memref<!tpu.dma_semaphore, #tpu.memory_space<semaphore_mem>>) src(%arg8 : memref<16x1024xf32, #tpu.memory_space<vmem>>) dst(%dma_wait3A_580 : memref<16x1024xf32, #tpu.memory_space<hbm>>)
    %add3A_581 = arith.constant 48 : i32
    %add3A_582 = arith.addi %mul3A_4, %add3A_581 : i32
    %multiple_of3A_583 = tpu.assume_multiple %add3A_582, 8 : i32
    %dma_start3A_584 = arith.constant 3 : i32
    %dma_start3A_585 = arith.constant 0 : i32
    %dma_start3A_586 = tpu.memref_slice %arg2[%dma_start3A_584, %multiple_of3A_583, %dma_start3A_585] : memref<4x4096x1024xf32, #tpu.memory_space<hbm>> -> memref<1x16x1024xf32, #tpu.memory_space<hbm>>
    %dma_start3A_587 = tpu.memref_squeeze %dma_start3A_586 : memref<1x16x1024xf32, #tpu.memory_space<hbm>> -> memref<16x1024xf32, #tpu.memory_space<hbm>>
    %dma_start3A_588 = arith.constant 0 : i32
    %dma_start3A_589 = tpu.memref_slice %arg2[%dma_start3A_584, %multiple_of3A_583, %dma_start3A_588] : memref<4x4096x1024xf32, #tpu.memory_space<hbm>> -> memref<1x16x1024xf32, #tpu.memory_space<hbm>>
    %dma_start3A_590 = tpu.memref_squeeze %dma_start3A_589 : memref<1x16x1024xf32, #tpu.memory_space<hbm>> -> memref<16x1024xf32, #tpu.memory_space<hbm>>
    tpu.enqueue_dma source(%dma_start3A_590 : memref<16x1024xf32, #tpu.memory_space<hbm>>) target(%arg8 : memref<16x1024xf32, #tpu.memory_space<vmem>>) target_semaphore(%arg17 : memref<!tpu.dma_semaphore, #tpu.memory_space<semaphore_mem>>)
    %dma_wait3A_591 = arith.constant 48 : i32
    %dma_wait3A_592 = tpu.memref_slice %arg13[%dma_wait3A_591] : memref<128xi32, #tpu.memory_space<vmem>> -> memref<16xi32, #tpu.memory_space<vmem>>
    %dma_wait3A_593 = arith.constant 0 : i32
    %dma_wait3A_594 = arith.constant 0 : i32
    %dma_wait3A_595 = tpu.memref_slice %arg3[%dma_wait3A_593, %dma_wait3A_594] : memref<4096x1024xf32, #tpu.memory_space<hbm>> -> memref<4096x1024xf32, #tpu.memory_space<hbm>>
    tpu.wait_indirect_dma semaphore(%arg16 : memref<!tpu.dma_semaphore, #tpu.memory_space<semaphore_mem>>) src(%dma_wait3A_595 : memref<4096x1024xf32, #tpu.memory_space<hbm>>) dst(%arg7 : memref<16x1024xf32, #tpu.memory_space<vmem>>)
    %dma_wait3A_596 = arith.constant 0 : i32
    %dma_wait3A_597 = arith.constant 0 : i32
    %dma_wait3A_598 = tpu.memref_slice %arg2[%dma_wait3A_596, %multiple_of3A_472, %dma_wait3A_597] : memref<4x4096x1024xf32, #tpu.memory_space<hbm>> -> memref<1x16x1024xf32, #tpu.memory_space<hbm>>
    %dma_wait3A_599 = tpu.memref_squeeze %dma_wait3A_598 : memref<1x16x1024xf32, #tpu.memory_space<hbm>> -> memref<16x1024xf32, #tpu.memory_space<hbm>>
    %dma_wait3A_600 = arith.constant 0 : i32
    %dma_wait3A_601 = tpu.memref_slice %arg2[%dma_wait3A_596, %multiple_of3A_472, %dma_wait3A_600] : memref<4x4096x1024xf32, #tpu.memory_space<hbm>> -> memref<1x16x1024xf32, #tpu.memory_space<hbm>>
    %dma_wait3A_602 = tpu.memref_squeeze %dma_wait3A_601 : memref<1x16x1024xf32, #tpu.memory_space<hbm>> -> memref<16x1024xf32, #tpu.memory_space<hbm>>
    tpu.wait_dma2 semaphore(%arg19 : memref<!tpu.dma_semaphore, #tpu.memory_space<semaphore_mem>>) src(%dma_wait3A_602 : memref<16x1024xf32, #tpu.memory_space<hbm>>) dst(%arg10 : memref<16x1024xf32, #tpu.memory_space<vmem>>)
    %parallel_loop3A_603 = arith.constant 0 : i32
    %parallel_loop3A_604 = arith.constant 1024 : i32
    %parallel_loop3A_605 = arith.constant 1 : i32
    scf.for %parallel_loop3A_1343 = %parallel_loop3A_603 to %parallel_loop3A_604 step %parallel_loop3A_605  : i32 {
      %parallel_loop3A_1344 = arith.constant 6 : i32
      %parallel_loop3A_1345 = arith.shrui %parallel_loop3A_1343, %parallel_loop3A_1344 : i32
      %parallel_loop3A_1346 = arith.constant 64 : i32
      %parallel_loop3A_1347 = arith.muli %parallel_loop3A_1345, %parallel_loop3A_1346 : i32
      %parallel_loop3A_1348 = arith.subi %parallel_loop3A_1343, %parallel_loop3A_1347 : i32
      %parallel_loop3A_1349 = arith.constant 16 : i32
      %parallel_loop3A_1350 = arith.muli %parallel_loop3A_1348, %parallel_loop3A_1349 : i32
      %parallel_loop3A_1351 = arith.index_cast %parallel_loop3A_1345 : i32 to index
      %parallel_loop3A_1352 = arith.index_cast %parallel_loop3A_1350 : i32 to index
      %parallel_loop3A_1353 = tpu.vector_load %arg7[%parallel_loop3A_1351, %parallel_loop3A_1352] {strides = array<i32>} : memref<16x1024xf32, #tpu.memory_space<vmem>>, vector<1x16xf32>,
      %parallel_loop3A_1354 = vector.shape_cast %parallel_loop3A_1353 : vector<1x16xf32> to vector<16xf32>
      %parallel_loop3A_1355 = arith.index_cast %parallel_loop3A_1345 : i32 to index
      %parallel_loop3A_1356 = arith.index_cast %parallel_loop3A_1350 : i32 to index
      %parallel_loop3A_1357 = tpu.vector_load %arg10[%parallel_loop3A_1355, %parallel_loop3A_1356] {strides = array<i32>} : memref<16x1024xf32, #tpu.memory_space<vmem>>, vector<1x16xf32>,
      %parallel_loop3A_1358 = vector.shape_cast %parallel_loop3A_1357 : vector<1x16xf32> to vector<16xf32>
      %parallel_loop3A_1359 = vector.shape_cast %parallel_loop3A_1354 : vector<16xf32> to vector<1x16xf32>
      tpu.vector_store %arg10[%parallel_loop3A_1355, %parallel_loop3A_1356], %parallel_loop3A_1359 {add = true, strides = array<i32>} : memref<16x1024xf32, #tpu.memory_space<vmem>>, vector<1x16xf32>,
    } {sc.loop_unroll_factor = 8 : i64, sc.parallel_access}
    %add3A_606 = arith.constant 48 : i32
    %add3A_607 = arith.addi %mul3A_4, %add3A_606 : i32
    %multiple_of3A_608 = tpu.assume_multiple %add3A_607, 8 : i32
    %dma_start3A_609 = arith.constant 0 : i32
    %dma_start3A_610 = arith.constant 0 : i32
    %dma_start3A_611 = tpu.memref_slice %arg5[%dma_start3A_609, %multiple_of3A_608, %dma_start3A_610] : memref<4x4096x1024xf32, #tpu.memory_space<hbm>> -> memref<1x16x1024xf32, #tpu.memory_space<hbm>>
    %dma_start3A_612 = tpu.memref_squeeze %dma_start3A_611 : memref<1x16x1024xf32, #tpu.memory_space<hbm>> -> memref<16x1024xf32, #tpu.memory_space<hbm>>
    %dma_start3A_613 = arith.constant 0 : i32
    %dma_start3A_614 = tpu.memref_slice %arg5[%dma_start3A_609, %multiple_of3A_608, %dma_start3A_613] : memref<4x4096x1024xf32, #tpu.memory_space<hbm>> -> memref<1x16x1024xf32, #tpu.memory_space<hbm>>
    %dma_start3A_615 = tpu.memref_squeeze %dma_start3A_614 : memref<1x16x1024xf32, #tpu.memory_space<hbm>> -> memref<16x1024xf32, #tpu.memory_space<hbm>>
    tpu.enqueue_dma source(%arg10 : memref<16x1024xf32, #tpu.memory_space<vmem>>) target(%dma_start3A_615 : memref<16x1024xf32, #tpu.memory_space<hbm>>) target_semaphore(%arg24 : memref<!tpu.dma_semaphore, #tpu.memory_space<semaphore_mem>>)
    %dma_wait3A_616 = arith.constant 3 : i32
    %dma_wait3A_617 = arith.constant 0 : i32
    %dma_wait3A_618 = tpu.memref_slice %arg5[%dma_wait3A_616, %multiple_of3A_566, %dma_wait3A_617] : memref<4x4096x1024xf32, #tpu.memory_space<hbm>> -> memref<1x16x1024xf32, #tpu.memory_space<hbm>>
    %dma_wait3A_619 = tpu.memref_squeeze %dma_wait3A_618 : memref<1x16x1024xf32, #tpu.memory_space<hbm>> -> memref<16x1024xf32, #tpu.memory_space<hbm>>
    %dma_wait3A_620 = arith.constant 0 : i32
    %dma_wait3A_621 = tpu.memref_slice %arg5[%dma_wait3A_616, %multiple_of3A_566, %dma_wait3A_620] : memref<4x4096x1024xf32, #tpu.memory_space<hbm>> -> memref<1x16x1024xf32, #tpu.memory_space<hbm>>
    %dma_wait3A_622 = tpu.memref_squeeze %dma_wait3A_621 : memref<1x16x1024xf32, #tpu.memory_space<hbm>> -> memref<16x1024xf32, #tpu.memory_space<hbm>>
    tpu.wait_dma2 semaphore(%arg23 : memref<!tpu.dma_semaphore, #tpu.memory_space<semaphore_mem>>) src(%arg9 : memref<16x1024xf32, #tpu.memory_space<vmem>>) dst(%dma_wait3A_622 : memref<16x1024xf32, #tpu.memory_space<hbm>>)
    %dma_start3A_623 = arith.constant 64 : i32
    %dma_start3A_624 = tpu.memref_slice %arg13[%dma_start3A_623] : memref<128xi32, #tpu.memory_space<vmem>> -> memref<16xi32, #tpu.memory_space<vmem>>
    %dma_start3A_625 = arith.constant 0 : i32
    %dma_start3A_626 = arith.constant 0 : i32
    %dma_start3A_627 = tpu.memref_slice %arg3[%dma_start3A_625, %dma_start3A_626] : memref<4096x1024xf32, #tpu.memory_space<hbm>> -> memref<4096x1024xf32, #tpu.memory_space<hbm>>
    tpu.enqueue_indirect_dma source(%dma_start3A_627 : memref<4096x1024xf32, #tpu.memory_space<hbm>>) target(%arg6 : memref<16x1024xf32, #tpu.memory_space<vmem>>) offsets(%dma_start3A_624 : memref<16xi32, #tpu.memory_space<vmem>>) semaphore(%arg15 : memref<!tpu.dma_semaphore, #tpu.memory_space<semaphore_mem>>)
    %add3A_628 = arith.constant 64 : i32
    %add3A_629 = arith.addi %mul3A_4, %add3A_628 : i32
    %multiple_of3A_630 = tpu.assume_multiple %add3A_629, 8 : i32
    %dma_start3A_631 = arith.constant 0 : i32
    %dma_start3A_632 = arith.constant 0 : i32
    %dma_start3A_633 = tpu.memref_slice %arg2[%dma_start3A_631, %multiple_of3A_630, %dma_start3A_632] : memref<4x4096x1024xf32, #tpu.memory_space<hbm>> -> memref<1x16x1024xf32, #tpu.memory_space<hbm>>
    %dma_start3A_634 = tpu.memref_squeeze %dma_start3A_633 : memref<1x16x1024xf32, #tpu.memory_space<hbm>> -> memref<16x1024xf32, #tpu.memory_space<hbm>>
    %dma_start3A_635 = arith.constant 0 : i32
    %dma_start3A_636 = tpu.memref_slice %arg2[%dma_start3A_631, %multiple_of3A_630, %dma_start3A_635] : memref<4x4096x1024xf32, #tpu.memory_space<hbm>> -> memref<1x16x1024xf32, #tpu.memory_space<hbm>>
    %dma_start3A_637 = tpu.memref_squeeze %dma_start3A_636 : memref<1x16x1024xf32, #tpu.memory_space<hbm>> -> memref<16x1024xf32, #tpu.memory_space<hbm>>
    tpu.enqueue_dma source(%dma_start3A_637 : memref<16x1024xf32, #tpu.memory_space<hbm>>) target(%arg9 : memref<16x1024xf32, #tpu.memory_space<vmem>>) target_semaphore(%arg18 : memref<!tpu.dma_semaphore, #tpu.memory_space<semaphore_mem>>)
    %dma_wait3A_638 = arith.constant 1 : i32
    %dma_wait3A_639 = arith.constant 0 : i32
    %dma_wait3A_640 = tpu.memref_slice %arg2[%dma_wait3A_638, %multiple_of3A_509, %dma_wait3A_639] : memref<4x4096x1024xf32, #tpu.memory_space<hbm>> -> memref<1x16x1024xf32, #tpu.memory_space<hbm>>
    %dma_wait3A_641 = tpu.memref_squeeze %dma_wait3A_640 : memref<1x16x1024xf32, #tpu.memory_space<hbm>> -> memref<16x1024xf32, #tpu.memory_space<hbm>>
    %dma_wait3A_642 = arith.constant 0 : i32
    %dma_wait3A_643 = tpu.memref_slice %arg2[%dma_wait3A_638, %multiple_of3A_509, %dma_wait3A_642] : memref<4x4096x1024xf32, #tpu.memory_space<hbm>> -> memref<1x16x1024xf32, #tpu.memory_space<hbm>>
    %dma_wait3A_644 = tpu.memref_squeeze %dma_wait3A_643 : memref<1x16x1024xf32, #tpu.memory_space<hbm>> -> memref<16x1024xf32, #tpu.memory_space<hbm>>
    tpu.wait_dma2 semaphore(%arg20 : memref<!tpu.dma_semaphore, #tpu.memory_space<semaphore_mem>>) src(%dma_wait3A_644 : memref<16x1024xf32, #tpu.memory_space<hbm>>) dst(%arg11 : memref<16x1024xf32, #tpu.memory_space<vmem>>)
    %parallel_loop3A_645 = arith.constant 0 : i32
    %parallel_loop3A_646 = arith.constant 1024 : i32
    %parallel_loop3A_647 = arith.constant 1 : i32
    scf.for %parallel_loop3A_1343 = %parallel_loop3A_645 to %parallel_loop3A_646 step %parallel_loop3A_647  : i32 {
      %parallel_loop3A_1344 = arith.constant 6 : i32
      %parallel_loop3A_1345 = arith.shrui %parallel_loop3A_1343, %parallel_loop3A_1344 : i32
      %parallel_loop3A_1346 = arith.constant 64 : i32
      %parallel_loop3A_1347 = arith.muli %parallel_loop3A_1345, %parallel_loop3A_1346 : i32
      %parallel_loop3A_1348 = arith.subi %parallel_loop3A_1343, %parallel_loop3A_1347 : i32
      %parallel_loop3A_1349 = arith.constant 16 : i32
      %parallel_loop3A_1350 = arith.muli %parallel_loop3A_1348, %parallel_loop3A_1349 : i32
      %parallel_loop3A_1351 = arith.index_cast %parallel_loop3A_1345 : i32 to index
      %parallel_loop3A_1352 = arith.index_cast %parallel_loop3A_1350 : i32 to index
      %parallel_loop3A_1353 = tpu.vector_load %arg7[%parallel_loop3A_1351, %parallel_loop3A_1352] {strides = array<i32>} : memref<16x1024xf32, #tpu.memory_space<vmem>>, vector<1x16xf32>,
      %parallel_loop3A_1354 = vector.shape_cast %parallel_loop3A_1353 : vector<1x16xf32> to vector<16xf32>
      %parallel_loop3A_1355 = arith.index_cast %parallel_loop3A_1345 : i32 to index
      %parallel_loop3A_1356 = arith.index_cast %parallel_loop3A_1350 : i32 to index
      %parallel_loop3A_1357 = tpu.vector_load %arg11[%parallel_loop3A_1355, %parallel_loop3A_1356] {strides = array<i32>} : memref<16x1024xf32, #tpu.memory_space<vmem>>, vector<1x16xf32>,
      %parallel_loop3A_1358 = vector.shape_cast %parallel_loop3A_1357 : vector<1x16xf32> to vector<16xf32>
      %parallel_loop3A_1359 = vector.shape_cast %parallel_loop3A_1354 : vector<16xf32> to vector<1x16xf32>
      tpu.vector_store %arg11[%parallel_loop3A_1355, %parallel_loop3A_1356], %parallel_loop3A_1359 {add = true, strides = array<i32>} : memref<16x1024xf32, #tpu.memory_space<vmem>>, vector<1x16xf32>,
    } {sc.loop_unroll_factor = 8 : i64, sc.parallel_access}
    %add3A_648 = arith.constant 48 : i32
    %add3A_649 = arith.addi %mul3A_4, %add3A_648 : i32
    %multiple_of3A_650 = tpu.assume_multiple %add3A_649, 8 : i32
    %dma_start3A_651 = arith.constant 1 : i32
    %dma_start3A_652 = arith.constant 0 : i32
    %dma_start3A_653 = tpu.memref_slice %arg5[%dma_start3A_651, %multiple_of3A_650, %dma_start3A_652] : memref<4x4096x1024xf32, #tpu.memory_space<hbm>> -> memref<1x16x1024xf32, #tpu.memory_space<hbm>>
    %dma_start3A_654 = tpu.memref_squeeze %dma_start3A_653 : memref<1x16x1024xf32, #tpu.memory_space<hbm>> -> memref<16x1024xf32, #tpu.memory_space<hbm>>
    %dma_start3A_655 = arith.constant 0 : i32
    %dma_start3A_656 = tpu.memref_slice %arg5[%dma_start3A_651, %multiple_of3A_650, %dma_start3A_655] : memref<4x4096x1024xf32, #tpu.memory_space<hbm>> -> memref<1x16x1024xf32, #tpu.memory_space<hbm>>
    %dma_start3A_657 = tpu.memref_squeeze %dma_start3A_656 : memref<1x16x1024xf32, #tpu.memory_space<hbm>> -> memref<16x1024xf32, #tpu.memory_space<hbm>>
    tpu.enqueue_dma source(%arg11 : memref<16x1024xf32, #tpu.memory_space<vmem>>) target(%dma_start3A_657 : memref<16x1024xf32, #tpu.memory_space<hbm>>) target_semaphore(%arg25 : memref<!tpu.dma_semaphore, #tpu.memory_space<semaphore_mem>>)
    %dma_wait3A_658 = arith.constant 0 : i32
    %dma_wait3A_659 = arith.constant 0 : i32
    %dma_wait3A_660 = tpu.memref_slice %arg5[%dma_wait3A_658, %multiple_of3A_608, %dma_wait3A_659] : memref<4x4096x1024xf32, #tpu.memory_space<hbm>> -> memref<1x16x1024xf32, #tpu.memory_space<hbm>>
    %dma_wait3A_661 = tpu.memref_squeeze %dma_wait3A_660 : memref<1x16x1024xf32, #tpu.memory_space<hbm>> -> memref<16x1024xf32, #tpu.memory_space<hbm>>
    %dma_wait3A_662 = arith.constant 0 : i32
    %dma_wait3A_663 = tpu.memref_slice %arg5[%dma_wait3A_658, %multiple_of3A_608, %dma_wait3A_662] : memref<4x4096x1024xf32, #tpu.memory_space<hbm>> -> memref<1x16x1024xf32, #tpu.memory_space<hbm>>
    %dma_wait3A_664 = tpu.memref_squeeze %dma_wait3A_663 : memref<1x16x1024xf32, #tpu.memory_space<hbm>> -> memref<16x1024xf32, #tpu.memory_space<hbm>>
    tpu.wait_dma2 semaphore(%arg24 : memref<!tpu.dma_semaphore, #tpu.memory_space<semaphore_mem>>) src(%arg10 : memref<16x1024xf32, #tpu.memory_space<vmem>>) dst(%dma_wait3A_664 : memref<16x1024xf32, #tpu.memory_space<hbm>>)
    %add3A_665 = arith.constant 64 : i32
    %add3A_666 = arith.addi %mul3A_4, %add3A_665 : i32
    %multiple_of3A_667 = tpu.assume_multiple %add3A_666, 8 : i32
    %dma_start3A_668 = arith.constant 1 : i32
    %dma_start3A_669 = arith.constant 0 : i32
    %dma_start3A_670 = tpu.memref_slice %arg2[%dma_start3A_668, %multiple_of3A_667, %dma_start3A_669] : memref<4x4096x1024xf32, #tpu.memory_space<hbm>> -> memref<1x16x1024xf32, #tpu.memory_space<hbm>>
    %dma_start3A_671 = tpu.memref_squeeze %dma_start3A_670 : memref<1x16x1024xf32, #tpu.memory_space<hbm>> -> memref<16x1024xf32, #tpu.memory_space<hbm>>
    %dma_start3A_672 = arith.constant 0 : i32
    %dma_start3A_673 = tpu.memref_slice %arg2[%dma_start3A_668, %multiple_of3A_667, %dma_start3A_672] : memref<4x4096x1024xf32, #tpu.memory_space<hbm>> -> memref<1x16x1024xf32, #tpu.memory_space<hbm>>
    %dma_start3A_674 = tpu.memref_squeeze %dma_start3A_673 : memref<1x16x1024xf32, #tpu.memory_space<hbm>> -> memref<16x1024xf32, #tpu.memory_space<hbm>>
    tpu.enqueue_dma source(%dma_start3A_674 : memref<16x1024xf32, #tpu.memory_space<hbm>>) target(%arg10 : memref<16x1024xf32, #tpu.memory_space<vmem>>) target_semaphore(%arg19 : memref<!tpu.dma_semaphore, #tpu.memory_space<semaphore_mem>>)
    %dma_wait3A_675 = arith.constant 2 : i32
    %dma_wait3A_676 = arith.constant 0 : i32
    %dma_wait3A_677 = tpu.memref_slice %arg2[%dma_wait3A_675, %multiple_of3A_546, %dma_wait3A_676] : memref<4x4096x1024xf32, #tpu.memory_space<hbm>> -> memref<1x16x1024xf32, #tpu.memory_space<hbm>>
    %dma_wait3A_678 = tpu.memref_squeeze %dma_wait3A_677 : memref<1x16x1024xf32, #tpu.memory_space<hbm>> -> memref<16x1024xf32, #tpu.memory_space<hbm>>
    %dma_wait3A_679 = arith.constant 0 : i32
    %dma_wait3A_680 = tpu.memref_slice %arg2[%dma_wait3A_675, %multiple_of3A_546, %dma_wait3A_679] : memref<4x4096x1024xf32, #tpu.memory_space<hbm>> -> memref<1x16x1024xf32, #tpu.memory_space<hbm>>
    %dma_wait3A_681 = tpu.memref_squeeze %dma_wait3A_680 : memref<1x16x1024xf32, #tpu.memory_space<hbm>> -> memref<16x1024xf32, #tpu.memory_space<hbm>>
    tpu.wait_dma2 semaphore(%arg21 : memref<!tpu.dma_semaphore, #tpu.memory_space<semaphore_mem>>) src(%dma_wait3A_681 : memref<16x1024xf32, #tpu.memory_space<hbm>>) dst(%arg12 : memref<16x1024xf32, #tpu.memory_space<vmem>>)
    %parallel_loop3A_682 = arith.constant 0 : i32
    %parallel_loop3A_683 = arith.constant 1024 : i32
    %parallel_loop3A_684 = arith.constant 1 : i32
    scf.for %parallel_loop3A_1343 = %parallel_loop3A_682 to %parallel_loop3A_683 step %parallel_loop3A_684  : i32 {
      %parallel_loop3A_1344 = arith.constant 6 : i32
      %parallel_loop3A_1345 = arith.shrui %parallel_loop3A_1343, %parallel_loop3A_1344 : i32
      %parallel_loop3A_1346 = arith.constant 64 : i32
      %parallel_loop3A_1347 = arith.muli %parallel_loop3A_1345, %parallel_loop3A_1346 : i32
      %parallel_loop3A_1348 = arith.subi %parallel_loop3A_1343, %parallel_loop3A_1347 : i32
      %parallel_loop3A_1349 = arith.constant 16 : i32
      %parallel_loop3A_1350 = arith.muli %parallel_loop3A_1348, %parallel_loop3A_1349 : i32
      %parallel_loop3A_1351 = arith.index_cast %parallel_loop3A_1345 : i32 to index
      %parallel_loop3A_1352 = arith.index_cast %parallel_loop3A_1350 : i32 to index
      %parallel_loop3A_1353 = tpu.vector_load %arg7[%parallel_loop3A_1351, %parallel_loop3A_1352] {strides = array<i32>} : memref<16x1024xf32, #tpu.memory_space<vmem>>, vector<1x16xf32>,
      %parallel_loop3A_1354 = vector.shape_cast %parallel_loop3A_1353 : vector<1x16xf32> to vector<16xf32>
      %parallel_loop3A_1355 = arith.index_cast %parallel_loop3A_1345 : i32 to index
      %parallel_loop3A_1356 = arith.index_cast %parallel_loop3A_1350 : i32 to index
      %parallel_loop3A_1357 = tpu.vector_load %arg12[%parallel_loop3A_1355, %parallel_loop3A_1356] {strides = array<i32>} : memref<16x1024xf32, #tpu.memory_space<vmem>>, vector<1x16xf32>,
      %parallel_loop3A_1358 = vector.shape_cast %parallel_loop3A_1357 : vector<1x16xf32> to vector<16xf32>
      %parallel_loop3A_1359 = vector.shape_cast %parallel_loop3A_1354 : vector<16xf32> to vector<1x16xf32>
      tpu.vector_store %arg12[%parallel_loop3A_1355, %parallel_loop3A_1356], %parallel_loop3A_1359 {add = true, strides = array<i32>} : memref<16x1024xf32, #tpu.memory_space<vmem>>, vector<1x16xf32>,
    } {sc.loop_unroll_factor = 8 : i64, sc.parallel_access}
    %add3A_685 = arith.constant 48 : i32
    %add3A_686 = arith.addi %mul3A_4, %add3A_685 : i32
    %multiple_of3A_687 = tpu.assume_multiple %add3A_686, 8 : i32
    %dma_start3A_688 = arith.constant 2 : i32
    %dma_start3A_689 = arith.constant 0 : i32
    %dma_start3A_690 = tpu.memref_slice %arg5[%dma_start3A_688, %multiple_of3A_687, %dma_start3A_689] : memref<4x4096x1024xf32, #tpu.memory_space<hbm>> -> memref<1x16x1024xf32, #tpu.memory_space<hbm>>
    %dma_start3A_691 = tpu.memref_squeeze %dma_start3A_690 : memref<1x16x1024xf32, #tpu.memory_space<hbm>> -> memref<16x1024xf32, #tpu.memory_space<hbm>>
    %dma_start3A_692 = arith.constant 0 : i32
    %dma_start3A_693 = tpu.memref_slice %arg5[%dma_start3A_688, %multiple_of3A_687, %dma_start3A_692] : memref<4x4096x1024xf32, #tpu.memory_space<hbm>> -> memref<1x16x1024xf32, #tpu.memory_space<hbm>>
    %dma_start3A_694 = tpu.memref_squeeze %dma_start3A_693 : memref<1x16x1024xf32, #tpu.memory_space<hbm>> -> memref<16x1024xf32, #tpu.memory_space<hbm>>
    tpu.enqueue_dma source(%arg12 : memref<16x1024xf32, #tpu.memory_space<vmem>>) target(%dma_start3A_694 : memref<16x1024xf32, #tpu.memory_space<hbm>>) target_semaphore(%arg26 : memref<!tpu.dma_semaphore, #tpu.memory_space<semaphore_mem>>)
    %dma_wait3A_695 = arith.constant 1 : i32
    %dma_wait3A_696 = arith.constant 0 : i32
    %dma_wait3A_697 = tpu.memref_slice %arg5[%dma_wait3A_695, %multiple_of3A_650, %dma_wait3A_696] : memref<4x4096x1024xf32, #tpu.memory_space<hbm>> -> memref<1x16x1024xf32, #tpu.memory_space<hbm>>
    %dma_wait3A_698 = tpu.memref_squeeze %dma_wait3A_697 : memref<1x16x1024xf32, #tpu.memory_space<hbm>> -> memref<16x1024xf32, #tpu.memory_space<hbm>>
    %dma_wait3A_699 = arith.constant 0 : i32
    %dma_wait3A_700 = tpu.memref_slice %arg5[%dma_wait3A_695, %multiple_of3A_650, %dma_wait3A_699] : memref<4x4096x1024xf32, #tpu.memory_space<hbm>> -> memref<1x16x1024xf32, #tpu.memory_space<hbm>>
    %dma_wait3A_701 = tpu.memref_squeeze %dma_wait3A_700 : memref<1x16x1024xf32, #tpu.memory_space<hbm>> -> memref<16x1024xf32, #tpu.memory_space<hbm>>
    tpu.wait_dma2 semaphore(%arg25 : memref<!tpu.dma_semaphore, #tpu.memory_space<semaphore_mem>>) src(%arg11 : memref<16x1024xf32, #tpu.memory_space<vmem>>) dst(%dma_wait3A_701 : memref<16x1024xf32, #tpu.memory_space<hbm>>)
    %add3A_702 = arith.constant 64 : i32
    %add3A_703 = arith.addi %mul3A_4, %add3A_702 : i32
    %multiple_of3A_704 = tpu.assume_multiple %add3A_703, 8 : i32
    %dma_start3A_705 = arith.constant 2 : i32
    %dma_start3A_706 = arith.constant 0 : i32
    %dma_start3A_707 = tpu.memref_slice %arg2[%dma_start3A_705, %multiple_of3A_704, %dma_start3A_706] : memref<4x4096x1024xf32, #tpu.memory_space<hbm>> -> memref<1x16x1024xf32, #tpu.memory_space<hbm>>
    %dma_start3A_708 = tpu.memref_squeeze %dma_start3A_707 : memref<1x16x1024xf32, #tpu.memory_space<hbm>> -> memref<16x1024xf32, #tpu.memory_space<hbm>>
    %dma_start3A_709 = arith.constant 0 : i32
    %dma_start3A_710 = tpu.memref_slice %arg2[%dma_start3A_705, %multiple_of3A_704, %dma_start3A_709] : memref<4x4096x1024xf32, #tpu.memory_space<hbm>> -> memref<1x16x1024xf32, #tpu.memory_space<hbm>>
    %dma_start3A_711 = tpu.memref_squeeze %dma_start3A_710 : memref<1x16x1024xf32, #tpu.memory_space<hbm>> -> memref<16x1024xf32, #tpu.memory_space<hbm>>
    tpu.enqueue_dma source(%dma_start3A_711 : memref<16x1024xf32, #tpu.memory_space<hbm>>) target(%arg11 : memref<16x1024xf32, #tpu.memory_space<vmem>>) target_semaphore(%arg20 : memref<!tpu.dma_semaphore, #tpu.memory_space<semaphore_mem>>)
    %dma_wait3A_712 = arith.constant 3 : i32
    %dma_wait3A_713 = arith.constant 0 : i32
    %dma_wait3A_714 = tpu.memref_slice %arg2[%dma_wait3A_712, %multiple_of3A_583, %dma_wait3A_713] : memref<4x4096x1024xf32, #tpu.memory_space<hbm>> -> memref<1x16x1024xf32, #tpu.memory_space<hbm>>
    %dma_wait3A_715 = tpu.memref_squeeze %dma_wait3A_714 : memref<1x16x1024xf32, #tpu.memory_space<hbm>> -> memref<16x1024xf32, #tpu.memory_space<hbm>>
    %dma_wait3A_716 = arith.constant 0 : i32
    %dma_wait3A_717 = tpu.memref_slice %arg2[%dma_wait3A_712, %multiple_of3A_583, %dma_wait3A_716] : memref<4x4096x1024xf32, #tpu.memory_space<hbm>> -> memref<1x16x1024xf32, #tpu.memory_space<hbm>>
    %dma_wait3A_718 = tpu.memref_squeeze %dma_wait3A_717 : memref<1x16x1024xf32, #tpu.memory_space<hbm>> -> memref<16x1024xf32, #tpu.memory_space<hbm>>
    tpu.wait_dma2 semaphore(%arg17 : memref<!tpu.dma_semaphore, #tpu.memory_space<semaphore_mem>>) src(%dma_wait3A_718 : memref<16x1024xf32, #tpu.memory_space<hbm>>) dst(%arg8 : memref<16x1024xf32, #tpu.memory_space<vmem>>)
    %parallel_loop3A_719 = arith.constant 0 : i32
    %parallel_loop3A_720 = arith.constant 1024 : i32
    %parallel_loop3A_721 = arith.constant 1 : i32
    scf.for %parallel_loop3A_1343 = %parallel_loop3A_719 to %parallel_loop3A_720 step %parallel_loop3A_721  : i32 {
      %parallel_loop3A_1344 = arith.constant 6 : i32
      %parallel_loop3A_1345 = arith.shrui %parallel_loop3A_1343, %parallel_loop3A_1344 : i32
      %parallel_loop3A_1346 = arith.constant 64 : i32
      %parallel_loop3A_1347 = arith.muli %parallel_loop3A_1345, %parallel_loop3A_1346 : i32
      %parallel_loop3A_1348 = arith.subi %parallel_loop3A_1343, %parallel_loop3A_1347 : i32
      %parallel_loop3A_1349 = arith.constant 16 : i32
      %parallel_loop3A_1350 = arith.muli %parallel_loop3A_1348, %parallel_loop3A_1349 : i32
      %parallel_loop3A_1351 = arith.index_cast %parallel_loop3A_1345 : i32 to index
      %parallel_loop3A_1352 = arith.index_cast %parallel_loop3A_1350 : i32 to index
      %parallel_loop3A_1353 = tpu.vector_load %arg7[%parallel_loop3A_1351, %parallel_loop3A_1352] {strides = array<i32>} : memref<16x1024xf32, #tpu.memory_space<vmem>>, vector<1x16xf32>,
      %parallel_loop3A_1354 = vector.shape_cast %parallel_loop3A_1353 : vector<1x16xf32> to vector<16xf32>
      %parallel_loop3A_1355 = arith.index_cast %parallel_loop3A_1345 : i32 to index
      %parallel_loop3A_1356 = arith.index_cast %parallel_loop3A_1350 : i32 to index
      %parallel_loop3A_1357 = tpu.vector_load %arg8[%parallel_loop3A_1355, %parallel_loop3A_1356] {strides = array<i32>} : memref<16x1024xf32, #tpu.memory_space<vmem>>, vector<1x16xf32>,
      %parallel_loop3A_1358 = vector.shape_cast %parallel_loop3A_1357 : vector<1x16xf32> to vector<16xf32>
      %parallel_loop3A_1359 = vector.shape_cast %parallel_loop3A_1354 : vector<16xf32> to vector<1x16xf32>
      tpu.vector_store %arg8[%parallel_loop3A_1355, %parallel_loop3A_1356], %parallel_loop3A_1359 {add = true, strides = array<i32>} : memref<16x1024xf32, #tpu.memory_space<vmem>>, vector<1x16xf32>,
    } {sc.loop_unroll_factor = 8 : i64, sc.parallel_access}
    %add3A_722 = arith.constant 48 : i32
    %add3A_723 = arith.addi %mul3A_4, %add3A_722 : i32
    %multiple_of3A_724 = tpu.assume_multiple %add3A_723, 8 : i32
    %dma_start3A_725 = arith.constant 3 : i32
    %dma_start3A_726 = arith.constant 0 : i32
    %dma_start3A_727 = tpu.memref_slice %arg5[%dma_start3A_725, %multiple_of3A_724, %dma_start3A_726] : memref<4x4096x1024xf32, #tpu.memory_space<hbm>> -> memref<1x16x1024xf32, #tpu.memory_space<hbm>>
    %dma_start3A_728 = tpu.memref_squeeze %dma_start3A_727 : memref<1x16x1024xf32, #tpu.memory_space<hbm>> -> memref<16x1024xf32, #tpu.memory_space<hbm>>
    %dma_start3A_729 = arith.constant 0 : i32
    %dma_start3A_730 = tpu.memref_slice %arg5[%dma_start3A_725, %multiple_of3A_724, %dma_start3A_729] : memref<4x4096x1024xf32, #tpu.memory_space<hbm>> -> memref<1x16x1024xf32, #tpu.memory_space<hbm>>
    %dma_start3A_731 = tpu.memref_squeeze %dma_start3A_730 : memref<1x16x1024xf32, #tpu.memory_space<hbm>> -> memref<16x1024xf32, #tpu.memory_space<hbm>>
    tpu.enqueue_dma source(%arg8 : memref<16x1024xf32, #tpu.memory_space<vmem>>) target(%dma_start3A_731 : memref<16x1024xf32, #tpu.memory_space<hbm>>) target_semaphore(%arg22 : memref<!tpu.dma_semaphore, #tpu.memory_space<semaphore_mem>>)
    %dma_wait3A_732 = arith.constant 2 : i32
    %dma_wait3A_733 = arith.constant 0 : i32
    %dma_wait3A_734 = tpu.memref_slice %arg5[%dma_wait3A_732, %multiple_of3A_687, %dma_wait3A_733] : memref<4x4096x1024xf32, #tpu.memory_space<hbm>> -> memref<1x16x1024xf32, #tpu.memory_space<hbm>>
    %dma_wait3A_735 = tpu.memref_squeeze %dma_wait3A_734 : memref<1x16x1024xf32, #tpu.memory_space<hbm>> -> memref<16x1024xf32, #tpu.memory_space<hbm>>
    %dma_wait3A_736 = arith.constant 0 : i32
    %dma_wait3A_737 = tpu.memref_slice %arg5[%dma_wait3A_732, %multiple_of3A_687, %dma_wait3A_736] : memref<4x4096x1024xf32, #tpu.memory_space<hbm>> -> memref<1x16x1024xf32, #tpu.memory_space<hbm>>
    %dma_wait3A_738 = tpu.memref_squeeze %dma_wait3A_737 : memref<1x16x1024xf32, #tpu.memory_space<hbm>> -> memref<16x1024xf32, #tpu.memory_space<hbm>>
    tpu.wait_dma2 semaphore(%arg26 : memref<!tpu.dma_semaphore, #tpu.memory_space<semaphore_mem>>) src(%arg12 : memref<16x1024xf32, #tpu.memory_space<vmem>>) dst(%dma_wait3A_738 : memref<16x1024xf32, #tpu.memory_space<hbm>>)
    %add3A_739 = arith.constant 64 : i32
    %add3A_740 = arith.addi %mul3A_4, %add3A_739 : i32
    %multiple_of3A_741 = tpu.assume_multiple %add3A_740, 8 : i32
    %dma_start3A_742 = arith.constant 3 : i32
    %dma_start3A_743 = arith.constant 0 : i32
    %dma_start3A_744 = tpu.memref_slice %arg2[%dma_start3A_742, %multiple_of3A_741, %dma_start3A_743] : memref<4x4096x1024xf32, #tpu.memory_space<hbm>> -> memref<1x16x1024xf32, #tpu.memory_space<hbm>>
    %dma_start3A_745 = tpu.memref_squeeze %dma_start3A_744 : memref<1x16x1024xf32, #tpu.memory_space<hbm>> -> memref<16x1024xf32, #tpu.memory_space<hbm>>
    %dma_start3A_746 = arith.constant 0 : i32
    %dma_start3A_747 = tpu.memref_slice %arg2[%dma_start3A_742, %multiple_of3A_741, %dma_start3A_746] : memref<4x4096x1024xf32, #tpu.memory_space<hbm>> -> memref<1x16x1024xf32, #tpu.memory_space<hbm>>
    %dma_start3A_748 = tpu.memref_squeeze %dma_start3A_747 : memref<1x16x1024xf32, #tpu.memory_space<hbm>> -> memref<16x1024xf32, #tpu.memory_space<hbm>>
    tpu.enqueue_dma source(%dma_start3A_748 : memref<16x1024xf32, #tpu.memory_space<hbm>>) target(%arg12 : memref<16x1024xf32, #tpu.memory_space<vmem>>) target_semaphore(%arg21 : memref<!tpu.dma_semaphore, #tpu.memory_space<semaphore_mem>>)
    %dma_wait3A_749 = arith.constant 64 : i32
    %dma_wait3A_750 = tpu.memref_slice %arg13[%dma_wait3A_749] : memref<128xi32, #tpu.memory_space<vmem>> -> memref<16xi32, #tpu.memory_space<vmem>>
    %dma_wait3A_751 = arith.constant 0 : i32
    %dma_wait3A_752 = arith.constant 0 : i32
    %dma_wait3A_753 = tpu.memref_slice %arg3[%dma_wait3A_751, %dma_wait3A_752] : memref<4096x1024xf32, #tpu.memory_space<hbm>> -> memref<4096x1024xf32, #tpu.memory_space<hbm>>
    tpu.wait_indirect_dma semaphore(%arg15 : memref<!tpu.dma_semaphore, #tpu.memory_space<semaphore_mem>>) src(%dma_wait3A_753 : memref<4096x1024xf32, #tpu.memory_space<hbm>>) dst(%arg6 : memref<16x1024xf32, #tpu.memory_space<vmem>>)
    %dma_wait3A_754 = arith.constant 0 : i32
    %dma_wait3A_755 = arith.constant 0 : i32
    %dma_wait3A_756 = tpu.memref_slice %arg2[%dma_wait3A_754, %multiple_of3A_630, %dma_wait3A_755] : memref<4x4096x1024xf32, #tpu.memory_space<hbm>> -> memref<1x16x1024xf32, #tpu.memory_space<hbm>>
    %dma_wait3A_757 = tpu.memref_squeeze %dma_wait3A_756 : memref<1x16x1024xf32, #tpu.memory_space<hbm>> -> memref<16x1024xf32, #tpu.memory_space<hbm>>
    %dma_wait3A_758 = arith.constant 0 : i32
    %dma_wait3A_759 = tpu.memref_slice %arg2[%dma_wait3A_754, %multiple_of3A_630, %dma_wait3A_758] : memref<4x4096x1024xf32, #tpu.memory_space<hbm>> -> memref<1x16x1024xf32, #tpu.memory_space<hbm>>
    %dma_wait3A_760 = tpu.memref_squeeze %dma_wait3A_759 : memref<1x16x1024xf32, #tpu.memory_space<hbm>> -> memref<16x1024xf32, #tpu.memory_space<hbm>>
    tpu.wait_dma2 semaphore(%arg18 : memref<!tpu.dma_semaphore, #tpu.memory_space<semaphore_mem>>) src(%dma_wait3A_760 : memref<16x1024xf32, #tpu.memory_space<hbm>>) dst(%arg9 : memref<16x1024xf32, #tpu.memory_space<vmem>>)
    %parallel_loop3A_761 = arith.constant 0 : i32
    %parallel_loop3A_762 = arith.constant 1024 : i32
    %parallel_loop3A_763 = arith.constant 1 : i32
    scf.for %parallel_loop3A_1343 = %parallel_loop3A_761 to %parallel_loop3A_762 step %parallel_loop3A_763  : i32 {
      %parallel_loop3A_1344 = arith.constant 6 : i32
      %parallel_loop3A_1345 = arith.shrui %parallel_loop3A_1343, %parallel_loop3A_1344 : i32
      %parallel_loop3A_1346 = arith.constant 64 : i32
      %parallel_loop3A_1347 = arith.muli %parallel_loop3A_1345, %parallel_loop3A_1346 : i32
      %parallel_loop3A_1348 = arith.subi %parallel_loop3A_1343, %parallel_loop3A_1347 : i32
      %parallel_loop3A_1349 = arith.constant 16 : i32
      %parallel_loop3A_1350 = arith.muli %parallel_loop3A_1348, %parallel_loop3A_1349 : i32
      %parallel_loop3A_1351 = arith.index_cast %parallel_loop3A_1345 : i32 to index
      %parallel_loop3A_1352 = arith.index_cast %parallel_loop3A_1350 : i32 to index
      %parallel_loop3A_1353 = tpu.vector_load %arg6[%parallel_loop3A_1351, %parallel_loop3A_1352] {strides = array<i32>} : memref<16x1024xf32, #tpu.memory_space<vmem>>, vector<1x16xf32>,
      %parallel_loop3A_1354 = vector.shape_cast %parallel_loop3A_1353 : vector<1x16xf32> to vector<16xf32>
      %parallel_loop3A_1355 = arith.index_cast %parallel_loop3A_1345 : i32 to index
      %parallel_loop3A_1356 = arith.index_cast %parallel_loop3A_1350 : i32 to index
      %parallel_loop3A_1357 = tpu.vector_load %arg9[%parallel_loop3A_1355, %parallel_loop3A_1356] {strides = array<i32>} : memref<16x1024xf32, #tpu.memory_space<vmem>>, vector<1x16xf32>,
      %parallel_loop3A_1358 = vector.shape_cast %parallel_loop3A_1357 : vector<1x16xf32> to vector<16xf32>
      %parallel_loop3A_1359 = vector.shape_cast %parallel_loop3A_1354 : vector<16xf32> to vector<1x16xf32>
      tpu.vector_store %arg9[%parallel_loop3A_1355, %parallel_loop3A_1356], %parallel_loop3A_1359 {add = true, strides = array<i32>} : memref<16x1024xf32, #tpu.memory_space<vmem>>, vector<1x16xf32>,
    } {sc.loop_unroll_factor = 8 : i64, sc.parallel_access}
    %add3A_764 = arith.constant 64 : i32
    %add3A_765 = arith.addi %mul3A_4, %add3A_764 : i32
    %multiple_of3A_766 = tpu.assume_multiple %add3A_765, 8 : i32
    %dma_start3A_767 = arith.constant 0 : i32
    %dma_start3A_768 = arith.constant 0 : i32
    %dma_start3A_769 = tpu.memref_slice %arg5[%dma_start3A_767, %multiple_of3A_766, %dma_start3A_768] : memref<4x4096x1024xf32, #tpu.memory_space<hbm>> -> memref<1x16x1024xf32, #tpu.memory_space<hbm>>
    %dma_start3A_770 = tpu.memref_squeeze %dma_start3A_769 : memref<1x16x1024xf32, #tpu.memory_space<hbm>> -> memref<16x1024xf32, #tpu.memory_space<hbm>>
    %dma_start3A_771 = arith.constant 0 : i32
    %dma_start3A_772 = tpu.memref_slice %arg5[%dma_start3A_767, %multiple_of3A_766, %dma_start3A_771] : memref<4x4096x1024xf32, #tpu.memory_space<hbm>> -> memref<1x16x1024xf32, #tpu.memory_space<hbm>>
    %dma_start3A_773 = tpu.memref_squeeze %dma_start3A_772 : memref<1x16x1024xf32, #tpu.memory_space<hbm>> -> memref<16x1024xf32, #tpu.memory_space<hbm>>
    tpu.enqueue_dma source(%arg9 : memref<16x1024xf32, #tpu.memory_space<vmem>>) target(%dma_start3A_773 : memref<16x1024xf32, #tpu.memory_space<hbm>>) target_semaphore(%arg23 : memref<!tpu.dma_semaphore, #tpu.memory_space<semaphore_mem>>)
    %dma_wait3A_774 = arith.constant 3 : i32
    %dma_wait3A_775 = arith.constant 0 : i32
    %dma_wait3A_776 = tpu.memref_slice %arg5[%dma_wait3A_774, %multiple_of3A_724, %dma_wait3A_775] : memref<4x4096x1024xf32, #tpu.memory_space<hbm>> -> memref<1x16x1024xf32, #tpu.memory_space<hbm>>
    %dma_wait3A_777 = tpu.memref_squeeze %dma_wait3A_776 : memref<1x16x1024xf32, #tpu.memory_space<hbm>> -> memref<16x1024xf32, #tpu.memory_space<hbm>>
    %dma_wait3A_778 = arith.constant 0 : i32
    %dma_wait3A_779 = tpu.memref_slice %arg5[%dma_wait3A_774, %multiple_of3A_724, %dma_wait3A_778] : memref<4x4096x1024xf32, #tpu.memory_space<hbm>> -> memref<1x16x1024xf32, #tpu.memory_space<hbm>>
    %dma_wait3A_780 = tpu.memref_squeeze %dma_wait3A_779 : memref<1x16x1024xf32, #tpu.memory_space<hbm>> -> memref<16x1024xf32, #tpu.memory_space<hbm>>
    tpu.wait_dma2 semaphore(%arg22 : memref<!tpu.dma_semaphore, #tpu.memory_space<semaphore_mem>>) src(%arg8 : memref<16x1024xf32, #tpu.memory_space<vmem>>) dst(%dma_wait3A_780 : memref<16x1024xf32, #tpu.memory_space<hbm>>)
    %dma_start3A_781 = arith.constant 80 : i32
    %dma_start3A_782 = tpu.memref_slice %arg13[%dma_start3A_781] : memref<128xi32, #tpu.memory_space<vmem>> -> memref<16xi32, #tpu.memory_space<vmem>>
    %dma_start3A_783 = arith.constant 0 : i32
    %dma_start3A_784 = arith.constant 0 : i32
    %dma_start3A_785 = tpu.memref_slice %arg3[%dma_start3A_783, %dma_start3A_784] : memref<4096x1024xf32, #tpu.memory_space<hbm>> -> memref<4096x1024xf32, #tpu.memory_space<hbm>>
    tpu.enqueue_indirect_dma source(%dma_start3A_785 : memref<4096x1024xf32, #tpu.memory_space<hbm>>) target(%arg7 : memref<16x1024xf32, #tpu.memory_space<vmem>>) offsets(%dma_start3A_782 : memref<16xi32, #tpu.memory_space<vmem>>) semaphore(%arg16 : memref<!tpu.dma_semaphore, #tpu.memory_space<semaphore_mem>>)
    %add3A_786 = arith.constant 80 : i32
    %add3A_787 = arith.addi %mul3A_4, %add3A_786 : i32
    %multiple_of3A_788 = tpu.assume_multiple %add3A_787, 8 : i32
    %dma_start3A_789 = arith.constant 0 : i32
    %dma_start3A_790 = arith.constant 0 : i32
    %dma_start3A_791 = tpu.memref_slice %arg2[%dma_start3A_789, %multiple_of3A_788, %dma_start3A_790] : memref<4x4096x1024xf32, #tpu.memory_space<hbm>> -> memref<1x16x1024xf32, #tpu.memory_space<hbm>>
    %dma_start3A_792 = tpu.memref_squeeze %dma_start3A_791 : memref<1x16x1024xf32, #tpu.memory_space<hbm>> -> memref<16x1024xf32, #tpu.memory_space<hbm>>
    %dma_start3A_793 = arith.constant 0 : i32
    %dma_start3A_794 = tpu.memref_slice %arg2[%dma_start3A_789, %multiple_of3A_788, %dma_start3A_793] : memref<4x4096x1024xf32, #tpu.memory_space<hbm>> -> memref<1x16x1024xf32, #tpu.memory_space<hbm>>
    %dma_start3A_795 = tpu.memref_squeeze %dma_start3A_794 : memref<1x16x1024xf32, #tpu.memory_space<hbm>> -> memref<16x1024xf32, #tpu.memory_space<hbm>>
    tpu.enqueue_dma source(%dma_start3A_795 : memref<16x1024xf32, #tpu.memory_space<hbm>>) target(%arg8 : memref<16x1024xf32, #tpu.memory_space<vmem>>) target_semaphore(%arg17 : memref<!tpu.dma_semaphore, #tpu.memory_space<semaphore_mem>>)
    %dma_wait3A_796 = arith.constant 1 : i32
    %dma_wait3A_797 = arith.constant 0 : i32
    %dma_wait3A_798 = tpu.memref_slice %arg2[%dma_wait3A_796, %multiple_of3A_667, %dma_wait3A_797] : memref<4x4096x1024xf32, #tpu.memory_space<hbm>> -> memref<1x16x1024xf32, #tpu.memory_space<hbm>>
    %dma_wait3A_799 = tpu.memref_squeeze %dma_wait3A_798 : memref<1x16x1024xf32, #tpu.memory_space<hbm>> -> memref<16x1024xf32, #tpu.memory_space<hbm>>
    %dma_wait3A_800 = arith.constant 0 : i32
    %dma_wait3A_801 = tpu.memref_slice %arg2[%dma_wait3A_796, %multiple_of3A_667, %dma_wait3A_800] : memref<4x4096x1024xf32, #tpu.memory_space<hbm>> -> memref<1x16x1024xf32, #tpu.memory_space<hbm>>
    %dma_wait3A_802 = tpu.memref_squeeze %dma_wait3A_801 : memref<1x16x1024xf32, #tpu.memory_space<hbm>> -> memref<16x1024xf32, #tpu.memory_space<hbm>>
    tpu.wait_dma2 semaphore(%arg19 : memref<!tpu.dma_semaphore, #tpu.memory_space<semaphore_mem>>) src(%dma_wait3A_802 : memref<16x1024xf32, #tpu.memory_space<hbm>>) dst(%arg10 : memref<16x1024xf32, #tpu.memory_space<vmem>>)
    %parallel_loop3A_803 = arith.constant 0 : i32
    %parallel_loop3A_804 = arith.constant 1024 : i32
    %parallel_loop3A_805 = arith.constant 1 : i32
    scf.for %parallel_loop3A_1343 = %parallel_loop3A_803 to %parallel_loop3A_804 step %parallel_loop3A_805  : i32 {
      %parallel_loop3A_1344 = arith.constant 6 : i32
      %parallel_loop3A_1345 = arith.shrui %parallel_loop3A_1343, %parallel_loop3A_1344 : i32
      %parallel_loop3A_1346 = arith.constant 64 : i32
      %parallel_loop3A_1347 = arith.muli %parallel_loop3A_1345, %parallel_loop3A_1346 : i32
      %parallel_loop3A_1348 = arith.subi %parallel_loop3A_1343, %parallel_loop3A_1347 : i32
      %parallel_loop3A_1349 = arith.constant 16 : i32
      %parallel_loop3A_1350 = arith.muli %parallel_loop3A_1348, %parallel_loop3A_1349 : i32
      %parallel_loop3A_1351 = arith.index_cast %parallel_loop3A_1345 : i32 to index
      %parallel_loop3A_1352 = arith.index_cast %parallel_loop3A_1350 : i32 to index
      %parallel_loop3A_1353 = tpu.vector_load %arg6[%parallel_loop3A_1351, %parallel_loop3A_1352] {strides = array<i32>} : memref<16x1024xf32, #tpu.memory_space<vmem>>, vector<1x16xf32>,
      %parallel_loop3A_1354 = vector.shape_cast %parallel_loop3A_1353 : vector<1x16xf32> to vector<16xf32>
      %parallel_loop3A_1355 = arith.index_cast %parallel_loop3A_1345 : i32 to index
      %parallel_loop3A_1356 = arith.index_cast %parallel_loop3A_1350 : i32 to index
      %parallel_loop3A_1357 = tpu.vector_load %arg10[%parallel_loop3A_1355, %parallel_loop3A_1356] {strides = array<i32>} : memref<16x1024xf32, #tpu.memory_space<vmem>>, vector<1x16xf32>,
      %parallel_loop3A_1358 = vector.shape_cast %parallel_loop3A_1357 : vector<1x16xf32> to vector<16xf32>
      %parallel_loop3A_1359 = vector.shape_cast %parallel_loop3A_1354 : vector<16xf32> to vector<1x16xf32>
      tpu.vector_store %arg10[%parallel_loop3A_1355, %parallel_loop3A_1356], %parallel_loop3A_1359 {add = true, strides = array<i32>} : memref<16x1024xf32, #tpu.memory_space<vmem>>, vector<1x16xf32>,
    } {sc.loop_unroll_factor = 8 : i64, sc.parallel_access}
    %add3A_806 = arith.constant 64 : i32
    %add3A_807 = arith.addi %mul3A_4, %add3A_806 : i32
    %multiple_of3A_808 = tpu.assume_multiple %add3A_807, 8 : i32
    %dma_start3A_809 = arith.constant 1 : i32
    %dma_start3A_810 = arith.constant 0 : i32
    %dma_start3A_811 = tpu.memref_slice %arg5[%dma_start3A_809, %multiple_of3A_808, %dma_start3A_810] : memref<4x4096x1024xf32, #tpu.memory_space<hbm>> -> memref<1x16x1024xf32, #tpu.memory_space<hbm>>
    %dma_start3A_812 = tpu.memref_squeeze %dma_start3A_811 : memref<1x16x1024xf32, #tpu.memory_space<hbm>> -> memref<16x1024xf32, #tpu.memory_space<hbm>>
    %dma_start3A_813 = arith.constant 0 : i32
    %dma_start3A_814 = tpu.memref_slice %arg5[%dma_start3A_809, %multiple_of3A_808, %dma_start3A_813] : memref<4x4096x1024xf32, #tpu.memory_space<hbm>> -> memref<1x16x1024xf32, #tpu.memory_space<hbm>>
    %dma_start3A_815 = tpu.memref_squeeze %dma_start3A_814 : memref<1x16x1024xf32, #tpu.memory_space<hbm>> -> memref<16x1024xf32, #tpu.memory_space<hbm>>
    tpu.enqueue_dma source(%arg10 : memref<16x1024xf32, #tpu.memory_space<vmem>>) target(%dma_start3A_815 : memref<16x1024xf32, #tpu.memory_space<hbm>>) target_semaphore(%arg24 : memref<!tpu.dma_semaphore, #tpu.memory_space<semaphore_mem>>)
    %dma_wait3A_816 = arith.constant 0 : i32
    %dma_wait3A_817 = arith.constant 0 : i32
    %dma_wait3A_818 = tpu.memref_slice %arg5[%dma_wait3A_816, %multiple_of3A_766, %dma_wait3A_817] : memref<4x4096x1024xf32, #tpu.memory_space<hbm>> -> memref<1x16x1024xf32, #tpu.memory_space<hbm>>
    %dma_wait3A_819 = tpu.memref_squeeze %dma_wait3A_818 : memref<1x16x1024xf32, #tpu.memory_space<hbm>> -> memref<16x1024xf32, #tpu.memory_space<hbm>>
    %dma_wait3A_820 = arith.constant 0 : i32
    %dma_wait3A_821 = tpu.memref_slice %arg5[%dma_wait3A_816, %multiple_of3A_766, %dma_wait3A_820] : memref<4x4096x1024xf32, #tpu.memory_space<hbm>> -> memref<1x16x1024xf32, #tpu.memory_space<hbm>>
    %dma_wait3A_822 = tpu.memref_squeeze %dma_wait3A_821 : memref<1x16x1024xf32, #tpu.memory_space<hbm>> -> memref<16x1024xf32, #tpu.memory_space<hbm>>
    tpu.wait_dma2 semaphore(%arg23 : memref<!tpu.dma_semaphore, #tpu.memory_space<semaphore_mem>>) src(%arg9 : memref<16x1024xf32, #tpu.memory_space<vmem>>) dst(%dma_wait3A_822 : memref<16x1024xf32, #tpu.memory_space<hbm>>)
    %add3A_823 = arith.constant 80 : i32
    %add3A_824 = arith.addi %mul3A_4, %add3A_823 : i32
    %multiple_of3A_825 = tpu.assume_multiple %add3A_824, 8 : i32
    %dma_start3A_826 = arith.constant 1 : i32
    %dma_start3A_827 = arith.constant 0 : i32
    %dma_start3A_828 = tpu.memref_slice %arg2[%dma_start3A_826, %multiple_of3A_825, %dma_start3A_827] : memref<4x4096x1024xf32, #tpu.memory_space<hbm>> -> memref<1x16x1024xf32, #tpu.memory_space<hbm>>
    %dma_start3A_829 = tpu.memref_squeeze %dma_start3A_828 : memref<1x16x1024xf32, #tpu.memory_space<hbm>> -> memref<16x1024xf32, #tpu.memory_space<hbm>>
    %dma_start3A_830 = arith.constant 0 : i32
    %dma_start3A_831 = tpu.memref_slice %arg2[%dma_start3A_826, %multiple_of3A_825, %dma_start3A_830] : memref<4x4096x1024xf32, #tpu.memory_space<hbm>> -> memref<1x16x1024xf32, #tpu.memory_space<hbm>>
    %dma_start3A_832 = tpu.memref_squeeze %dma_start3A_831 : memref<1x16x1024xf32, #tpu.memory_space<hbm>> -> memref<16x1024xf32, #tpu.memory_space<hbm>>
    tpu.enqueue_dma source(%dma_start3A_832 : memref<16x1024xf32, #tpu.memory_space<hbm>>) target(%arg9 : memref<16x1024xf32, #tpu.memory_space<vmem>>) target_semaphore(%arg18 : memref<!tpu.dma_semaphore, #tpu.memory_space<semaphore_mem>>)
    %dma_wait3A_833 = arith.constant 2 : i32
    %dma_wait3A_834 = arith.constant 0 : i32
    %dma_wait3A_835 = tpu.memref_slice %arg2[%dma_wait3A_833, %multiple_of3A_704, %dma_wait3A_834] : memref<4x4096x1024xf32, #tpu.memory_space<hbm>> -> memref<1x16x1024xf32, #tpu.memory_space<hbm>>
    %dma_wait3A_836 = tpu.memref_squeeze %dma_wait3A_835 : memref<1x16x1024xf32, #tpu.memory_space<hbm>> -> memref<16x1024xf32, #tpu.memory_space<hbm>>
    %dma_wait3A_837 = arith.constant 0 : i32
    %dma_wait3A_838 = tpu.memref_slice %arg2[%dma_wait3A_833, %multiple_of3A_704, %dma_wait3A_837] : memref<4x4096x1024xf32, #tpu.memory_space<hbm>> -> memref<1x16x1024xf32, #tpu.memory_space<hbm>>
    %dma_wait3A_839 = tpu.memref_squeeze %dma_wait3A_838 : memref<1x16x1024xf32, #tpu.memory_space<hbm>> -> memref<16x1024xf32, #tpu.memory_space<hbm>>
    tpu.wait_dma2 semaphore(%arg20 : memref<!tpu.dma_semaphore, #tpu.memory_space<semaphore_mem>>) src(%dma_wait3A_839 : memref<16x1024xf32, #tpu.memory_space<hbm>>) dst(%arg11 : memref<16x1024xf32, #tpu.memory_space<vmem>>)
    %parallel_loop3A_840 = arith.constant 0 : i32
    %parallel_loop3A_841 = arith.constant 1024 : i32
    %parallel_loop3A_842 = arith.constant 1 : i32
    scf.for %parallel_loop3A_1343 = %parallel_loop3A_840 to %parallel_loop3A_841 step %parallel_loop3A_842  : i32 {
      %parallel_loop3A_1344 = arith.constant 6 : i32
      %parallel_loop3A_1345 = arith.shrui %parallel_loop3A_1343, %parallel_loop3A_1344 : i32
      %parallel_loop3A_1346 = arith.constant 64 : i32
      %parallel_loop3A_1347 = arith.muli %parallel_loop3A_1345, %parallel_loop3A_1346 : i32
      %parallel_loop3A_1348 = arith.subi %parallel_loop3A_1343, %parallel_loop3A_1347 : i32
      %parallel_loop3A_1349 = arith.constant 16 : i32
      %parallel_loop3A_1350 = arith.muli %parallel_loop3A_1348, %parallel_loop3A_1349 : i32
      %parallel_loop3A_1351 = arith.index_cast %parallel_loop3A_1345 : i32 to index
      %parallel_loop3A_1352 = arith.index_cast %parallel_loop3A_1350 : i32 to index
      %parallel_loop3A_1353 = tpu.vector_load %arg6[%parallel_loop3A_1351, %parallel_loop3A_1352] {strides = array<i32>} : memref<16x1024xf32, #tpu.memory_space<vmem>>, vector<1x16xf32>,
      %parallel_loop3A_1354 = vector.shape_cast %parallel_loop3A_1353 : vector<1x16xf32> to vector<16xf32>
      %parallel_loop3A_1355 = arith.index_cast %parallel_loop3A_1345 : i32 to index
      %parallel_loop3A_1356 = arith.index_cast %parallel_loop3A_1350 : i32 to index
      %parallel_loop3A_1357 = tpu.vector_load %arg11[%parallel_loop3A_1355, %parallel_loop3A_1356] {strides = array<i32>} : memref<16x1024xf32, #tpu.memory_space<vmem>>, vector<1x16xf32>,
      %parallel_loop3A_1358 = vector.shape_cast %parallel_loop3A_1357 : vector<1x16xf32> to vector<16xf32>
      %parallel_loop3A_1359 = vector.shape_cast %parallel_loop3A_1354 : vector<16xf32> to vector<1x16xf32>
      tpu.vector_store %arg11[%parallel_loop3A_1355, %parallel_loop3A_1356], %parallel_loop3A_1359 {add = true, strides = array<i32>} : memref<16x1024xf32, #tpu.memory_space<vmem>>, vector<1x16xf32>,
    } {sc.loop_unroll_factor = 8 : i64, sc.parallel_access}
    %add3A_843 = arith.constant 64 : i32
    %add3A_844 = arith.addi %mul3A_4, %add3A_843 : i32
    %multiple_of3A_845 = tpu.assume_multiple %add3A_844, 8 : i32
    %dma_start3A_846 = arith.constant 2 : i32
    %dma_start3A_847 = arith.constant 0 : i32
    %dma_start3A_848 = tpu.memref_slice %arg5[%dma_start3A_846, %multiple_of3A_845, %dma_start3A_847] : memref<4x4096x1024xf32, #tpu.memory_space<hbm>> -> memref<1x16x1024xf32, #tpu.memory_space<hbm>>
    %dma_start3A_849 = tpu.memref_squeeze %dma_start3A_848 : memref<1x16x1024xf32, #tpu.memory_space<hbm>> -> memref<16x1024xf32, #tpu.memory_space<hbm>>
    %dma_start3A_850 = arith.constant 0 : i32
    %dma_start3A_851 = tpu.memref_slice %arg5[%dma_start3A_846, %multiple_of3A_845, %dma_start3A_850] : memref<4x4096x1024xf32, #tpu.memory_space<hbm>> -> memref<1x16x1024xf32, #tpu.memory_space<hbm>>
    %dma_start3A_852 = tpu.memref_squeeze %dma_start3A_851 : memref<1x16x1024xf32, #tpu.memory_space<hbm>> -> memref<16x1024xf32, #tpu.memory_space<hbm>>
    tpu.enqueue_dma source(%arg11 : memref<16x1024xf32, #tpu.memory_space<vmem>>) target(%dma_start3A_852 : memref<16x1024xf32, #tpu.memory_space<hbm>>) target_semaphore(%arg25 : memref<!tpu.dma_semaphore, #tpu.memory_space<semaphore_mem>>)
    %dma_wait3A_853 = arith.constant 1 : i32
    %dma_wait3A_854 = arith.constant 0 : i32
    %dma_wait3A_855 = tpu.memref_slice %arg5[%dma_wait3A_853, %multiple_of3A_808, %dma_wait3A_854] : memref<4x4096x1024xf32, #tpu.memory_space<hbm>> -> memref<1x16x1024xf32, #tpu.memory_space<hbm>>
    %dma_wait3A_856 = tpu.memref_squeeze %dma_wait3A_855 : memref<1x16x1024xf32, #tpu.memory_space<hbm>> -> memref<16x1024xf32, #tpu.memory_space<hbm>>
    %dma_wait3A_857 = arith.constant 0 : i32
    %dma_wait3A_858 = tpu.memref_slice %arg5[%dma_wait3A_853, %multiple_of3A_808, %dma_wait3A_857] : memref<4x4096x1024xf32, #tpu.memory_space<hbm>> -> memref<1x16x1024xf32, #tpu.memory_space<hbm>>
    %dma_wait3A_859 = tpu.memref_squeeze %dma_wait3A_858 : memref<1x16x1024xf32, #tpu.memory_space<hbm>> -> memref<16x1024xf32, #tpu.memory_space<hbm>>
    tpu.wait_dma2 semaphore(%arg24 : memref<!tpu.dma_semaphore, #tpu.memory_space<semaphore_mem>>) src(%arg10 : memref<16x1024xf32, #tpu.memory_space<vmem>>) dst(%dma_wait3A_859 : memref<16x1024xf32, #tpu.memory_space<hbm>>)
    %add3A_860 = arith.constant 80 : i32
    %add3A_861 = arith.addi %mul3A_4, %add3A_860 : i32
    %multiple_of3A_862 = tpu.assume_multiple %add3A_861, 8 : i32
    %dma_start3A_863 = arith.constant 2 : i32
    %dma_start3A_864 = arith.constant 0 : i32
    %dma_start3A_865 = tpu.memref_slice %arg2[%dma_start3A_863, %multiple_of3A_862, %dma_start3A_864] : memref<4x4096x1024xf32, #tpu.memory_space<hbm>> -> memref<1x16x1024xf32, #tpu.memory_space<hbm>>
    %dma_start3A_866 = tpu.memref_squeeze %dma_start3A_865 : memref<1x16x1024xf32, #tpu.memory_space<hbm>> -> memref<16x1024xf32, #tpu.memory_space<hbm>>
    %dma_start3A_867 = arith.constant 0 : i32
    %dma_start3A_868 = tpu.memref_slice %arg2[%dma_start3A_863, %multiple_of3A_862, %dma_start3A_867] : memref<4x4096x1024xf32, #tpu.memory_space<hbm>> -> memref<1x16x1024xf32, #tpu.memory_space<hbm>>
    %dma_start3A_869 = tpu.memref_squeeze %dma_start3A_868 : memref<1x16x1024xf32, #tpu.memory_space<hbm>> -> memref<16x1024xf32, #tpu.memory_space<hbm>>
    tpu.enqueue_dma source(%dma_start3A_869 : memref<16x1024xf32, #tpu.memory_space<hbm>>) target(%arg10 : memref<16x1024xf32, #tpu.memory_space<vmem>>) target_semaphore(%arg19 : memref<!tpu.dma_semaphore, #tpu.memory_space<semaphore_mem>>)
    %dma_wait3A_870 = arith.constant 3 : i32
    %dma_wait3A_871 = arith.constant 0 : i32
    %dma_wait3A_872 = tpu.memref_slice %arg2[%dma_wait3A_870, %multiple_of3A_741, %dma_wait3A_871] : memref<4x4096x1024xf32, #tpu.memory_space<hbm>> -> memref<1x16x1024xf32, #tpu.memory_space<hbm>>
    %dma_wait3A_873 = tpu.memref_squeeze %dma_wait3A_872 : memref<1x16x1024xf32, #tpu.memory_space<hbm>> -> memref<16x1024xf32, #tpu.memory_space<hbm>>
    %dma_wait3A_874 = arith.constant 0 : i32
    %dma_wait3A_875 = tpu.memref_slice %arg2[%dma_wait3A_870, %multiple_of3A_741, %dma_wait3A_874] : memref<4x4096x1024xf32, #tpu.memory_space<hbm>> -> memref<1x16x1024xf32, #tpu.memory_space<hbm>>
    %dma_wait3A_876 = tpu.memref_squeeze %dma_wait3A_875 : memref<1x16x1024xf32, #tpu.memory_space<hbm>> -> memref<16x1024xf32, #tpu.memory_space<hbm>>
    tpu.wait_dma2 semaphore(%arg21 : memref<!tpu.dma_semaphore, #tpu.memory_space<semaphore_mem>>) src(%dma_wait3A_876 : memref<16x1024xf32, #tpu.memory_space<hbm>>) dst(%arg12 : memref<16x1024xf32, #tpu.memory_space<vmem>>)
    %parallel_loop3A_877 = arith.constant 0 : i32
    %parallel_loop3A_878 = arith.constant 1024 : i32
    %parallel_loop3A_879 = arith.constant 1 : i32
    scf.for %parallel_loop3A_1343 = %parallel_loop3A_877 to %parallel_loop3A_878 step %parallel_loop3A_879  : i32 {
      %parallel_loop3A_1344 = arith.constant 6 : i32
      %parallel_loop3A_1345 = arith.shrui %parallel_loop3A_1343, %parallel_loop3A_1344 : i32
      %parallel_loop3A_1346 = arith.constant 64 : i32
      %parallel_loop3A_1347 = arith.muli %parallel_loop3A_1345, %parallel_loop3A_1346 : i32
      %parallel_loop3A_1348 = arith.subi %parallel_loop3A_1343, %parallel_loop3A_1347 : i32
      %parallel_loop3A_1349 = arith.constant 16 : i32
      %parallel_loop3A_1350 = arith.muli %parallel_loop3A_1348, %parallel_loop3A_1349 : i32
      %parallel_loop3A_1351 = arith.index_cast %parallel_loop3A_1345 : i32 to index
      %parallel_loop3A_1352 = arith.index_cast %parallel_loop3A_1350 : i32 to index
      %parallel_loop3A_1353 = tpu.vector_load %arg6[%parallel_loop3A_1351, %parallel_loop3A_1352] {strides = array<i32>} : memref<16x1024xf32, #tpu.memory_space<vmem>>, vector<1x16xf32>,
      %parallel_loop3A_1354 = vector.shape_cast %parallel_loop3A_1353 : vector<1x16xf32> to vector<16xf32>
      %parallel_loop3A_1355 = arith.index_cast %parallel_loop3A_1345 : i32 to index
      %parallel_loop3A_1356 = arith.index_cast %parallel_loop3A_1350 : i32 to index
      %parallel_loop3A_1357 = tpu.vector_load %arg12[%parallel_loop3A_1355, %parallel_loop3A_1356] {strides = array<i32>} : memref<16x1024xf32, #tpu.memory_space<vmem>>, vector<1x16xf32>,
      %parallel_loop3A_1358 = vector.shape_cast %parallel_loop3A_1357 : vector<1x16xf32> to vector<16xf32>
      %parallel_loop3A_1359 = vector.shape_cast %parallel_loop3A_1354 : vector<16xf32> to vector<1x16xf32>
      tpu.vector_store %arg12[%parallel_loop3A_1355, %parallel_loop3A_1356], %parallel_loop3A_1359 {add = true, strides = array<i32>} : memref<16x1024xf32, #tpu.memory_space<vmem>>, vector<1x16xf32>,
    } {sc.loop_unroll_factor = 8 : i64, sc.parallel_access}
    %add3A_880 = arith.constant 64 : i32
    %add3A_881 = arith.addi %mul3A_4, %add3A_880 : i32
    %multiple_of3A_882 = tpu.assume_multiple %add3A_881, 8 : i32
    %dma_start3A_883 = arith.constant 3 : i32
    %dma_start3A_884 = arith.constant 0 : i32
    %dma_start3A_885 = tpu.memref_slice %arg5[%dma_start3A_883, %multiple_of3A_882, %dma_start3A_884] : memref<4x4096x1024xf32, #tpu.memory_space<hbm>> -> memref<1x16x1024xf32, #tpu.memory_space<hbm>>
    %dma_start3A_886 = tpu.memref_squeeze %dma_start3A_885 : memref<1x16x1024xf32, #tpu.memory_space<hbm>> -> memref<16x1024xf32, #tpu.memory_space<hbm>>
    %dma_start3A_887 = arith.constant 0 : i32
    %dma_start3A_888 = tpu.memref_slice %arg5[%dma_start3A_883, %multiple_of3A_882, %dma_start3A_887] : memref<4x4096x1024xf32, #tpu.memory_space<hbm>> -> memref<1x16x1024xf32, #tpu.memory_space<hbm>>
    %dma_start3A_889 = tpu.memref_squeeze %dma_start3A_888 : memref<1x16x1024xf32, #tpu.memory_space<hbm>> -> memref<16x1024xf32, #tpu.memory_space<hbm>>
    tpu.enqueue_dma source(%arg12 : memref<16x1024xf32, #tpu.memory_space<vmem>>) target(%dma_start3A_889 : memref<16x1024xf32, #tpu.memory_space<hbm>>) target_semaphore(%arg26 : memref<!tpu.dma_semaphore, #tpu.memory_space<semaphore_mem>>)
    %dma_wait3A_890 = arith.constant 2 : i32
    %dma_wait3A_891 = arith.constant 0 : i32
    %dma_wait3A_892 = tpu.memref_slice %arg5[%dma_wait3A_890, %multiple_of3A_845, %dma_wait3A_891] : memref<4x4096x1024xf32, #tpu.memory_space<hbm>> -> memref<1x16x1024xf32, #tpu.memory_space<hbm>>
    %dma_wait3A_893 = tpu.memref_squeeze %dma_wait3A_892 : memref<1x16x1024xf32, #tpu.memory_space<hbm>> -> memref<16x1024xf32, #tpu.memory_space<hbm>>
    %dma_wait3A_894 = arith.constant 0 : i32
    %dma_wait3A_895 = tpu.memref_slice %arg5[%dma_wait3A_890, %multiple_of3A_845, %dma_wait3A_894] : memref<4x4096x1024xf32, #tpu.memory_space<hbm>> -> memref<1x16x1024xf32, #tpu.memory_space<hbm>>
    %dma_wait3A_896 = tpu.memref_squeeze %dma_wait3A_895 : memref<1x16x1024xf32, #tpu.memory_space<hbm>> -> memref<16x1024xf32, #tpu.memory_space<hbm>>
    tpu.wait_dma2 semaphore(%arg25 : memref<!tpu.dma_semaphore, #tpu.memory_space<semaphore_mem>>) src(%arg11 : memref<16x1024xf32, #tpu.memory_space<vmem>>) dst(%dma_wait3A_896 : memref<16x1024xf32, #tpu.memory_space<hbm>>)
    %add3A_897 = arith.constant 80 : i32
    %add3A_898 = arith.addi %mul3A_4, %add3A_897 : i32
    %multiple_of3A_899 = tpu.assume_multiple %add3A_898, 8 : i32
    %dma_start3A_900 = arith.constant 3 : i32
    %dma_start3A_901 = arith.constant 0 : i32
    %dma_start3A_902 = tpu.memref_slice %arg2[%dma_start3A_900, %multiple_of3A_899, %dma_start3A_901] : memref<4x4096x1024xf32, #tpu.memory_space<hbm>> -> memref<1x16x1024xf32, #tpu.memory_space<hbm>>
    %dma_start3A_903 = tpu.memref_squeeze %dma_start3A_902 : memref<1x16x1024xf32, #tpu.memory_space<hbm>> -> memref<16x1024xf32, #tpu.memory_space<hbm>>
    %dma_start3A_904 = arith.constant 0 : i32
    %dma_start3A_905 = tpu.memref_slice %arg2[%dma_start3A_900, %multiple_of3A_899, %dma_start3A_904] : memref<4x4096x1024xf32, #tpu.memory_space<hbm>> -> memref<1x16x1024xf32, #tpu.memory_space<hbm>>
    %dma_start3A_906 = tpu.memref_squeeze %dma_start3A_905 : memref<1x16x1024xf32, #tpu.memory_space<hbm>> -> memref<16x1024xf32, #tpu.memory_space<hbm>>
    tpu.enqueue_dma source(%dma_start3A_906 : memref<16x1024xf32, #tpu.memory_space<hbm>>) target(%arg11 : memref<16x1024xf32, #tpu.memory_space<vmem>>) target_semaphore(%arg20 : memref<!tpu.dma_semaphore, #tpu.memory_space<semaphore_mem>>)
    %dma_wait3A_907 = arith.constant 80 : i32
    %dma_wait3A_908 = tpu.memref_slice %arg13[%dma_wait3A_907] : memref<128xi32, #tpu.memory_space<vmem>> -> memref<16xi32, #tpu.memory_space<vmem>>
    %dma_wait3A_909 = arith.constant 0 : i32
    %dma_wait3A_910 = arith.constant 0 : i32
    %dma_wait3A_911 = tpu.memref_slice %arg3[%dma_wait3A_909, %dma_wait3A_910] : memref<4096x1024xf32, #tpu.memory_space<hbm>> -> memref<4096x1024xf32, #tpu.memory_space<hbm>>
    tpu.wait_indirect_dma semaphore(%arg16 : memref<!tpu.dma_semaphore, #tpu.memory_space<semaphore_mem>>) src(%dma_wait3A_911 : memref<4096x1024xf32, #tpu.memory_space<hbm>>) dst(%arg7 : memref<16x1024xf32, #tpu.memory_space<vmem>>)
    %dma_wait3A_912 = arith.constant 0 : i32
    %dma_wait3A_913 = arith.constant 0 : i32
    %dma_wait3A_914 = tpu.memref_slice %arg2[%dma_wait3A_912, %multiple_of3A_788, %dma_wait3A_913] : memref<4x4096x1024xf32, #tpu.memory_space<hbm>> -> memref<1x16x1024xf32, #tpu.memory_space<hbm>>
    %dma_wait3A_915 = tpu.memref_squeeze %dma_wait3A_914 : memref<1x16x1024xf32, #tpu.memory_space<hbm>> -> memref<16x1024xf32, #tpu.memory_space<hbm>>
    %dma_wait3A_916 = arith.constant 0 : i32
    %dma_wait3A_917 = tpu.memref_slice %arg2[%dma_wait3A_912, %multiple_of3A_788, %dma_wait3A_916] : memref<4x4096x1024xf32, #tpu.memory_space<hbm>> -> memref<1x16x1024xf32, #tpu.memory_space<hbm>>
    %dma_wait3A_918 = tpu.memref_squeeze %dma_wait3A_917 : memref<1x16x1024xf32, #tpu.memory_space<hbm>> -> memref<16x1024xf32, #tpu.memory_space<hbm>>
    tpu.wait_dma2 semaphore(%arg17 : memref<!tpu.dma_semaphore, #tpu.memory_space<semaphore_mem>>) src(%dma_wait3A_918 : memref<16x1024xf32, #tpu.memory_space<hbm>>) dst(%arg8 : memref<16x1024xf32, #tpu.memory_space<vmem>>)
    %parallel_loop3A_919 = arith.constant 0 : i32
    %parallel_loop3A_920 = arith.constant 1024 : i32
    %parallel_loop3A_921 = arith.constant 1 : i32
    scf.for %parallel_loop3A_1343 = %parallel_loop3A_919 to %parallel_loop3A_920 step %parallel_loop3A_921  : i32 {
      %parallel_loop3A_1344 = arith.constant 6 : i32
      %parallel_loop3A_1345 = arith.shrui %parallel_loop3A_1343, %parallel_loop3A_1344 : i32
      %parallel_loop3A_1346 = arith.constant 64 : i32
      %parallel_loop3A_1347 = arith.muli %parallel_loop3A_1345, %parallel_loop3A_1346 : i32
      %parallel_loop3A_1348 = arith.subi %parallel_loop3A_1343, %parallel_loop3A_1347 : i32
      %parallel_loop3A_1349 = arith.constant 16 : i32
      %parallel_loop3A_1350 = arith.muli %parallel_loop3A_1348, %parallel_loop3A_1349 : i32
      %parallel_loop3A_1351 = arith.index_cast %parallel_loop3A_1345 : i32 to index
      %parallel_loop3A_1352 = arith.index_cast %parallel_loop3A_1350 : i32 to index
      %parallel_loop3A_1353 = tpu.vector_load %arg7[%parallel_loop3A_1351, %parallel_loop3A_1352] {strides = array<i32>} : memref<16x1024xf32, #tpu.memory_space<vmem>>, vector<1x16xf32>,
      %parallel_loop3A_1354 = vector.shape_cast %parallel_loop3A_1353 : vector<1x16xf32> to vector<16xf32>
      %parallel_loop3A_1355 = arith.index_cast %parallel_loop3A_1345 : i32 to index
      %parallel_loop3A_1356 = arith.index_cast %parallel_loop3A_1350 : i32 to index
      %parallel_loop3A_1357 = tpu.vector_load %arg8[%parallel_loop3A_1355, %parallel_loop3A_1356] {strides = array<i32>} : memref<16x1024xf32, #tpu.memory_space<vmem>>, vector<1x16xf32>,
      %parallel_loop3A_1358 = vector.shape_cast %parallel_loop3A_1357 : vector<1x16xf32> to vector<16xf32>
      %parallel_loop3A_1359 = vector.shape_cast %parallel_loop3A_1354 : vector<16xf32> to vector<1x16xf32>
      tpu.vector_store %arg8[%parallel_loop3A_1355, %parallel_loop3A_1356], %parallel_loop3A_1359 {add = true, strides = array<i32>} : memref<16x1024xf32, #tpu.memory_space<vmem>>, vector<1x16xf32>,
    } {sc.loop_unroll_factor = 8 : i64, sc.parallel_access}
    %add3A_922 = arith.constant 80 : i32
    %add3A_923 = arith.addi %mul3A_4, %add3A_922 : i32
    %multiple_of3A_924 = tpu.assume_multiple %add3A_923, 8 : i32
    %dma_start3A_925 = arith.constant 0 : i32
    %dma_start3A_926 = arith.constant 0 : i32
    %dma_start3A_927 = tpu.memref_slice %arg5[%dma_start3A_925, %multiple_of3A_924, %dma_start3A_926] : memref<4x4096x1024xf32, #tpu.memory_space<hbm>> -> memref<1x16x1024xf32, #tpu.memory_space<hbm>>
    %dma_start3A_928 = tpu.memref_squeeze %dma_start3A_927 : memref<1x16x1024xf32, #tpu.memory_space<hbm>> -> memref<16x1024xf32, #tpu.memory_space<hbm>>
    %dma_start3A_929 = arith.constant 0 : i32
    %dma_start3A_930 = tpu.memref_slice %arg5[%dma_start3A_925, %multiple_of3A_924, %dma_start3A_929] : memref<4x4096x1024xf32, #tpu.memory_space<hbm>> -> memref<1x16x1024xf32, #tpu.memory_space<hbm>>
    %dma_start3A_931 = tpu.memref_squeeze %dma_start3A_930 : memref<1x16x1024xf32, #tpu.memory_space<hbm>> -> memref<16x1024xf32, #tpu.memory_space<hbm>>
    tpu.enqueue_dma source(%arg8 : memref<16x1024xf32, #tpu.memory_space<vmem>>) target(%dma_start3A_931 : memref<16x1024xf32, #tpu.memory_space<hbm>>) target_semaphore(%arg22 : memref<!tpu.dma_semaphore, #tpu.memory_space<semaphore_mem>>)
    %dma_wait3A_932 = arith.constant 3 : i32
    %dma_wait3A_933 = arith.constant 0 : i32
    %dma_wait3A_934 = tpu.memref_slice %arg5[%dma_wait3A_932, %multiple_of3A_882, %dma_wait3A_933] : memref<4x4096x1024xf32, #tpu.memory_space<hbm>> -> memref<1x16x1024xf32, #tpu.memory_space<hbm>>
    %dma_wait3A_935 = tpu.memref_squeeze %dma_wait3A_934 : memref<1x16x1024xf32, #tpu.memory_space<hbm>> -> memref<16x1024xf32, #tpu.memory_space<hbm>>
    %dma_wait3A_936 = arith.constant 0 : i32
    %dma_wait3A_937 = tpu.memref_slice %arg5[%dma_wait3A_932, %multiple_of3A_882, %dma_wait3A_936] : memref<4x4096x1024xf32, #tpu.memory_space<hbm>> -> memref<1x16x1024xf32, #tpu.memory_space<hbm>>
    %dma_wait3A_938 = tpu.memref_squeeze %dma_wait3A_937 : memref<1x16x1024xf32, #tpu.memory_space<hbm>> -> memref<16x1024xf32, #tpu.memory_space<hbm>>
    tpu.wait_dma2 semaphore(%arg26 : memref<!tpu.dma_semaphore, #tpu.memory_space<semaphore_mem>>) src(%arg12 : memref<16x1024xf32, #tpu.memory_space<vmem>>) dst(%dma_wait3A_938 : memref<16x1024xf32, #tpu.memory_space<hbm>>)
    %dma_start3A_939 = arith.constant 96 : i32
    %dma_start3A_940 = tpu.memref_slice %arg13[%dma_start3A_939] : memref<128xi32, #tpu.memory_space<vmem>> -> memref<16xi32, #tpu.memory_space<vmem>>
    %dma_start3A_941 = arith.constant 0 : i32
    %dma_start3A_942 = arith.constant 0 : i32
    %dma_start3A_943 = tpu.memref_slice %arg3[%dma_start3A_941, %dma_start3A_942] : memref<4096x1024xf32, #tpu.memory_space<hbm>> -> memref<4096x1024xf32, #tpu.memory_space<hbm>>
    tpu.enqueue_indirect_dma source(%dma_start3A_943 : memref<4096x1024xf32, #tpu.memory_space<hbm>>) target(%arg6 : memref<16x1024xf32, #tpu.memory_space<vmem>>) offsets(%dma_start3A_940 : memref<16xi32, #tpu.memory_space<vmem>>) semaphore(%arg15 : memref<!tpu.dma_semaphore, #tpu.memory_space<semaphore_mem>>)
    %add3A_944 = arith.constant 96 : i32
    %add3A_945 = arith.addi %mul3A_4, %add3A_944 : i32
    %multiple_of3A_946 = tpu.assume_multiple %add3A_945, 8 : i32
    %dma_start3A_947 = arith.constant 0 : i32
    %dma_start3A_948 = arith.constant 0 : i32
    %dma_start3A_949 = tpu.memref_slice %arg2[%dma_start3A_947, %multiple_of3A_946, %dma_start3A_948] : memref<4x4096x1024xf32, #tpu.memory_space<hbm>> -> memref<1x16x1024xf32, #tpu.memory_space<hbm>>
    %dma_start3A_950 = tpu.memref_squeeze %dma_start3A_949 : memref<1x16x1024xf32, #tpu.memory_space<hbm>> -> memref<16x1024xf32, #tpu.memory_space<hbm>>
    %dma_start3A_951 = arith.constant 0 : i32
    %dma_start3A_952 = tpu.memref_slice %arg2[%dma_start3A_947, %multiple_of3A_946, %dma_start3A_951] : memref<4x4096x1024xf32, #tpu.memory_space<hbm>> -> memref<1x16x1024xf32, #tpu.memory_space<hbm>>
    %dma_start3A_953 = tpu.memref_squeeze %dma_start3A_952 : memref<1x16x1024xf32, #tpu.memory_space<hbm>> -> memref<16x1024xf32, #tpu.memory_space<hbm>>
    tpu.enqueue_dma source(%dma_start3A_953 : memref<16x1024xf32, #tpu.memory_space<hbm>>) target(%arg12 : memref<16x1024xf32, #tpu.memory_space<vmem>>) target_semaphore(%arg21 : memref<!tpu.dma_semaphore, #tpu.memory_space<semaphore_mem>>)
    %dma_wait3A_954 = arith.constant 1 : i32
    %dma_wait3A_955 = arith.constant 0 : i32
    %dma_wait3A_956 = tpu.memref_slice %arg2[%dma_wait3A_954, %multiple_of3A_825, %dma_wait3A_955] : memref<4x4096x1024xf32, #tpu.memory_space<hbm>> -> memref<1x16x1024xf32, #tpu.memory_space<hbm>>
    %dma_wait3A_957 = tpu.memref_squeeze %dma_wait3A_956 : memref<1x16x1024xf32, #tpu.memory_space<hbm>> -> memref<16x1024xf32, #tpu.memory_space<hbm>>
    %dma_wait3A_958 = arith.constant 0 : i32
    %dma_wait3A_959 = tpu.memref_slice %arg2[%dma_wait3A_954, %multiple_of3A_825, %dma_wait3A_958] : memref<4x4096x1024xf32, #tpu.memory_space<hbm>> -> memref<1x16x1024xf32, #tpu.memory_space<hbm>>
    %dma_wait3A_960 = tpu.memref_squeeze %dma_wait3A_959 : memref<1x16x1024xf32, #tpu.memory_space<hbm>> -> memref<16x1024xf32, #tpu.memory_space<hbm>>
    tpu.wait_dma2 semaphore(%arg18 : memref<!tpu.dma_semaphore, #tpu.memory_space<semaphore_mem>>) src(%dma_wait3A_960 : memref<16x1024xf32, #tpu.memory_space<hbm>>) dst(%arg9 : memref<16x1024xf32, #tpu.memory_space<vmem>>)
    %parallel_loop3A_961 = arith.constant 0 : i32
    %parallel_loop3A_962 = arith.constant 1024 : i32
    %parallel_loop3A_963 = arith.constant 1 : i32
    scf.for %parallel_loop3A_1343 = %parallel_loop3A_961 to %parallel_loop3A_962 step %parallel_loop3A_963  : i32 {
      %parallel_loop3A_1344 = arith.constant 6 : i32
      %parallel_loop3A_1345 = arith.shrui %parallel_loop3A_1343, %parallel_loop3A_1344 : i32
      %parallel_loop3A_1346 = arith.constant 64 : i32
      %parallel_loop3A_1347 = arith.muli %parallel_loop3A_1345, %parallel_loop3A_1346 : i32
      %parallel_loop3A_1348 = arith.subi %parallel_loop3A_1343, %parallel_loop3A_1347 : i32
      %parallel_loop3A_1349 = arith.constant 16 : i32
      %parallel_loop3A_1350 = arith.muli %parallel_loop3A_1348, %parallel_loop3A_1349 : i32
      %parallel_loop3A_1351 = arith.index_cast %parallel_loop3A_1345 : i32 to index
      %parallel_loop3A_1352 = arith.index_cast %parallel_loop3A_1350 : i32 to index
      %parallel_loop3A_1353 = tpu.vector_load %arg7[%parallel_loop3A_1351, %parallel_loop3A_1352] {strides = array<i32>} : memref<16x1024xf32, #tpu.memory_space<vmem>>, vector<1x16xf32>,
      %parallel_loop3A_1354 = vector.shape_cast %parallel_loop3A_1353 : vector<1x16xf32> to vector<16xf32>
      %parallel_loop3A_1355 = arith.index_cast %parallel_loop3A_1345 : i32 to index
      %parallel_loop3A_1356 = arith.index_cast %parallel_loop3A_1350 : i32 to index
      %parallel_loop3A_1357 = tpu.vector_load %arg9[%parallel_loop3A_1355, %parallel_loop3A_1356] {strides = array<i32>} : memref<16x1024xf32, #tpu.memory_space<vmem>>, vector<1x16xf32>,
      %parallel_loop3A_1358 = vector.shape_cast %parallel_loop3A_1357 : vector<1x16xf32> to vector<16xf32>
      %parallel_loop3A_1359 = vector.shape_cast %parallel_loop3A_1354 : vector<16xf32> to vector<1x16xf32>
      tpu.vector_store %arg9[%parallel_loop3A_1355, %parallel_loop3A_1356], %parallel_loop3A_1359 {add = true, strides = array<i32>} : memref<16x1024xf32, #tpu.memory_space<vmem>>, vector<1x16xf32>,
    } {sc.loop_unroll_factor = 8 : i64, sc.parallel_access}
    %add3A_964 = arith.constant 80 : i32
    %add3A_965 = arith.addi %mul3A_4, %add3A_964 : i32
    %multiple_of3A_966 = tpu.assume_multiple %add3A_965, 8 : i32
    %dma_start3A_967 = arith.constant 1 : i32
    %dma_start3A_968 = arith.constant 0 : i32
    %dma_start3A_969 = tpu.memref_slice %arg5[%dma_start3A_967, %multiple_of3A_966, %dma_start3A_968] : memref<4x4096x1024xf32, #tpu.memory_space<hbm>> -> memref<1x16x1024xf32, #tpu.memory_space<hbm>>
    %dma_start3A_970 = tpu.memref_squeeze %dma_start3A_969 : memref<1x16x1024xf32, #tpu.memory_space<hbm>> -> memref<16x1024xf32, #tpu.memory_space<hbm>>
    %dma_start3A_971 = arith.constant 0 : i32
    %dma_start3A_972 = tpu.memref_slice %arg5[%dma_start3A_967, %multiple_of3A_966, %dma_start3A_971] : memref<4x4096x1024xf32, #tpu.memory_space<hbm>> -> memref<1x16x1024xf32, #tpu.memory_space<hbm>>
    %dma_start3A_973 = tpu.memref_squeeze %dma_start3A_972 : memref<1x16x1024xf32, #tpu.memory_space<hbm>> -> memref<16x1024xf32, #tpu.memory_space<hbm>>
    tpu.enqueue_dma source(%arg9 : memref<16x1024xf32, #tpu.memory_space<vmem>>) target(%dma_start3A_973 : memref<16x1024xf32, #tpu.memory_space<hbm>>) target_semaphore(%arg23 : memref<!tpu.dma_semaphore, #tpu.memory_space<semaphore_mem>>)
    %dma_wait3A_974 = arith.constant 0 : i32
    %dma_wait3A_975 = arith.constant 0 : i32
    %dma_wait3A_976 = tpu.memref_slice %arg5[%dma_wait3A_974, %multiple_of3A_924, %dma_wait3A_975] : memref<4x4096x1024xf32, #tpu.memory_space<hbm>> -> memref<1x16x1024xf32, #tpu.memory_space<hbm>>
    %dma_wait3A_977 = tpu.memref_squeeze %dma_wait3A_976 : memref<1x16x1024xf32, #tpu.memory_space<hbm>> -> memref<16x1024xf32, #tpu.memory_space<hbm>>
    %dma_wait3A_978 = arith.constant 0 : i32
    %dma_wait3A_979 = tpu.memref_slice %arg5[%dma_wait3A_974, %multiple_of3A_924, %dma_wait3A_978] : memref<4x4096x1024xf32, #tpu.memory_space<hbm>> -> memref<1x16x1024xf32, #tpu.memory_space<hbm>>
    %dma_wait3A_980 = tpu.memref_squeeze %dma_wait3A_979 : memref<1x16x1024xf32, #tpu.memory_space<hbm>> -> memref<16x1024xf32, #tpu.memory_space<hbm>>
    tpu.wait_dma2 semaphore(%arg22 : memref<!tpu.dma_semaphore, #tpu.memory_space<semaphore_mem>>) src(%arg8 : memref<16x1024xf32, #tpu.memory_space<vmem>>) dst(%dma_wait3A_980 : memref<16x1024xf32, #tpu.memory_space<hbm>>)
    %add3A_981 = arith.constant 96 : i32
    %add3A_982 = arith.addi %mul3A_4, %add3A_981 : i32
    %multiple_of3A_983 = tpu.assume_multiple %add3A_982, 8 : i32
    %dma_start3A_984 = arith.constant 1 : i32
    %dma_start3A_985 = arith.constant 0 : i32
    %dma_start3A_986 = tpu.memref_slice %arg2[%dma_start3A_984, %multiple_of3A_983, %dma_start3A_985] : memref<4x4096x1024xf32, #tpu.memory_space<hbm>> -> memref<1x16x1024xf32, #tpu.memory_space<hbm>>
    %dma_start3A_987 = tpu.memref_squeeze %dma_start3A_986 : memref<1x16x1024xf32, #tpu.memory_space<hbm>> -> memref<16x1024xf32, #tpu.memory_space<hbm>>
    %dma_start3A_988 = arith.constant 0 : i32
    %dma_start3A_989 = tpu.memref_slice %arg2[%dma_start3A_984, %multiple_of3A_983, %dma_start3A_988] : memref<4x4096x1024xf32, #tpu.memory_space<hbm>> -> memref<1x16x1024xf32, #tpu.memory_space<hbm>>
    %dma_start3A_990 = tpu.memref_squeeze %dma_start3A_989 : memref<1x16x1024xf32, #tpu.memory_space<hbm>> -> memref<16x1024xf32, #tpu.memory_space<hbm>>
    tpu.enqueue_dma source(%dma_start3A_990 : memref<16x1024xf32, #tpu.memory_space<hbm>>) target(%arg8 : memref<16x1024xf32, #tpu.memory_space<vmem>>) target_semaphore(%arg17 : memref<!tpu.dma_semaphore, #tpu.memory_space<semaphore_mem>>)
    %dma_wait3A_991 = arith.constant 2 : i32
    %dma_wait3A_992 = arith.constant 0 : i32
    %dma_wait3A_993 = tpu.memref_slice %arg2[%dma_wait3A_991, %multiple_of3A_862, %dma_wait3A_992] : memref<4x4096x1024xf32, #tpu.memory_space<hbm>> -> memref<1x16x1024xf32, #tpu.memory_space<hbm>>
    %dma_wait3A_994 = tpu.memref_squeeze %dma_wait3A_993 : memref<1x16x1024xf32, #tpu.memory_space<hbm>> -> memref<16x1024xf32, #tpu.memory_space<hbm>>
    %dma_wait3A_995 = arith.constant 0 : i32
    %dma_wait3A_996 = tpu.memref_slice %arg2[%dma_wait3A_991, %multiple_of3A_862, %dma_wait3A_995] : memref<4x4096x1024xf32, #tpu.memory_space<hbm>> -> memref<1x16x1024xf32, #tpu.memory_space<hbm>>
    %dma_wait3A_997 = tpu.memref_squeeze %dma_wait3A_996 : memref<1x16x1024xf32, #tpu.memory_space<hbm>> -> memref<16x1024xf32, #tpu.memory_space<hbm>>
    tpu.wait_dma2 semaphore(%arg19 : memref<!tpu.dma_semaphore, #tpu.memory_space<semaphore_mem>>) src(%dma_wait3A_997 : memref<16x1024xf32, #tpu.memory_space<hbm>>) dst(%arg10 : memref<16x1024xf32, #tpu.memory_space<vmem>>)
    %parallel_loop3A_998 = arith.constant 0 : i32
    %parallel_loop3A_999 = arith.constant 1024 : i32
    %parallel_loop3A_1000 = arith.constant 1 : i32
    scf.for %parallel_loop3A_1343 = %parallel_loop3A_998 to %parallel_loop3A_999 step %parallel_loop3A_1000  : i32 {
      %parallel_loop3A_1344 = arith.constant 6 : i32
      %parallel_loop3A_1345 = arith.shrui %parallel_loop3A_1343, %parallel_loop3A_1344 : i32
      %parallel_loop3A_1346 = arith.constant 64 : i32
      %parallel_loop3A_1347 = arith.muli %parallel_loop3A_1345, %parallel_loop3A_1346 : i32
      %parallel_loop3A_1348 = arith.subi %parallel_loop3A_1343, %parallel_loop3A_1347 : i32
      %parallel_loop3A_1349 = arith.constant 16 : i32
      %parallel_loop3A_1350 = arith.muli %parallel_loop3A_1348, %parallel_loop3A_1349 : i32
      %parallel_loop3A_1351 = arith.index_cast %parallel_loop3A_1345 : i32 to index
      %parallel_loop3A_1352 = arith.index_cast %parallel_loop3A_1350 : i32 to index
      %parallel_loop3A_1353 = tpu.vector_load %arg7[%parallel_loop3A_1351, %parallel_loop3A_1352] {strides = array<i32>} : memref<16x1024xf32, #tpu.memory_space<vmem>>, vector<1x16xf32>,
      %parallel_loop3A_1354 = vector.shape_cast %parallel_loop3A_1353 : vector<1x16xf32> to vector<16xf32>
      %parallel_loop3A_1355 = arith.index_cast %parallel_loop3A_1345 : i32 to index
      %parallel_loop3A_1356 = arith.index_cast %parallel_loop3A_1350 : i32 to index
      %parallel_loop3A_1357 = tpu.vector_load %arg10[%parallel_loop3A_1355, %parallel_loop3A_1356] {strides = array<i32>} : memref<16x1024xf32, #tpu.memory_space<vmem>>, vector<1x16xf32>,
      %parallel_loop3A_1358 = vector.shape_cast %parallel_loop3A_1357 : vector<1x16xf32> to vector<16xf32>
      %parallel_loop3A_1359 = vector.shape_cast %parallel_loop3A_1354 : vector<16xf32> to vector<1x16xf32>
      tpu.vector_store %arg10[%parallel_loop3A_1355, %parallel_loop3A_1356], %parallel_loop3A_1359 {add = true, strides = array<i32>} : memref<16x1024xf32, #tpu.memory_space<vmem>>, vector<1x16xf32>,
    } {sc.loop_unroll_factor = 8 : i64, sc.parallel_access}
    %add3A_1001 = arith.constant 80 : i32
    %add3A_1002 = arith.addi %mul3A_4, %add3A_1001 : i32
    %multiple_of3A_1003 = tpu.assume_multiple %add3A_1002, 8 : i32
    %dma_start3A_1004 = arith.constant 2 : i32
    %dma_start3A_1005 = arith.constant 0 : i32
    %dma_start3A_1006 = tpu.memref_slice %arg5[%dma_start3A_1004, %multiple_of3A_1003, %dma_start3A_1005] : memref<4x4096x1024xf32, #tpu.memory_space<hbm>> -> memref<1x16x1024xf32, #tpu.memory_space<hbm>>
    %dma_start3A_1007 = tpu.memref_squeeze %dma_start3A_1006 : memref<1x16x1024xf32, #tpu.memory_space<hbm>> -> memref<16x1024xf32, #tpu.memory_space<hbm>>
    %dma_start3A_1008 = arith.constant 0 : i32
    %dma_start3A_1009 = tpu.memref_slice %arg5[%dma_start3A_1004, %multiple_of3A_1003, %dma_start3A_1008] : memref<4x4096x1024xf32, #tpu.memory_space<hbm>> -> memref<1x16x1024xf32, #tpu.memory_space<hbm>>
    %dma_start3A_1010 = tpu.memref_squeeze %dma_start3A_1009 : memref<1x16x1024xf32, #tpu.memory_space<hbm>> -> memref<16x1024xf32, #tpu.memory_space<hbm>>
    tpu.enqueue_dma source(%arg10 : memref<16x1024xf32, #tpu.memory_space<vmem>>) target(%dma_start3A_1010 : memref<16x1024xf32, #tpu.memory_space<hbm>>) target_semaphore(%arg24 : memref<!tpu.dma_semaphore, #tpu.memory_space<semaphore_mem>>)
    %dma_wait3A_1011 = arith.constant 1 : i32
    %dma_wait3A_1012 = arith.constant 0 : i32
    %dma_wait3A_1013 = tpu.memref_slice %arg5[%dma_wait3A_1011, %multiple_of3A_966, %dma_wait3A_1012] : memref<4x4096x1024xf32, #tpu.memory_space<hbm>> -> memref<1x16x1024xf32, #tpu.memory_space<hbm>>
    %dma_wait3A_1014 = tpu.memref_squeeze %dma_wait3A_1013 : memref<1x16x1024xf32, #tpu.memory_space<hbm>> -> memref<16x1024xf32, #tpu.memory_space<hbm>>
    %dma_wait3A_1015 = arith.constant 0 : i32
    %dma_wait3A_1016 = tpu.memref_slice %arg5[%dma_wait3A_1011, %multiple_of3A_966, %dma_wait3A_1015] : memref<4x4096x1024xf32, #tpu.memory_space<hbm>> -> memref<1x16x1024xf32, #tpu.memory_space<hbm>>
    %dma_wait3A_1017 = tpu.memref_squeeze %dma_wait3A_1016 : memref<1x16x1024xf32, #tpu.memory_space<hbm>> -> memref<16x1024xf32, #tpu.memory_space<hbm>>
    tpu.wait_dma2 semaphore(%arg23 : memref<!tpu.dma_semaphore, #tpu.memory_space<semaphore_mem>>) src(%arg9 : memref<16x1024xf32, #tpu.memory_space<vmem>>) dst(%dma_wait3A_1017 : memref<16x1024xf32, #tpu.memory_space<hbm>>)
    %add3A_1018 = arith.constant 96 : i32
    %add3A_1019 = arith.addi %mul3A_4, %add3A_1018 : i32
    %multiple_of3A_1020 = tpu.assume_multiple %add3A_1019, 8 : i32
    %dma_start3A_1021 = arith.constant 2 : i32
    %dma_start3A_1022 = arith.constant 0 : i32
    %dma_start3A_1023 = tpu.memref_slice %arg2[%dma_start3A_1021, %multiple_of3A_1020, %dma_start3A_1022] : memref<4x4096x1024xf32, #tpu.memory_space<hbm>> -> memref<1x16x1024xf32, #tpu.memory_space<hbm>>
    %dma_start3A_1024 = tpu.memref_squeeze %dma_start3A_1023 : memref<1x16x1024xf32, #tpu.memory_space<hbm>> -> memref<16x1024xf32, #tpu.memory_space<hbm>>
    %dma_start3A_1025 = arith.constant 0 : i32
    %dma_start3A_1026 = tpu.memref_slice %arg2[%dma_start3A_1021, %multiple_of3A_1020, %dma_start3A_1025] : memref<4x4096x1024xf32, #tpu.memory_space<hbm>> -> memref<1x16x1024xf32, #tpu.memory_space<hbm>>
    %dma_start3A_1027 = tpu.memref_squeeze %dma_start3A_1026 : memref<1x16x1024xf32, #tpu.memory_space<hbm>> -> memref<16x1024xf32, #tpu.memory_space<hbm>>
    tpu.enqueue_dma source(%dma_start3A_1027 : memref<16x1024xf32, #tpu.memory_space<hbm>>) target(%arg9 : memref<16x1024xf32, #tpu.memory_space<vmem>>) target_semaphore(%arg18 : memref<!tpu.dma_semaphore, #tpu.memory_space<semaphore_mem>>)
    %dma_wait3A_1028 = arith.constant 3 : i32
    %dma_wait3A_1029 = arith.constant 0 : i32
    %dma_wait3A_1030 = tpu.memref_slice %arg2[%dma_wait3A_1028, %multiple_of3A_899, %dma_wait3A_1029] : memref<4x4096x1024xf32, #tpu.memory_space<hbm>> -> memref<1x16x1024xf32, #tpu.memory_space<hbm>>
    %dma_wait3A_1031 = tpu.memref_squeeze %dma_wait3A_1030 : memref<1x16x1024xf32, #tpu.memory_space<hbm>> -> memref<16x1024xf32, #tpu.memory_space<hbm>>
    %dma_wait3A_1032 = arith.constant 0 : i32
    %dma_wait3A_1033 = tpu.memref_slice %arg2[%dma_wait3A_1028, %multiple_of3A_899, %dma_wait3A_1032] : memref<4x4096x1024xf32, #tpu.memory_space<hbm>> -> memref<1x16x1024xf32, #tpu.memory_space<hbm>>
    %dma_wait3A_1034 = tpu.memref_squeeze %dma_wait3A_1033 : memref<1x16x1024xf32, #tpu.memory_space<hbm>> -> memref<16x1024xf32, #tpu.memory_space<hbm>>
    tpu.wait_dma2 semaphore(%arg20 : memref<!tpu.dma_semaphore, #tpu.memory_space<semaphore_mem>>) src(%dma_wait3A_1034 : memref<16x1024xf32, #tpu.memory_space<hbm>>) dst(%arg11 : memref<16x1024xf32, #tpu.memory_space<vmem>>)
    %parallel_loop3A_1035 = arith.constant 0 : i32
    %parallel_loop3A_1036 = arith.constant 1024 : i32
    %parallel_loop3A_1037 = arith.constant 1 : i32
    scf.for %parallel_loop3A_1343 = %parallel_loop3A_1035 to %parallel_loop3A_1036 step %parallel_loop3A_1037  : i32 {
      %parallel_loop3A_1344 = arith.constant 6 : i32
      %parallel_loop3A_1345 = arith.shrui %parallel_loop3A_1343, %parallel_loop3A_1344 : i32
      %parallel_loop3A_1346 = arith.constant 64 : i32
      %parallel_loop3A_1347 = arith.muli %parallel_loop3A_1345, %parallel_loop3A_1346 : i32
      %parallel_loop3A_1348 = arith.subi %parallel_loop3A_1343, %parallel_loop3A_1347 : i32
      %parallel_loop3A_1349 = arith.constant 16 : i32
      %parallel_loop3A_1350 = arith.muli %parallel_loop3A_1348, %parallel_loop3A_1349 : i32
      %parallel_loop3A_1351 = arith.index_cast %parallel_loop3A_1345 : i32 to index
      %parallel_loop3A_1352 = arith.index_cast %parallel_loop3A_1350 : i32 to index
      %parallel_loop3A_1353 = tpu.vector_load %arg7[%parallel_loop3A_1351, %parallel_loop3A_1352] {strides = array<i32>} : memref<16x1024xf32, #tpu.memory_space<vmem>>, vector<1x16xf32>,
      %parallel_loop3A_1354 = vector.shape_cast %parallel_loop3A_1353 : vector<1x16xf32> to vector<16xf32>
      %parallel_loop3A_1355 = arith.index_cast %parallel_loop3A_1345 : i32 to index
      %parallel_loop3A_1356 = arith.index_cast %parallel_loop3A_1350 : i32 to index
      %parallel_loop3A_1357 = tpu.vector_load %arg11[%parallel_loop3A_1355, %parallel_loop3A_1356] {strides = array<i32>} : memref<16x1024xf32, #tpu.memory_space<vmem>>, vector<1x16xf32>,
      %parallel_loop3A_1358 = vector.shape_cast %parallel_loop3A_1357 : vector<1x16xf32> to vector<16xf32>
      %parallel_loop3A_1359 = vector.shape_cast %parallel_loop3A_1354 : vector<16xf32> to vector<1x16xf32>
      tpu.vector_store %arg11[%parallel_loop3A_1355, %parallel_loop3A_1356], %parallel_loop3A_1359 {add = true, strides = array<i32>} : memref<16x1024xf32, #tpu.memory_space<vmem>>, vector<1x16xf32>,
    } {sc.loop_unroll_factor = 8 : i64, sc.parallel_access}
    %add3A_1038 = arith.constant 80 : i32
    %add3A_1039 = arith.addi %mul3A_4, %add3A_1038 : i32
    %multiple_of3A_1040 = tpu.assume_multiple %add3A_1039, 8 : i32
    %dma_start3A_1041 = arith.constant 3 : i32
    %dma_start3A_1042 = arith.constant 0 : i32
    %dma_start3A_1043 = tpu.memref_slice %arg5[%dma_start3A_1041, %multiple_of3A_1040, %dma_start3A_1042] : memref<4x4096x1024xf32, #tpu.memory_space<hbm>> -> memref<1x16x1024xf32, #tpu.memory_space<hbm>>
    %dma_start3A_1044 = tpu.memref_squeeze %dma_start3A_1043 : memref<1x16x1024xf32, #tpu.memory_space<hbm>> -> memref<16x1024xf32, #tpu.memory_space<hbm>>
    %dma_start3A_1045 = arith.constant 0 : i32
    %dma_start3A_1046 = tpu.memref_slice %arg5[%dma_start3A_1041, %multiple_of3A_1040, %dma_start3A_1045] : memref<4x4096x1024xf32, #tpu.memory_space<hbm>> -> memref<1x16x1024xf32, #tpu.memory_space<hbm>>
    %dma_start3A_1047 = tpu.memref_squeeze %dma_start3A_1046 : memref<1x16x1024xf32, #tpu.memory_space<hbm>> -> memref<16x1024xf32, #tpu.memory_space<hbm>>
    tpu.enqueue_dma source(%arg11 : memref<16x1024xf32, #tpu.memory_space<vmem>>) target(%dma_start3A_1047 : memref<16x1024xf32, #tpu.memory_space<hbm>>) target_semaphore(%arg25 : memref<!tpu.dma_semaphore, #tpu.memory_space<semaphore_mem>>)
    %dma_wait3A_1048 = arith.constant 2 : i32
    %dma_wait3A_1049 = arith.constant 0 : i32
    %dma_wait3A_1050 = tpu.memref_slice %arg5[%dma_wait3A_1048, %multiple_of3A_1003, %dma_wait3A_1049] : memref<4x4096x1024xf32, #tpu.memory_space<hbm>> -> memref<1x16x1024xf32, #tpu.memory_space<hbm>>
    %dma_wait3A_1051 = tpu.memref_squeeze %dma_wait3A_1050 : memref<1x16x1024xf32, #tpu.memory_space<hbm>> -> memref<16x1024xf32, #tpu.memory_space<hbm>>
    %dma_wait3A_1052 = arith.constant 0 : i32
    %dma_wait3A_1053 = tpu.memref_slice %arg5[%dma_wait3A_1048, %multiple_of3A_1003, %dma_wait3A_1052] : memref<4x4096x1024xf32, #tpu.memory_space<hbm>> -> memref<1x16x1024xf32, #tpu.memory_space<hbm>>
    %dma_wait3A_1054 = tpu.memref_squeeze %dma_wait3A_1053 : memref<1x16x1024xf32, #tpu.memory_space<hbm>> -> memref<16x1024xf32, #tpu.memory_space<hbm>>
    tpu.wait_dma2 semaphore(%arg24 : memref<!tpu.dma_semaphore, #tpu.memory_space<semaphore_mem>>) src(%arg10 : memref<16x1024xf32, #tpu.memory_space<vmem>>) dst(%dma_wait3A_1054 : memref<16x1024xf32, #tpu.memory_space<hbm>>)
    %add3A_1055 = arith.constant 96 : i32
    %add3A_1056 = arith.addi %mul3A_4, %add3A_1055 : i32
    %multiple_of3A_1057 = tpu.assume_multiple %add3A_1056, 8 : i32
    %dma_start3A_1058 = arith.constant 3 : i32
    %dma_start3A_1059 = arith.constant 0 : i32
    %dma_start3A_1060 = tpu.memref_slice %arg2[%dma_start3A_1058, %multiple_of3A_1057, %dma_start3A_1059] : memref<4x4096x1024xf32, #tpu.memory_space<hbm>> -> memref<1x16x1024xf32, #tpu.memory_space<hbm>>
    %dma_start3A_1061 = tpu.memref_squeeze %dma_start3A_1060 : memref<1x16x1024xf32, #tpu.memory_space<hbm>> -> memref<16x1024xf32, #tpu.memory_space<hbm>>
    %dma_start3A_1062 = arith.constant 0 : i32
    %dma_start3A_1063 = tpu.memref_slice %arg2[%dma_start3A_1058, %multiple_of3A_1057, %dma_start3A_1062] : memref<4x4096x1024xf32, #tpu.memory_space<hbm>> -> memref<1x16x1024xf32, #tpu.memory_space<hbm>>
    %dma_start3A_1064 = tpu.memref_squeeze %dma_start3A_1063 : memref<1x16x1024xf32, #tpu.memory_space<hbm>> -> memref<16x1024xf32, #tpu.memory_space<hbm>>
    tpu.enqueue_dma source(%dma_start3A_1064 : memref<16x1024xf32, #tpu.memory_space<hbm>>) target(%arg10 : memref<16x1024xf32, #tpu.memory_space<vmem>>) target_semaphore(%arg19 : memref<!tpu.dma_semaphore, #tpu.memory_space<semaphore_mem>>)
    %dma_wait3A_1065 = arith.constant 96 : i32
    %dma_wait3A_1066 = tpu.memref_slice %arg13[%dma_wait3A_1065] : memref<128xi32, #tpu.memory_space<vmem>> -> memref<16xi32, #tpu.memory_space<vmem>>
    %dma_wait3A_1067 = arith.constant 0 : i32
    %dma_wait3A_1068 = arith.constant 0 : i32
    %dma_wait3A_1069 = tpu.memref_slice %arg3[%dma_wait3A_1067, %dma_wait3A_1068] : memref<4096x1024xf32, #tpu.memory_space<hbm>> -> memref<4096x1024xf32, #tpu.memory_space<hbm>>
    tpu.wait_indirect_dma semaphore(%arg15 : memref<!tpu.dma_semaphore, #tpu.memory_space<semaphore_mem>>) src(%dma_wait3A_1069 : memref<4096x1024xf32, #tpu.memory_space<hbm>>) dst(%arg6 : memref<16x1024xf32, #tpu.memory_space<vmem>>)
    %dma_wait3A_1070 = arith.constant 0 : i32
    %dma_wait3A_1071 = arith.constant 0 : i32
    %dma_wait3A_1072 = tpu.memref_slice %arg2[%dma_wait3A_1070, %multiple_of3A_946, %dma_wait3A_1071] : memref<4x4096x1024xf32, #tpu.memory_space<hbm>> -> memref<1x16x1024xf32, #tpu.memory_space<hbm>>
    %dma_wait3A_1073 = tpu.memref_squeeze %dma_wait3A_1072 : memref<1x16x1024xf32, #tpu.memory_space<hbm>> -> memref<16x1024xf32, #tpu.memory_space<hbm>>
    %dma_wait3A_1074 = arith.constant 0 : i32
    %dma_wait3A_1075 = tpu.memref_slice %arg2[%dma_wait3A_1070, %multiple_of3A_946, %dma_wait3A_1074] : memref<4x4096x1024xf32, #tpu.memory_space<hbm>> -> memref<1x16x1024xf32, #tpu.memory_space<hbm>>
    %dma_wait3A_1076 = tpu.memref_squeeze %dma_wait3A_1075 : memref<1x16x1024xf32, #tpu.memory_space<hbm>> -> memref<16x1024xf32, #tpu.memory_space<hbm>>
    tpu.wait_dma2 semaphore(%arg21 : memref<!tpu.dma_semaphore, #tpu.memory_space<semaphore_mem>>) src(%dma_wait3A_1076 : memref<16x1024xf32, #tpu.memory_space<hbm>>) dst(%arg12 : memref<16x1024xf32, #tpu.memory_space<vmem>>)
    %parallel_loop3A_1077 = arith.constant 0 : i32
    %parallel_loop3A_1078 = arith.constant 1024 : i32
    %parallel_loop3A_1079 = arith.constant 1 : i32
    scf.for %parallel_loop3A_1343 = %parallel_loop3A_1077 to %parallel_loop3A_1078 step %parallel_loop3A_1079  : i32 {
      %parallel_loop3A_1344 = arith.constant 6 : i32
      %parallel_loop3A_1345 = arith.shrui %parallel_loop3A_1343, %parallel_loop3A_1344 : i32
      %parallel_loop3A_1346 = arith.constant 64 : i32
      %parallel_loop3A_1347 = arith.muli %parallel_loop3A_1345, %parallel_loop3A_1346 : i32
      %parallel_loop3A_1348 = arith.subi %parallel_loop3A_1343, %parallel_loop3A_1347 : i32
      %parallel_loop3A_1349 = arith.constant 16 : i32
      %parallel_loop3A_1350 = arith.muli %parallel_loop3A_1348, %parallel_loop3A_1349 : i32
      %parallel_loop3A_1351 = arith.index_cast %parallel_loop3A_1345 : i32 to index
      %parallel_loop3A_1352 = arith.index_cast %parallel_loop3A_1350 : i32 to index
      %parallel_loop3A_1353 = tpu.vector_load %arg6[%parallel_loop3A_1351, %parallel_loop3A_1352] {strides = array<i32>} : memref<16x1024xf32, #tpu.memory_space<vmem>>, vector<1x16xf32>,
      %parallel_loop3A_1354 = vector.shape_cast %parallel_loop3A_1353 : vector<1x16xf32> to vector<16xf32>
      %parallel_loop3A_1355 = arith.index_cast %parallel_loop3A_1345 : i32 to index
      %parallel_loop3A_1356 = arith.index_cast %parallel_loop3A_1350 : i32 to index
      %parallel_loop3A_1357 = tpu.vector_load %arg12[%parallel_loop3A_1355, %parallel_loop3A_1356] {strides = array<i32>} : memref<16x1024xf32, #tpu.memory_space<vmem>>, vector<1x16xf32>,
      %parallel_loop3A_1358 = vector.shape_cast %parallel_loop3A_1357 : vector<1x16xf32> to vector<16xf32>
      %parallel_loop3A_1359 = vector.shape_cast %parallel_loop3A_1354 : vector<16xf32> to vector<1x16xf32>
      tpu.vector_store %arg12[%parallel_loop3A_1355, %parallel_loop3A_1356], %parallel_loop3A_1359 {add = true, strides = array<i32>} : memref<16x1024xf32, #tpu.memory_space<vmem>>, vector<1x16xf32>,
    } {sc.loop_unroll_factor = 8 : i64, sc.parallel_access}
    %add3A_1080 = arith.constant 96 : i32
    %add3A_1081 = arith.addi %mul3A_4, %add3A_1080 : i32
    %multiple_of3A_1082 = tpu.assume_multiple %add3A_1081, 8 : i32
    %dma_start3A_1083 = arith.constant 0 : i32
    %dma_start3A_1084 = arith.constant 0 : i32
    %dma_start3A_1085 = tpu.memref_slice %arg5[%dma_start3A_1083, %multiple_of3A_1082, %dma_start3A_1084] : memref<4x4096x1024xf32, #tpu.memory_space<hbm>> -> memref<1x16x1024xf32, #tpu.memory_space<hbm>>
    %dma_start3A_1086 = tpu.memref_squeeze %dma_start3A_1085 : memref<1x16x1024xf32, #tpu.memory_space<hbm>> -> memref<16x1024xf32, #tpu.memory_space<hbm>>
    %dma_start3A_1087 = arith.constant 0 : i32
    %dma_start3A_1088 = tpu.memref_slice %arg5[%dma_start3A_1083, %multiple_of3A_1082, %dma_start3A_1087] : memref<4x4096x1024xf32, #tpu.memory_space<hbm>> -> memref<1x16x1024xf32, #tpu.memory_space<hbm>>
    %dma_start3A_1089 = tpu.memref_squeeze %dma_start3A_1088 : memref<1x16x1024xf32, #tpu.memory_space<hbm>> -> memref<16x1024xf32, #tpu.memory_space<hbm>>
    tpu.enqueue_dma source(%arg12 : memref<16x1024xf32, #tpu.memory_space<vmem>>) target(%dma_start3A_1089 : memref<16x1024xf32, #tpu.memory_space<hbm>>) target_semaphore(%arg26 : memref<!tpu.dma_semaphore, #tpu.memory_space<semaphore_mem>>)
    %dma_wait3A_1090 = arith.constant 3 : i32
    %dma_wait3A_1091 = arith.constant 0 : i32
    %dma_wait3A_1092 = tpu.memref_slice %arg5[%dma_wait3A_1090, %multiple_of3A_1040, %dma_wait3A_1091] : memref<4x4096x1024xf32, #tpu.memory_space<hbm>> -> memref<1x16x1024xf32, #tpu.memory_space<hbm>>
    %dma_wait3A_1093 = tpu.memref_squeeze %dma_wait3A_1092 : memref<1x16x1024xf32, #tpu.memory_space<hbm>> -> memref<16x1024xf32, #tpu.memory_space<hbm>>
    %dma_wait3A_1094 = arith.constant 0 : i32
    %dma_wait3A_1095 = tpu.memref_slice %arg5[%dma_wait3A_1090, %multiple_of3A_1040, %dma_wait3A_1094] : memref<4x4096x1024xf32, #tpu.memory_space<hbm>> -> memref<1x16x1024xf32, #tpu.memory_space<hbm>>
    %dma_wait3A_1096 = tpu.memref_squeeze %dma_wait3A_1095 : memref<1x16x1024xf32, #tpu.memory_space<hbm>> -> memref<16x1024xf32, #tpu.memory_space<hbm>>
    tpu.wait_dma2 semaphore(%arg25 : memref<!tpu.dma_semaphore, #tpu.memory_space<semaphore_mem>>) src(%arg11 : memref<16x1024xf32, #tpu.memory_space<vmem>>) dst(%dma_wait3A_1096 : memref<16x1024xf32, #tpu.memory_space<hbm>>)
    %dma_start3A_1097 = arith.constant 112 : i32
    %dma_start3A_1098 = tpu.memref_slice %arg13[%dma_start3A_1097] : memref<128xi32, #tpu.memory_space<vmem>> -> memref<16xi32, #tpu.memory_space<vmem>>
    %dma_start3A_1099 = arith.constant 0 : i32
    %dma_start3A_1100 = arith.constant 0 : i32
    %dma_start3A_1101 = tpu.memref_slice %arg3[%dma_start3A_1099, %dma_start3A_1100] : memref<4096x1024xf32, #tpu.memory_space<hbm>> -> memref<4096x1024xf32, #tpu.memory_space<hbm>>
    tpu.enqueue_indirect_dma source(%dma_start3A_1101 : memref<4096x1024xf32, #tpu.memory_space<hbm>>) target(%arg7 : memref<16x1024xf32, #tpu.memory_space<vmem>>) offsets(%dma_start3A_1098 : memref<16xi32, #tpu.memory_space<vmem>>) semaphore(%arg16 : memref<!tpu.dma_semaphore, #tpu.memory_space<semaphore_mem>>)
    %add3A_1102 = arith.constant 112 : i32
    %add3A_1103 = arith.addi %mul3A_4, %add3A_1102 : i32
    %multiple_of3A_1104 = tpu.assume_multiple %add3A_1103, 8 : i32
    %dma_start3A_1105 = arith.constant 0 : i32
    %dma_start3A_1106 = arith.constant 0 : i32
    %dma_start3A_1107 = tpu.memref_slice %arg2[%dma_start3A_1105, %multiple_of3A_1104, %dma_start3A_1106] : memref<4x4096x1024xf32, #tpu.memory_space<hbm>> -> memref<1x16x1024xf32, #tpu.memory_space<hbm>>
    %dma_start3A_1108 = tpu.memref_squeeze %dma_start3A_1107 : memref<1x16x1024xf32, #tpu.memory_space<hbm>> -> memref<16x1024xf32, #tpu.memory_space<hbm>>
    %dma_start3A_1109 = arith.constant 0 : i32
    %dma_start3A_1110 = tpu.memref_slice %arg2[%dma_start3A_1105, %multiple_of3A_1104, %dma_start3A_1109] : memref<4x4096x1024xf32, #tpu.memory_space<hbm>> -> memref<1x16x1024xf32, #tpu.memory_space<hbm>>
    %dma_start3A_1111 = tpu.memref_squeeze %dma_start3A_1110 : memref<1x16x1024xf32, #tpu.memory_space<hbm>> -> memref<16x1024xf32, #tpu.memory_space<hbm>>
    tpu.enqueue_dma source(%dma_start3A_1111 : memref<16x1024xf32, #tpu.memory_space<hbm>>) target(%arg11 : memref<16x1024xf32, #tpu.memory_space<vmem>>) target_semaphore(%arg20 : memref<!tpu.dma_semaphore, #tpu.memory_space<semaphore_mem>>)
    %dma_wait3A_1112 = arith.constant 1 : i32
    %dma_wait3A_1113 = arith.constant 0 : i32
    %dma_wait3A_1114 = tpu.memref_slice %arg2[%dma_wait3A_1112, %multiple_of3A_983, %dma_wait3A_1113] : memref<4x4096x1024xf32, #tpu.memory_space<hbm>> -> memref<1x16x1024xf32, #tpu.memory_space<hbm>>
    %dma_wait3A_1115 = tpu.memref_squeeze %dma_wait3A_1114 : memref<1x16x1024xf32, #tpu.memory_space<hbm>> -> memref<16x1024xf32, #tpu.memory_space<hbm>>
    %dma_wait3A_1116 = arith.constant 0 : i32
    %dma_wait3A_1117 = tpu.memref_slice %arg2[%dma_wait3A_1112, %multiple_of3A_983, %dma_wait3A_1116] : memref<4x4096x1024xf32, #tpu.memory_space<hbm>> -> memref<1x16x1024xf32, #tpu.memory_space<hbm>>
    %dma_wait3A_1118 = tpu.memref_squeeze %dma_wait3A_1117 : memref<1x16x1024xf32, #tpu.memory_space<hbm>> -> memref<16x1024xf32, #tpu.memory_space<hbm>>
    tpu.wait_dma2 semaphore(%arg17 : memref<!tpu.dma_semaphore, #tpu.memory_space<semaphore_mem>>) src(%dma_wait3A_1118 : memref<16x1024xf32, #tpu.memory_space<hbm>>) dst(%arg8 : memref<16x1024xf32, #tpu.memory_space<vmem>>)
    %parallel_loop3A_1119 = arith.constant 0 : i32
    %parallel_loop3A_1120 = arith.constant 1024 : i32
    %parallel_loop3A_1121 = arith.constant 1 : i32
    scf.for %parallel_loop3A_1343 = %parallel_loop3A_1119 to %parallel_loop3A_1120 step %parallel_loop3A_1121  : i32 {
      %parallel_loop3A_1344 = arith.constant 6 : i32
      %parallel_loop3A_1345 = arith.shrui %parallel_loop3A_1343, %parallel_loop3A_1344 : i32
      %parallel_loop3A_1346 = arith.constant 64 : i32
      %parallel_loop3A_1347 = arith.muli %parallel_loop3A_1345, %parallel_loop3A_1346 : i32
      %parallel_loop3A_1348 = arith.subi %parallel_loop3A_1343, %parallel_loop3A_1347 : i32
      %parallel_loop3A_1349 = arith.constant 16 : i32
      %parallel_loop3A_1350 = arith.muli %parallel_loop3A_1348, %parallel_loop3A_1349 : i32
      %parallel_loop3A_1351 = arith.index_cast %parallel_loop3A_1345 : i32 to index
      %parallel_loop3A_1352 = arith.index_cast %parallel_loop3A_1350 : i32 to index
      %parallel_loop3A_1353 = tpu.vector_load %arg6[%parallel_loop3A_1351, %parallel_loop3A_1352] {strides = array<i32>} : memref<16x1024xf32, #tpu.memory_space<vmem>>, vector<1x16xf32>,
      %parallel_loop3A_1354 = vector.shape_cast %parallel_loop3A_1353 : vector<1x16xf32> to vector<16xf32>
      %parallel_loop3A_1355 = arith.index_cast %parallel_loop3A_1345 : i32 to index
      %parallel_loop3A_1356 = arith.index_cast %parallel_loop3A_1350 : i32 to index
      %parallel_loop3A_1357 = tpu.vector_load %arg8[%parallel_loop3A_1355, %parallel_loop3A_1356] {strides = array<i32>} : memref<16x1024xf32, #tpu.memory_space<vmem>>, vector<1x16xf32>,
      %parallel_loop3A_1358 = vector.shape_cast %parallel_loop3A_1357 : vector<1x16xf32> to vector<16xf32>
      %parallel_loop3A_1359 = vector.shape_cast %parallel_loop3A_1354 : vector<16xf32> to vector<1x16xf32>
      tpu.vector_store %arg8[%parallel_loop3A_1355, %parallel_loop3A_1356], %parallel_loop3A_1359 {add = true, strides = array<i32>} : memref<16x1024xf32, #tpu.memory_space<vmem>>, vector<1x16xf32>,
    } {sc.loop_unroll_factor = 8 : i64, sc.parallel_access}
    %add3A_1122 = arith.constant 96 : i32
    %add3A_1123 = arith.addi %mul3A_4, %add3A_1122 : i32
    %multiple_of3A_1124 = tpu.assume_multiple %add3A_1123, 8 : i32
    %dma_start3A_1125 = arith.constant 1 : i32
    %dma_start3A_1126 = arith.constant 0 : i32
    %dma_start3A_1127 = tpu.memref_slice %arg5[%dma_start3A_1125, %multiple_of3A_1124, %dma_start3A_1126] : memref<4x4096x1024xf32, #tpu.memory_space<hbm>> -> memref<1x16x1024xf32, #tpu.memory_space<hbm>>
    %dma_start3A_1128 = tpu.memref_squeeze %dma_start3A_1127 : memref<1x16x1024xf32, #tpu.memory_space<hbm>> -> memref<16x1024xf32, #tpu.memory_space<hbm>>
    %dma_start3A_1129 = arith.constant 0 : i32
    %dma_start3A_1130 = tpu.memref_slice %arg5[%dma_start3A_1125, %multiple_of3A_1124, %dma_start3A_1129] : memref<4x4096x1024xf32, #tpu.memory_space<hbm>> -> memref<1x16x1024xf32, #tpu.memory_space<hbm>>
    %dma_start3A_1131 = tpu.memref_squeeze %dma_start3A_1130 : memref<1x16x1024xf32, #tpu.memory_space<hbm>> -> memref<16x1024xf32, #tpu.memory_space<hbm>>
    tpu.enqueue_dma source(%arg8 : memref<16x1024xf32, #tpu.memory_space<vmem>>) target(%dma_start3A_1131 : memref<16x1024xf32, #tpu.memory_space<hbm>>) target_semaphore(%arg22 : memref<!tpu.dma_semaphore, #tpu.memory_space<semaphore_mem>>)
    %dma_wait3A_1132 = arith.constant 0 : i32
    %dma_wait3A_1133 = arith.constant 0 : i32
    %dma_wait3A_1134 = tpu.memref_slice %arg5[%dma_wait3A_1132, %multiple_of3A_1082, %dma_wait3A_1133] : memref<4x4096x1024xf32, #tpu.memory_space<hbm>> -> memref<1x16x1024xf32, #tpu.memory_space<hbm>>
    %dma_wait3A_1135 = tpu.memref_squeeze %dma_wait3A_1134 : memref<1x16x1024xf32, #tpu.memory_space<hbm>> -> memref<16x1024xf32, #tpu.memory_space<hbm>>
    %dma_wait3A_1136 = arith.constant 0 : i32
    %dma_wait3A_1137 = tpu.memref_slice %arg5[%dma_wait3A_1132, %multiple_of3A_1082, %dma_wait3A_1136] : memref<4x4096x1024xf32, #tpu.memory_space<hbm>> -> memref<1x16x1024xf32, #tpu.memory_space<hbm>>
    %dma_wait3A_1138 = tpu.memref_squeeze %dma_wait3A_1137 : memref<1x16x1024xf32, #tpu.memory_space<hbm>> -> memref<16x1024xf32, #tpu.memory_space<hbm>>
    tpu.wait_dma2 semaphore(%arg26 : memref<!tpu.dma_semaphore, #tpu.memory_space<semaphore_mem>>) src(%arg12 : memref<16x1024xf32, #tpu.memory_space<vmem>>) dst(%dma_wait3A_1138 : memref<16x1024xf32, #tpu.memory_space<hbm>>)
    %add3A_1139 = arith.constant 112 : i32
    %add3A_1140 = arith.addi %mul3A_4, %add3A_1139 : i32
    %multiple_of3A_1141 = tpu.assume_multiple %add3A_1140, 8 : i32
    %dma_start3A_1142 = arith.constant 1 : i32
    %dma_start3A_1143 = arith.constant 0 : i32
    %dma_start3A_1144 = tpu.memref_slice %arg2[%dma_start3A_1142, %multiple_of3A_1141, %dma_start3A_1143] : memref<4x4096x1024xf32, #tpu.memory_space<hbm>> -> memref<1x16x1024xf32, #tpu.memory_space<hbm>>
    %dma_start3A_1145 = tpu.memref_squeeze %dma_start3A_1144 : memref<1x16x1024xf32, #tpu.memory_space<hbm>> -> memref<16x1024xf32, #tpu.memory_space<hbm>>
    %dma_start3A_1146 = arith.constant 0 : i32
    %dma_start3A_1147 = tpu.memref_slice %arg2[%dma_start3A_1142, %multiple_of3A_1141, %dma_start3A_1146] : memref<4x4096x1024xf32, #tpu.memory_space<hbm>> -> memref<1x16x1024xf32, #tpu.memory_space<hbm>>
    %dma_start3A_1148 = tpu.memref_squeeze %dma_start3A_1147 : memref<1x16x1024xf32, #tpu.memory_space<hbm>> -> memref<16x1024xf32, #tpu.memory_space<hbm>>
    tpu.enqueue_dma source(%dma_start3A_1148 : memref<16x1024xf32, #tpu.memory_space<hbm>>) target(%arg12 : memref<16x1024xf32, #tpu.memory_space<vmem>>) target_semaphore(%arg21 : memref<!tpu.dma_semaphore, #tpu.memory_space<semaphore_mem>>)
    %dma_wait3A_1149 = arith.constant 2 : i32
    %dma_wait3A_1150 = arith.constant 0 : i32
    %dma_wait3A_1151 = tpu.memref_slice %arg2[%dma_wait3A_1149, %multiple_of3A_1020, %dma_wait3A_1150] : memref<4x4096x1024xf32, #tpu.memory_space<hbm>> -> memref<1x16x1024xf32, #tpu.memory_space<hbm>>
    %dma_wait3A_1152 = tpu.memref_squeeze %dma_wait3A_1151 : memref<1x16x1024xf32, #tpu.memory_space<hbm>> -> memref<16x1024xf32, #tpu.memory_space<hbm>>
    %dma_wait3A_1153 = arith.constant 0 : i32
    %dma_wait3A_1154 = tpu.memref_slice %arg2[%dma_wait3A_1149, %multiple_of3A_1020, %dma_wait3A_1153] : memref<4x4096x1024xf32, #tpu.memory_space<hbm>> -> memref<1x16x1024xf32, #tpu.memory_space<hbm>>
    %dma_wait3A_1155 = tpu.memref_squeeze %dma_wait3A_1154 : memref<1x16x1024xf32, #tpu.memory_space<hbm>> -> memref<16x1024xf32, #tpu.memory_space<hbm>>
    tpu.wait_dma2 semaphore(%arg18 : memref<!tpu.dma_semaphore, #tpu.memory_space<semaphore_mem>>) src(%dma_wait3A_1155 : memref<16x1024xf32, #tpu.memory_space<hbm>>) dst(%arg9 : memref<16x1024xf32, #tpu.memory_space<vmem>>)
    %parallel_loop3A_1156 = arith.constant 0 : i32
    %parallel_loop3A_1157 = arith.constant 1024 : i32
    %parallel_loop3A_1158 = arith.constant 1 : i32
    scf.for %parallel_loop3A_1343 = %parallel_loop3A_1156 to %parallel_loop3A_1157 step %parallel_loop3A_1158  : i32 {
      %parallel_loop3A_1344 = arith.constant 6 : i32
      %parallel_loop3A_1345 = arith.shrui %parallel_loop3A_1343, %parallel_loop3A_1344 : i32
      %parallel_loop3A_1346 = arith.constant 64 : i32
      %parallel_loop3A_1347 = arith.muli %parallel_loop3A_1345, %parallel_loop3A_1346 : i32
      %parallel_loop3A_1348 = arith.subi %parallel_loop3A_1343, %parallel_loop3A_1347 : i32
      %parallel_loop3A_1349 = arith.constant 16 : i32
      %parallel_loop3A_1350 = arith.muli %parallel_loop3A_1348, %parallel_loop3A_1349 : i32
      %parallel_loop3A_1351 = arith.index_cast %parallel_loop3A_1345 : i32 to index
      %parallel_loop3A_1352 = arith.index_cast %parallel_loop3A_1350 : i32 to index
      %parallel_loop3A_1353 = tpu.vector_load %arg6[%parallel_loop3A_1351, %parallel_loop3A_1352] {strides = array<i32>} : memref<16x1024xf32, #tpu.memory_space<vmem>>, vector<1x16xf32>,
      %parallel_loop3A_1354 = vector.shape_cast %parallel_loop3A_1353 : vector<1x16xf32> to vector<16xf32>
      %parallel_loop3A_1355 = arith.index_cast %parallel_loop3A_1345 : i32 to index
      %parallel_loop3A_1356 = arith.index_cast %parallel_loop3A_1350 : i32 to index
      %parallel_loop3A_1357 = tpu.vector_load %arg9[%parallel_loop3A_1355, %parallel_loop3A_1356] {strides = array<i32>} : memref<16x1024xf32, #tpu.memory_space<vmem>>, vector<1x16xf32>,
      %parallel_loop3A_1358 = vector.shape_cast %parallel_loop3A_1357 : vector<1x16xf32> to vector<16xf32>
      %parallel_loop3A_1359 = vector.shape_cast %parallel_loop3A_1354 : vector<16xf32> to vector<1x16xf32>
      tpu.vector_store %arg9[%parallel_loop3A_1355, %parallel_loop3A_1356], %parallel_loop3A_1359 {add = true, strides = array<i32>} : memref<16x1024xf32, #tpu.memory_space<vmem>>, vector<1x16xf32>,
    } {sc.loop_unroll_factor = 8 : i64, sc.parallel_access}
    %add3A_1159 = arith.constant 96 : i32
    %add3A_1160 = arith.addi %mul3A_4, %add3A_1159 : i32
    %multiple_of3A_1161 = tpu.assume_multiple %add3A_1160, 8 : i32
    %dma_start3A_1162 = arith.constant 2 : i32
    %dma_start3A_1163 = arith.constant 0 : i32
    %dma_start3A_1164 = tpu.memref_slice %arg5[%dma_start3A_1162, %multiple_of3A_1161, %dma_start3A_1163] : memref<4x4096x1024xf32, #tpu.memory_space<hbm>> -> memref<1x16x1024xf32, #tpu.memory_space<hbm>>
    %dma_start3A_1165 = tpu.memref_squeeze %dma_start3A_1164 : memref<1x16x1024xf32, #tpu.memory_space<hbm>> -> memref<16x1024xf32, #tpu.memory_space<hbm>>
    %dma_start3A_1166 = arith.constant 0 : i32
    %dma_start3A_1167 = tpu.memref_slice %arg5[%dma_start3A_1162, %multiple_of3A_1161, %dma_start3A_1166] : memref<4x4096x1024xf32, #tpu.memory_space<hbm>> -> memref<1x16x1024xf32, #tpu.memory_space<hbm>>
    %dma_start3A_1168 = tpu.memref_squeeze %dma_start3A_1167 : memref<1x16x1024xf32, #tpu.memory_space<hbm>> -> memref<16x1024xf32, #tpu.memory_space<hbm>>
    tpu.enqueue_dma source(%arg9 : memref<16x1024xf32, #tpu.memory_space<vmem>>) target(%dma_start3A_1168 : memref<16x1024xf32, #tpu.memory_space<hbm>>) target_semaphore(%arg23 : memref<!tpu.dma_semaphore, #tpu.memory_space<semaphore_mem>>)
    %dma_wait3A_1169 = arith.constant 1 : i32
    %dma_wait3A_1170 = arith.constant 0 : i32
    %dma_wait3A_1171 = tpu.memref_slice %arg5[%dma_wait3A_1169, %multiple_of3A_1124, %dma_wait3A_1170] : memref<4x4096x1024xf32, #tpu.memory_space<hbm>> -> memref<1x16x1024xf32, #tpu.memory_space<hbm>>
    %dma_wait3A_1172 = tpu.memref_squeeze %dma_wait3A_1171 : memref<1x16x1024xf32, #tpu.memory_space<hbm>> -> memref<16x1024xf32, #tpu.memory_space<hbm>>
    %dma_wait3A_1173 = arith.constant 0 : i32
    %dma_wait3A_1174 = tpu.memref_slice %arg5[%dma_wait3A_1169, %multiple_of3A_1124, %dma_wait3A_1173] : memref<4x4096x1024xf32, #tpu.memory_space<hbm>> -> memref<1x16x1024xf32, #tpu.memory_space<hbm>>
    %dma_wait3A_1175 = tpu.memref_squeeze %dma_wait3A_1174 : memref<1x16x1024xf32, #tpu.memory_space<hbm>> -> memref<16x1024xf32, #tpu.memory_space<hbm>>
    tpu.wait_dma2 semaphore(%arg22 : memref<!tpu.dma_semaphore, #tpu.memory_space<semaphore_mem>>) src(%arg8 : memref<16x1024xf32, #tpu.memory_space<vmem>>) dst(%dma_wait3A_1175 : memref<16x1024xf32, #tpu.memory_space<hbm>>)
    %add3A_1176 = arith.constant 112 : i32
    %add3A_1177 = arith.addi %mul3A_4, %add3A_1176 : i32
    %multiple_of3A_1178 = tpu.assume_multiple %add3A_1177, 8 : i32
    %dma_start3A_1179 = arith.constant 2 : i32
    %dma_start3A_1180 = arith.constant 0 : i32
    %dma_start3A_1181 = tpu.memref_slice %arg2[%dma_start3A_1179, %multiple_of3A_1178, %dma_start3A_1180] : memref<4x4096x1024xf32, #tpu.memory_space<hbm>> -> memref<1x16x1024xf32, #tpu.memory_space<hbm>>
    %dma_start3A_1182 = tpu.memref_squeeze %dma_start3A_1181 : memref<1x16x1024xf32, #tpu.memory_space<hbm>> -> memref<16x1024xf32, #tpu.memory_space<hbm>>
    %dma_start3A_1183 = arith.constant 0 : i32
    %dma_start3A_1184 = tpu.memref_slice %arg2[%dma_start3A_1179, %multiple_of3A_1178, %dma_start3A_1183] : memref<4x4096x1024xf32, #tpu.memory_space<hbm>> -> memref<1x16x1024xf32, #tpu.memory_space<hbm>>
    %dma_start3A_1185 = tpu.memref_squeeze %dma_start3A_1184 : memref<1x16x1024xf32, #tpu.memory_space<hbm>> -> memref<16x1024xf32, #tpu.memory_space<hbm>>
    tpu.enqueue_dma source(%dma_start3A_1185 : memref<16x1024xf32, #tpu.memory_space<hbm>>) target(%arg8 : memref<16x1024xf32, #tpu.memory_space<vmem>>) target_semaphore(%arg17 : memref<!tpu.dma_semaphore, #tpu.memory_space<semaphore_mem>>)
    %dma_wait3A_1186 = arith.constant 3 : i32
    %dma_wait3A_1187 = arith.constant 0 : i32
    %dma_wait3A_1188 = tpu.memref_slice %arg2[%dma_wait3A_1186, %multiple_of3A_1057, %dma_wait3A_1187] : memref<4x4096x1024xf32, #tpu.memory_space<hbm>> -> memref<1x16x1024xf32, #tpu.memory_space<hbm>>
    %dma_wait3A_1189 = tpu.memref_squeeze %dma_wait3A_1188 : memref<1x16x1024xf32, #tpu.memory_space<hbm>> -> memref<16x1024xf32, #tpu.memory_space<hbm>>
    %dma_wait3A_1190 = arith.constant 0 : i32
    %dma_wait3A_1191 = tpu.memref_slice %arg2[%dma_wait3A_1186, %multiple_of3A_1057, %dma_wait3A_1190] : memref<4x4096x1024xf32, #tpu.memory_space<hbm>> -> memref<1x16x1024xf32, #tpu.memory_space<hbm>>
    %dma_wait3A_1192 = tpu.memref_squeeze %dma_wait3A_1191 : memref<1x16x1024xf32, #tpu.memory_space<hbm>> -> memref<16x1024xf32, #tpu.memory_space<hbm>>
    tpu.wait_dma2 semaphore(%arg19 : memref<!tpu.dma_semaphore, #tpu.memory_space<semaphore_mem>>) src(%dma_wait3A_1192 : memref<16x1024xf32, #tpu.memory_space<hbm>>) dst(%arg10 : memref<16x1024xf32, #tpu.memory_space<vmem>>)
    %parallel_loop3A_1193 = arith.constant 0 : i32
    %parallel_loop3A_1194 = arith.constant 1024 : i32
    %parallel_loop3A_1195 = arith.constant 1 : i32
    scf.for %parallel_loop3A_1343 = %parallel_loop3A_1193 to %parallel_loop3A_1194 step %parallel_loop3A_1195  : i32 {
      %parallel_loop3A_1344 = arith.constant 6 : i32
      %parallel_loop3A_1345 = arith.shrui %parallel_loop3A_1343, %parallel_loop3A_1344 : i32
      %parallel_loop3A_1346 = arith.constant 64 : i32
      %parallel_loop3A_1347 = arith.muli %parallel_loop3A_1345, %parallel_loop3A_1346 : i32
      %parallel_loop3A_1348 = arith.subi %parallel_loop3A_1343, %parallel_loop3A_1347 : i32
      %parallel_loop3A_1349 = arith.constant 16 : i32
      %parallel_loop3A_1350 = arith.muli %parallel_loop3A_1348, %parallel_loop3A_1349 : i32
      %parallel_loop3A_1351 = arith.index_cast %parallel_loop3A_1345 : i32 to index
      %parallel_loop3A_1352 = arith.index_cast %parallel_loop3A_1350 : i32 to index
      %parallel_loop3A_1353 = tpu.vector_load %arg6[%parallel_loop3A_1351, %parallel_loop3A_1352] {strides = array<i32>} : memref<16x1024xf32, #tpu.memory_space<vmem>>, vector<1x16xf32>,
      %parallel_loop3A_1354 = vector.shape_cast %parallel_loop3A_1353 : vector<1x16xf32> to vector<16xf32>
      %parallel_loop3A_1355 = arith.index_cast %parallel_loop3A_1345 : i32 to index
      %parallel_loop3A_1356 = arith.index_cast %parallel_loop3A_1350 : i32 to index
      %parallel_loop3A_1357 = tpu.vector_load %arg10[%parallel_loop3A_1355, %parallel_loop3A_1356] {strides = array<i32>} : memref<16x1024xf32, #tpu.memory_space<vmem>>, vector<1x16xf32>,
      %parallel_loop3A_1358 = vector.shape_cast %parallel_loop3A_1357 : vector<1x16xf32> to vector<16xf32>
      %parallel_loop3A_1359 = vector.shape_cast %parallel_loop3A_1354 : vector<16xf32> to vector<1x16xf32>
      tpu.vector_store %arg10[%parallel_loop3A_1355, %parallel_loop3A_1356], %parallel_loop3A_1359 {add = true, strides = array<i32>} : memref<16x1024xf32, #tpu.memory_space<vmem>>, vector<1x16xf32>,
    } {sc.loop_unroll_factor = 8 : i64, sc.parallel_access}
    %add3A_1196 = arith.constant 96 : i32
    %add3A_1197 = arith.addi %mul3A_4, %add3A_1196 : i32
    %multiple_of3A_1198 = tpu.assume_multiple %add3A_1197, 8 : i32
    %dma_start3A_1199 = arith.constant 3 : i32
    %dma_start3A_1200 = arith.constant 0 : i32
    %dma_start3A_1201 = tpu.memref_slice %arg5[%dma_start3A_1199, %multiple_of3A_1198, %dma_start3A_1200] : memref<4x4096x1024xf32, #tpu.memory_space<hbm>> -> memref<1x16x1024xf32, #tpu.memory_space<hbm>>
    %dma_start3A_1202 = tpu.memref_squeeze %dma_start3A_1201 : memref<1x16x1024xf32, #tpu.memory_space<hbm>> -> memref<16x1024xf32, #tpu.memory_space<hbm>>
    %dma_start3A_1203 = arith.constant 0 : i32
    %dma_start3A_1204 = tpu.memref_slice %arg5[%dma_start3A_1199, %multiple_of3A_1198, %dma_start3A_1203] : memref<4x4096x1024xf32, #tpu.memory_space<hbm>> -> memref<1x16x1024xf32, #tpu.memory_space<hbm>>
    %dma_start3A_1205 = tpu.memref_squeeze %dma_start3A_1204 : memref<1x16x1024xf32, #tpu.memory_space<hbm>> -> memref<16x1024xf32, #tpu.memory_space<hbm>>
    tpu.enqueue_dma source(%arg10 : memref<16x1024xf32, #tpu.memory_space<vmem>>) target(%dma_start3A_1205 : memref<16x1024xf32, #tpu.memory_space<hbm>>) target_semaphore(%arg24 : memref<!tpu.dma_semaphore, #tpu.memory_space<semaphore_mem>>)
    %dma_wait3A_1206 = arith.constant 2 : i32
    %dma_wait3A_1207 = arith.constant 0 : i32
    %dma_wait3A_1208 = tpu.memref_slice %arg5[%dma_wait3A_1206, %multiple_of3A_1161, %dma_wait3A_1207] : memref<4x4096x1024xf32, #tpu.memory_space<hbm>> -> memref<1x16x1024xf32, #tpu.memory_space<hbm>>
    %dma_wait3A_1209 = tpu.memref_squeeze %dma_wait3A_1208 : memref<1x16x1024xf32, #tpu.memory_space<hbm>> -> memref<16x1024xf32, #tpu.memory_space<hbm>>
    %dma_wait3A_1210 = arith.constant 0 : i32
    %dma_wait3A_1211 = tpu.memref_slice %arg5[%dma_wait3A_1206, %multiple_of3A_1161, %dma_wait3A_1210] : memref<4x4096x1024xf32, #tpu.memory_space<hbm>> -> memref<1x16x1024xf32, #tpu.memory_space<hbm>>
    %dma_wait3A_1212 = tpu.memref_squeeze %dma_wait3A_1211 : memref<1x16x1024xf32, #tpu.memory_space<hbm>> -> memref<16x1024xf32, #tpu.memory_space<hbm>>
    tpu.wait_dma2 semaphore(%arg23 : memref<!tpu.dma_semaphore, #tpu.memory_space<semaphore_mem>>) src(%arg9 : memref<16x1024xf32, #tpu.memory_space<vmem>>) dst(%dma_wait3A_1212 : memref<16x1024xf32, #tpu.memory_space<hbm>>)
    %add3A_1213 = arith.constant 112 : i32
    %add3A_1214 = arith.addi %mul3A_4, %add3A_1213 : i32
    %multiple_of3A_1215 = tpu.assume_multiple %add3A_1214, 8 : i32
    %dma_start3A_1216 = arith.constant 3 : i32
    %dma_start3A_1217 = arith.constant 0 : i32
    %dma_start3A_1218 = tpu.memref_slice %arg2[%dma_start3A_1216, %multiple_of3A_1215, %dma_start3A_1217] : memref<4x4096x1024xf32, #tpu.memory_space<hbm>> -> memref<1x16x1024xf32, #tpu.memory_space<hbm>>
    %dma_start3A_1219 = tpu.memref_squeeze %dma_start3A_1218 : memref<1x16x1024xf32, #tpu.memory_space<hbm>> -> memref<16x1024xf32, #tpu.memory_space<hbm>>
    %dma_start3A_1220 = arith.constant 0 : i32
    %dma_start3A_1221 = tpu.memref_slice %arg2[%dma_start3A_1216, %multiple_of3A_1215, %dma_start3A_1220] : memref<4x4096x1024xf32, #tpu.memory_space<hbm>> -> memref<1x16x1024xf32, #tpu.memory_space<hbm>>
    %dma_start3A_1222 = tpu.memref_squeeze %dma_start3A_1221 : memref<1x16x1024xf32, #tpu.memory_space<hbm>> -> memref<16x1024xf32, #tpu.memory_space<hbm>>
    tpu.enqueue_dma source(%dma_start3A_1222 : memref<16x1024xf32, #tpu.memory_space<hbm>>) target(%arg9 : memref<16x1024xf32, #tpu.memory_space<vmem>>) target_semaphore(%arg18 : memref<!tpu.dma_semaphore, #tpu.memory_space<semaphore_mem>>)
    %dma_wait3A_1223 = arith.constant 112 : i32
    %dma_wait3A_1224 = tpu.memref_slice %arg13[%dma_wait3A_1223] : memref<128xi32, #tpu.memory_space<vmem>> -> memref<16xi32, #tpu.memory_space<vmem>>
    %dma_wait3A_1225 = arith.constant 0 : i32
    %dma_wait3A_1226 = arith.constant 0 : i32
    %dma_wait3A_1227 = tpu.memref_slice %arg3[%dma_wait3A_1225, %dma_wait3A_1226] : memref<4096x1024xf32, #tpu.memory_space<hbm>> -> memref<4096x1024xf32, #tpu.memory_space<hbm>>
    tpu.wait_indirect_dma semaphore(%arg16 : memref<!tpu.dma_semaphore, #tpu.memory_space<semaphore_mem>>) src(%dma_wait3A_1227 : memref<4096x1024xf32, #tpu.memory_space<hbm>>) dst(%arg7 : memref<16x1024xf32, #tpu.memory_space<vmem>>)
    %dma_wait3A_1228 = arith.constant 0 : i32
    %dma_wait3A_1229 = arith.constant 0 : i32
    %dma_wait3A_1230 = tpu.memref_slice %arg2[%dma_wait3A_1228, %multiple_of3A_1104, %dma_wait3A_1229] : memref<4x4096x1024xf32, #tpu.memory_space<hbm>> -> memref<1x16x1024xf32, #tpu.memory_space<hbm>>
    %dma_wait3A_1231 = tpu.memref_squeeze %dma_wait3A_1230 : memref<1x16x1024xf32, #tpu.memory_space<hbm>> -> memref<16x1024xf32, #tpu.memory_space<hbm>>
    %dma_wait3A_1232 = arith.constant 0 : i32
    %dma_wait3A_1233 = tpu.memref_slice %arg2[%dma_wait3A_1228, %multiple_of3A_1104, %dma_wait3A_1232] : memref<4x4096x1024xf32, #tpu.memory_space<hbm>> -> memref<1x16x1024xf32, #tpu.memory_space<hbm>>
    %dma_wait3A_1234 = tpu.memref_squeeze %dma_wait3A_1233 : memref<1x16x1024xf32, #tpu.memory_space<hbm>> -> memref<16x1024xf32, #tpu.memory_space<hbm>>
    tpu.wait_dma2 semaphore(%arg20 : memref<!tpu.dma_semaphore, #tpu.memory_space<semaphore_mem>>) src(%dma_wait3A_1234 : memref<16x1024xf32, #tpu.memory_space<hbm>>) dst(%arg11 : memref<16x1024xf32, #tpu.memory_space<vmem>>)
    %parallel_loop3A_1235 = arith.constant 0 : i32
    %parallel_loop3A_1236 = arith.constant 1024 : i32
    %parallel_loop3A_1237 = arith.constant 1 : i32
    scf.for %parallel_loop3A_1343 = %parallel_loop3A_1235 to %parallel_loop3A_1236 step %parallel_loop3A_1237  : i32 {
      %parallel_loop3A_1344 = arith.constant 6 : i32
      %parallel_loop3A_1345 = arith.shrui %parallel_loop3A_1343, %parallel_loop3A_1344 : i32
      %parallel_loop3A_1346 = arith.constant 64 : i32
      %parallel_loop3A_1347 = arith.muli %parallel_loop3A_1345, %parallel_loop3A_1346 : i32
      %parallel_loop3A_1348 = arith.subi %parallel_loop3A_1343, %parallel_loop3A_1347 : i32
      %parallel_loop3A_1349 = arith.constant 16 : i32
      %parallel_loop3A_1350 = arith.muli %parallel_loop3A_1348, %parallel_loop3A_1349 : i32
      %parallel_loop3A_1351 = arith.index_cast %parallel_loop3A_1345 : i32 to index
      %parallel_loop3A_1352 = arith.index_cast %parallel_loop3A_1350 : i32 to index
      %parallel_loop3A_1353 = tpu.vector_load %arg7[%parallel_loop3A_1351, %parallel_loop3A_1352] {strides = array<i32>} : memref<16x1024xf32, #tpu.memory_space<vmem>>, vector<1x16xf32>,
      %parallel_loop3A_1354 = vector.shape_cast %parallel_loop3A_1353 : vector<1x16xf32> to vector<16xf32>
      %parallel_loop3A_1355 = arith.index_cast %parallel_loop3A_1345 : i32 to index
      %parallel_loop3A_1356 = arith.index_cast %parallel_loop3A_1350 : i32 to index
      %parallel_loop3A_1357 = tpu.vector_load %arg11[%parallel_loop3A_1355, %parallel_loop3A_1356] {strides = array<i32>} : memref<16x1024xf32, #tpu.memory_space<vmem>>, vector<1x16xf32>,
      %parallel_loop3A_1358 = vector.shape_cast %parallel_loop3A_1357 : vector<1x16xf32> to vector<16xf32>
      %parallel_loop3A_1359 = vector.shape_cast %parallel_loop3A_1354 : vector<16xf32> to vector<1x16xf32>
      tpu.vector_store %arg11[%parallel_loop3A_1355, %parallel_loop3A_1356], %parallel_loop3A_1359 {add = true, strides = array<i32>} : memref<16x1024xf32, #tpu.memory_space<vmem>>, vector<1x16xf32>,
    } {sc.loop_unroll_factor = 8 : i64, sc.parallel_access}
    %add3A_1238 = arith.constant 112 : i32
    %add3A_1239 = arith.addi %mul3A_4, %add3A_1238 : i32
    %multiple_of3A_1240 = tpu.assume_multiple %add3A_1239, 8 : i32
    %dma_start3A_1241 = arith.constant 0 : i32
    %dma_start3A_1242 = arith.constant 0 : i32
    %dma_start3A_1243 = tpu.memref_slice %arg5[%dma_start3A_1241, %multiple_of3A_1240, %dma_start3A_1242] : memref<4x4096x1024xf32, #tpu.memory_space<hbm>> -> memref<1x16x1024xf32, #tpu.memory_space<hbm>>
    %dma_start3A_1244 = tpu.memref_squeeze %dma_start3A_1243 : memref<1x16x1024xf32, #tpu.memory_space<hbm>> -> memref<16x1024xf32, #tpu.memory_space<hbm>>
    %dma_start3A_1245 = arith.constant 0 : i32
    %dma_start3A_1246 = tpu.memref_slice %arg5[%dma_start3A_1241, %multiple_of3A_1240, %dma_start3A_1245] : memref<4x4096x1024xf32, #tpu.memory_space<hbm>> -> memref<1x16x1024xf32, #tpu.memory_space<hbm>>
    %dma_start3A_1247 = tpu.memref_squeeze %dma_start3A_1246 : memref<1x16x1024xf32, #tpu.memory_space<hbm>> -> memref<16x1024xf32, #tpu.memory_space<hbm>>
    tpu.enqueue_dma source(%arg11 : memref<16x1024xf32, #tpu.memory_space<vmem>>) target(%dma_start3A_1247 : memref<16x1024xf32, #tpu.memory_space<hbm>>) target_semaphore(%arg25 : memref<!tpu.dma_semaphore, #tpu.memory_space<semaphore_mem>>)
    %dma_wait3A_1248 = arith.constant 1 : i32
    %dma_wait3A_1249 = arith.constant 0 : i32
    %dma_wait3A_1250 = tpu.memref_slice %arg2[%dma_wait3A_1248, %multiple_of3A_1141, %dma_wait3A_1249] : memref<4x4096x1024xf32, #tpu.memory_space<hbm>> -> memref<1x16x1024xf32, #tpu.memory_space<hbm>>
    %dma_wait3A_1251 = tpu.memref_squeeze %dma_wait3A_1250 : memref<1x16x1024xf32, #tpu.memory_space<hbm>> -> memref<16x1024xf32, #tpu.memory_space<hbm>>
    %dma_wait3A_1252 = arith.constant 0 : i32
    %dma_wait3A_1253 = tpu.memref_slice %arg2[%dma_wait3A_1248, %multiple_of3A_1141, %dma_wait3A_1252] : memref<4x4096x1024xf32, #tpu.memory_space<hbm>> -> memref<1x16x1024xf32, #tpu.memory_space<hbm>>
    %dma_wait3A_1254 = tpu.memref_squeeze %dma_wait3A_1253 : memref<1x16x1024xf32, #tpu.memory_space<hbm>> -> memref<16x1024xf32, #tpu.memory_space<hbm>>
    tpu.wait_dma2 semaphore(%arg21 : memref<!tpu.dma_semaphore, #tpu.memory_space<semaphore_mem>>) src(%dma_wait3A_1254 : memref<16x1024xf32, #tpu.memory_space<hbm>>) dst(%arg12 : memref<16x1024xf32, #tpu.memory_space<vmem>>)
    %parallel_loop3A_1255 = arith.constant 0 : i32
    %parallel_loop3A_1256 = arith.constant 1024 : i32
    %parallel_loop3A_1257 = arith.constant 1 : i32
    scf.for %parallel_loop3A_1343 = %parallel_loop3A_1255 to %parallel_loop3A_1256 step %parallel_loop3A_1257  : i32 {
      %parallel_loop3A_1344 = arith.constant 6 : i32
      %parallel_loop3A_1345 = arith.shrui %parallel_loop3A_1343, %parallel_loop3A_1344 : i32
      %parallel_loop3A_1346 = arith.constant 64 : i32
      %parallel_loop3A_1347 = arith.muli %parallel_loop3A_1345, %parallel_loop3A_1346 : i32
      %parallel_loop3A_1348 = arith.subi %parallel_loop3A_1343, %parallel_loop3A_1347 : i32
      %parallel_loop3A_1349 = arith.constant 16 : i32
      %parallel_loop3A_1350 = arith.muli %parallel_loop3A_1348, %parallel_loop3A_1349 : i32
      %parallel_loop3A_1351 = arith.index_cast %parallel_loop3A_1345 : i32 to index
      %parallel_loop3A_1352 = arith.index_cast %parallel_loop3A_1350 : i32 to index
      %parallel_loop3A_1353 = tpu.vector_load %arg7[%parallel_loop3A_1351, %parallel_loop3A_1352] {strides = array<i32>} : memref<16x1024xf32, #tpu.memory_space<vmem>>, vector<1x16xf32>,
      %parallel_loop3A_1354 = vector.shape_cast %parallel_loop3A_1353 : vector<1x16xf32> to vector<16xf32>
      %parallel_loop3A_1355 = arith.index_cast %parallel_loop3A_1345 : i32 to index
      %parallel_loop3A_1356 = arith.index_cast %parallel_loop3A_1350 : i32 to index
      %parallel_loop3A_1357 = tpu.vector_load %arg12[%parallel_loop3A_1355, %parallel_loop3A_1356] {strides = array<i32>} : memref<16x1024xf32, #tpu.memory_space<vmem>>, vector<1x16xf32>,
      %parallel_loop3A_1358 = vector.shape_cast %parallel_loop3A_1357 : vector<1x16xf32> to vector<16xf32>
      %parallel_loop3A_1359 = vector.shape_cast %parallel_loop3A_1354 : vector<16xf32> to vector<1x16xf32>
      tpu.vector_store %arg12[%parallel_loop3A_1355, %parallel_loop3A_1356], %parallel_loop3A_1359 {add = true, strides = array<i32>} : memref<16x1024xf32, #tpu.memory_space<vmem>>, vector<1x16xf32>,
    } {sc.loop_unroll_factor = 8 : i64, sc.parallel_access}
    %add3A_1258 = arith.constant 112 : i32
    %add3A_1259 = arith.addi %mul3A_4, %add3A_1258 : i32
    %multiple_of3A_1260 = tpu.assume_multiple %add3A_1259, 8 : i32
    %dma_start3A_1261 = arith.constant 1 : i32
    %dma_start3A_1262 = arith.constant 0 : i32
    %dma_start3A_1263 = tpu.memref_slice %arg5[%dma_start3A_1261, %multiple_of3A_1260, %dma_start3A_1262] : memref<4x4096x1024xf32, #tpu.memory_space<hbm>> -> memref<1x16x1024xf32, #tpu.memory_space<hbm>>
    %dma_start3A_1264 = tpu.memref_squeeze %dma_start3A_1263 : memref<1x16x1024xf32, #tpu.memory_space<hbm>> -> memref<16x1024xf32, #tpu.memory_space<hbm>>
    %dma_start3A_1265 = arith.constant 0 : i32
    %dma_start3A_1266 = tpu.memref_slice %arg5[%dma_start3A_1261, %multiple_of3A_1260, %dma_start3A_1265] : memref<4x4096x1024xf32, #tpu.memory_space<hbm>> -> memref<1x16x1024xf32, #tpu.memory_space<hbm>>
    %dma_start3A_1267 = tpu.memref_squeeze %dma_start3A_1266 : memref<1x16x1024xf32, #tpu.memory_space<hbm>> -> memref<16x1024xf32, #tpu.memory_space<hbm>>
    tpu.enqueue_dma source(%arg12 : memref<16x1024xf32, #tpu.memory_space<vmem>>) target(%dma_start3A_1267 : memref<16x1024xf32, #tpu.memory_space<hbm>>) target_semaphore(%arg26 : memref<!tpu.dma_semaphore, #tpu.memory_space<semaphore_mem>>)
    %dma_wait3A_1268 = arith.constant 2 : i32
    %dma_wait3A_1269 = arith.constant 0 : i32
    %dma_wait3A_1270 = tpu.memref_slice %arg2[%dma_wait3A_1268, %multiple_of3A_1178, %dma_wait3A_1269] : memref<4x4096x1024xf32, #tpu.memory_space<hbm>> -> memref<1x16x1024xf32, #tpu.memory_space<hbm>>
    %dma_wait3A_1271 = tpu.memref_squeeze %dma_wait3A_1270 : memref<1x16x1024xf32, #tpu.memory_space<hbm>> -> memref<16x1024xf32, #tpu.memory_space<hbm>>
    %dma_wait3A_1272 = arith.constant 0 : i32
    %dma_wait3A_1273 = tpu.memref_slice %arg2[%dma_wait3A_1268, %multiple_of3A_1178, %dma_wait3A_1272] : memref<4x4096x1024xf32, #tpu.memory_space<hbm>> -> memref<1x16x1024xf32, #tpu.memory_space<hbm>>
    %dma_wait3A_1274 = tpu.memref_squeeze %dma_wait3A_1273 : memref<1x16x1024xf32, #tpu.memory_space<hbm>> -> memref<16x1024xf32, #tpu.memory_space<hbm>>
    tpu.wait_dma2 semaphore(%arg17 : memref<!tpu.dma_semaphore, #tpu.memory_space<semaphore_mem>>) src(%dma_wait3A_1274 : memref<16x1024xf32, #tpu.memory_space<hbm>>) dst(%arg8 : memref<16x1024xf32, #tpu.memory_space<vmem>>)
    %parallel_loop3A_1275 = arith.constant 0 : i32
    %parallel_loop3A_1276 = arith.constant 1024 : i32
    %parallel_loop3A_1277 = arith.constant 1 : i32
    scf.for %parallel_loop3A_1343 = %parallel_loop3A_1275 to %parallel_loop3A_1276 step %parallel_loop3A_1277  : i32 {
      %parallel_loop3A_1344 = arith.constant 6 : i32
      %parallel_loop3A_1345 = arith.shrui %parallel_loop3A_1343, %parallel_loop3A_1344 : i32
      %parallel_loop3A_1346 = arith.constant 64 : i32
      %parallel_loop3A_1347 = arith.muli %parallel_loop3A_1345, %parallel_loop3A_1346 : i32
      %parallel_loop3A_1348 = arith.subi %parallel_loop3A_1343, %parallel_loop3A_1347 : i32
      %parallel_loop3A_1349 = arith.constant 16 : i32
      %parallel_loop3A_1350 = arith.muli %parallel_loop3A_1348, %parallel_loop3A_1349 : i32
      %parallel_loop3A_1351 = arith.index_cast %parallel_loop3A_1345 : i32 to index
      %parallel_loop3A_1352 = arith.index_cast %parallel_loop3A_1350 : i32 to index
      %parallel_loop3A_1353 = tpu.vector_load %arg7[%parallel_loop3A_1351, %parallel_loop3A_1352] {strides = array<i32>} : memref<16x1024xf32, #tpu.memory_space<vmem>>, vector<1x16xf32>,
      %parallel_loop3A_1354 = vector.shape_cast %parallel_loop3A_1353 : vector<1x16xf32> to vector<16xf32>
      %parallel_loop3A_1355 = arith.index_cast %parallel_loop3A_1345 : i32 to index
      %parallel_loop3A_1356 = arith.index_cast %parallel_loop3A_1350 : i32 to index
      %parallel_loop3A_1357 = tpu.vector_load %arg8[%parallel_loop3A_1355, %parallel_loop3A_1356] {strides = array<i32>} : memref<16x1024xf32, #tpu.memory_space<vmem>>, vector<1x16xf32>,
      %parallel_loop3A_1358 = vector.shape_cast %parallel_loop3A_1357 : vector<1x16xf32> to vector<16xf32>
      %parallel_loop3A_1359 = vector.shape_cast %parallel_loop3A_1354 : vector<16xf32> to vector<1x16xf32>
      tpu.vector_store %arg8[%parallel_loop3A_1355, %parallel_loop3A_1356], %parallel_loop3A_1359 {add = true, strides = array<i32>} : memref<16x1024xf32, #tpu.memory_space<vmem>>, vector<1x16xf32>,
    } {sc.loop_unroll_factor = 8 : i64, sc.parallel_access}
    %add3A_1278 = arith.constant 112 : i32
    %add3A_1279 = arith.addi %mul3A_4, %add3A_1278 : i32
    %multiple_of3A_1280 = tpu.assume_multiple %add3A_1279, 8 : i32
    %dma_start3A_1281 = arith.constant 2 : i32
    %dma_start3A_1282 = arith.constant 0 : i32
    %dma_start3A_1283 = tpu.memref_slice %arg5[%dma_start3A_1281, %multiple_of3A_1280, %dma_start3A_1282] : memref<4x4096x1024xf32, #tpu.memory_space<hbm>> -> memref<1x16x1024xf32, #tpu.memory_space<hbm>>
    %dma_start3A_1284 = tpu.memref_squeeze %dma_start3A_1283 : memref<1x16x1024xf32, #tpu.memory_space<hbm>> -> memref<16x1024xf32, #tpu.memory_space<hbm>>
    %dma_start3A_1285 = arith.constant 0 : i32
    %dma_start3A_1286 = tpu.memref_slice %arg5[%dma_start3A_1281, %multiple_of3A_1280, %dma_start3A_1285] : memref<4x4096x1024xf32, #tpu.memory_space<hbm>> -> memref<1x16x1024xf32, #tpu.memory_space<hbm>>
    %dma_start3A_1287 = tpu.memref_squeeze %dma_start3A_1286 : memref<1x16x1024xf32, #tpu.memory_space<hbm>> -> memref<16x1024xf32, #tpu.memory_space<hbm>>
    tpu.enqueue_dma source(%arg8 : memref<16x1024xf32, #tpu.memory_space<vmem>>) target(%dma_start3A_1287 : memref<16x1024xf32, #tpu.memory_space<hbm>>) target_semaphore(%arg22 : memref<!tpu.dma_semaphore, #tpu.memory_space<semaphore_mem>>)
    %dma_wait3A_1288 = arith.constant 3 : i32
    %dma_wait3A_1289 = arith.constant 0 : i32
    %dma_wait3A_1290 = tpu.memref_slice %arg2[%dma_wait3A_1288, %multiple_of3A_1215, %dma_wait3A_1289] : memref<4x4096x1024xf32, #tpu.memory_space<hbm>> -> memref<1x16x1024xf32, #tpu.memory_space<hbm>>
    %dma_wait3A_1291 = tpu.memref_squeeze %dma_wait3A_1290 : memref<1x16x1024xf32, #tpu.memory_space<hbm>> -> memref<16x1024xf32, #tpu.memory_space<hbm>>
    %dma_wait3A_1292 = arith.constant 0 : i32
    %dma_wait3A_1293 = tpu.memref_slice %arg2[%dma_wait3A_1288, %multiple_of3A_1215, %dma_wait3A_1292] : memref<4x4096x1024xf32, #tpu.memory_space<hbm>> -> memref<1x16x1024xf32, #tpu.memory_space<hbm>>
    %dma_wait3A_1294 = tpu.memref_squeeze %dma_wait3A_1293 : memref<1x16x1024xf32, #tpu.memory_space<hbm>> -> memref<16x1024xf32, #tpu.memory_space<hbm>>
    tpu.wait_dma2 semaphore(%arg18 : memref<!tpu.dma_semaphore, #tpu.memory_space<semaphore_mem>>) src(%dma_wait3A_1294 : memref<16x1024xf32, #tpu.memory_space<hbm>>) dst(%arg9 : memref<16x1024xf32, #tpu.memory_space<vmem>>)
    %parallel_loop3A_1295 = arith.constant 0 : i32
    %parallel_loop3A_1296 = arith.constant 1024 : i32
    %parallel_loop3A_1297 = arith.constant 1 : i32
    scf.for %parallel_loop3A_1343 = %parallel_loop3A_1295 to %parallel_loop3A_1296 step %parallel_loop3A_1297  : i32 {
      %parallel_loop3A_1344 = arith.constant 6 : i32
      %parallel_loop3A_1345 = arith.shrui %parallel_loop3A_1343, %parallel_loop3A_1344 : i32
      %parallel_loop3A_1346 = arith.constant 64 : i32
      %parallel_loop3A_1347 = arith.muli %parallel_loop3A_1345, %parallel_loop3A_1346 : i32
      %parallel_loop3A_1348 = arith.subi %parallel_loop3A_1343, %parallel_loop3A_1347 : i32
      %parallel_loop3A_1349 = arith.constant 16 : i32
      %parallel_loop3A_1350 = arith.muli %parallel_loop3A_1348, %parallel_loop3A_1349 : i32
      %parallel_loop3A_1351 = arith.index_cast %parallel_loop3A_1345 : i32 to index
      %parallel_loop3A_1352 = arith.index_cast %parallel_loop3A_1350 : i32 to index
      %parallel_loop3A_1353 = tpu.vector_load %arg7[%parallel_loop3A_1351, %parallel_loop3A_1352] {strides = array<i32>} : memref<16x1024xf32, #tpu.memory_space<vmem>>, vector<1x16xf32>,
      %parallel_loop3A_1354 = vector.shape_cast %parallel_loop3A_1353 : vector<1x16xf32> to vector<16xf32>
      %parallel_loop3A_1355 = arith.index_cast %parallel_loop3A_1345 : i32 to index
      %parallel_loop3A_1356 = arith.index_cast %parallel_loop3A_1350 : i32 to index
      %parallel_loop3A_1357 = tpu.vector_load %arg9[%parallel_loop3A_1355, %parallel_loop3A_1356] {strides = array<i32>} : memref<16x1024xf32, #tpu.memory_space<vmem>>, vector<1x16xf32>,
      %parallel_loop3A_1358 = vector.shape_cast %parallel_loop3A_1357 : vector<1x16xf32> to vector<16xf32>
      %parallel_loop3A_1359 = vector.shape_cast %parallel_loop3A_1354 : vector<16xf32> to vector<1x16xf32>
      tpu.vector_store %arg9[%parallel_loop3A_1355, %parallel_loop3A_1356], %parallel_loop3A_1359 {add = true, strides = array<i32>} : memref<16x1024xf32, #tpu.memory_space<vmem>>, vector<1x16xf32>,
    } {sc.loop_unroll_factor = 8 : i64, sc.parallel_access}
    %add3A_1298 = arith.constant 112 : i32
    %add3A_1299 = arith.addi %mul3A_4, %add3A_1298 : i32
    %multiple_of3A_1300 = tpu.assume_multiple %add3A_1299, 8 : i32
    %dma_start3A_1301 = arith.constant 3 : i32
    %dma_start3A_1302 = arith.constant 0 : i32
    %dma_start3A_1303 = tpu.memref_slice %arg5[%dma_start3A_1301, %multiple_of3A_1300, %dma_start3A_1302] : memref<4x4096x1024xf32, #tpu.memory_space<hbm>> -> memref<1x16x1024xf32, #tpu.memory_space<hbm>>
    %dma_start3A_1304 = tpu.memref_squeeze %dma_start3A_1303 : memref<1x16x1024xf32, #tpu.memory_space<hbm>> -> memref<16x1024xf32, #tpu.memory_space<hbm>>
    %dma_start3A_1305 = arith.constant 0 : i32
    %dma_start3A_1306 = tpu.memref_slice %arg5[%dma_start3A_1301, %multiple_of3A_1300, %dma_start3A_1305] : memref<4x4096x1024xf32, #tpu.memory_space<hbm>> -> memref<1x16x1024xf32, #tpu.memory_space<hbm>>
    %dma_start3A_1307 = tpu.memref_squeeze %dma_start3A_1306 : memref<1x16x1024xf32, #tpu.memory_space<hbm>> -> memref<16x1024xf32, #tpu.memory_space<hbm>>
    tpu.enqueue_dma source(%arg9 : memref<16x1024xf32, #tpu.memory_space<vmem>>) target(%dma_start3A_1307 : memref<16x1024xf32, #tpu.memory_space<hbm>>) target_semaphore(%arg23 : memref<!tpu.dma_semaphore, #tpu.memory_space<semaphore_mem>>)
    %dma_wait3A_1308 = arith.constant 3 : i32
    %dma_wait3A_1309 = arith.constant 0 : i32
    %dma_wait3A_1310 = tpu.memref_slice %arg5[%dma_wait3A_1308, %multiple_of3A_1198, %dma_wait3A_1309] : memref<4x4096x1024xf32, #tpu.memory_space<hbm>> -> memref<1x16x1024xf32, #tpu.memory_space<hbm>>
    %dma_wait3A_1311 = tpu.memref_squeeze %dma_wait3A_1310 : memref<1x16x1024xf32, #tpu.memory_space<hbm>> -> memref<16x1024xf32, #tpu.memory_space<hbm>>
    %dma_wait3A_1312 = arith.constant 0 : i32
    %dma_wait3A_1313 = tpu.memref_slice %arg5[%dma_wait3A_1308, %multiple_of3A_1198, %dma_wait3A_1312] : memref<4x4096x1024xf32, #tpu.memory_space<hbm>> -> memref<1x16x1024xf32, #tpu.memory_space<hbm>>
    %dma_wait3A_1314 = tpu.memref_squeeze %dma_wait3A_1313 : memref<1x16x1024xf32, #tpu.memory_space<hbm>> -> memref<16x1024xf32, #tpu.memory_space<hbm>>
    tpu.wait_dma2 semaphore(%arg24 : memref<!tpu.dma_semaphore, #tpu.memory_space<semaphore_mem>>) src(%arg10 : memref<16x1024xf32, #tpu.memory_space<vmem>>) dst(%dma_wait3A_1314 : memref<16x1024xf32, #tpu.memory_space<hbm>>)
    %dma_wait3A_1315 = arith.constant 0 : i32
    %dma_wait3A_1316 = arith.constant 0 : i32
    %dma_wait3A_1317 = tpu.memref_slice %arg5[%dma_wait3A_1315, %multiple_of3A_1240, %dma_wait3A_1316] : memref<4x4096x1024xf32, #tpu.memory_space<hbm>> -> memref<1x16x1024xf32, #tpu.memory_space<hbm>>
    %dma_wait3A_1318 = tpu.memref_squeeze %dma_wait3A_1317 : memref<1x16x1024xf32, #tpu.memory_space<hbm>> -> memref<16x1024xf32, #tpu.memory_space<hbm>>
    %dma_wait3A_1319 = arith.constant 0 : i32
    %dma_wait3A_1320 = tpu.memref_slice %arg5[%dma_wait3A_1315, %multiple_of3A_1240, %dma_wait3A_1319] : memref<4x4096x1024xf32, #tpu.memory_space<hbm>> -> memref<1x16x1024xf32, #tpu.memory_space<hbm>>
    %dma_wait3A_1321 = tpu.memref_squeeze %dma_wait3A_1320 : memref<1x16x1024xf32, #tpu.memory_space<hbm>> -> memref<16x1024xf32, #tpu.memory_space<hbm>>
    tpu.wait_dma2 semaphore(%arg25 : memref<!tpu.dma_semaphore, #tpu.memory_space<semaphore_mem>>) src(%arg11 : memref<16x1024xf32, #tpu.memory_space<vmem>>) dst(%dma_wait3A_1321 : memref<16x1024xf32, #tpu.memory_space<hbm>>)
    %dma_wait3A_1322 = arith.constant 1 : i32
    %dma_wait3A_1323 = arith.constant 0 : i32
    %dma_wait3A_1324 = tpu.memref_slice %arg5[%dma_wait3A_1322, %multiple_of3A_1260, %dma_wait3A_1323] : memref<4x4096x1024xf32, #tpu.memory_space<hbm>> -> memref<1x16x1024xf32, #tpu.memory_space<hbm>>
    %dma_wait3A_1325 = tpu.memref_squeeze %dma_wait3A_1324 : memref<1x16x1024xf32, #tpu.memory_space<hbm>> -> memref<16x1024xf32, #tpu.memory_space<hbm>>
    %dma_wait3A_1326 = arith.constant 0 : i32
    %dma_wait3A_1327 = tpu.memref_slice %arg5[%dma_wait3A_1322, %multiple_of3A_1260, %dma_wait3A_1326] : memref<4x4096x1024xf32, #tpu.memory_space<hbm>> -> memref<1x16x1024xf32, #tpu.memory_space<hbm>>
    %dma_wait3A_1328 = tpu.memref_squeeze %dma_wait3A_1327 : memref<1x16x1024xf32, #tpu.memory_space<hbm>> -> memref<16x1024xf32, #tpu.memory_space<hbm>>
    tpu.wait_dma2 semaphore(%arg26 : memref<!tpu.dma_semaphore, #tpu.memory_space<semaphore_mem>>) src(%arg12 : memref<16x1024xf32, #tpu.memory_space<vmem>>) dst(%dma_wait3A_1328 : memref<16x1024xf32, #tpu.memory_space<hbm>>)
    %dma_wait3A_1329 = arith.constant 2 : i32
    %dma_wait3A_1330 = arith.constant 0 : i32
    %dma_wait3A_1331 = tpu.memref_slice %arg5[%dma_wait3A_1329, %multiple_of3A_1280, %dma_wait3A_1330] : memref<4x4096x1024xf32, #tpu.memory_space<hbm>> -> memref<1x16x1024xf32, #tpu.memory_space<hbm>>
    %dma_wait3A_1332 = tpu.memref_squeeze %dma_wait3A_1331 : memref<1x16x1024xf32, #tpu.memory_space<hbm>> -> memref<16x1024xf32, #tpu.memory_space<hbm>>
    %dma_wait3A_1333 = arith.constant 0 : i32
    %dma_wait3A_1334 = tpu.memref_slice %arg5[%dma_wait3A_1329, %multiple_of3A_1280, %dma_wait3A_1333] : memref<4x4096x1024xf32, #tpu.memory_space<hbm>> -> memref<1x16x1024xf32, #tpu.memory_space<hbm>>
    %dma_wait3A_1335 = tpu.memref_squeeze %dma_wait3A_1334 : memref<1x16x1024xf32, #tpu.memory_space<hbm>> -> memref<16x1024xf32, #tpu.memory_space<hbm>>
    tpu.wait_dma2 semaphore(%arg22 : memref<!tpu.dma_semaphore, #tpu.memory_space<semaphore_mem>>) src(%arg8 : memref<16x1024xf32, #tpu.memory_space<vmem>>) dst(%dma_wait3A_1335 : memref<16x1024xf32, #tpu.memory_space<hbm>>)
    %dma_wait3A_1336 = arith.constant 3 : i32
    %dma_wait3A_1337 = arith.constant 0 : i32
    %dma_wait3A_1338 = tpu.memref_slice %arg5[%dma_wait3A_1336, %multiple_of3A_1300, %dma_wait3A_1337] : memref<4x4096x1024xf32, #tpu.memory_space<hbm>> -> memref<1x16x1024xf32, #tpu.memory_space<hbm>>
    %dma_wait3A_1339 = tpu.memref_squeeze %dma_wait3A_1338 : memref<1x16x1024xf32, #tpu.memory_space<hbm>> -> memref<16x1024xf32, #tpu.memory_space<hbm>>
    %dma_wait3A_1340 = arith.constant 0 : i32
    %dma_wait3A_1341 = tpu.memref_slice %arg5[%dma_wait3A_1336, %multiple_of3A_1300, %dma_wait3A_1340] : memref<4x4096x1024xf32, #tpu.memory_space<hbm>> -> memref<1x16x1024xf32, #tpu.memory_space<hbm>>
    %dma_wait3A_1342 = tpu.memref_squeeze %dma_wait3A_1341 : memref<1x16x1024xf32, #tpu.memory_space<hbm>> -> memref<16x1024xf32, #tpu.memory_space<hbm>>
    tpu.wait_dma2 semaphore(%arg23 : memref<!tpu.dma_semaphore, #tpu.memory_space<semaphore_mem>>) src(%arg9 : memref<16x1024xf32, #tpu.memory_space<vmem>>) dst(%dma_wait3A_1342 : memref<16x1024xf32, #tpu.memory_space<hbm>>)
    return
  }
}

</mosaic_0001>

<sc_bundles>
// kernel: kernel.3.cloned.1.call-start
scs
__scs_entry_jumppad:
0x0: {  	(pc) =	sbr.rel $0x88, $3  }
0x1: {  	(tag) =	ssettag $0x0;
	lr =	simm.s32 $0x1  }
0x2: {  	[smem:$0x3F9E] =	sst lr;
	_ =	strace $0xD0000000  }
0x3: {  	_ = 	snop  }
0x4: {  	_ = 	snop  }
0x5: {  	_ = 	snop  }
0x6: {  	_ = 	snop  }
0x7: {  	_ = 	snop  }
__scs_overlays_trampoline_lowered:
0x8: {  	[smem:$0x3FAD] =	sst s0  }
0x9: {  	[smem:$0x3FAE] =	sst s1  }
0xa: {  	[smem:$0x3FAF] =	sst s2  }
0xb: {  	[smem:$0x3FB0] =	sst s3  }
0xc: {  	[smem:$0x3FB1] =	sst s4  }
0xd: {  	[smem:$0x3FB2] =	sst s5  }
0xe: {  	[smem:$0x3FB3] =	sst s6  }
0xf: {  	[smem:$0x3FB4] =	sst s7  }
0x10: {  	[smem:$0x3FB5] =	sst s8  }
0x11: {  	[smem:$0x3FB6] =	sst s9;
	s0 =	simm.s32 @!p0 $0x0  }
0x12: {  	s1 =	sld [smem:$0x3F9C];
	s0 =	simm.s32 @p0 $0x1  }
0x13: {  	[smem:$0x3FB7] =	sst s0;
	s0 =	simm.s32 @!p1 $0x0  }
0x14: {  	s2 =	sld [smem:$0x3F9B];
	s0 =	simm.s32 @p1 $0x1  }
0x15: {  	[smem:$0x3FB8] =	sst s0;
	s0 =	simm.s32 @!p2 $0x0  }
0x16: {  	s3 =	sld [smem:$0x3FDB];
	s0 =	simm.s32 @p2 $0x1  }
0x17: {  	s4 =	simm.s32 $0x1BF5;
	[smem:$0x3FBA] =	sst s0  }
0x18: {  	s0 =	sld [smem:$0x3F9D];
	_ =	swait.ge [sflag:s4], $0x0  }
0x19: {  	s7 =	sld [smem:$0x3F9E]  }
0x1a: {  	s8 =	sadd.s32 $0xFFFFE003, lr  }
0x1b: {  	s9 =	sadd.s32 $0xFFFFFEF7, lr;
	s5 =	simm.s32 $0xFFFFFFFF;
	p2 =	slt.u32 s8, $0xFFFFF086  }
0x1c: {  	p1 =	slt.u32 s9, $0xF7A;
	s5 =	simm.s32 @!p2 $0x0  }
0x1d: {  	s5 =	simm.s32 @p1 $0x1;
	p0 =	seq.s32 s7, s2  }
0x1e: {  	s7 =	smul.u32 @!p0 $0xF7A, s2;
	p2 =	seq.s32 @!p0 s5, $0x0  }
0x1f: {  	s9 =	smul.u32 $0xF7A, s1;
	s8 =	simm.s32 @!p0 $0x1BF5;
	p2 =	por !p2, p0  }
0x20: {  	[sflag:s8] =	ssyncset.s32 @!p0 $0xFFFFF086;
	s6 =	sadd.s32 @!p0 s3, s7;
	s7 =	simm.s32 @!p0 $0x108  }
0x21: {  	s3 =	sadd.s32 s3, s9;
	s6 =	sadd.s32 @!p0 $0x88, s6;
	s7 =	simm.s32 @p2 $0x1082  }
0x22: {  	[simem:s7], [sflag:s8] =	dma.local @!p0 [hbm:s6], $0xF7A  }
0x23: {  	s9 =	sor.u32 $0xD0000000, s2;
	s6 =	simm.s32 $0x108;
	_ =	swait.ge @!p0 [sflag:s8], $0x0  }
0x24: {  	s3 =	sadd.s32 $0x88, s3;
	s6 =	simm.s32 @!p1 $0x1082;
	[sflag:s4] =	ssyncset.s32 $0xFFFFF086  }
0x25: {  	[simem:s6], [sflag:s4] =	dma.local [hbm:s3], $0xF7A  }
0x26: {  	[smem:$0x3F9E] =	sst s1;
	(tag) =	ssettag s2;
	_ =	strace s9  }
0x27: {  	s1 =	sld [smem:$0x3FAE]  }
0x28: {  	s2 =	sld [smem:$0x3FAF]  }
0x29: {  	s4 =	sld [smem:$0x3FB1]  }
0x2a: {  	p0 =	seq.s32 s5, $0x0;
	s5 =	sld [smem:$0x3FB2]  }
0x2b: {  	s6 =	sld [smem:$0x3FB3]  }
0x2c: {  	s7 =	sld [smem:$0x3FB4]  }
0x2d: {  	s3 =	simm.s32 $0x108;
	s8 =	sld [smem:$0x3FB5]  }
0x2e: {  	s3 =	simm.s32 @!p0 $0x1082;
	s9 =	sld [smem:$0x3FB6]  }
0x2f: {  	lr =	sadd.s32 s0, s3;
	s0 =	sld [smem:$0x3FAD]  }
0x30: {  	s3 =	sld [smem:$0x3FB0]  }
0x31: {  	[smem:$0x3FB9] =	sst s10  }
0x32: {  	s10 =	sld [smem:$0x3FB7];
	_ =	sdelay $0x3  }
0x33: {  	p0 =	seq.s32 s10, $0x1;
	s10 =	sld [smem:$0x3FB9];
	_ =	sdelay $0x3  }
0x34: {  	[smem:$0x3FB9] =	sst s10  }
0x35: {  	s10 =	sld [smem:$0x3FB8];
	_ =	sdelay $0x3  }
0x36: {  	p1 =	seq.s32 s10, $0x1;
	s10 =	sld [smem:$0x3FB9];
	_ =	sdelay $0x3  }
0x37: {  	[smem:$0x3FB9] =	sst s10  }
0x38: {  	s10 =	sld [smem:$0x3FBA]  }
0x39: {  	_ = 	snop;
	(pc) =	sbr.ind lr, $3  }
0x3a: {  	_ = 	snop  }
0x3b: {  	_ = 	snop  }
0x3c: {  	p2 =	seq.s32 s10, $0x1;
	s10 =	sld [smem:$0x3FB9]  }
0x3d: {  	_ =	shalt  }
0x3e: {  	_ =	shalt  }
0x3f: {  	_ =	shalt  }
0x40: {  	_ =	shalt  }
0x41: {  	_ =	shalt  }
0x42: {  	_ =	shalt  }
0x43: {  	_ =	shalt  }
0x44: {  	_ =	shalt  }
0x45: {  	_ =	shalt  }
0x46: {  	_ =	shalt  }
0x47: {  	_ =	shalt  }
0x48: {  	_ =	shalt  }
0x49: {  	_ =	shalt  }
0x4a: {  	_ =	shalt  }
0x4b: {  	_ =	shalt  }
0x4c: {  	_ =	shalt  }
0x4d: {  	_ =	shalt  }
0x4e: {  	_ =	shalt  }
0x4f: {  	_ =	shalt  }
0x50: {  	_ =	shalt  }
0x51: {  	_ =	shalt  }
0x52: {  	_ =	shalt  }
0x53: {  	_ =	shalt  }
0x54: {  	_ =	shalt  }
0x55: {  	_ =	shalt  }
0x56: {  	_ =	shalt  }
0x57: {  	_ =	shalt  }
0x58: {  	_ =	shalt  }
0x59: {  	_ =	shalt  }
0x5a: {  	_ =	shalt  }
0x5b: {  	_ =	shalt  }
0x5c: {  	_ =	shalt  }
0x5d: {  	_ =	shalt  }
0x5e: {  	_ =	shalt  }
0x5f: {  	_ =	shalt  }
0x60: {  	_ =	shalt  }
0x61: {  	_ =	shalt  }
0x62: {  	_ =	shalt  }
0x63: {  	_ =	shalt  }
0x64: {  	_ =	shalt  }
0x65: {  	_ =	shalt  }
0x66: {  	_ =	shalt  }
0x67: {  	_ =	shalt  }
0x68: {  	_ =	shalt  }
0x69: {  	_ =	shalt  }
0x6a: {  	_ =	shalt  }
0x6b: {  	_ =	shalt  }
0x6c: {  	_ =	shalt  }
0x6d: {  	_ =	shalt  }
0x6e: {  	_ =	shalt  }
0x6f: {  	_ =	shalt  }
0x70: {  	_ =	shalt  }
0x71: {  	_ =	shalt  }
0x72: {  	_ =	shalt  }
0x73: {  	_ =	shalt  }
0x74: {  	_ =	shalt  }
0x75: {  	_ =	shalt  }
0x76: {  	_ =	shalt  }
0x77: {  	_ =	shalt  }
0x78: {  	_ =	shalt  }
0x79: {  	_ =	shalt  }
0x7a: {  	_ =	shalt  }
0x7b: {  	_ =	shalt  }
0x7c: {  	_ =	shalt  }
0x7d: {  	_ =	shalt  }
0x7e: {  	_ =	shalt  }
0x7f: {  	_ =	shalt  }
0x80: {  	_ =	shalt  }
0x81: {  	_ =	shalt  }
0x82: {  	_ =	shalt  }
0x83: {  	_ =	shalt  }
0x84: {  	_ =	shalt  }
0x85: {  	_ =	shalt  }
0x86: {  	_ =	shalt  }
0x87: {  	_ =	shalt  }
.Lfunc_end0:
.L_simem_size_0:
called_computation_lowered:
.L_overlay_start_0:
0x88: {  	s2 =	sld [smem:$0x3FD9]  }
0x89: {  	s3 =	sld [smem:$0x3FFE];
	_ =	sdelay $0x1  }
0x8a: {  	s1 =	srdreg.scid  }
0x8b: {  	s0 =	sand.u32 $0x1, s1  }
0x8c: {  	s17 =	sshll.u32 s0, $0xA;
	s2 =	sadd.s32 s3, s2  }
0x8d: {  	s2 =	sadd.s32 s2, s17  }
0x8e: {  	[smem:$0x3FC5] =	sst s2  }
0x8f: {  	_ = 	snop  }
0x90: {  	s2 =	sld [smem:$0x3FC9]  }
0x91: {  	s18 =	sld [smem:$0x3FC8]  }
0x92: {  	s4 =	sld [smem:$0x3FD0];
	(tm) =	ssettm $0x1  }
0x93: {  	s5 =	sld [smem:$0x3FFB];
	_ =	sdelay $0x3  }
0x94: {  	_ =	strace s5  }
0x95: {  	s5 =	sld [smem:$0x3FFC];
	_ =	sdelay $0x3  }
0x96: {  	_ =	strace s5  }
0x97: {  	s5 =	sld [smem:$0x3FFD];
	_ =	sdelay $0x3  }
0x98: {  	_ =	strace s5  }
0x99: {  	_ =	strace $0x8FFFFFFF  }
0x9a: {  	s19 =	sld [smem:$0x3FDB];
	_ =	sdelay $0x1  }
0x9b: {  	s6 =	simm.s32 $_scs_section_size  }
0x9c: {  	s7 =	simm.s32 $_size__tile_overlayer_lowered;
	s8 =	simm.s32 $_tile_overlayer_lowered  }
0x9d: {  	s22 =	simm.s32 $0x1BFF;
	s21 =	sshll.u32 s8, $0x1;
	s5 =	sadd.s32 s6, s19  }
0x9e: {  	s9 =	simm.s32 $0x0;
	s20 =	sshll.u32 s7, $0x1;
	s7 =	sadd.s32 s21, s5  }
0x9f: {  	[timem:s9], [sflag:s22] =	dma.local [hbm:s7], s20  }
0xa0: {  	_ =	swait.ge [sflag:s22], s20  }
0xa1: {  	s6 =	ssub.s32 $0x0, s20;
	[sflag:s22] =	ssyncset.done $0x0  }
0xa2: {  	[sflag:s22] =	ssyncadd.s32 s6;
	_ =	sdelay $0x1  }
0xa3: {  	s23 =	simm.s32 $0x1B8B  }
0xa4: {  	_ =	swait.ge [sflag:s23], $0x1  }
0xa5: {  	[sflag:s23] =	ssyncset.done $0x0  }
0xa6: {  	s25 =	simm.s32 $0x1B8E;
	s24 =	sld [smem:$0x3FFE];
	[sflag:s23] =	ssyncadd.s32 $0xFFFFFFFF  }
0xa7: {  	s26 =	simm.s32 $execute0_lowered;
	[smem:$0x3FD2] =	sst s25  }
0xa8: {  	s7 =	sshll.u32 s26, $0x1;
	_ =	strace $0x80000046;
	[dreg:$0x1] =	wrdreg $0xFFFFFFFF  }
0xa9: {  	s28 =	simm.s32 $_size_execute0_lowered;
	s5 =	sadd.s32 s5, s7;
	[dreg:$0x0] =	wrdreg $0x0  }
0xaa: {  	s7 =	sshll.u32 s28, $0x1;
	[dreg:$0x2] =	wrdreg s5  }
0xab: {  	[dreg:$0x3] =	wrdreg s7  }
0xac: {  	[dreg:$0x4] =	wrdreg $0xC0  }
0xad: {  	_ =	task [dreg:s9], $0x5FFFF  }
0xae: {  	[dreg:$0x1] =	wrdreg $0xFFFFFFFF  }
0xaf: {  	[dreg:$0x0] =	wrdreg $0x60  }
0xb0: {  	[dreg:$0x2] =	wrdreg s2  }
0xb1: {  	[dreg:$0x3] =	wrdreg s18  }
0xb2: {  	[dreg:$0x4] =	wrdreg s24  }
0xb3: {  	[dreg:$0x5] =	wrdreg s4  }
0xb4: {  	[dreg:$0x6] =	wrdreg $0x9  }
0xb5: {  	_ =	task.clear_ibuf [dreg:s9], $0x7FFFF;
	_ =	strace $0x90000046  }
0xb6: {  	s29 =	simm.s32 $0x9;
	_ =	strace $0x80000048  }
0xb7: {  	_ =	swait.ge [sflag:s29], $0x1  }
0xb8: {  	[sflag:s29] =	ssyncadd.s32 $0xFFFFFFFF  }
0xb9: {  	_ =	strace $0x90000048  }
0xba: {  	_ =	sfence  }
0xbb: {  	s30 =	sld [smem:$0x0];
	_ =	sdelay $0x2  }
0xbc: {  	s31 =	sshll.u32 s1, $0xD;
	s1 =	sshrl.u32 s1, $0x2  }
0xbd: {  	s3 =	sand.u32 $0x4000, s31;
	s1 =	sadd.s32 s1, s30  }
0xbe: {  	s0 =	sor.u32 s3, s0;
	s1 =	sshll.u32 s1, $0x11  }
0xbf: {  	s0 =	sor.u32 s1, s0  }
0xc0: {  	s0 =	sadd.s32 $0x8F2B, s0  }
0xc1: {  	[sflag:s0] =	ssyncadd.remote.s32 $0x1  }
0xc2: {  	_ =	sfence.sel $0xFFFF  }
0xc3: {  	[dreg:$0x0] =	wrdreg $0xFFFFFFFF;
	(pc) =	sbr.abs _section_cstart, $3  }
0xc4: {  	[dreg:$0x1] =	wrdreg $0xFFFFFFFF  }
0xc5: {  	_ =	task.clear_ibuf [dreg:s9], $0x2FFFF;
	_ =	strace $0x9FFFFFFF  }
0xc6: {  	(tm) =	ssettm $0x7FFFFFFF  }
0xc7: {  	_ =	shalt  }
tec
execute0_lowered:
.L_overlay_start_1:
0x0: {  	(tag) =	ssettag $0x1  }
0x1: {  	s0 =	srdreg.scid  }
0x2: {  	s3 =	stileid.u32;
	s1 =	rddreg [dreg:$0x0];
	s2 =	sand.u32 $0x1, s0  }
0x3: {  	s31 =	rddreg [dreg:$0x1];
	s3 =	sshll.u32 s3, $0x8;
	s4 =	sshll.u32 s2, $0x7  }
0x4: {  	s0 =	rddreg [dreg:$0x3];
	s4 =	sor.u32 s4, s3  }
0x5: {  	s5 =	ssub.s32 $0x2, s2;
	[dreg:$0x5] =	wrdreg s4;
	s4 =	sshll.u32 s4, $0x7  }
0x6: {  	s2 =	simm.s32 $0x0;
	s26 =	sshrl.u32 s5, $0x1;
	s28 =	sor.u32 $0x80000, s4  }
0x7: {  	[smem:$0x7FF] =	sst s2;
	s30 =	sor.u32 $0x100000, s4;
	s6 =	sadd.s32 s1, s28  }
0x8: {  	s7 =	sor.u32 $0x180000, s4;
	s8 =	sadd.s32 s1, s30;
	[dreg:$0x6] =	wrdreg s6  }
0x9: {  	s3 =	ssub.s32 s5, s26;
	s9 =	sadd.s32 s1, s7;
	[dreg:$0x7] =	wrdreg s8  }
0xa: {  	s11 =	sor.u32 $0x80800, s4;
	s5 =	sadd.s32 s0, s28;
	[dreg:$0x8] =	wrdreg s9  }
0xb: {  	s13 =	sor.u32 $0x100800, s4;
	s12 =	sadd.s32 s1, s11;
	[dreg:$0xa] =	wrdreg s5  }
0xc: {  	s14 =	sadd.s32 s1, s13;
	[dreg:$0xb] =	wrdreg s12  }
0xd: {  	s15 =	sor.u32 $0x180800, s4;
	s7 =	sadd.s32 s0, s7;
	[dreg:$0xd] =	wrdreg s14  }
0xe: {  	s17 =	sor.u32 $0x1000, s4;
	s16 =	sadd.s32 s1, s15;
	[dreg:$0xe] =	wrdreg s7  }
0xf: {  	s19 =	sor.u32 $0x81000, s4;
	s18 =	sadd.s32 s1, s17;
	[dreg:$0xf] =	wrdreg s16  }
0x10: {  	s20 =	sadd.s32 s1, s19;
	[dreg:$0x11] =	wrdreg s18  }
0x11: {  	s21 =	sor.u32 $0x101000, s4;
	s22 =	sadd.s32 s0, s17;
	[dreg:$0x13] =	wrdreg s20  }
0x12: {  	s23 =	sadd.s32 s1, s21;
	[dreg:$0x16] =	wrdreg s22  }
0x13: {  	s25 =	sor.u32 $0x181000, s4;
	s24 =	sadd.s32 s0, s21;
	[dreg:$0x18] =	wrdreg s23  }
0x14: {  	s10 =	sor.u32 $0x800, s4;
	s26 =	sadd.s32 s1, s25;
	[dreg:$0x19] =	wrdreg s24  }
0x15: {  	s9 =	sadd.s32 s1, s10;
	[dreg:$0x1a] =	wrdreg s26  }
0x16: {  	s6 =	sadd.s32 s0, s30;
	[dreg:$0x9] =	wrdreg s9  }
0x17: {  	s8 =	sadd.s32 s0, s10;
	[dreg:$0xc] =	wrdreg s6  }
0x18: {  	s5 =	sadd.s32 s0, s11;
	[dreg:$0x10] =	wrdreg s8  }
0x19: {  	s28 =	sor.u32 $0x1800, s4;
	s7 =	sadd.s32 s0, s15;
	[dreg:$0x12] =	wrdreg s5  }
0x1a: {  	s17 =	sor.u32 $0x102000, s4;
	s30 =	sadd.s32 s1, s28;
	[dreg:$0x15] =	wrdreg s7  }
0x1b: {  	s21 =	sor.u32 $0x2800, s4;
	s18 =	sadd.s32 s1, s17;
	[dreg:$0x1c] =	wrdreg s30  }
0x1c: {  	s22 =	sadd.s32 s1, s21;
	[smem:$0x7DE] =	sst s18  }
0x1d: {  	s6 =	sadd.s32 s0, s13;
	[smem:$0x7E2] =	sst s22  }
0x1e: {  	s11 =	sor.u32 $0x181800, s4;
	s5 =	sadd.s32 s0, s19;
	[dreg:$0x14] =	wrdreg s6  }
0x1f: {  	s15 =	sor.u32 $0x82000, s4;
	s12 =	sadd.s32 s1, s11;
	[dreg:$0x17] =	wrdreg s5  }
0x20: {  	s23 =	sor.u32 $0x82800, s4;
	s16 =	sadd.s32 s1, s15;
	[smem:$0x7D8] =	sst s12  }
0x21: {  	s24 =	sadd.s32 s1, s23;
	[smem:$0x7DC] =	sst s16  }
0x22: {  	[smem:$0x7E4] =	sst s24  }
0x23: {  	s7 =	sor.u32 $0x81800, s4;
	s5 =	sadd.s32 s0, s25;
	s24 =	rddreg [dreg:$0x2]  }
0x24: {  	s9 =	sor.u32 $0x101800, s4;
	s8 =	sadd.s32 s1, s7;
	[dreg:$0x1b] =	wrdreg s5  }
0x25: {  	s13 =	sor.u32 $0x2000, s4;
	s10 =	sadd.s32 s1, s9;
	[dreg:$0x1e] =	wrdreg s8  }
0x26: {  	s19 =	sor.u32 $0x182000, s4;
	s14 =	sadd.s32 s1, s13;
	[smem:$0x7D6] =	sst s10  }
0x27: {  	s20 =	sadd.s32 s1, s19;
	[smem:$0x7DA] =	sst s14  }
0x28: {  	s16 =	sadd.s32 s0, s4;
	[smem:$0x7E0] =	sst s20  }
0x29: {  	s25 =	sor.u32 $0x102800, s4;
	s5 =	sadd.s32 s0, s28;
	[smem:$0x7F3] =	sst s16  }
0x2a: {  	s26 =	sadd.s32 s1, s25;
	[dreg:$0x1d] =	wrdreg s5  }
0x2b: {  	s28 =	sor.u32 $0x182800, s4;
	s5 =	sadd.s32 s0, s7;
	[smem:$0x7E6] =	sst s26  }
0x2c: {  	s30 =	sadd.s32 s1, s28;
	[dreg:$0x1f] =	wrdreg s5  }
0x2d: {  	s7 =	sor.u32 $0x3000, s4;
	s5 =	sadd.s32 s0, s9;
	[smem:$0x7E8] =	sst s30  }
0x2e: {  	s8 =	sadd.s32 s1, s7;
	[smem:$0x7D7] =	sst s5  }
0x2f: {  	s9 =	sor.u32 $0x83000, s4;
	s5 =	sadd.s32 s0, s11;
	[smem:$0x7EA] =	sst s8  }
0x30: {  	s10 =	sadd.s32 s1, s9;
	[smem:$0x7D9] =	sst s5  }
0x31: {  	s11 =	sor.u32 $0x103000, s4;
	s5 =	sadd.s32 s0, s13;
	[smem:$0x7EC] =	sst s10  }
0x32: {  	s12 =	sadd.s32 s1, s11;
	[smem:$0x7DB] =	sst s5  }
0x33: {  	s13 =	sor.u32 $0x183000, s4;
	s5 =	sadd.s32 s0, s15;
	[smem:$0x7EE] =	sst s12  }
0x34: {  	s14 =	sadd.s32 s1, s13;
	[smem:$0x7DD] =	sst s5  }
0x35: {  	s15 =	sadd.s32 s1, s4;
	[smem:$0x7F0] =	sst s14  }
0x36: {  	s5 =	sadd.s32 s0, s17;
	[smem:$0x7F2] =	sst s15  }
0x37: {  	s17 =	sor.u32 $0x3800, s4;
	[smem:$0x7DF] =	sst s5;
	s5 =	sadd.s32 s0, s19  }
0x38: {  	s29 =	simm.s32 $0x3;
	s20 =	sadd.s32 s1, s17;
	[smem:$0x7E1] =	sst s5  }
0x39: {  	s18 =	sor.u32 $0x83800, s4;
	s5 =	sadd.s32 s0, s21;
	[smem:$0x7F4] =	sst s20  }
0x3a: {  	s19 =	sor.u32 $0x103800, s4;
	s21 =	sadd.s32 s1, s18;
	[smem:$0x7E3] =	sst s5  }
0x3b: {  	s4 =	sor.u32 $0x183800, s4;
	s22 =	sadd.s32 s1, s19;
	[smem:$0x7F5] =	sst s21  }
0x3c: {  	s16 =	simm.s32 $0x6;
	s1 =	sadd.s32 s1, s4;
	[smem:$0x7F6] =	sst s22  }
0x3d: {  	s30 =	smax.u32 s3, $0x1;
	s26 =	sadd.s32 s0, s19;
	[smem:$0x7F7] =	sst s1  }
0x3e: {  	s10 =	simm.s32 $0x8;
	s5 =	sadd.s32 s0, s23;
	[smem:$0x7FA] =	sst s26  }
0x3f: {  	s12 =	sadd.s32 $0x100, s31;
	s23 =	sadd.s32 s0, s17;
	[smem:$0x7E5] =	sst s5  }
0x40: {  	s14 =	sadd.s32 $0x300, s31;
	s5 =	sadd.s32 s0, s25;
	[smem:$0x7F8] =	sst s23  }
0x41: {  	s15 =	simm.s32 $0x9;
	s25 =	sadd.s32 s0, s18;
	[smem:$0x7E7] =	sst s5  }
0x42: {  	s19 =	simm.s32 $0x7;
	s5 =	sadd.s32 s0, s28;
	[smem:$0x7F9] =	sst s25  }
0x43: {  	s20 =	simm.s32 $0xB;
	[smem:$0x7E9] =	sst s5;
	s5 =	sadd.s32 s0, s7  }
0x44: {  	s17 =	simm.s32 $0xA;
	[smem:$0x7EB] =	sst s5;
	s5 =	sadd.s32 s0, s9  }
0x45: {  	s21 =	simm.s32 $0xC;
	[smem:$0x7ED] =	sst s5;
	s5 =	sadd.s32 s0, s11  }
0x46: {  	s22 =	simm.s32 $0x0;
	[smem:$0x7EF] =	sst s5;
	s5 =	sadd.s32 s0, s13  }
0x47: {  	s23 =	simm.s32 $0x8000;
	s0 =	sadd.s32 s0, s4;
	[smem:$0x7F1] =	sst s5  }
0x48: {  	v0 =	vlaneseq.u32;
	s28 =	sadd.s32 $0x400, s24;
	s24 =	simm.s32 $0xC000;
	[smem:$0x7FB] =	sst s0  }
0x49: {  	vm0 =	vmmov $0xffff;
	v2 =	vshrl.u32 v0, $0x3;
	s9 =	simm.s32 $0x4;
	_ =	strace $0x80000047;
	[smem:$0x7FC] =	sst s28  }
0x4a: {  	v1 =	vand.u32 $0x7, v0;
	v3 =	vor.u32 $0x8, v0;
	v2 =	vmul.u32 $0x8, v2;
	s11 =	simm.s32 $0x5;
	s13 =	sadd.s32 $0x200, s31;
	[smem:$0x7FD] =	sst s30  }
.LBB2_1:
0x4b: {  	s0 =	sld [smem:$0x7FC];
	_ =	sdelay $0x1  }
0x4c: {  	s1 =	simm.s32 $0x1C080;
	s7 =	simm.s32 $0xD  }
0x4d: {  	[tilespmem:s1], [sflag:$0xD] =	stream.linear.gather [hbm4b:s0+s2], $0x80, $0x38;
	[tilespmem:$0x1C100] =	vst v63  }
0x4e: {  	_ =	swait.ge [sflag:s7], $0x80  }
0x4f: {  	[sflag:s7] =	ssyncset.done $0x0  }
0x50: {  	[sflag:s7] =	ssyncadd.s32 $0xFFFFFF80  }
0x51: {  	v4 =	vld [tilespmem:$0x1C080];
	_ =	sdelay $0x4  }
0x52: {  	(v2sf) =	vpush v4, $0x0;
	_ =	sdelay $0xe  }
0x53: {  	s18 =	rddreg [dreg:$0x5];
	s8 =	spop (v2sf)  }
0x54: {  	s0 =	sadd.s32 s18, s8  }
0x55: {  	v4 =	vadd.s32 s0, v0  }
0x56: {  	v5 =	vshll.u32 v4, $0x3  }
0x57: {  	s3 =	sadd.s32 $0x10, s0;
	v6 =	vand.u32 $0x7, v4;
	v5 =	vand.u32 $0xFFFFFFC0, v5  }
0x58: {  	s25 =	sadd.s32 $0x20, s0;
	[tilespmem:$0x1C000] =	vst v4;
	v4 =	vadd.s32 s3, v0;
	v5 =	vor.u32 v6, v5  }
0x59: {  	s26 =	sadd.s32 $0x30, s0;
	[tilespmem:$0x1C010] =	vst v4;
	v4 =	vadd.s32 s25, v0;
	v6 =	vperm.xlane v5, v1  }
0x5a: {  	s28 =	sadd.s32 $0x40, s0;
	[tilespmem:$0x1C020] =	vst v4;
	v4 =	vadd.s32 s26, v0  }
0x5b: {  	s1 =	sadd.s32 $0x50, s0;
	[tilespmem:$0x1C030] =	vst v4;
	v4 =	vadd.s32 s28, v0;
	v6 =	vadd.s32 v2, v6  }
0x5c: {  	s4 =	sadd.s32 $0x60, s0;
	[tilespmem:$0x1C040] =	vst v4;
	v4 =	vadd.s32 s1, v0  }
0x5d: {  	s0 =	sadd.s32 $0x70, s0;
	[tilespmem:$0x1C050] =	vst v4;
	v4 =	vadd.s32 s4, v0  }
0x5e: {  	[tilespmem:$0x1C060] =	vst v4;
	v4 =	vadd.s32 s0, v0  }
0x5f: {  	[tilespmem:$0x1C070] =	vst v4  }
0x60: {  	[tilespmem:s2], [sflag:$0x1] =	stream.indirect_vreg.gather [hbm4b:s31+s2], $0x80, v6, vm0, $0xb8;
	[tilespmem:$0x1C100] =	vst v63  }
0x61: {  	s5 =	simm.s32 $0x800;
	v4 =	vperm.xlane v5, v3  }
0x62: {  	[tilespmem:s5], [sflag:$0x1] =	stream.indirect_vreg.gather [hbm4b:s12+s2], $0x80, v6, vm0, $0xb8;
	[tilespmem:$0x1C100] =	vst v63  }
0x63: {  	s6 =	simm.s32 $0x1000;
	v4 =	vadd.s32 v2, v4  }
0x64: {  	[tilespmem:s6], [sflag:$0x1] =	stream.indirect_vreg.gather [hbm4b:s13+s2], $0x80, v6, vm0, $0xb8;
	[tilespmem:$0x1C100] =	vst v63  }
0x65: {  	s7 =	simm.s32 $0x1800  }
0x66: {  	[tilespmem:s7], [sflag:$0x1] =	stream.indirect_vreg.gather [hbm4b:s14+s2], $0x80, v6, vm0, $0xb8;
	[tilespmem:$0x1C100] =	vst v63  }
0x67: {  	s8 =	simm.s32 $0x2000  }
0x68: {  	[tilespmem:s8], [sflag:$0x1] =	stream.indirect_vreg.gather [hbm4b:s31+s2], $0x80, v4, vm0, $0xb8;
	[tilespmem:$0x1C100] =	vst v63  }
0x69: {  	s18 =	simm.s32 $0x2800  }
0x6a: {  	[tilespmem:s18], [sflag:$0x1] =	stream.indirect_vreg.gather [hbm4b:s12+s2], $0x80, v4, vm0, $0xb8;
	[tilespmem:$0x1C100] =	vst v63  }
0x6b: {  	s25 =	simm.s32 $0x3000  }
0x6c: {  	[tilespmem:s25], [sflag:$0x1] =	stream.indirect_vreg.gather [hbm4b:s13+s2], $0x80, v4, vm0, $0xb8;
	[tilespmem:$0x1C100] =	vst v63  }
0x6d: {  	s26 =	simm.s32 $0x3800;
	s28 =	sld [smem:$0x7F2]  }
0x6e: {  	[tilespmem:s26], [sflag:$0x1] =	stream.indirect_vreg.gather [hbm4b:s14+s2], $0x80, v4, vm0, $0xb8;
	[tilespmem:$0x1C100] =	vst v63  }
0x6f: {  	_ = 	snop  }
0x70: {  	[tilespmem:s23], [sflag:$0x3] =	stream.linear.gather [hbm4b:s28+s2], $0x4000, $0x38;
	[tilespmem:$0x1C100] =	vst v63  }
0x71: {  	s1 =	rddreg [dreg:$0x6]  }
0x72: {  	[tilespmem:s24], [sflag:$0x4] =	stream.linear.gather [hbm4b:s1+s2], $0x4000, $0x38;
	[tilespmem:$0x1C100] =	vst v63  }
0x73: {  	s3 =	rddreg [dreg:$0x7];
	s4 =	simm.s32 $0x10000  }
0x74: {  	[tilespmem:s4], [sflag:$0x5] =	stream.linear.gather [hbm4b:s3+s2], $0x4000, $0x38;
	[tilespmem:$0x1C100] =	vst v63  }
0x75: {  	s5 =	rddreg [dreg:$0x8];
	s6 =	simm.s32 $0x14000;
	s7 =	simm.s32 $0x1  }
0x76: {  	[tilespmem:s6], [sflag:$0x6] =	stream.linear.gather [hbm4b:s5+s2], $0x4000, $0x38;
	[tilespmem:$0x1C100] =	vst v63  }
0x77: {  	_ =	swait.ge [sflag:s7], $0x4000  }
0x78: {  	[sflag:s7] =	ssyncset.done $0x0  }
0x79: {  	[sflag:s7] =	ssyncadd.s32 $0xFFFFC000  }
0x7a: {  	s8 =	sand.u32 $0x2000, s2;
	s18 =	sand.u32 $0x1C00, s2;
	_ =	swait.ge [sflag:s29], $0x4000  }
0x7b: {  	s0 =	sor.u32 s18, s8;
	s25 =	sand.u32 $0x380, s2;
	[sflag:s29] =	ssyncset.done $0x0  }
0x7c: {  	s0 =	sor.u32 s25, s0;
	[sflag:s29] =	ssyncadd.s32 $0xFFFFC000  }
0x7d: {  	v4 =	vld [tilespmem:s0+$0x70]  }
0x7e: {  	v7 =	vld [tilespmem:s0+$0x0]  }
0x7f: {  	v8 =	vld [tilespmem:s0+$0x10]  }
0x80: {  	v9 =	vld [tilespmem:s0+$0x20]  }
0x81: {  	v10 =	vld [tilespmem:s0+$0x30]  }
0x82: {  	v6 =	vld [tilespmem:s0+$0x40]  }
0x83: {  	s3 =	sor.u32 $0x8070, s0;
	v5 =	vld [tilespmem:s0+$0x60]  }
0x84: {  	[tilespmem:s3+$0x0] =	vst.add.f32.msk $0xffff, v4  }
0x85: {  	s26 =	sor.u32 $0x8000, s0;
	v4 =	vld [tilespmem:s0+$0x50]  }
0x86: {  	s4 =	sor.u32 $0x8010, s0;
	[tilespmem:s26+$0x0] =	vst.add.f32.msk $0xffff, v7  }
0x87: {  	s30 =	simm.s32 $0x0;
	s8 =	sor.u32 $0x8030, s0;
	s28 =	sor.u32 $0x8020, s0;
	[tilespmem:s4+$0x0] =	vst.add.f32.msk $0xffff, v8  }
0x88: {  	s5 =	sor.u32 $0x8050, s0;
	s6 =	sor.u32 $0x8060, s0;
	s7 =	sor.u32 $0x8040, s0;
	[tilespmem:s28+$0x0] =	vst.add.f32.msk $0xffff, v9  }
0x89: {  	[tilespmem:s8+$0x0] =	vst.add.f32.msk $0xffff, v10;
	s0 =	simm.s32 $0x10;
	s3 =	simm.s32 $0x400;
	s4 =	simm.s32 $0x80  }
.LBB2_2:
0x8a: {  	s8 =	sand.u32 $0x2000, s4;
	s25 =	sand.u32 $0x1C00, s3;
	s30 =	sadd.s32 $0x8, s30;
	[tilespmem:s7+$0x0] =	vst.add.f32.msk $0xffff, v6  }
0x8b: {  	s7 =	sor.u32 s25, s8;
	s8 =	sand.u32 $0x380, s0;
	p0 =	slt.u32 s30, $0x3F8;
	[tilespmem:s5+$0x0] =	vst.add.f32.msk $0xffff, v4  }
0x8c: {  	s8 =	sor.u32 s8, s7;
	[tilespmem:s6+$0x0] =	vst.add.f32.msk $0xffff, v5  }
0x8d: {  	s25 =	sor.u32 $0x8000, s8;
	s26 =	sor.u32 $0x8010, s8;
	s28 =	sor.u32 $0x8020, s8;
	v4 =	vld [tilespmem:s8+$0x70]  }
0x8e: {  	s1 =	sor.u32 $0x8030, s8;
	s7 =	sor.u32 $0x8040, s8;
	s5 =	sor.u32 $0x8050, s8;
	v7 =	vld [tilespmem:s8+$0x0]  }
0x8f: {  	s6 =	sor.u32 $0x8060, s8;
	v8 =	vld [tilespmem:s8+$0x10]  }
0x90: {  	v9 =	vld [tilespmem:s8+$0x20]  }
0x91: {  	s18 =	sor.u32 $0x8070, s8;
	v10 =	vld [tilespmem:s8+$0x30]  }
0x92: {  	[tilespmem:s18+$0x0] =	vst.add.f32.msk $0xffff, v4  }
0x93: {  	v6 =	vld [tilespmem:s8+$0x40]  }
0x94: {  	v4 =	vld [tilespmem:s8+$0x50]  }
.Ltmp0:
0x95: {  	v5 =	vld [tilespmem:s8+$0x60];
	(pc) =	sbr.rel @p0 .LBB2_2-.Ltmp0, $4  }
0x96: {  	[tilespmem:s25+$0x0] =	vst.add.f32.msk $0xffff, v7  }
0x97: {  	[tilespmem:s26+$0x0] =	vst.add.f32.msk $0xffff, v8  }
0x98: {  	[tilespmem:s28+$0x0] =	vst.add.f32.msk $0xffff, v9  }
0x99: {  	s3 =	sadd.s32 $0x400, s3;
	s4 =	sadd.s32 $0x80, s4;
	s0 =	sadd.s32 $0x10, s0;
	[tilespmem:s1+$0x0] =	vst.add.f32.msk $0xffff, v10  }
0x9a: {  	[tilespmem:s7+$0x0] =	vst.add.f32.msk $0xffff, v6  }
0x9b: {  	[tilespmem:s5+$0x0] =	vst.add.f32.msk $0xffff, v4  }
0x9c: {  	[tilespmem:s6+$0x0] =	vst.add.f32.msk $0xffff, v5  }
0x9d: {  	s1 =	sld [smem:$0x7F3];
	_ =	sdelay $0x1  }
0x9e: {  	s0 =	simm.s32 $0x0  }
0x9f: {  	[hbm4b:s1+s0] =	stream.linear.scatter [tilespmem:s23], [sflag:$0x8], $0x4000, $0x38;
	[tilespmem:$0x1C100] =	vst v63  }
0xa0: {  	v4 =	vld [tilespmem:$0x1C010];
	_ =	sdelay $0x4  }
0xa1: {  	v5 =	vshll.u32 v4, $0x3  }
0xa2: {  	v4 =	vand.u32 $0x7, v4;
	v5 =	vand.u32 $0xFFFFFFC0, v5  }
0xa3: {  	v4 =	vor.u32 v4, v5  }
0xa4: {  	v5 =	vperm.xlane v4, v1;
	_ =	sdelay $0x1  }
0xa5: {  	v5 =	vadd.s32 v2, v5;
	_ =	sdelay $0x3  }
0xa6: {  	s18 =	simm.s32 $0x4000  }
0xa7: {  	[tilespmem:s18], [sflag:$0x2] =	stream.indirect_vreg.gather [hbm4b:s31+s0], $0x80, v5, vm0, $0xb8;
	[tilespmem:$0x1C100] =	vst v63  }
0xa8: {  	s25 =	simm.s32 $0x4800;
	v4 =	vperm.xlane v4, v3  }
0xa9: {  	[tilespmem:s25], [sflag:$0x2] =	stream.indirect_vreg.gather [hbm4b:s12+s0], $0x80, v5, vm0, $0xb8;
	[tilespmem:$0x1C100] =	vst v63  }
0xaa: {  	s26 =	simm.s32 $0x5000;
	v4 =	vadd.s32 v2, v4  }
0xab: {  	[tilespmem:s26], [sflag:$0x2] =	stream.indirect_vreg.gather [hbm4b:s13+s0], $0x80, v5, vm0, $0xb8;
	[tilespmem:$0x1C100] =	vst v63  }
0xac: {  	s28 =	simm.s32 $0x5800  }
0xad: {  	[tilespmem:s28], [sflag:$0x2] =	stream.indirect_vreg.gather [hbm4b:s14+s0], $0x80, v5, vm0, $0xb8;
	[tilespmem:$0x1C100] =	vst v63  }
0xae: {  	s3 =	simm.s32 $0x6000  }
0xaf: {  	[tilespmem:s3], [sflag:$0x2] =	stream.indirect_vreg.gather [hbm4b:s31+s0], $0x80, v4, vm0, $0xb8;
	[tilespmem:$0x1C100] =	vst v63  }
0xb0: {  	s4 =	simm.s32 $0x6800  }
0xb1: {  	[tilespmem:s4], [sflag:$0x2] =	stream.indirect_vreg.gather [hbm4b:s12+s0], $0x80, v4, vm0, $0xb8;
	[tilespmem:$0x1C100] =	vst v63  }
0xb2: {  	s5 =	simm.s32 $0x7000  }
0xb3: {  	[tilespmem:s5], [sflag:$0x2] =	stream.indirect_vreg.gather [hbm4b:s13+s0], $0x80, v4, vm0, $0xb8;
	[tilespmem:$0x1C100] =	vst v63  }
0xb4: {  	s6 =	simm.s32 $0x7800  }
0xb5: {  	[tilespmem:s6], [sflag:$0x2] =	stream.indirect_vreg.gather [hbm4b:s14+s0], $0x80, v4, vm0, $0xb8;
	[tilespmem:$0x1C100] =	vst v63  }
0xb6: {  	s7 =	rddreg [dreg:$0x9];
	s3 =	simm.s32 $0x18000  }
0xb7: {  	[tilespmem:s3], [sflag:$0x7] =	stream.linear.gather [hbm4b:s7+s0], $0x4000, $0x38;
	[tilespmem:$0x1C100] =	vst v63  }
0xb8: {  	s8 =	sand.u32 $0x2000, s0;
	s18 =	sand.u32 $0x1C00, s0;
	_ =	swait.ge [sflag:s9], $0x4000  }
0xb9: {  	s1 =	sor.u32 s18, s8;
	s0 =	sand.u32 $0x380, s0;
	[sflag:s9] =	ssyncset.done $0x0  }
0xba: {  	s0 =	sor.u32 s0, s1;
	[sflag:s9] =	ssyncadd.s32 $0xFFFFC000  }
0xbb: {  	v4 =	vld [tilespmem:s0+$0x70]  }
0xbc: {  	v7 =	vld [tilespmem:s0+$0x0]  }
0xbd: {  	v8 =	vld [tilespmem:s0+$0x10]  }
0xbe: {  	v9 =	vld [tilespmem:s0+$0x20]  }
0xbf: {  	v10 =	vld [tilespmem:s0+$0x30]  }
0xc0: {  	v6 =	vld [tilespmem:s0+$0x40]  }
0xc1: {  	s1 =	sor.u32 $0xC070, s0;
	v5 =	vld [tilespmem:s0+$0x60]  }
0xc2: {  	[tilespmem:s1+$0x0] =	vst.add.f32.msk $0xffff, v4  }
0xc3: {  	s25 =	sor.u32 $0xC000, s0;
	v4 =	vld [tilespmem:s0+$0x50]  }
0xc4: {  	s26 =	sor.u32 $0xC010, s0;
	[tilespmem:s25+$0x0] =	vst.add.f32.msk $0xffff, v7  }
0xc5: {  	s30 =	simm.s32 $0x0;
	s3 =	simm.s32 $0x400;
	s28 =	sor.u32 $0xC020, s0;
	[tilespmem:s26+$0x0] =	vst.add.f32.msk $0xffff, v8  }
0xc6: {  	s4 =	sor.u32 $0xC030, s0;
	s7 =	sor.u32 $0xC040, s0;
	s5 =	sor.u32 $0xC050, s0;
	[tilespmem:s28+$0x0] =	vst.add.f32.msk $0xffff, v9  }
0xc7: {  	s6 =	sor.u32 $0xC060, s0;
	[tilespmem:s4+$0x0] =	vst.add.f32.msk $0xffff, v10;
	s0 =	simm.s32 $0x10;
	s4 =	simm.s32 $0x80  }
.LBB2_4:
0xc8: {  	s1 =	sand.u32 $0x2000, s4;
	s8 =	sand.u32 $0x1C00, s3;
	s30 =	sadd.s32 $0x8, s30;
	[tilespmem:s7+$0x0] =	vst.add.f32.msk $0xffff, v6  }
0xc9: {  	s7 =	sand.u32 $0x380, s0;
	s1 =	sor.u32 s8, s1;
	p0 =	slt.u32 s30, $0x3F8;
	[tilespmem:s5+$0x0] =	vst.add.f32.msk $0xffff, v4  }
0xca: {  	s1 =	sor.u32 s7, s1;
	[tilespmem:s6+$0x0] =	vst.add.f32.msk $0xffff, v5  }
0xcb: {  	s8 =	sor.u32 $0xC000, s1;
	s18 =	sor.u32 $0xC010, s1;
	s25 =	sor.u32 $0xC020, s1;
	v4 =	vld [tilespmem:s1+$0x70]  }
0xcc: {  	s26 =	sor.u32 $0xC030, s1;
	s7 =	sor.u32 $0xC040, s1;
	s5 =	sor.u32 $0xC050, s1;
	v7 =	vld [tilespmem:s1+$0x0]  }
0xcd: {  	s6 =	sor.u32 $0xC060, s1;
	v8 =	vld [tilespmem:s1+$0x10]  }
0xce: {  	v9 =	vld [tilespmem:s1+$0x20]  }
0xcf: {  	s28 =	sor.u32 $0xC070, s1;
	v10 =	vld [tilespmem:s1+$0x30]  }
0xd0: {  	[tilespmem:s28+$0x0] =	vst.add.f32.msk $0xffff, v4  }
0xd1: {  	v6 =	vld [tilespmem:s1+$0x40]  }
0xd2: {  	v4 =	vld [tilespmem:s1+$0x50]  }
.Ltmp1:
0xd3: {  	v5 =	vld [tilespmem:s1+$0x60];
	(pc) =	sbr.rel @p0 .LBB2_4-.Ltmp1, $4  }
0xd4: {  	[tilespmem:s8+$0x0] =	vst.add.f32.msk $0xffff, v7  }
0xd5: {  	[tilespmem:s18+$0x0] =	vst.add.f32.msk $0xffff, v8  }
0xd6: {  	[tilespmem:s25+$0x0] =	vst.add.f32.msk $0xffff, v9  }
0xd7: {  	s0 =	sadd.s32 $0x10, s0;
	s3 =	sadd.s32 $0x400, s3;
	s4 =	sadd.s32 $0x80, s4;
	[tilespmem:s26+$0x0] =	vst.add.f32.msk $0xffff, v10  }
0xd8: {  	[tilespmem:s7+$0x0] =	vst.add.f32.msk $0xffff, v6  }
0xd9: {  	[tilespmem:s5+$0x0] =	vst.add.f32.msk $0xffff, v4  }
0xda: {  	[tilespmem:s6+$0x0] =	vst.add.f32.msk $0xffff, v5  }
0xdb: {  	s0 =	simm.s32 $0x0;
	s1 =	rddreg [dreg:$0xa]  }
0xdc: {  	[hbm4b:s1+s0] =	stream.linear.scatter [tilespmem:s24], [sflag:$0x9], $0x4000, $0x38;
	[tilespmem:$0x1C100] =	vst v63  }
0xdd: {  	_ =	swait.ge [sflag:s10], $0x4000  }
0xde: {  	[sflag:s10] =	ssyncset.done $0x0  }
0xdf: {  	s8 =	rddreg [dreg:$0xb];
	[sflag:s10] =	ssyncadd.s32 $0xFFFFC000  }
0xe0: {  	[tilespmem:s23], [sflag:$0x3] =	stream.linear.gather [hbm4b:s8+s0], $0x4000, $0x38;
	[tilespmem:$0x1C100] =	vst v63  }
0xe1: {  	s18 =	sand.u32 $0x2000, s0;
	s3 =	sand.u32 $0x1C00, s0;
	_ =	swait.ge [sflag:s11], $0x4000  }
0xe2: {  	s1 =	sor.u32 s3, s18;
	s0 =	sand.u32 $0x380, s0;
	[sflag:s11] =	ssyncset.done $0x0  }
0xe3: {  	s0 =	sor.u32 s0, s1;
	[sflag:s11] =	ssyncadd.s32 $0xFFFFC000  }
0xe4: {  	v4 =	vld [tilespmem:s0+$0x70]  }
0xe5: {  	v7 =	vld [tilespmem:s0+$0x0]  }
0xe6: {  	v8 =	vld [tilespmem:s0+$0x10]  }
0xe7: {  	v9 =	vld [tilespmem:s0+$0x20]  }
0xe8: {  	v10 =	vld [tilespmem:s0+$0x30]  }
0xe9: {  	v6 =	vld [tilespmem:s0+$0x40]  }
0xea: {  	s1 =	sor.u32 $0x10070, s0;
	v5 =	vld [tilespmem:s0+$0x60]  }
0xeb: {  	[tilespmem:s1+$0x0] =	vst.add.f32.msk $0xffff, v4  }
0xec: {  	s25 =	sor.u32 $0x10000, s0;
	v4 =	vld [tilespmem:s0+$0x50]  }
0xed: {  	s26 =	sor.u32 $0x10010, s0;
	[tilespmem:s25+$0x0] =	vst.add.f32.msk $0xffff, v7  }
0xee: {  	s30 =	simm.s32 $0x0;
	s3 =	simm.s32 $0x400;
	s28 =	sor.u32 $0x10020, s0;
	[tilespmem:s26+$0x0] =	vst.add.f32.msk $0xffff, v8  }
0xef: {  	s4 =	sor.u32 $0x10030, s0;
	s7 =	sor.u32 $0x10040, s0;
	s5 =	sor.u32 $0x10050, s0;
	[tilespmem:s28+$0x0] =	vst.add.f32.msk $0xffff, v9  }
0xf0: {  	s6 =	sor.u32 $0x10060, s0;
	[tilespmem:s4+$0x0] =	vst.add.f32.msk $0xffff, v10;
	s0 =	simm.s32 $0x10;
	s4 =	simm.s32 $0x80  }
.LBB2_6:
0xf1: {  	s1 =	sand.u32 $0x2000, s4;
	s8 =	sand.u32 $0x1C00, s3;
	s30 =	sadd.s32 $0x8, s30;
	[tilespmem:s7+$0x0] =	vst.add.f32.msk $0xffff, v6  }
0xf2: {  	s7 =	sand.u32 $0x380, s0;
	s1 =	sor.u32 s8, s1;
	p0 =	slt.u32 s30, $0x3F8;
	[tilespmem:s5+$0x0] =	vst.add.f32.msk $0xffff, v4  }
0xf3: {  	s1 =	sor.u32 s7, s1;
	[tilespmem:s6+$0x0] =	vst.add.f32.msk $0xffff, v5  }
0xf4: {  	s8 =	sor.u32 $0x10000, s1;
	s18 =	sor.u32 $0x10010, s1;
	s25 =	sor.u32 $0x10020, s1;
	v4 =	vld [tilespmem:s1+$0x70]  }
0xf5: {  	s26 =	sor.u32 $0x10030, s1;
	s7 =	sor.u32 $0x10040, s1;
	s5 =	sor.u32 $0x10050, s1;
	v7 =	vld [tilespmem:s1+$0x0]  }
0xf6: {  	s6 =	sor.u32 $0x10060, s1;
	v8 =	vld [tilespmem:s1+$0x10]  }
0xf7: {  	v9 =	vld [tilespmem:s1+$0x20]  }
0xf8: {  	s28 =	sor.u32 $0x10070, s1;
	v10 =	vld [tilespmem:s1+$0x30]  }
0xf9: {  	[tilespmem:s28+$0x0] =	vst.add.f32.msk $0xffff, v4  }
0xfa: {  	v6 =	vld [tilespmem:s1+$0x40]  }
0xfb: {  	v4 =	vld [tilespmem:s1+$0x50]  }
.Ltmp2:
0xfc: {  	v5 =	vld [tilespmem:s1+$0x60];
	(pc) =	sbr.rel @p0 .LBB2_6-.Ltmp2, $4  }
0xfd: {  	[tilespmem:s8+$0x0] =	vst.add.f32.msk $0xffff, v7  }
0xfe: {  	[tilespmem:s18+$0x0] =	vst.add.f32.msk $0xffff, v8  }
0xff: {  	[tilespmem:s25+$0x0] =	vst.add.f32.msk $0xffff, v9  }
0x100: {  	s0 =	sadd.s32 $0x10, s0;
	s3 =	sadd.s32 $0x400, s3;
	s4 =	sadd.s32 $0x80, s4;
	[tilespmem:s26+$0x0] =	vst.add.f32.msk $0xffff, v10  }
0x101: {  	[tilespmem:s7+$0x0] =	vst.add.f32.msk $0xffff, v6  }
0x102: {  	[tilespmem:s5+$0x0] =	vst.add.f32.msk $0xffff, v4  }
0x103: {  	[tilespmem:s6+$0x0] =	vst.add.f32.msk $0xffff, v5  }
0x104: {  	s0 =	simm.s32 $0x0;
	s3 =	simm.s32 $0x10000;
	s1 =	rddreg [dreg:$0xc]  }
0x105: {  	[hbm4b:s1+s0] =	stream.linear.scatter [tilespmem:s3], [sflag:$0xA], $0x4000, $0x38;
	[tilespmem:$0x1C100] =	vst v63  }
0x106: {  	_ =	swait.ge [sflag:s15], $0x4000  }
0x107: {  	[sflag:s15] =	ssyncset.done $0x0  }
0x108: {  	s7 =	rddreg [dreg:$0xd];
	[sflag:s15] =	ssyncadd.s32 $0xFFFFC000  }
0x109: {  	[tilespmem:s24], [sflag:$0x4] =	stream.linear.gather [hbm4b:s7+s0], $0x4000, $0x38;
	[tilespmem:$0x1C100] =	vst v63  }
0x10a: {  	s8 =	sand.u32 $0x2000, s0;
	s18 =	sand.u32 $0x1C00, s0;
	_ =	swait.ge [sflag:s16], $0x4000  }
0x10b: {  	s1 =	sor.u32 s18, s8;
	s0 =	sand.u32 $0x380, s0;
	[sflag:s16] =	ssyncset.done $0x0  }
0x10c: {  	s0 =	sor.u32 s0, s1;
	[sflag:s16] =	ssyncadd.s32 $0xFFFFC000  }
0x10d: {  	v4 =	vld [tilespmem:s0+$0x70]  }
0x10e: {  	v7 =	vld [tilespmem:s0+$0x0]  }
0x10f: {  	v8 =	vld [tilespmem:s0+$0x10]  }
0x110: {  	v9 =	vld [tilespmem:s0+$0x20]  }
0x111: {  	v10 =	vld [tilespmem:s0+$0x30]  }
0x112: {  	v6 =	vld [tilespmem:s0+$0x40]  }
0x113: {  	s1 =	sor.u32 $0x14070, s0;
	v5 =	vld [tilespmem:s0+$0x60]  }
0x114: {  	[tilespmem:s1+$0x0] =	vst.add.f32.msk $0xffff, v4  }
0x115: {  	s25 =	sor.u32 $0x14000, s0;
	v4 =	vld [tilespmem:s0+$0x50]  }
0x116: {  	s26 =	sor.u32 $0x14010, s0;
	[tilespmem:s25+$0x0] =	vst.add.f32.msk $0xffff, v7  }
0x117: {  	s30 =	simm.s32 $0x0;
	s3 =	simm.s32 $0x400;
	s28 =	sor.u32 $0x14020, s0;
	[tilespmem:s26+$0x0] =	vst.add.f32.msk $0xffff, v8  }
0x118: {  	s4 =	sor.u32 $0x14030, s0;
	s7 =	sor.u32 $0x14040, s0;
	s5 =	sor.u32 $0x14050, s0;
	[tilespmem:s28+$0x0] =	vst.add.f32.msk $0xffff, v9  }
0x119: {  	s6 =	sor.u32 $0x14060, s0;
	[tilespmem:s4+$0x0] =	vst.add.f32.msk $0xffff, v10;
	s0 =	simm.s32 $0x10;
	s4 =	simm.s32 $0x80  }
.LBB2_8:
0x11a: {  	s1 =	sand.u32 $0x2000, s4;
	s8 =	sand.u32 $0x1C00, s3;
	s30 =	sadd.s32 $0x8, s30;
	[tilespmem:s7+$0x0] =	vst.add.f32.msk $0xffff, v6  }
0x11b: {  	s7 =	sand.u32 $0x380, s0;
	s1 =	sor.u32 s8, s1;
	p0 =	slt.u32 s30, $0x3F8;
	[tilespmem:s5+$0x0] =	vst.add.f32.msk $0xffff, v4  }
0x11c: {  	s1 =	sor.u32 s7, s1;
	[tilespmem:s6+$0x0] =	vst.add.f32.msk $0xffff, v5  }
0x11d: {  	s8 =	sor.u32 $0x14000, s1;
	s18 =	sor.u32 $0x14010, s1;
	s25 =	sor.u32 $0x14020, s1;
	v4 =	vld [tilespmem:s1+$0x70]  }
0x11e: {  	s26 =	sor.u32 $0x14030, s1;
	s7 =	sor.u32 $0x14040, s1;
	s5 =	sor.u32 $0x14050, s1;
	v7 =	vld [tilespmem:s1+$0x0]  }
0x11f: {  	s6 =	sor.u32 $0x14060, s1;
	v8 =	vld [tilespmem:s1+$0x10]  }
0x120: {  	v9 =	vld [tilespmem:s1+$0x20]  }
0x121: {  	s28 =	sor.u32 $0x14070, s1;
	v10 =	vld [tilespmem:s1+$0x30]  }
0x122: {  	[tilespmem:s28+$0x0] =	vst.add.f32.msk $0xffff, v4  }
0x123: {  	v6 =	vld [tilespmem:s1+$0x40]  }
0x124: {  	v4 =	vld [tilespmem:s1+$0x50]  }
.Ltmp3:
0x125: {  	v5 =	vld [tilespmem:s1+$0x60];
	(pc) =	sbr.rel @p0 .LBB2_8-.Ltmp3, $4  }
0x126: {  	[tilespmem:s8+$0x0] =	vst.add.f32.msk $0xffff, v7  }
0x127: {  	[tilespmem:s18+$0x0] =	vst.add.f32.msk $0xffff, v8  }
0x128: {  	[tilespmem:s25+$0x0] =	vst.add.f32.msk $0xffff, v9  }
0x129: {  	s0 =	sadd.s32 $0x10, s0;
	s3 =	sadd.s32 $0x400, s3;
	s4 =	sadd.s32 $0x80, s4;
	[tilespmem:s26+$0x0] =	vst.add.f32.msk $0xffff, v10  }
0x12a: {  	[tilespmem:s7+$0x0] =	vst.add.f32.msk $0xffff, v6  }
0x12b: {  	[tilespmem:s5+$0x0] =	vst.add.f32.msk $0xffff, v4  }
0x12c: {  	[tilespmem:s6+$0x0] =	vst.add.f32.msk $0xffff, v5  }
0x12d: {  	s0 =	simm.s32 $0x0;
	s3 =	simm.s32 $0x14000;
	s1 =	rddreg [dreg:$0xe]  }
0x12e: {  	[hbm4b:s1+s0] =	stream.linear.scatter [tilespmem:s3], [sflag:$0xB], $0x4000, $0x38;
	[tilespmem:$0x1C100] =	vst v63  }
0x12f: {  	_ =	swait.ge [sflag:s17], $0x4000  }
0x130: {  	s6 =	simm.s32 $0x10000;
	[sflag:s17] =	ssyncset.done $0x0  }
0x131: {  	s7 =	simm.s32 $0x2;
	s5 =	rddreg [dreg:$0xf];
	[sflag:s17] =	ssyncadd.s32 $0xFFFFC000  }
0x132: {  	[tilespmem:s6], [sflag:$0x5] =	stream.linear.gather [hbm4b:s5+s0], $0x4000, $0x38;
	[tilespmem:$0x1C100] =	vst v63  }
0x133: {  	_ =	swait.ge [sflag:s7], $0x4000  }
0x134: {  	[sflag:s7] =	ssyncset.done $0x0  }
0x135: {  	[sflag:s7] =	ssyncadd.s32 $0xFFFFC000  }
0x136: {  	s8 =	sand.u32 $0x2000, s0;
	s18 =	sand.u32 $0x1C00, s0;
	_ =	swait.ge [sflag:s19], $0x4000  }
0x137: {  	s1 =	sor.u32 s18, s8;
	s0 =	sand.u32 $0x380, s0;
	[sflag:s19] =	ssyncset.done $0x0  }
0x138: {  	s0 =	sor.u32 s0, s1;
	[sflag:s19] =	ssyncadd.s32 $0xFFFFC000  }
0x139: {  	v4 =	vld [tilespmem:s0+$0x4070]  }
0x13a: {  	v7 =	vld [tilespmem:s0+$0x4000]  }
0x13b: {  	v8 =	vld [tilespmem:s0+$0x4010]  }
0x13c: {  	v9 =	vld [tilespmem:s0+$0x4020]  }
0x13d: {  	v10 =	vld [tilespmem:s0+$0x4030]  }
0x13e: {  	v6 =	vld [tilespmem:s0+$0x4040]  }
0x13f: {  	s1 =	sor.u32 $0x18070, s0;
	v5 =	vld [tilespmem:s0+$0x4060]  }
0x140: {  	[tilespmem:s1+$0x0] =	vst.add.f32.msk $0xffff, v4  }
0x141: {  	s25 =	sor.u32 $0x18000, s0;
	v4 =	vld [tilespmem:s0+$0x4050]  }
0x142: {  	s26 =	sor.u32 $0x18010, s0;
	[tilespmem:s25+$0x0] =	vst.add.f32.msk $0xffff, v7  }
0x143: {  	s30 =	simm.s32 $0x0;
	s3 =	simm.s32 $0x400;
	s28 =	sor.u32 $0x18020, s0;
	[tilespmem:s26+$0x0] =	vst.add.f32.msk $0xffff, v8  }
0x144: {  	s4 =	sor.u32 $0x18030, s0;
	s5 =	sor.u32 $0x18050, s0;
	s6 =	sor.u32 $0x18060, s0;
	[tilespmem:s28+$0x0] =	vst.add.f32.msk $0xffff, v9  }
0x145: {  	s7 =	sor.u32 $0x18040, s0;
	[tilespmem:s4+$0x0] =	vst.add.f32.msk $0xffff, v10;
	s0 =	simm.s32 $0x10;
	s4 =	simm.s32 $0x80  }
.LBB2_10:
0x146: {  	s1 =	sand.u32 $0x2000, s4;
	s8 =	sand.u32 $0x1C00, s3;
	s30 =	sadd.s32 $0x8, s30;
	[tilespmem:s7+$0x0] =	vst.add.f32.msk $0xffff, v6  }
0x147: {  	s7 =	sand.u32 $0x380, s0;
	s1 =	sor.u32 s8, s1;
	p0 =	slt.u32 s30, $0x3F8;
	[tilespmem:s5+$0x0] =	vst.add.f32.msk $0xffff, v4  }
0x148: {  	s1 =	sor.u32 s7, s1;
	[tilespmem:s6+$0x0] =	vst.add.f32.msk $0xffff, v5  }
0x149: {  	s8 =	sor.u32 $0x18000, s1;
	s18 =	sor.u32 $0x18010, s1;
	s25 =	sor.u32 $0x18020, s1;
	v4 =	vld [tilespmem:s1+$0x4070]  }
0x14a: {  	s26 =	sor.u32 $0x18030, s1;
	s7 =	sor.u32 $0x18040, s1;
	s5 =	sor.u32 $0x18050, s1;
	v7 =	vld [tilespmem:s1+$0x4000]  }
0x14b: {  	s6 =	sor.u32 $0x18060, s1;
	v8 =	vld [tilespmem:s1+$0x4010]  }
0x14c: {  	v9 =	vld [tilespmem:s1+$0x4020]  }
0x14d: {  	s28 =	sor.u32 $0x18070, s1;
	v10 =	vld [tilespmem:s1+$0x4030]  }
0x14e: {  	[tilespmem:s28+$0x0] =	vst.add.f32.msk $0xffff, v4  }
0x14f: {  	v6 =	vld [tilespmem:s1+$0x4040]  }
0x150: {  	v4 =	vld [tilespmem:s1+$0x4050]  }
.Ltmp4:
0x151: {  	v5 =	vld [tilespmem:s1+$0x4060];
	(pc) =	sbr.rel @p0 .LBB2_10-.Ltmp4, $4  }
0x152: {  	[tilespmem:s8+$0x0] =	vst.add.f32.msk $0xffff, v7  }
0x153: {  	[tilespmem:s18+$0x0] =	vst.add.f32.msk $0xffff, v8  }
0x154: {  	[tilespmem:s25+$0x0] =	vst.add.f32.msk $0xffff, v9  }
0x155: {  	s0 =	sadd.s32 $0x10, s0;
	s3 =	sadd.s32 $0x400, s3;
	s4 =	sadd.s32 $0x80, s4;
	[tilespmem:s26+$0x0] =	vst.add.f32.msk $0xffff, v10  }
0x156: {  	[tilespmem:s7+$0x0] =	vst.add.f32.msk $0xffff, v6  }
0x157: {  	[tilespmem:s5+$0x0] =	vst.add.f32.msk $0xffff, v4  }
0x158: {  	[tilespmem:s6+$0x0] =	vst.add.f32.msk $0xffff, v5  }
0x159: {  	s0 =	simm.s32 $0x0;
	s3 =	simm.s32 $0x18000;
	s1 =	rddreg [dreg:$0x10]  }
0x15a: {  	[hbm4b:s1+s0] =	stream.linear.scatter [tilespmem:s3], [sflag:$0xC], $0x4000, $0x38;
	[tilespmem:$0x1C100] =	vst v63  }
0x15b: {  	_ =	swait.ge [sflag:s20], $0x4000  }
0x15c: {  	[sflag:s20] =	ssyncset.done $0x0  }
0x15d: {  	[sflag:s20] =	ssyncadd.s32 $0xFFFFC000  }
0x15e: {  	v4 =	vld [tilespmem:$0x1C020];
	_ =	sdelay $0x4  }
0x15f: {  	v5 =	vshll.u32 v4, $0x3  }
0x160: {  	v4 =	vand.u32 $0x7, v4;
	v5 =	vand.u32 $0xFFFFFFC0, v5  }
0x161: {  	v4 =	vor.u32 v4, v5  }
0x162: {  	v5 =	vperm.xlane v4, v1;
	_ =	sdelay $0x1  }
0x163: {  	v5 =	vadd.s32 v2, v5;
	_ =	sdelay $0x4  }
0x164: {  	[tilespmem:s0], [sflag:$0x1] =	stream.indirect_vreg.gather [hbm4b:s31+s0], $0x80, v5, vm0, $0xb8;
	[tilespmem:$0x1C100] =	vst v63  }
0x165: {  	s18 =	simm.s32 $0x800;
	v4 =	vperm.xlane v4, v3  }
0x166: {  	[tilespmem:s18], [sflag:$0x1] =	stream.indirect_vreg.gather [hbm4b:s12+s0], $0x80, v5, vm0, $0xb8;
	[tilespmem:$0x1C100] =	vst v63  }
0x167: {  	s25 =	simm.s32 $0x1000;
	v4 =	vadd.s32 v2, v4  }
0x168: {  	[tilespmem:s25], [sflag:$0x1] =	stream.indirect_vreg.gather [hbm4b:s13+s0], $0x80, v5, vm0, $0xb8;
	[tilespmem:$0x1C100] =	vst v63  }
0x169: {  	s26 =	simm.s32 $0x1800  }
0x16a: {  	[tilespmem:s26], [sflag:$0x1] =	stream.indirect_vreg.gather [hbm4b:s14+s0], $0x80, v5, vm0, $0xb8;
	[tilespmem:$0x1C100] =	vst v63  }
0x16b: {  	s28 =	simm.s32 $0x2000  }
0x16c: {  	[tilespmem:s28], [sflag:$0x1] =	stream.indirect_vreg.gather [hbm4b:s31+s0], $0x80, v4, vm0, $0xb8;
	[tilespmem:$0x1C100] =	vst v63  }
0x16d: {  	s3 =	simm.s32 $0x2800  }
0x16e: {  	[tilespmem:s3], [sflag:$0x1] =	stream.indirect_vreg.gather [hbm4b:s12+s0], $0x80, v4, vm0, $0xb8;
	[tilespmem:$0x1C100] =	vst v63  }
0x16f: {  	s4 =	simm.s32 $0x3000  }
0x170: {  	[tilespmem:s4], [sflag:$0x1] =	stream.indirect_vreg.gather [hbm4b:s13+s0], $0x80, v4, vm0, $0xb8;
	[tilespmem:$0x1C100] =	vst v63  }
0x171: {  	s5 =	simm.s32 $0x3800  }
0x172: {  	[tilespmem:s5], [sflag:$0x1] =	stream.indirect_vreg.gather [hbm4b:s14+s0], $0x80, v4, vm0, $0xb8;
	[tilespmem:$0x1C100] =	vst v63  }
0x173: {  	s7 =	simm.s32 $0x14000;
	s6 =	rddreg [dreg:$0x11]  }
0x174: {  	[tilespmem:s7], [sflag:$0x6] =	stream.linear.gather [hbm4b:s6+s0], $0x4000, $0x38;
	[tilespmem:$0x1C100] =	vst v63  }
0x175: {  	s8 =	sand.u32 $0x2000, s0;
	s18 =	sand.u32 $0x1C00, s0;
	_ =	swait.ge [sflag:s29], $0x4000  }
0x176: {  	s1 =	sor.u32 s18, s8;
	s0 =	sand.u32 $0x380, s0;
	[sflag:s29] =	ssyncset.done $0x0  }
0x177: {  	s0 =	sor.u32 s0, s1;
	[sflag:s29] =	ssyncadd.s32 $0xFFFFC000  }
0x178: {  	v4 =	vld [tilespmem:s0+$0x4070]  }
0x179: {  	v7 =	vld [tilespmem:s0+$0x4000]  }
0x17a: {  	v8 =	vld [tilespmem:s0+$0x4010]  }
0x17b: {  	v9 =	vld [tilespmem:s0+$0x4020]  }
0x17c: {  	v10 =	vld [tilespmem:s0+$0x4030]  }
0x17d: {  	v6 =	vld [tilespmem:s0+$0x4040]  }
0x17e: {  	s1 =	sor.u32 $0x8070, s0;
	v5 =	vld [tilespmem:s0+$0x4060]  }
0x17f: {  	[tilespmem:s1+$0x0] =	vst.add.f32.msk $0xffff, v4  }
0x180: {  	s25 =	sor.u32 $0x8000, s0;
	v4 =	vld [tilespmem:s0+$0x4050]  }
0x181: {  	s26 =	sor.u32 $0x8010, s0;
	[tilespmem:s25+$0x0] =	vst.add.f32.msk $0xffff, v7  }
0x182: {  	s30 =	simm.s32 $0x0;
	s3 =	simm.s32 $0x400;
	s28 =	sor.u32 $0x8020, s0;
	[tilespmem:s26+$0x0] =	vst.add.f32.msk $0xffff, v8  }
0x183: {  	s4 =	sor.u32 $0x8030, s0;
	s7 =	sor.u32 $0x8040, s0;
	s5 =	sor.u32 $0x8050, s0;
	[tilespmem:s28+$0x0] =	vst.add.f32.msk $0xffff, v9  }
0x184: {  	s6 =	sor.u32 $0x8060, s0;
	[tilespmem:s4+$0x0] =	vst.add.f32.msk $0xffff, v10;
	s0 =	simm.s32 $0x10;
	s4 =	simm.s32 $0x80  }
.LBB2_12:
0x185: {  	s1 =	sand.u32 $0x2000, s4;
	s8 =	sand.u32 $0x1C00, s3;
	s30 =	sadd.s32 $0x8, s30;
	[tilespmem:s7+$0x0] =	vst.add.f32.msk $0xffff, v6  }
0x186: {  	s7 =	sand.u32 $0x380, s0;
	s1 =	sor.u32 s8, s1;
	p0 =	slt.u32 s30, $0x3F8;
	[tilespmem:s5+$0x0] =	vst.add.f32.msk $0xffff, v4  }
0x187: {  	s1 =	sor.u32 s7, s1;
	[tilespmem:s6+$0x0] =	vst.add.f32.msk $0xffff, v5  }
0x188: {  	s8 =	sor.u32 $0x8000, s1;
	s18 =	sor.u32 $0x8010, s1;
	s25 =	sor.u32 $0x8020, s1;
	v4 =	vld [tilespmem:s1+$0x4070]  }
0x189: {  	s26 =	sor.u32 $0x8030, s1;
	s7 =	sor.u32 $0x8040, s1;
	s5 =	sor.u32 $0x8050, s1;
	v7 =	vld [tilespmem:s1+$0x4000]  }
0x18a: {  	s6 =	sor.u32 $0x8060, s1;
	v8 =	vld [tilespmem:s1+$0x4010]  }
0x18b: {  	v9 =	vld [tilespmem:s1+$0x4020]  }
0x18c: {  	s28 =	sor.u32 $0x8070, s1;
	v10 =	vld [tilespmem:s1+$0x4030]  }
0x18d: {  	[tilespmem:s28+$0x0] =	vst.add.f32.msk $0xffff, v4  }
0x18e: {  	v6 =	vld [tilespmem:s1+$0x4040]  }
0x18f: {  	v4 =	vld [tilespmem:s1+$0x4050]  }
.Ltmp5:
0x190: {  	v5 =	vld [tilespmem:s1+$0x4060];
	(pc) =	sbr.rel @p0 .LBB2_12-.Ltmp5, $4  }
0x191: {  	[tilespmem:s8+$0x0] =	vst.add.f32.msk $0xffff, v7  }
0x192: {  	[tilespmem:s18+$0x0] =	vst.add.f32.msk $0xffff, v8  }
0x193: {  	[tilespmem:s25+$0x0] =	vst.add.f32.msk $0xffff, v9  }
0x194: {  	s0 =	sadd.s32 $0x10, s0;
	s3 =	sadd.s32 $0x400, s3;
	s4 =	sadd.s32 $0x80, s4;
	[tilespmem:s26+$0x0] =	vst.add.f32.msk $0xffff, v10  }
0x195: {  	[tilespmem:s7+$0x0] =	vst.add.f32.msk $0xffff, v6  }
0x196: {  	[tilespmem:s5+$0x0] =	vst.add.f32.msk $0xffff, v4  }
0x197: {  	[tilespmem:s6+$0x0] =	vst.add.f32.msk $0xffff, v5  }
0x198: {  	s0 =	simm.s32 $0x0;
	s1 =	rddreg [dreg:$0x12]  }
0x199: {  	[hbm4b:s1+s0] =	stream.linear.scatter [tilespmem:s23], [sflag:$0x8], $0x4000, $0x38;
	[tilespmem:$0x1C100] =	vst v63  }
0x19a: {  	_ =	swait.ge [sflag:s21], $0x4000  }
0x19b: {  	[sflag:s21] =	ssyncset.done $0x0  }
0x19c: {  	s3 =	simm.s32 $0x18000;
	s7 =	rddreg [dreg:$0x13];
	[sflag:s21] =	ssyncadd.s32 $0xFFFFC000  }
0x19d: {  	[tilespmem:s3], [sflag:$0x7] =	stream.linear.gather [hbm4b:s7+s0], $0x4000, $0x38;
	[tilespmem:$0x1C100] =	vst v63  }
0x19e: {  	s8 =	sand.u32 $0x2000, s0;
	s18 =	sand.u32 $0x1C00, s0;
	_ =	swait.ge [sflag:s9], $0x4000  }
0x19f: {  	s1 =	sor.u32 s18, s8;
	s0 =	sand.u32 $0x380, s0;
	[sflag:s9] =	ssyncset.done $0x0  }
0x1a0: {  	s0 =	sor.u32 s0, s1;
	[sflag:s9] =	ssyncadd.s32 $0xFFFFC000  }
0x1a1: {  	v4 =	vld [tilespmem:s0+$0x4070]  }
0x1a2: {  	v7 =	vld [tilespmem:s0+$0x4000]  }
0x1a3: {  	v8 =	vld [tilespmem:s0+$0x4010]  }
0x1a4: {  	v9 =	vld [tilespmem:s0+$0x4020]  }
0x1a5: {  	v10 =	vld [tilespmem:s0+$0x4030]  }
0x1a6: {  	v6 =	vld [tilespmem:s0+$0x4040]  }
0x1a7: {  	s1 =	sor.u32 $0xC070, s0;
	v5 =	vld [tilespmem:s0+$0x4060]  }
0x1a8: {  	[tilespmem:s1+$0x0] =	vst.add.f32.msk $0xffff, v4  }
0x1a9: {  	s25 =	sor.u32 $0xC000, s0;
	v4 =	vld [tilespmem:s0+$0x4050]  }
0x1aa: {  	s26 =	sor.u32 $0xC010, s0;
	[tilespmem:s25+$0x0] =	vst.add.f32.msk $0xffff, v7  }
0x1ab: {  	s30 =	simm.s32 $0x0;
	s3 =	simm.s32 $0x400;
	s28 =	sor.u32 $0xC020, s0;
	[tilespmem:s26+$0x0] =	vst.add.f32.msk $0xffff, v8  }
0x1ac: {  	s4 =	sor.u32 $0xC030, s0;
	s7 =	sor.u32 $0xC040, s0;
	s5 =	sor.u32 $0xC050, s0;
	[tilespmem:s28+$0x0] =	vst.add.f32.msk $0xffff, v9  }
0x1ad: {  	s6 =	sor.u32 $0xC060, s0;
	[tilespmem:s4+$0x0] =	vst.add.f32.msk $0xffff, v10;
	s0 =	simm.s32 $0x10;
	s4 =	simm.s32 $0x80  }
.LBB2_14:
0x1ae: {  	s1 =	sand.u32 $0x2000, s4;
	s8 =	sand.u32 $0x1C00, s3;
	s30 =	sadd.s32 $0x8, s30;
	[tilespmem:s7+$0x0] =	vst.add.f32.msk $0xffff, v6  }
0x1af: {  	s7 =	sand.u32 $0x380, s0;
	s1 =	sor.u32 s8, s1;
	p0 =	slt.u32 s30, $0x3F8;
	[tilespmem:s5+$0x0] =	vst.add.f32.msk $0xffff, v4  }
0x1b0: {  	s1 =	sor.u32 s7, s1;
	[tilespmem:s6+$0x0] =	vst.add.f32.msk $0xffff, v5  }
0x1b1: {  	s8 =	sor.u32 $0xC000, s1;
	s18 =	sor.u32 $0xC010, s1;
	s25 =	sor.u32 $0xC020, s1;
	v4 =	vld [tilespmem:s1+$0x4070]  }
0x1b2: {  	s26 =	sor.u32 $0xC030, s1;
	s7 =	sor.u32 $0xC040, s1;
	s5 =	sor.u32 $0xC050, s1;
	v7 =	vld [tilespmem:s1+$0x4000]  }
0x1b3: {  	s6 =	sor.u32 $0xC060, s1;
	v8 =	vld [tilespmem:s1+$0x4010]  }
0x1b4: {  	v9 =	vld [tilespmem:s1+$0x4020]  }
0x1b5: {  	s28 =	sor.u32 $0xC070, s1;
	v10 =	vld [tilespmem:s1+$0x4030]  }
0x1b6: {  	[tilespmem:s28+$0x0] =	vst.add.f32.msk $0xffff, v4  }
0x1b7: {  	v6 =	vld [tilespmem:s1+$0x4040]  }
0x1b8: {  	v4 =	vld [tilespmem:s1+$0x4050]  }
.Ltmp6:
0x1b9: {  	v5 =	vld [tilespmem:s1+$0x4060];
	(pc) =	sbr.rel @p0 .LBB2_14-.Ltmp6, $4  }
0x1ba: {  	[tilespmem:s8+$0x0] =	vst.add.f32.msk $0xffff, v7  }
0x1bb: {  	[tilespmem:s18+$0x0] =	vst.add.f32.msk $0xffff, v8  }
0x1bc: {  	[tilespmem:s25+$0x0] =	vst.add.f32.msk $0xffff, v9  }
0x1bd: {  	s0 =	sadd.s32 $0x10, s0;
	s3 =	sadd.s32 $0x400, s3;
	s4 =	sadd.s32 $0x80, s4;
	[tilespmem:s26+$0x0] =	vst.add.f32.msk $0xffff, v10  }
0x1be: {  	[tilespmem:s7+$0x0] =	vst.add.f32.msk $0xffff, v6  }
0x1bf: {  	[tilespmem:s5+$0x0] =	vst.add.f32.msk $0xffff, v4  }
0x1c0: {  	[tilespmem:s6+$0x0] =	vst.add.f32.msk $0xffff, v5  }
0x1c1: {  	s0 =	simm.s32 $0x0;
	s1 =	rddreg [dreg:$0x14]  }
0x1c2: {  	[hbm4b:s1+s0] =	stream.linear.scatter [tilespmem:s24], [sflag:$0x9], $0x4000, $0x38;
	[tilespmem:$0x1C100] =	vst v63  }
0x1c3: {  	_ =	swait.ge [sflag:s10], $0x4000  }
0x1c4: {  	[sflag:s10] =	ssyncset.done $0x0  }
0x1c5: {  	s8 =	rddreg [dreg:$0x18];
	[sflag:s10] =	ssyncadd.s32 $0xFFFFC000  }
0x1c6: {  	[tilespmem:s23], [sflag:$0x3] =	stream.linear.gather [hbm4b:s8+s0], $0x4000, $0x38;
	[tilespmem:$0x1C100] =	vst v63  }
0x1c7: {  	s18 =	sand.u32 $0x2000, s0;
	s3 =	sand.u32 $0x1C00, s0;
	_ =	swait.ge [sflag:s11], $0x4000  }
0x1c8: {  	s1 =	sor.u32 s3, s18;
	s0 =	sand.u32 $0x380, s0;
	[sflag:s11] =	ssyncset.done $0x0  }
0x1c9: {  	s0 =	sor.u32 s0, s1;
	[sflag:s11] =	ssyncadd.s32 $0xFFFFC000  }
0x1ca: {  	v4 =	vld [tilespmem:s0+$0x4070]  }
0x1cb: {  	v7 =	vld [tilespmem:s0+$0x4000]  }
0x1cc: {  	v8 =	vld [tilespmem:s0+$0x4010]  }
0x1cd: {  	v9 =	vld [tilespmem:s0+$0x4020]  }
0x1ce: {  	v10 =	vld [tilespmem:s0+$0x4030]  }
0x1cf: {  	v6 =	vld [tilespmem:s0+$0x4040]  }
0x1d0: {  	s1 =	sor.u32 $0x10070, s0;
	v5 =	vld [tilespmem:s0+$0x4060]  }
0x1d1: {  	[tilespmem:s1+$0x0] =	vst.add.f32.msk $0xffff, v4  }
0x1d2: {  	s25 =	sor.u32 $0x10000, s0;
	v4 =	vld [tilespmem:s0+$0x4050]  }
0x1d3: {  	s26 =	sor.u32 $0x10010, s0;
	[tilespmem:s25+$0x0] =	vst.add.f32.msk $0xffff, v7  }
0x1d4: {  	s30 =	simm.s32 $0x0;
	s3 =	simm.s32 $0x400;
	s28 =	sor.u32 $0x10020, s0;
	[tilespmem:s26+$0x0] =	vst.add.f32.msk $0xffff, v8  }
0x1d5: {  	s4 =	sor.u32 $0x10030, s0;
	s7 =	sor.u32 $0x10040, s0;
	s5 =	sor.u32 $0x10050, s0;
	[tilespmem:s28+$0x0] =	vst.add.f32.msk $0xffff, v9  }
0x1d6: {  	s6 =	sor.u32 $0x10060, s0;
	[tilespmem:s4+$0x0] =	vst.add.f32.msk $0xffff, v10;
	s0 =	simm.s32 $0x10;
	s4 =	simm.s32 $0x80  }
.LBB2_16:
0x1d7: {  	s1 =	sand.u32 $0x2000, s4;
	s8 =	sand.u32 $0x1C00, s3;
	s30 =	sadd.s32 $0x8, s30;
	[tilespmem:s7+$0x0] =	vst.add.f32.msk $0xffff, v6  }
0x1d8: {  	s7 =	sand.u32 $0x380, s0;
	s1 =	sor.u32 s8, s1;
	p0 =	slt.u32 s30, $0x3F8;
	[tilespmem:s5+$0x0] =	vst.add.f32.msk $0xffff, v4  }
0x1d9: {  	s1 =	sor.u32 s7, s1;
	[tilespmem:s6+$0x0] =	vst.add.f32.msk $0xffff, v5  }
0x1da: {  	s8 =	sor.u32 $0x10000, s1;
	s18 =	sor.u32 $0x10010, s1;
	s25 =	sor.u32 $0x10020, s1;
	v4 =	vld [tilespmem:s1+$0x4070]  }
0x1db: {  	s26 =	sor.u32 $0x10030, s1;
	s7 =	sor.u32 $0x10040, s1;
	s5 =	sor.u32 $0x10050, s1;
	v7 =	vld [tilespmem:s1+$0x4000]  }
0x1dc: {  	s6 =	sor.u32 $0x10060, s1;
	v8 =	vld [tilespmem:s1+$0x4010]  }
0x1dd: {  	v9 =	vld [tilespmem:s1+$0x4020]  }
0x1de: {  	s28 =	sor.u32 $0x10070, s1;
	v10 =	vld [tilespmem:s1+$0x4030]  }
0x1df: {  	[tilespmem:s28+$0x0] =	vst.add.f32.msk $0xffff, v4  }
0x1e0: {  	v6 =	vld [tilespmem:s1+$0x4040]  }
0x1e1: {  	v4 =	vld [tilespmem:s1+$0x4050]  }
.Ltmp7:
0x1e2: {  	v5 =	vld [tilespmem:s1+$0x4060];
	(pc) =	sbr.rel @p0 .LBB2_16-.Ltmp7, $4  }
0x1e3: {  	[tilespmem:s8+$0x0] =	vst.add.f32.msk $0xffff, v7  }
0x1e4: {  	[tilespmem:s18+$0x0] =	vst.add.f32.msk $0xffff, v8  }
0x1e5: {  	[tilespmem:s25+$0x0] =	vst.add.f32.msk $0xffff, v9  }
0x1e6: {  	s0 =	sadd.s32 $0x10, s0;
	s3 =	sadd.s32 $0x400, s3;
	s4 =	sadd.s32 $0x80, s4;
	[tilespmem:s26+$0x0] =	vst.add.f32.msk $0xffff, v10  }
0x1e7: {  	[tilespmem:s7+$0x0] =	vst.add.f32.msk $0xffff, v6  }
0x1e8: {  	[tilespmem:s5+$0x0] =	vst.add.f32.msk $0xffff, v4  }
0x1e9: {  	[tilespmem:s6+$0x0] =	vst.add.f32.msk $0xffff, v5  }
0x1ea: {  	s0 =	simm.s32 $0x0;
	s3 =	simm.s32 $0x10000;
	s1 =	rddreg [dreg:$0x15]  }
0x1eb: {  	[hbm4b:s1+s0] =	stream.linear.scatter [tilespmem:s3], [sflag:$0xA], $0x4000, $0x38;
	[tilespmem:$0x1C100] =	vst v63  }
0x1ec: {  	_ =	swait.ge [sflag:s15], $0x4000  }
0x1ed: {  	[sflag:s15] =	ssyncset.done $0x0  }
0x1ee: {  	s7 =	simm.s32 $0x1;
	s6 =	rddreg [dreg:$0x1a];
	[sflag:s15] =	ssyncadd.s32 $0xFFFFC000  }
0x1ef: {  	[tilespmem:s24], [sflag:$0x4] =	stream.linear.gather [hbm4b:s6+s0], $0x4000, $0x38;
	[tilespmem:$0x1C100] =	vst v63  }
0x1f0: {  	_ =	swait.ge [sflag:s7], $0x4000  }
0x1f1: {  	[sflag:s7] =	ssyncset.done $0x0  }
0x1f2: {  	[sflag:s7] =	ssyncadd.s32 $0xFFFFC000  }
0x1f3: {  	s8 =	sand.u32 $0x2000, s0;
	s18 =	sand.u32 $0x1C00, s0;
	_ =	swait.ge [sflag:s16], $0x4000  }
0x1f4: {  	s1 =	sor.u32 s18, s8;
	s0 =	sand.u32 $0x380, s0;
	[sflag:s16] =	ssyncset.done $0x0  }
0x1f5: {  	s0 =	sor.u32 s0, s1;
	[sflag:s16] =	ssyncadd.s32 $0xFFFFC000  }
0x1f6: {  	v4 =	vld [tilespmem:s0+$0x70]  }
0x1f7: {  	v7 =	vld [tilespmem:s0+$0x0]  }
0x1f8: {  	v8 =	vld [tilespmem:s0+$0x10]  }
0x1f9: {  	v9 =	vld [tilespmem:s0+$0x20]  }
0x1fa: {  	v10 =	vld [tilespmem:s0+$0x30]  }
0x1fb: {  	v6 =	vld [tilespmem:s0+$0x40]  }
0x1fc: {  	s1 =	sor.u32 $0x14070, s0;
	v5 =	vld [tilespmem:s0+$0x60]  }
0x1fd: {  	[tilespmem:s1+$0x0] =	vst.add.f32.msk $0xffff, v4  }
0x1fe: {  	s25 =	sor.u32 $0x14000, s0;
	v4 =	vld [tilespmem:s0+$0x50]  }
0x1ff: {  	s26 =	sor.u32 $0x14010, s0;
	[tilespmem:s25+$0x0] =	vst.add.f32.msk $0xffff, v7  }
0x200: {  	s30 =	simm.s32 $0x0;
	s3 =	simm.s32 $0x400;
	s28 =	sor.u32 $0x14020, s0;
	[tilespmem:s26+$0x0] =	vst.add.f32.msk $0xffff, v8  }
0x201: {  	s4 =	sor.u32 $0x14030, s0;
	s5 =	sor.u32 $0x14050, s0;
	s6 =	sor.u32 $0x14060, s0;
	[tilespmem:s28+$0x0] =	vst.add.f32.msk $0xffff, v9  }
0x202: {  	s7 =	sor.u32 $0x14040, s0;
	[tilespmem:s4+$0x0] =	vst.add.f32.msk $0xffff, v10;
	s0 =	simm.s32 $0x10;
	s4 =	simm.s32 $0x80  }
.LBB2_18:
0x203: {  	s1 =	sand.u32 $0x2000, s4;
	s8 =	sand.u32 $0x1C00, s3;
	s30 =	sadd.s32 $0x8, s30;
	[tilespmem:s7+$0x0] =	vst.add.f32.msk $0xffff, v6  }
0x204: {  	s7 =	sand.u32 $0x380, s0;
	s1 =	sor.u32 s8, s1;
	p0 =	slt.u32 s30, $0x3F8;
	[tilespmem:s5+$0x0] =	vst.add.f32.msk $0xffff, v4  }
0x205: {  	s1 =	sor.u32 s7, s1;
	[tilespmem:s6+$0x0] =	vst.add.f32.msk $0xffff, v5  }
0x206: {  	s8 =	sor.u32 $0x14000, s1;
	s18 =	sor.u32 $0x14010, s1;
	s25 =	sor.u32 $0x14020, s1;
	v4 =	vld [tilespmem:s1+$0x70]  }
0x207: {  	s26 =	sor.u32 $0x14030, s1;
	s7 =	sor.u32 $0x14040, s1;
	s5 =	sor.u32 $0x14050, s1;
	v7 =	vld [tilespmem:s1+$0x0]  }
0x208: {  	s6 =	sor.u32 $0x14060, s1;
	v8 =	vld [tilespmem:s1+$0x10]  }
0x209: {  	v9 =	vld [tilespmem:s1+$0x20]  }
0x20a: {  	s28 =	sor.u32 $0x14070, s1;
	v10 =	vld [tilespmem:s1+$0x30]  }
0x20b: {  	[tilespmem:s28+$0x0] =	vst.add.f32.msk $0xffff, v4  }
0x20c: {  	v6 =	vld [tilespmem:s1+$0x40]  }
0x20d: {  	v4 =	vld [tilespmem:s1+$0x50]  }
.Ltmp8:
0x20e: {  	v5 =	vld [tilespmem:s1+$0x60];
	(pc) =	sbr.rel @p0 .LBB2_18-.Ltmp8, $4  }
0x20f: {  	[tilespmem:s8+$0x0] =	vst.add.f32.msk $0xffff, v7  }
0x210: {  	[tilespmem:s18+$0x0] =	vst.add.f32.msk $0xffff, v8  }
0x211: {  	[tilespmem:s25+$0x0] =	vst.add.f32.msk $0xffff, v9  }
0x212: {  	s0 =	sadd.s32 $0x10, s0;
	s3 =	sadd.s32 $0x400, s3;
	s4 =	sadd.s32 $0x80, s4;
	[tilespmem:s26+$0x0] =	vst.add.f32.msk $0xffff, v10  }
0x213: {  	[tilespmem:s7+$0x0] =	vst.add.f32.msk $0xffff, v6  }
0x214: {  	[tilespmem:s5+$0x0] =	vst.add.f32.msk $0xffff, v4  }
0x215: {  	[tilespmem:s6+$0x0] =	vst.add.f32.msk $0xffff, v5  }
0x216: {  	s0 =	simm.s32 $0x0;
	s3 =	simm.s32 $0x14000;
	s1 =	rddreg [dreg:$0x16]  }
0x217: {  	[hbm4b:s1+s0] =	stream.linear.scatter [tilespmem:s3], [sflag:$0xB], $0x4000, $0x38;
	[tilespmem:$0x1C100] =	vst v63  }
0x218: {  	_ =	swait.ge [sflag:s17], $0x4000  }
0x219: {  	[sflag:s17] =	ssyncset.done $0x0  }
0x21a: {  	[sflag:s17] =	ssyncadd.s32 $0xFFFFC000  }
0x21b: {  	v4 =	vld [tilespmem:$0x1C030];
	_ =	sdelay $0x4  }
0x21c: {  	v5 =	vshll.u32 v4, $0x3  }
0x21d: {  	v4 =	vand.u32 $0x7, v4;
	v5 =	vand.u32 $0xFFFFFFC0, v5  }
0x21e: {  	v4 =	vor.u32 v4, v5  }
0x21f: {  	v5 =	vperm.xlane v4, v1;
	_ =	sdelay $0x1  }
0x220: {  	v5 =	vadd.s32 v2, v5;
	_ =	sdelay $0x3  }
0x221: {  	s8 =	simm.s32 $0x4000  }
0x222: {  	[tilespmem:s8], [sflag:$0x2] =	stream.indirect_vreg.gather [hbm4b:s31+s0], $0x80, v5, vm0, $0xb8;
	[tilespmem:$0x1C100] =	vst v63  }
0x223: {  	s18 =	simm.s32 $0x4800;
	v4 =	vperm.xlane v4, v3  }
0x224: {  	[tilespmem:s18], [sflag:$0x2] =	stream.indirect_vreg.gather [hbm4b:s12+s0], $0x80, v5, vm0, $0xb8;
	[tilespmem:$0x1C100] =	vst v63  }
0x225: {  	s25 =	simm.s32 $0x5000;
	v4 =	vadd.s32 v2, v4  }
0x226: {  	[tilespmem:s25], [sflag:$0x2] =	stream.indirect_vreg.gather [hbm4b:s13+s0], $0x80, v5, vm0, $0xb8;
	[tilespmem:$0x1C100] =	vst v63  }
0x227: {  	s26 =	simm.s32 $0x5800  }
0x228: {  	[tilespmem:s26], [sflag:$0x2] =	stream.indirect_vreg.gather [hbm4b:s14+s0], $0x80, v5, vm0, $0xb8;
	[tilespmem:$0x1C100] =	vst v63  }
0x229: {  	s28 =	simm.s32 $0x6000  }
0x22a: {  	[tilespmem:s28], [sflag:$0x2] =	stream.indirect_vreg.gather [hbm4b:s31+s0], $0x80, v4, vm0, $0xb8;
	[tilespmem:$0x1C100] =	vst v63  }
0x22b: {  	s3 =	simm.s32 $0x6800  }
0x22c: {  	[tilespmem:s3], [sflag:$0x2] =	stream.indirect_vreg.gather [hbm4b:s12+s0], $0x80, v4, vm0, $0xb8;
	[tilespmem:$0x1C100] =	vst v63  }
0x22d: {  	s4 =	simm.s32 $0x7000  }
0x22e: {  	[tilespmem:s4], [sflag:$0x2] =	stream.indirect_vreg.gather [hbm4b:s13+s0], $0x80, v4, vm0, $0xb8;
	[tilespmem:$0x1C100] =	vst v63  }
0x22f: {  	s5 =	simm.s32 $0x7800  }
0x230: {  	[tilespmem:s5], [sflag:$0x2] =	stream.indirect_vreg.gather [hbm4b:s14+s0], $0x80, v4, vm0, $0xb8;
	[tilespmem:$0x1C100] =	vst v63  }
0x231: {  	s7 =	simm.s32 $0x10000;
	s6 =	rddreg [dreg:$0x1c]  }
0x232: {  	[tilespmem:s7], [sflag:$0x5] =	stream.linear.gather [hbm4b:s6+s0], $0x4000, $0x38;
	[tilespmem:$0x1C100] =	vst v63  }
0x233: {  	s8 =	sand.u32 $0x2000, s0;
	s18 =	sand.u32 $0x1C00, s0;
	_ =	swait.ge [sflag:s19], $0x4000  }
0x234: {  	s1 =	sor.u32 s18, s8;
	s0 =	sand.u32 $0x380, s0;
	[sflag:s19] =	ssyncset.done $0x0  }
0x235: {  	s0 =	sor.u32 s0, s1;
	[sflag:s19] =	ssyncadd.s32 $0xFFFFC000  }
0x236: {  	v4 =	vld [tilespmem:s0+$0x70]  }
0x237: {  	v7 =	vld [tilespmem:s0+$0x0]  }
0x238: {  	v8 =	vld [tilespmem:s0+$0x10]  }
0x239: {  	v9 =	vld [tilespmem:s0+$0x20]  }
0x23a: {  	v10 =	vld [tilespmem:s0+$0x30]  }
0x23b: {  	v6 =	vld [tilespmem:s0+$0x40]  }
0x23c: {  	s1 =	sor.u32 $0x18070, s0;
	v5 =	vld [tilespmem:s0+$0x60]  }
0x23d: {  	[tilespmem:s1+$0x0] =	vst.add.f32.msk $0xffff, v4  }
0x23e: {  	s25 =	sor.u32 $0x18000, s0;
	v4 =	vld [tilespmem:s0+$0x50]  }
0x23f: {  	s26 =	sor.u32 $0x18010, s0;
	[tilespmem:s25+$0x0] =	vst.add.f32.msk $0xffff, v7  }
0x240: {  	s30 =	simm.s32 $0x0;
	s3 =	simm.s32 $0x400;
	s28 =	sor.u32 $0x18020, s0;
	[tilespmem:s26+$0x0] =	vst.add.f32.msk $0xffff, v8  }
0x241: {  	s4 =	sor.u32 $0x18030, s0;
	s7 =	sor.u32 $0x18040, s0;
	s5 =	sor.u32 $0x18050, s0;
	[tilespmem:s28+$0x0] =	vst.add.f32.msk $0xffff, v9  }
0x242: {  	s6 =	sor.u32 $0x18060, s0;
	[tilespmem:s4+$0x0] =	vst.add.f32.msk $0xffff, v10;
	s0 =	simm.s32 $0x10;
	s4 =	simm.s32 $0x80  }
.LBB2_20:
0x243: {  	s1 =	sand.u32 $0x2000, s4;
	s8 =	sand.u32 $0x1C00, s3;
	s30 =	sadd.s32 $0x8, s30;
	[tilespmem:s7+$0x0] =	vst.add.f32.msk $0xffff, v6  }
0x244: {  	s7 =	sand.u32 $0x380, s0;
	s1 =	sor.u32 s8, s1;
	p0 =	slt.u32 s30, $0x3F8;
	[tilespmem:s5+$0x0] =	vst.add.f32.msk $0xffff, v4  }
0x245: {  	s1 =	sor.u32 s7, s1;
	[tilespmem:s6+$0x0] =	vst.add.f32.msk $0xffff, v5  }
0x246: {  	s8 =	sor.u32 $0x18000, s1;
	s18 =	sor.u32 $0x18010, s1;
	s25 =	sor.u32 $0x18020, s1;
	v4 =	vld [tilespmem:s1+$0x70]  }
0x247: {  	s26 =	sor.u32 $0x18030, s1;
	s7 =	sor.u32 $0x18040, s1;
	s5 =	sor.u32 $0x18050, s1;
	v7 =	vld [tilespmem:s1+$0x0]  }
0x248: {  	s6 =	sor.u32 $0x18060, s1;
	v8 =	vld [tilespmem:s1+$0x10]  }
0x249: {  	v9 =	vld [tilespmem:s1+$0x20]  }
0x24a: {  	s28 =	sor.u32 $0x18070, s1;
	v10 =	vld [tilespmem:s1+$0x30]  }
0x24b: {  	[tilespmem:s28+$0x0] =	vst.add.f32.msk $0xffff, v4  }
0x24c: {  	v6 =	vld [tilespmem:s1+$0x40]  }
0x24d: {  	v4 =	vld [tilespmem:s1+$0x50]  }
.Ltmp9:
0x24e: {  	v5 =	vld [tilespmem:s1+$0x60];
	(pc) =	sbr.rel @p0 .LBB2_20-.Ltmp9, $4  }
0x24f: {  	[tilespmem:s8+$0x0] =	vst.add.f32.msk $0xffff, v7  }
0x250: {  	[tilespmem:s18+$0x0] =	vst.add.f32.msk $0xffff, v8  }
0x251: {  	[tilespmem:s25+$0x0] =	vst.add.f32.msk $0xffff, v9  }
0x252: {  	s0 =	sadd.s32 $0x10, s0;
	s3 =	sadd.s32 $0x400, s3;
	s4 =	sadd.s32 $0x80, s4;
	[tilespmem:s26+$0x0] =	vst.add.f32.msk $0xffff, v10  }
0x253: {  	[tilespmem:s7+$0x0] =	vst.add.f32.msk $0xffff, v6  }
0x254: {  	[tilespmem:s5+$0x0] =	vst.add.f32.msk $0xffff, v4  }
0x255: {  	[tilespmem:s6+$0x0] =	vst.add.f32.msk $0xffff, v5  }
0x256: {  	s0 =	simm.s32 $0x0;
	s3 =	simm.s32 $0x18000;
	s1 =	rddreg [dreg:$0x17]  }
0x257: {  	[hbm4b:s1+s0] =	stream.linear.scatter [tilespmem:s3], [sflag:$0xC], $0x4000, $0x38;
	[tilespmem:$0x1C100] =	vst v63  }
0x258: {  	_ =	swait.ge [sflag:s20], $0x4000  }
0x259: {  	[sflag:s20] =	ssyncset.done $0x0  }
0x25a: {  	s7 =	simm.s32 $0x14000;
	s6 =	rddreg [dreg:$0x1e];
	[sflag:s20] =	ssyncadd.s32 $0xFFFFC000  }
0x25b: {  	[tilespmem:s7], [sflag:$0x6] =	stream.linear.gather [hbm4b:s6+s0], $0x4000, $0x38;
	[tilespmem:$0x1C100] =	vst v63  }
0x25c: {  	s8 =	sand.u32 $0x2000, s0;
	s18 =	sand.u32 $0x1C00, s0;
	_ =	swait.ge [sflag:s29], $0x4000  }
0x25d: {  	s1 =	sor.u32 s18, s8;
	s0 =	sand.u32 $0x380, s0;
	[sflag:s29] =	ssyncset.done $0x0  }
0x25e: {  	s0 =	sor.u32 s0, s1;
	[sflag:s29] =	ssyncadd.s32 $0xFFFFC000  }
0x25f: {  	v4 =	vld [tilespmem:s0+$0x70]  }
0x260: {  	v7 =	vld [tilespmem:s0+$0x0]  }
0x261: {  	v8 =	vld [tilespmem:s0+$0x10]  }
0x262: {  	v9 =	vld [tilespmem:s0+$0x20]  }
0x263: {  	v10 =	vld [tilespmem:s0+$0x30]  }
0x264: {  	v6 =	vld [tilespmem:s0+$0x40]  }
0x265: {  	s1 =	sor.u32 $0x8070, s0;
	v5 =	vld [tilespmem:s0+$0x60]  }
0x266: {  	[tilespmem:s1+$0x0] =	vst.add.f32.msk $0xffff, v4  }
0x267: {  	s25 =	sor.u32 $0x8000, s0;
	v4 =	vld [tilespmem:s0+$0x50]  }
0x268: {  	s26 =	sor.u32 $0x8010, s0;
	[tilespmem:s25+$0x0] =	vst.add.f32.msk $0xffff, v7  }
0x269: {  	s30 =	simm.s32 $0x0;
	s3 =	simm.s32 $0x400;
	s28 =	sor.u32 $0x8020, s0;
	[tilespmem:s26+$0x0] =	vst.add.f32.msk $0xffff, v8  }
0x26a: {  	s4 =	sor.u32 $0x8030, s0;
	s7 =	sor.u32 $0x8040, s0;
	s5 =	sor.u32 $0x8050, s0;
	[tilespmem:s28+$0x0] =	vst.add.f32.msk $0xffff, v9  }
0x26b: {  	s6 =	sor.u32 $0x8060, s0;
	[tilespmem:s4+$0x0] =	vst.add.f32.msk $0xffff, v10;
	s0 =	simm.s32 $0x10;
	s4 =	simm.s32 $0x80  }
.LBB2_22:
0x26c: {  	s1 =	sand.u32 $0x2000, s4;
	s8 =	sand.u32 $0x1C00, s3;
	s30 =	sadd.s32 $0x8, s30;
	[tilespmem:s7+$0x0] =	vst.add.f32.msk $0xffff, v6  }
0x26d: {  	s7 =	sand.u32 $0x380, s0;
	s1 =	sor.u32 s8, s1;
	p0 =	slt.u32 s30, $0x3F8;
	[tilespmem:s5+$0x0] =	vst.add.f32.msk $0xffff, v4  }
0x26e: {  	s1 =	sor.u32 s7, s1;
	[tilespmem:s6+$0x0] =	vst.add.f32.msk $0xffff, v5  }
0x26f: {  	s8 =	sor.u32 $0x8000, s1;
	s18 =	sor.u32 $0x8010, s1;
	s25 =	sor.u32 $0x8020, s1;
	v4 =	vld [tilespmem:s1+$0x70]  }
0x270: {  	s26 =	sor.u32 $0x8030, s1;
	s7 =	sor.u32 $0x8040, s1;
	s5 =	sor.u32 $0x8050, s1;
	v7 =	vld [tilespmem:s1+$0x0]  }
0x271: {  	s6 =	sor.u32 $0x8060, s1;
	v8 =	vld [tilespmem:s1+$0x10]  }
0x272: {  	v9 =	vld [tilespmem:s1+$0x20]  }
0x273: {  	s28 =	sor.u32 $0x8070, s1;
	v10 =	vld [tilespmem:s1+$0x30]  }
0x274: {  	[tilespmem:s28+$0x0] =	vst.add.f32.msk $0xffff, v4  }
0x275: {  	v6 =	vld [tilespmem:s1+$0x40]  }
0x276: {  	v4 =	vld [tilespmem:s1+$0x50]  }
.Ltmp10:
0x277: {  	v5 =	vld [tilespmem:s1+$0x60];
	(pc) =	sbr.rel @p0 .LBB2_22-.Ltmp10, $4  }
0x278: {  	[tilespmem:s8+$0x0] =	vst.add.f32.msk $0xffff, v7  }
0x279: {  	[tilespmem:s18+$0x0] =	vst.add.f32.msk $0xffff, v8  }
0x27a: {  	[tilespmem:s25+$0x0] =	vst.add.f32.msk $0xffff, v9  }
0x27b: {  	s0 =	sadd.s32 $0x10, s0;
	s3 =	sadd.s32 $0x400, s3;
	s4 =	sadd.s32 $0x80, s4;
	[tilespmem:s26+$0x0] =	vst.add.f32.msk $0xffff, v10  }
0x27c: {  	[tilespmem:s7+$0x0] =	vst.add.f32.msk $0xffff, v6  }
0x27d: {  	[tilespmem:s5+$0x0] =	vst.add.f32.msk $0xffff, v4  }
0x27e: {  	[tilespmem:s6+$0x0] =	vst.add.f32.msk $0xffff, v5  }
0x27f: {  	s0 =	simm.s32 $0x0;
	s1 =	rddreg [dreg:$0x19]  }
0x280: {  	[hbm4b:s1+s0] =	stream.linear.scatter [tilespmem:s23], [sflag:$0x8], $0x4000, $0x38;
	[tilespmem:$0x1C100] =	vst v63  }
0x281: {  	_ =	swait.ge [sflag:s21], $0x4000  }
0x282: {  	s7 =	sld [smem:$0x7D6]  }
0x283: {  	[sflag:s21] =	ssyncset.done $0x0  }
0x284: {  	s3 =	simm.s32 $0x18000;
	[sflag:s21] =	ssyncadd.s32 $0xFFFFC000  }
0x285: {  	[tilespmem:s3], [sflag:$0x7] =	stream.linear.gather [hbm4b:s7+s0], $0x4000, $0x38;
	[tilespmem:$0x1C100] =	vst v63  }
0x286: {  	s8 =	sand.u32 $0x2000, s0;
	s18 =	sand.u32 $0x1C00, s0;
	_ =	swait.ge [sflag:s9], $0x4000  }
0x287: {  	s1 =	sor.u32 s18, s8;
	s0 =	sand.u32 $0x380, s0;
	[sflag:s9] =	ssyncset.done $0x0  }
0x288: {  	s0 =	sor.u32 s0, s1;
	[sflag:s9] =	ssyncadd.s32 $0xFFFFC000  }
0x289: {  	v4 =	vld [tilespmem:s0+$0x70]  }
0x28a: {  	v7 =	vld [tilespmem:s0+$0x0]  }
0x28b: {  	v8 =	vld [tilespmem:s0+$0x10]  }
0x28c: {  	v9 =	vld [tilespmem:s0+$0x20]  }
0x28d: {  	v10 =	vld [tilespmem:s0+$0x30]  }
0x28e: {  	v6 =	vld [tilespmem:s0+$0x40]  }
0x28f: {  	s1 =	sor.u32 $0xC070, s0;
	v5 =	vld [tilespmem:s0+$0x60]  }
0x290: {  	[tilespmem:s1+$0x0] =	vst.add.f32.msk $0xffff, v4  }
0x291: {  	s25 =	sor.u32 $0xC000, s0;
	v4 =	vld [tilespmem:s0+$0x50]  }
0x292: {  	s26 =	sor.u32 $0xC010, s0;
	[tilespmem:s25+$0x0] =	vst.add.f32.msk $0xffff, v7  }
0x293: {  	s30 =	simm.s32 $0x0;
	s3 =	simm.s32 $0x400;
	s28 =	sor.u32 $0xC020, s0;
	[tilespmem:s26+$0x0] =	vst.add.f32.msk $0xffff, v8  }
0x294: {  	s4 =	sor.u32 $0xC030, s0;
	s7 =	sor.u32 $0xC040, s0;
	s5 =	sor.u32 $0xC050, s0;
	[tilespmem:s28+$0x0] =	vst.add.f32.msk $0xffff, v9  }
0x295: {  	s6 =	sor.u32 $0xC060, s0;
	[tilespmem:s4+$0x0] =	vst.add.f32.msk $0xffff, v10;
	s0 =	simm.s32 $0x10;
	s4 =	simm.s32 $0x80  }
.LBB2_24:
0x296: {  	s1 =	sand.u32 $0x2000, s4;
	s8 =	sand.u32 $0x1C00, s3;
	s30 =	sadd.s32 $0x8, s30;
	[tilespmem:s7+$0x0] =	vst.add.f32.msk $0xffff, v6  }
0x297: {  	s7 =	sand.u32 $0x380, s0;
	s1 =	sor.u32 s8, s1;
	p0 =	slt.u32 s30, $0x3F8;
	[tilespmem:s5+$0x0] =	vst.add.f32.msk $0xffff, v4  }
0x298: {  	s1 =	sor.u32 s7, s1;
	[tilespmem:s6+$0x0] =	vst.add.f32.msk $0xffff, v5  }
0x299: {  	s8 =	sor.u32 $0xC000, s1;
	s18 =	sor.u32 $0xC010, s1;
	s25 =	sor.u32 $0xC020, s1;
	v4 =	vld [tilespmem:s1+$0x70]  }
0x29a: {  	s26 =	sor.u32 $0xC030, s1;
	s7 =	sor.u32 $0xC040, s1;
	s5 =	sor.u32 $0xC050, s1;
	v7 =	vld [tilespmem:s1+$0x0]  }
0x29b: {  	s6 =	sor.u32 $0xC060, s1;
	v8 =	vld [tilespmem:s1+$0x10]  }
0x29c: {  	v9 =	vld [tilespmem:s1+$0x20]  }
0x29d: {  	s28 =	sor.u32 $0xC070, s1;
	v10 =	vld [tilespmem:s1+$0x30]  }
0x29e: {  	[tilespmem:s28+$0x0] =	vst.add.f32.msk $0xffff, v4  }
0x29f: {  	v6 =	vld [tilespmem:s1+$0x40]  }
0x2a0: {  	v4 =	vld [tilespmem:s1+$0x50]  }
.Ltmp11:
0x2a1: {  	v5 =	vld [tilespmem:s1+$0x60];
	(pc) =	sbr.rel @p0 .LBB2_24-.Ltmp11, $4  }
0x2a2: {  	[tilespmem:s8+$0x0] =	vst.add.f32.msk $0xffff, v7  }
0x2a3: {  	[tilespmem:s18+$0x0] =	vst.add.f32.msk $0xffff, v8  }
0x2a4: {  	[tilespmem:s25+$0x0] =	vst.add.f32.msk $0xffff, v9  }
0x2a5: {  	s0 =	sadd.s32 $0x10, s0;
	s3 =	sadd.s32 $0x400, s3;
	s4 =	sadd.s32 $0x80, s4;
	[tilespmem:s26+$0x0] =	vst.add.f32.msk $0xffff, v10  }
0x2a6: {  	[tilespmem:s7+$0x0] =	vst.add.f32.msk $0xffff, v6  }
0x2a7: {  	[tilespmem:s5+$0x0] =	vst.add.f32.msk $0xffff, v4  }
0x2a8: {  	[tilespmem:s6+$0x0] =	vst.add.f32.msk $0xffff, v5  }
0x2a9: {  	s0 =	simm.s32 $0x0;
	s1 =	rddreg [dreg:$0x1b]  }
0x2aa: {  	[hbm4b:s1+s0] =	stream.linear.scatter [tilespmem:s24], [sflag:$0x9], $0x4000, $0x38;
	[tilespmem:$0x1C100] =	vst v63  }
0x2ab: {  	_ =	swait.ge [sflag:s10], $0x4000  }
0x2ac: {  	s7 =	sld [smem:$0x7D8]  }
0x2ad: {  	[sflag:s10] =	ssyncset.done $0x0  }
0x2ae: {  	s8 =	simm.s32 $0x2;
	[sflag:s10] =	ssyncadd.s32 $0xFFFFC000  }
0x2af: {  	[tilespmem:s23], [sflag:$0x3] =	stream.linear.gather [hbm4b:s7+s0], $0x4000, $0x38;
	[tilespmem:$0x1C100] =	vst v63  }
0x2b0: {  	_ =	swait.ge [sflag:s8], $0x4000  }
0x2b1: {  	[sflag:s8] =	ssyncset.done $0x0  }
0x2b2: {  	[sflag:s8] =	ssyncadd.s32 $0xFFFFC000  }
0x2b3: {  	s18 =	sand.u32 $0x2000, s0;
	s3 =	sand.u32 $0x1C00, s0;
	_ =	swait.ge [sflag:s11], $0x4000  }
0x2b4: {  	s1 =	sor.u32 s3, s18;
	s0 =	sand.u32 $0x380, s0;
	[sflag:s11] =	ssyncset.done $0x0  }
0x2b5: {  	s0 =	sor.u32 s0, s1;
	[sflag:s11] =	ssyncadd.s32 $0xFFFFC000  }
0x2b6: {  	v4 =	vld [tilespmem:s0+$0x4070]  }
0x2b7: {  	v7 =	vld [tilespmem:s0+$0x4000]  }
0x2b8: {  	v8 =	vld [tilespmem:s0+$0x4010]  }
0x2b9: {  	v9 =	vld [tilespmem:s0+$0x4020]  }
0x2ba: {  	v10 =	vld [tilespmem:s0+$0x4030]  }
0x2bb: {  	v6 =	vld [tilespmem:s0+$0x4040]  }
0x2bc: {  	s1 =	sor.u32 $0x10070, s0;
	v5 =	vld [tilespmem:s0+$0x4060]  }
0x2bd: {  	[tilespmem:s1+$0x0] =	vst.add.f32.msk $0xffff, v4  }
0x2be: {  	s25 =	sor.u32 $0x10000, s0;
	v4 =	vld [tilespmem:s0+$0x4050]  }
0x2bf: {  	s26 =	sor.u32 $0x10010, s0;
	[tilespmem:s25+$0x0] =	vst.add.f32.msk $0xffff, v7  }
0x2c0: {  	s30 =	simm.s32 $0x0;
	s3 =	simm.s32 $0x400;
	s28 =	sor.u32 $0x10020, s0;
	[tilespmem:s26+$0x0] =	vst.add.f32.msk $0xffff, v8  }
0x2c1: {  	s4 =	sor.u32 $0x10030, s0;
	s7 =	sor.u32 $0x10040, s0;
	s5 =	sor.u32 $0x10050, s0;
	[tilespmem:s28+$0x0] =	vst.add.f32.msk $0xffff, v9  }
0x2c2: {  	s6 =	sor.u32 $0x10060, s0;
	[tilespmem:s4+$0x0] =	vst.add.f32.msk $0xffff, v10;
	s0 =	simm.s32 $0x10;
	s4 =	simm.s32 $0x80  }
.LBB2_26:
0x2c3: {  	s1 =	sand.u32 $0x2000, s4;
	s8 =	sand.u32 $0x1C00, s3;
	s30 =	sadd.s32 $0x8, s30;
	[tilespmem:s7+$0x0] =	vst.add.f32.msk $0xffff, v6  }
0x2c4: {  	s7 =	sand.u32 $0x380, s0;
	s1 =	sor.u32 s8, s1;
	p0 =	slt.u32 s30, $0x3F8;
	[tilespmem:s5+$0x0] =	vst.add.f32.msk $0xffff, v4  }
0x2c5: {  	s1 =	sor.u32 s7, s1;
	[tilespmem:s6+$0x0] =	vst.add.f32.msk $0xffff, v5  }
0x2c6: {  	s8 =	sor.u32 $0x10000, s1;
	s18 =	sor.u32 $0x10010, s1;
	s25 =	sor.u32 $0x10020, s1;
	v4 =	vld [tilespmem:s1+$0x4070]  }
0x2c7: {  	s26 =	sor.u32 $0x10030, s1;
	s7 =	sor.u32 $0x10040, s1;
	s5 =	sor.u32 $0x10050, s1;
	v7 =	vld [tilespmem:s1+$0x4000]  }
0x2c8: {  	s6 =	sor.u32 $0x10060, s1;
	v8 =	vld [tilespmem:s1+$0x4010]  }
0x2c9: {  	v9 =	vld [tilespmem:s1+$0x4020]  }
0x2ca: {  	s28 =	sor.u32 $0x10070, s1;
	v10 =	vld [tilespmem:s1+$0x4030]  }
0x2cb: {  	[tilespmem:s28+$0x0] =	vst.add.f32.msk $0xffff, v4  }
0x2cc: {  	v6 =	vld [tilespmem:s1+$0x4040]  }
0x2cd: {  	v4 =	vld [tilespmem:s1+$0x4050]  }
.Ltmp12:
0x2ce: {  	v5 =	vld [tilespmem:s1+$0x4060];
	(pc) =	sbr.rel @p0 .LBB2_26-.Ltmp12, $4  }
0x2cf: {  	[tilespmem:s8+$0x0] =	vst.add.f32.msk $0xffff, v7  }
0x2d0: {  	[tilespmem:s18+$0x0] =	vst.add.f32.msk $0xffff, v8  }
0x2d1: {  	[tilespmem:s25+$0x0] =	vst.add.f32.msk $0xffff, v9  }
0x2d2: {  	s0 =	sadd.s32 $0x10, s0;
	s3 =	sadd.s32 $0x400, s3;
	s4 =	sadd.s32 $0x80, s4;
	[tilespmem:s26+$0x0] =	vst.add.f32.msk $0xffff, v10  }
0x2d3: {  	[tilespmem:s7+$0x0] =	vst.add.f32.msk $0xffff, v6  }
0x2d4: {  	[tilespmem:s5+$0x0] =	vst.add.f32.msk $0xffff, v4  }
0x2d5: {  	[tilespmem:s6+$0x0] =	vst.add.f32.msk $0xffff, v5  }
0x2d6: {  	s0 =	simm.s32 $0x0;
	s3 =	simm.s32 $0x10000;
	s1 =	rddreg [dreg:$0x1d]  }
0x2d7: {  	[hbm4b:s1+s0] =	stream.linear.scatter [tilespmem:s3], [sflag:$0xA], $0x4000, $0x38;
	[tilespmem:$0x1C100] =	vst v63  }
0x2d8: {  	_ =	swait.ge [sflag:s15], $0x4000  }
0x2d9: {  	[sflag:s15] =	ssyncset.done $0x0  }
0x2da: {  	[sflag:s15] =	ssyncadd.s32 $0xFFFFC000  }
0x2db: {  	v4 =	vld [tilespmem:$0x1C040];
	_ =	sdelay $0x4  }
0x2dc: {  	v5 =	vshll.u32 v4, $0x3  }
0x2dd: {  	v4 =	vand.u32 $0x7, v4;
	v5 =	vand.u32 $0xFFFFFFC0, v5  }
0x2de: {  	v4 =	vor.u32 v4, v5  }
0x2df: {  	v5 =	vperm.xlane v4, v1;
	_ =	sdelay $0x1  }
0x2e0: {  	v5 =	vadd.s32 v2, v5;
	_ =	sdelay $0x4  }
0x2e1: {  	[tilespmem:s0], [sflag:$0x1] =	stream.indirect_vreg.gather [hbm4b:s31+s0], $0x80, v5, vm0, $0xb8;
	[tilespmem:$0x1C100] =	vst v63  }
0x2e2: {  	s25 =	simm.s32 $0x800;
	v4 =	vperm.xlane v4, v3  }
0x2e3: {  	[tilespmem:s25], [sflag:$0x1] =	stream.indirect_vreg.gather [hbm4b:s12+s0], $0x80, v5, vm0, $0xb8;
	[tilespmem:$0x1C100] =	vst v63  }
0x2e4: {  	s26 =	simm.s32 $0x1000;
	v4 =	vadd.s32 v2, v4  }
0x2e5: {  	[tilespmem:s26], [sflag:$0x1] =	stream.indirect_vreg.gather [hbm4b:s13+s0], $0x80, v5, vm0, $0xb8;
	[tilespmem:$0x1C100] =	vst v63  }
0x2e6: {  	s28 =	simm.s32 $0x1800  }
0x2e7: {  	[tilespmem:s28], [sflag:$0x1] =	stream.indirect_vreg.gather [hbm4b:s14+s0], $0x80, v5, vm0, $0xb8;
	[tilespmem:$0x1C100] =	vst v63  }
0x2e8: {  	s3 =	simm.s32 $0x2000  }
0x2e9: {  	[tilespmem:s3], [sflag:$0x1] =	stream.indirect_vreg.gather [hbm4b:s31+s0], $0x80, v4, vm0, $0xb8;
	[tilespmem:$0x1C100] =	vst v63  }
0x2ea: {  	s4 =	simm.s32 $0x2800  }
0x2eb: {  	[tilespmem:s4], [sflag:$0x1] =	stream.indirect_vreg.gather [hbm4b:s12+s0], $0x80, v4, vm0, $0xb8;
	[tilespmem:$0x1C100] =	vst v63  }
0x2ec: {  	s5 =	simm.s32 $0x3000  }
0x2ed: {  	[tilespmem:s5], [sflag:$0x1] =	stream.indirect_vreg.gather [hbm4b:s13+s0], $0x80, v4, vm0, $0xb8;
	[tilespmem:$0x1C100] =	vst v63  }
0x2ee: {  	s6 =	simm.s32 $0x3800;
	s7 =	sld [smem:$0x7DA]  }
0x2ef: {  	[tilespmem:s6], [sflag:$0x1] =	stream.indirect_vreg.gather [hbm4b:s14+s0], $0x80, v4, vm0, $0xb8;
	[tilespmem:$0x1C100] =	vst v63  }
0x2f0: {  	_ = 	snop  }
0x2f1: {  	[tilespmem:s24], [sflag:$0x4] =	stream.linear.gather [hbm4b:s7+s0], $0x4000, $0x38;
	[tilespmem:$0x1C100] =	vst v63  }
0x2f2: {  	s8 =	sand.u32 $0x2000, s0;
	s18 =	sand.u32 $0x1C00, s0;
	_ =	swait.ge [sflag:s16], $0x4000  }
0x2f3: {  	s1 =	sor.u32 s18, s8;
	s0 =	sand.u32 $0x380, s0;
	[sflag:s16] =	ssyncset.done $0x0  }
0x2f4: {  	s0 =	sor.u32 s0, s1;
	[sflag:s16] =	ssyncadd.s32 $0xFFFFC000  }
0x2f5: {  	v4 =	vld [tilespmem:s0+$0x4070]  }
0x2f6: {  	v7 =	vld [tilespmem:s0+$0x4000]  }
0x2f7: {  	v8 =	vld [tilespmem:s0+$0x4010]  }
0x2f8: {  	v9 =	vld [tilespmem:s0+$0x4020]  }
0x2f9: {  	v10 =	vld [tilespmem:s0+$0x4030]  }
0x2fa: {  	v6 =	vld [tilespmem:s0+$0x4040]  }
0x2fb: {  	s1 =	sor.u32 $0x14070, s0;
	v5 =	vld [tilespmem:s0+$0x4060]  }
0x2fc: {  	[tilespmem:s1+$0x0] =	vst.add.f32.msk $0xffff, v4  }
0x2fd: {  	s25 =	sor.u32 $0x14000, s0;
	v4 =	vld [tilespmem:s0+$0x4050]  }
0x2fe: {  	s26 =	sor.u32 $0x14010, s0;
	[tilespmem:s25+$0x0] =	vst.add.f32.msk $0xffff, v7  }
0x2ff: {  	s30 =	simm.s32 $0x0;
	s3 =	simm.s32 $0x400;
	s28 =	sor.u32 $0x14020, s0;
	[tilespmem:s26+$0x0] =	vst.add.f32.msk $0xffff, v8  }
0x300: {  	s4 =	sor.u32 $0x14030, s0;
	s7 =	sor.u32 $0x14040, s0;
	s5 =	sor.u32 $0x14050, s0;
	[tilespmem:s28+$0x0] =	vst.add.f32.msk $0xffff, v9  }
0x301: {  	s6 =	sor.u32 $0x14060, s0;
	[tilespmem:s4+$0x0] =	vst.add.f32.msk $0xffff, v10;
	s0 =	simm.s32 $0x10;
	s4 =	simm.s32 $0x80  }
.LBB2_28:
0x302: {  	s1 =	sand.u32 $0x2000, s4;
	s8 =	sand.u32 $0x1C00, s3;
	s30 =	sadd.s32 $0x8, s30;
	[tilespmem:s7+$0x0] =	vst.add.f32.msk $0xffff, v6  }
0x303: {  	s7 =	sand.u32 $0x380, s0;
	s1 =	sor.u32 s8, s1;
	p0 =	slt.u32 s30, $0x3F8;
	[tilespmem:s5+$0x0] =	vst.add.f32.msk $0xffff, v4  }
0x304: {  	s1 =	sor.u32 s7, s1;
	[tilespmem:s6+$0x0] =	vst.add.f32.msk $0xffff, v5  }
0x305: {  	s8 =	sor.u32 $0x14000, s1;
	s18 =	sor.u32 $0x14010, s1;
	s25 =	sor.u32 $0x14020, s1;
	v4 =	vld [tilespmem:s1+$0x4070]  }
0x306: {  	s26 =	sor.u32 $0x14030, s1;
	s7 =	sor.u32 $0x14040, s1;
	s5 =	sor.u32 $0x14050, s1;
	v7 =	vld [tilespmem:s1+$0x4000]  }
0x307: {  	s6 =	sor.u32 $0x14060, s1;
	v8 =	vld [tilespmem:s1+$0x4010]  }
0x308: {  	v9 =	vld [tilespmem:s1+$0x4020]  }
0x309: {  	s28 =	sor.u32 $0x14070, s1;
	v10 =	vld [tilespmem:s1+$0x4030]  }
0x30a: {  	[tilespmem:s28+$0x0] =	vst.add.f32.msk $0xffff, v4  }
0x30b: {  	v6 =	vld [tilespmem:s1+$0x4040]  }
0x30c: {  	v4 =	vld [tilespmem:s1+$0x4050]  }
.Ltmp13:
0x30d: {  	v5 =	vld [tilespmem:s1+$0x4060];
	(pc) =	sbr.rel @p0 .LBB2_28-.Ltmp13, $4  }
0x30e: {  	[tilespmem:s8+$0x0] =	vst.add.f32.msk $0xffff, v7  }
0x30f: {  	[tilespmem:s18+$0x0] =	vst.add.f32.msk $0xffff, v8  }
0x310: {  	[tilespmem:s25+$0x0] =	vst.add.f32.msk $0xffff, v9  }
0x311: {  	s0 =	sadd.s32 $0x10, s0;
	s3 =	sadd.s32 $0x400, s3;
	s4 =	sadd.s32 $0x80, s4;
	[tilespmem:s26+$0x0] =	vst.add.f32.msk $0xffff, v10  }
0x312: {  	[tilespmem:s7+$0x0] =	vst.add.f32.msk $0xffff, v6  }
0x313: {  	[tilespmem:s5+$0x0] =	vst.add.f32.msk $0xffff, v4  }
0x314: {  	[tilespmem:s6+$0x0] =	vst.add.f32.msk $0xffff, v5  }
0x315: {  	s0 =	simm.s32 $0x0;
	s3 =	simm.s32 $0x14000;
	s1 =	rddreg [dreg:$0x1f]  }
0x316: {  	[hbm4b:s1+s0] =	stream.linear.scatter [tilespmem:s3], [sflag:$0xB], $0x4000, $0x38;
	[tilespmem:$0x1C100] =	vst v63  }
0x317: {  	_ =	swait.ge [sflag:s17], $0x4000  }
0x318: {  	s6 =	sld [smem:$0x7DC]  }
0x319: {  	[sflag:s17] =	ssyncset.done $0x0  }
0x31a: {  	s7 =	simm.s32 $0x10000;
	[sflag:s17] =	ssyncadd.s32 $0xFFFFC000  }
0x31b: {  	[tilespmem:s7], [sflag:$0x5] =	stream.linear.gather [hbm4b:s6+s0], $0x4000, $0x38;
	[tilespmem:$0x1C100] =	vst v63  }
0x31c: {  	s8 =	sand.u32 $0x2000, s0;
	s18 =	sand.u32 $0x1C00, s0;
	_ =	swait.ge [sflag:s19], $0x4000  }
0x31d: {  	s1 =	sor.u32 s18, s8;
	s0 =	sand.u32 $0x380, s0;
	[sflag:s19] =	ssyncset.done $0x0  }
0x31e: {  	s0 =	sor.u32 s0, s1;
	[sflag:s19] =	ssyncadd.s32 $0xFFFFC000  }
0x31f: {  	v4 =	vld [tilespmem:s0+$0x4070]  }
0x320: {  	v7 =	vld [tilespmem:s0+$0x4000]  }
0x321: {  	v8 =	vld [tilespmem:s0+$0x4010]  }
0x322: {  	v9 =	vld [tilespmem:s0+$0x4020]  }
0x323: {  	v10 =	vld [tilespmem:s0+$0x4030]  }
0x324: {  	v6 =	vld [tilespmem:s0+$0x4040]  }
0x325: {  	s1 =	sor.u32 $0x18070, s0;
	v5 =	vld [tilespmem:s0+$0x4060]  }
0x326: {  	[tilespmem:s1+$0x0] =	vst.add.f32.msk $0xffff, v4  }
0x327: {  	s25 =	sor.u32 $0x18000, s0;
	v4 =	vld [tilespmem:s0+$0x4050]  }
0x328: {  	s26 =	sor.u32 $0x18010, s0;
	[tilespmem:s25+$0x0] =	vst.add.f32.msk $0xffff, v7  }
0x329: {  	s30 =	simm.s32 $0x0;
	s3 =	simm.s32 $0x400;
	s28 =	sor.u32 $0x18020, s0;
	[tilespmem:s26+$0x0] =	vst.add.f32.msk $0xffff, v8  }
0x32a: {  	s4 =	sor.u32 $0x18030, s0;
	s7 =	sor.u32 $0x18040, s0;
	s5 =	sor.u32 $0x18050, s0;
	[tilespmem:s28+$0x0] =	vst.add.f32.msk $0xffff, v9  }
0x32b: {  	s6 =	sor.u32 $0x18060, s0;
	[tilespmem:s4+$0x0] =	vst.add.f32.msk $0xffff, v10;
	s0 =	simm.s32 $0x10;
	s4 =	simm.s32 $0x80  }
.LBB2_30:
0x32c: {  	s1 =	sand.u32 $0x2000, s4;
	s8 =	sand.u32 $0x1C00, s3;
	s30 =	sadd.s32 $0x8, s30;
	[tilespmem:s7+$0x0] =	vst.add.f32.msk $0xffff, v6  }
0x32d: {  	s7 =	sand.u32 $0x380, s0;
	s1 =	sor.u32 s8, s1;
	p0 =	slt.u32 s30, $0x3F8;
	[tilespmem:s5+$0x0] =	vst.add.f32.msk $0xffff, v4  }
0x32e: {  	s1 =	sor.u32 s7, s1;
	[tilespmem:s6+$0x0] =	vst.add.f32.msk $0xffff, v5  }
0x32f: {  	s8 =	sor.u32 $0x18000, s1;
	s18 =	sor.u32 $0x18010, s1;
	s25 =	sor.u32 $0x18020, s1;
	v4 =	vld [tilespmem:s1+$0x4070]  }
0x330: {  	s26 =	sor.u32 $0x18030, s1;
	s7 =	sor.u32 $0x18040, s1;
	s5 =	sor.u32 $0x18050, s1;
	v7 =	vld [tilespmem:s1+$0x4000]  }
0x331: {  	s6 =	sor.u32 $0x18060, s1;
	v8 =	vld [tilespmem:s1+$0x4010]  }
0x332: {  	v9 =	vld [tilespmem:s1+$0x4020]  }
0x333: {  	s28 =	sor.u32 $0x18070, s1;
	v10 =	vld [tilespmem:s1+$0x4030]  }
0x334: {  	[tilespmem:s28+$0x0] =	vst.add.f32.msk $0xffff, v4  }
0x335: {  	v6 =	vld [tilespmem:s1+$0x4040]  }
0x336: {  	v4 =	vld [tilespmem:s1+$0x4050]  }
.Ltmp14:
0x337: {  	v5 =	vld [tilespmem:s1+$0x4060];
	(pc) =	sbr.rel @p0 .LBB2_30-.Ltmp14, $4  }
0x338: {  	[tilespmem:s8+$0x0] =	vst.add.f32.msk $0xffff, v7  }
0x339: {  	[tilespmem:s18+$0x0] =	vst.add.f32.msk $0xffff, v8  }
0x33a: {  	[tilespmem:s25+$0x0] =	vst.add.f32.msk $0xffff, v9  }
0x33b: {  	s0 =	sadd.s32 $0x10, s0;
	s3 =	sadd.s32 $0x400, s3;
	s4 =	sadd.s32 $0x80, s4;
	[tilespmem:s26+$0x0] =	vst.add.f32.msk $0xffff, v10  }
0x33c: {  	[tilespmem:s7+$0x0] =	vst.add.f32.msk $0xffff, v6  }
0x33d: {  	[tilespmem:s5+$0x0] =	vst.add.f32.msk $0xffff, v4  }
0x33e: {  	[tilespmem:s6+$0x0] =	vst.add.f32.msk $0xffff, v5  }
0x33f: {  	s1 =	sld [smem:$0x7D7];
	_ =	sdelay $0x1  }
0x340: {  	s0 =	simm.s32 $0x0;
	s3 =	simm.s32 $0x18000  }
0x341: {  	[hbm4b:s1+s0] =	stream.linear.scatter [tilespmem:s3], [sflag:$0xC], $0x4000, $0x38;
	[tilespmem:$0x1C100] =	vst v63  }
0x342: {  	_ =	swait.ge [sflag:s20], $0x4000  }
0x343: {  	s6 =	sld [smem:$0x7DE]  }
0x344: {  	[sflag:s20] =	ssyncset.done $0x0  }
0x345: {  	s7 =	simm.s32 $0x14000;
	[sflag:s20] =	ssyncadd.s32 $0xFFFFC000  }
0x346: {  	[tilespmem:s7], [sflag:$0x6] =	stream.linear.gather [hbm4b:s6+s0], $0x4000, $0x38;
	[tilespmem:$0x1C100] =	vst v63  }
0x347: {  	s8 =	sand.u32 $0x2000, s0;
	s18 =	sand.u32 $0x1C00, s0;
	_ =	swait.ge [sflag:s29], $0x4000  }
0x348: {  	s1 =	sor.u32 s18, s8;
	s0 =	sand.u32 $0x380, s0;
	[sflag:s29] =	ssyncset.done $0x0  }
0x349: {  	s0 =	sor.u32 s0, s1;
	[sflag:s29] =	ssyncadd.s32 $0xFFFFC000  }
0x34a: {  	v4 =	vld [tilespmem:s0+$0x4070]  }
0x34b: {  	v7 =	vld [tilespmem:s0+$0x4000]  }
0x34c: {  	v8 =	vld [tilespmem:s0+$0x4010]  }
0x34d: {  	v9 =	vld [tilespmem:s0+$0x4020]  }
0x34e: {  	v10 =	vld [tilespmem:s0+$0x4030]  }
0x34f: {  	v6 =	vld [tilespmem:s0+$0x4040]  }
0x350: {  	s1 =	sor.u32 $0x8070, s0;
	v5 =	vld [tilespmem:s0+$0x4060]  }
0x351: {  	[tilespmem:s1+$0x0] =	vst.add.f32.msk $0xffff, v4  }
0x352: {  	s25 =	sor.u32 $0x8000, s0;
	v4 =	vld [tilespmem:s0+$0x4050]  }
0x353: {  	s26 =	sor.u32 $0x8010, s0;
	[tilespmem:s25+$0x0] =	vst.add.f32.msk $0xffff, v7  }
0x354: {  	s30 =	simm.s32 $0x0;
	s3 =	simm.s32 $0x400;
	s28 =	sor.u32 $0x8020, s0;
	[tilespmem:s26+$0x0] =	vst.add.f32.msk $0xffff, v8  }
0x355: {  	s4 =	sor.u32 $0x8030, s0;
	s7 =	sor.u32 $0x8040, s0;
	s5 =	sor.u32 $0x8050, s0;
	[tilespmem:s28+$0x0] =	vst.add.f32.msk $0xffff, v9  }
0x356: {  	s6 =	sor.u32 $0x8060, s0;
	[tilespmem:s4+$0x0] =	vst.add.f32.msk $0xffff, v10;
	s0 =	simm.s32 $0x10;
	s4 =	simm.s32 $0x80  }
.LBB2_32:
0x357: {  	s1 =	sand.u32 $0x2000, s4;
	s8 =	sand.u32 $0x1C00, s3;
	s30 =	sadd.s32 $0x8, s30;
	[tilespmem:s7+$0x0] =	vst.add.f32.msk $0xffff, v6  }
0x358: {  	s7 =	sand.u32 $0x380, s0;
	s1 =	sor.u32 s8, s1;
	p0 =	slt.u32 s30, $0x3F8;
	[tilespmem:s5+$0x0] =	vst.add.f32.msk $0xffff, v4  }
0x359: {  	s1 =	sor.u32 s7, s1;
	[tilespmem:s6+$0x0] =	vst.add.f32.msk $0xffff, v5  }
0x35a: {  	s8 =	sor.u32 $0x8000, s1;
	s18 =	sor.u32 $0x8010, s1;
	s25 =	sor.u32 $0x8020, s1;
	v4 =	vld [tilespmem:s1+$0x4070]  }
0x35b: {  	s26 =	sor.u32 $0x8030, s1;
	s7 =	sor.u32 $0x8040, s1;
	s5 =	sor.u32 $0x8050, s1;
	v7 =	vld [tilespmem:s1+$0x4000]  }
0x35c: {  	s6 =	sor.u32 $0x8060, s1;
	v8 =	vld [tilespmem:s1+$0x4010]  }
0x35d: {  	v9 =	vld [tilespmem:s1+$0x4020]  }
0x35e: {  	s28 =	sor.u32 $0x8070, s1;
	v10 =	vld [tilespmem:s1+$0x4030]  }
0x35f: {  	[tilespmem:s28+$0x0] =	vst.add.f32.msk $0xffff, v4  }
0x360: {  	v6 =	vld [tilespmem:s1+$0x4040]  }
0x361: {  	v4 =	vld [tilespmem:s1+$0x4050]  }
.Ltmp15:
0x362: {  	v5 =	vld [tilespmem:s1+$0x4060];
	(pc) =	sbr.rel @p0 .LBB2_32-.Ltmp15, $4  }
0x363: {  	[tilespmem:s8+$0x0] =	vst.add.f32.msk $0xffff, v7  }
0x364: {  	[tilespmem:s18+$0x0] =	vst.add.f32.msk $0xffff, v8  }
0x365: {  	[tilespmem:s25+$0x0] =	vst.add.f32.msk $0xffff, v9  }
0x366: {  	s0 =	sadd.s32 $0x10, s0;
	s3 =	sadd.s32 $0x400, s3;
	s4 =	sadd.s32 $0x80, s4;
	[tilespmem:s26+$0x0] =	vst.add.f32.msk $0xffff, v10  }
0x367: {  	[tilespmem:s7+$0x0] =	vst.add.f32.msk $0xffff, v6  }
0x368: {  	[tilespmem:s5+$0x0] =	vst.add.f32.msk $0xffff, v4  }
0x369: {  	[tilespmem:s6+$0x0] =	vst.add.f32.msk $0xffff, v5  }
0x36a: {  	s1 =	sld [smem:$0x7D9];
	_ =	sdelay $0x1  }
0x36b: {  	s0 =	simm.s32 $0x0  }
0x36c: {  	[hbm4b:s1+s0] =	stream.linear.scatter [tilespmem:s23], [sflag:$0x8], $0x4000, $0x38;
	[tilespmem:$0x1C100] =	vst v63  }
0x36d: {  	_ =	swait.ge [sflag:s21], $0x4000  }
0x36e: {  	s6 =	sld [smem:$0x7E0]  }
0x36f: {  	[sflag:s21] =	ssyncset.done $0x0  }
0x370: {  	s3 =	simm.s32 $0x18000;
	s7 =	simm.s32 $0x1;
	[sflag:s21] =	ssyncadd.s32 $0xFFFFC000  }
0x371: {  	[tilespmem:s3], [sflag:$0x7] =	stream.linear.gather [hbm4b:s6+s0], $0x4000, $0x38;
	[tilespmem:$0x1C100] =	vst v63  }
0x372: {  	_ =	swait.ge [sflag:s7], $0x4000  }
0x373: {  	[sflag:s7] =	ssyncset.done $0x0  }
0x374: {  	[sflag:s7] =	ssyncadd.s32 $0xFFFFC000  }
0x375: {  	s8 =	sand.u32 $0x2000, s0;
	s18 =	sand.u32 $0x1C00, s0;
	_ =	swait.ge [sflag:s9], $0x4000  }
0x376: {  	s1 =	sor.u32 s18, s8;
	s0 =	sand.u32 $0x380, s0;
	[sflag:s9] =	ssyncset.done $0x0  }
0x377: {  	s0 =	sor.u32 s0, s1;
	[sflag:s9] =	ssyncadd.s32 $0xFFFFC000  }
0x378: {  	v4 =	vld [tilespmem:s0+$0x70]  }
0x379: {  	v7 =	vld [tilespmem:s0+$0x0]  }
0x37a: {  	v8 =	vld [tilespmem:s0+$0x10]  }
0x37b: {  	v9 =	vld [tilespmem:s0+$0x20]  }
0x37c: {  	v10 =	vld [tilespmem:s0+$0x30]  }
0x37d: {  	v6 =	vld [tilespmem:s0+$0x40]  }
0x37e: {  	s1 =	sor.u32 $0xC070, s0;
	v5 =	vld [tilespmem:s0+$0x60]  }
0x37f: {  	[tilespmem:s1+$0x0] =	vst.add.f32.msk $0xffff, v4  }
0x380: {  	s25 =	sor.u32 $0xC000, s0;
	v4 =	vld [tilespmem:s0+$0x50]  }
0x381: {  	s26 =	sor.u32 $0xC010, s0;
	[tilespmem:s25+$0x0] =	vst.add.f32.msk $0xffff, v7  }
0x382: {  	s30 =	simm.s32 $0x0;
	s3 =	simm.s32 $0x400;
	s28 =	sor.u32 $0xC020, s0;
	[tilespmem:s26+$0x0] =	vst.add.f32.msk $0xffff, v8  }
0x383: {  	s4 =	sor.u32 $0xC030, s0;
	s5 =	sor.u32 $0xC050, s0;
	s6 =	sor.u32 $0xC060, s0;
	[tilespmem:s28+$0x0] =	vst.add.f32.msk $0xffff, v9  }
0x384: {  	s7 =	sor.u32 $0xC040, s0;
	[tilespmem:s4+$0x0] =	vst.add.f32.msk $0xffff, v10;
	s0 =	simm.s32 $0x10;
	s4 =	simm.s32 $0x80  }
.LBB2_34:
0x385: {  	s1 =	sand.u32 $0x2000, s4;
	s8 =	sand.u32 $0x1C00, s3;
	s30 =	sadd.s32 $0x8, s30;
	[tilespmem:s7+$0x0] =	vst.add.f32.msk $0xffff, v6  }
0x386: {  	s7 =	sand.u32 $0x380, s0;
	s1 =	sor.u32 s8, s1;
	p0 =	slt.u32 s30, $0x3F8;
	[tilespmem:s5+$0x0] =	vst.add.f32.msk $0xffff, v4  }
0x387: {  	s1 =	sor.u32 s7, s1;
	[tilespmem:s6+$0x0] =	vst.add.f32.msk $0xffff, v5  }
0x388: {  	s8 =	sor.u32 $0xC000, s1;
	s18 =	sor.u32 $0xC010, s1;
	s25 =	sor.u32 $0xC020, s1;
	v4 =	vld [tilespmem:s1+$0x70]  }
0x389: {  	s26 =	sor.u32 $0xC030, s1;
	s7 =	sor.u32 $0xC040, s1;
	s5 =	sor.u32 $0xC050, s1;
	v7 =	vld [tilespmem:s1+$0x0]  }
0x38a: {  	s6 =	sor.u32 $0xC060, s1;
	v8 =	vld [tilespmem:s1+$0x10]  }
0x38b: {  	v9 =	vld [tilespmem:s1+$0x20]  }
0x38c: {  	s28 =	sor.u32 $0xC070, s1;
	v10 =	vld [tilespmem:s1+$0x30]  }
0x38d: {  	[tilespmem:s28+$0x0] =	vst.add.f32.msk $0xffff, v4  }
0x38e: {  	v6 =	vld [tilespmem:s1+$0x40]  }
0x38f: {  	v4 =	vld [tilespmem:s1+$0x50]  }
.Ltmp16:
0x390: {  	v5 =	vld [tilespmem:s1+$0x60];
	(pc) =	sbr.rel @p0 .LBB2_34-.Ltmp16, $4  }
0x391: {  	[tilespmem:s8+$0x0] =	vst.add.f32.msk $0xffff, v7  }
0x392: {  	[tilespmem:s18+$0x0] =	vst.add.f32.msk $0xffff, v8  }
0x393: {  	[tilespmem:s25+$0x0] =	vst.add.f32.msk $0xffff, v9  }
0x394: {  	s0 =	sadd.s32 $0x10, s0;
	s3 =	sadd.s32 $0x400, s3;
	s4 =	sadd.s32 $0x80, s4;
	[tilespmem:s26+$0x0] =	vst.add.f32.msk $0xffff, v10  }
0x395: {  	[tilespmem:s7+$0x0] =	vst.add.f32.msk $0xffff, v6  }
0x396: {  	[tilespmem:s5+$0x0] =	vst.add.f32.msk $0xffff, v4  }
0x397: {  	[tilespmem:s6+$0x0] =	vst.add.f32.msk $0xffff, v5  }
0x398: {  	s1 =	sld [smem:$0x7DB];
	_ =	sdelay $0x1  }
0x399: {  	s0 =	simm.s32 $0x0  }
0x39a: {  	[hbm4b:s1+s0] =	stream.linear.scatter [tilespmem:s24], [sflag:$0x9], $0x4000, $0x38;
	[tilespmem:$0x1C100] =	vst v63  }
0x39b: {  	_ =	swait.ge [sflag:s10], $0x4000  }
0x39c: {  	[sflag:s10] =	ssyncset.done $0x0  }
0x39d: {  	[sflag:s10] =	ssyncadd.s32 $0xFFFFC000  }
0x39e: {  	v4 =	vld [tilespmem:$0x1C050];
	_ =	sdelay $0x4  }
0x39f: {  	v5 =	vshll.u32 v4, $0x3  }
0x3a0: {  	v4 =	vand.u32 $0x7, v4;
	v5 =	vand.u32 $0xFFFFFFC0, v5  }
0x3a1: {  	v4 =	vor.u32 v4, v5  }
0x3a2: {  	v5 =	vperm.xlane v4, v1;
	_ =	sdelay $0x1  }
0x3a3: {  	v5 =	vadd.s32 v2, v5;
	_ =	sdelay $0x3  }
0x3a4: {  	s25 =	simm.s32 $0x4000  }
0x3a5: {  	[tilespmem:s25], [sflag:$0x2] =	stream.indirect_vreg.gather [hbm4b:s31+s0], $0x80, v5, vm0, $0xb8;
	[tilespmem:$0x1C100] =	vst v63  }
0x3a6: {  	s26 =	simm.s32 $0x4800;
	v4 =	vperm.xlane v4, v3  }
0x3a7: {  	[tilespmem:s26], [sflag:$0x2] =	stream.indirect_vreg.gather [hbm4b:s12+s0], $0x80, v5, vm0, $0xb8;
	[tilespmem:$0x1C100] =	vst v63  }
0x3a8: {  	s28 =	simm.s32 $0x5000;
	v4 =	vadd.s32 v2, v4  }
0x3a9: {  	[tilespmem:s28], [sflag:$0x2] =	stream.indirect_vreg.gather [hbm4b:s13+s0], $0x80, v5, vm0, $0xb8;
	[tilespmem:$0x1C100] =	vst v63  }
0x3aa: {  	s3 =	simm.s32 $0x5800  }
0x3ab: {  	[tilespmem:s3], [sflag:$0x2] =	stream.indirect_vreg.gather [hbm4b:s14+s0], $0x80, v5, vm0, $0xb8;
	[tilespmem:$0x1C100] =	vst v63  }
0x3ac: {  	s4 =	simm.s32 $0x6000  }
0x3ad: {  	[tilespmem:s4], [sflag:$0x2] =	stream.indirect_vreg.gather [hbm4b:s31+s0], $0x80, v4, vm0, $0xb8;
	[tilespmem:$0x1C100] =	vst v63  }
0x3ae: {  	s5 =	simm.s32 $0x6800  }
0x3af: {  	[tilespmem:s5], [sflag:$0x2] =	stream.indirect_vreg.gather [hbm4b:s12+s0], $0x80, v4, vm0, $0xb8;
	[tilespmem:$0x1C100] =	vst v63  }
0x3b0: {  	s6 =	simm.s32 $0x7000  }
0x3b1: {  	[tilespmem:s6], [sflag:$0x2] =	stream.indirect_vreg.gather [hbm4b:s13+s0], $0x80, v4, vm0, $0xb8;
	[tilespmem:$0x1C100] =	vst v63  }
0x3b2: {  	s7 =	simm.s32 $0x7800;
	s8 =	sld [smem:$0x7E2]  }
0x3b3: {  	[tilespmem:s7], [sflag:$0x2] =	stream.indirect_vreg.gather [hbm4b:s14+s0], $0x80, v4, vm0, $0xb8;
	[tilespmem:$0x1C100] =	vst v63  }
0x3b4: {  	_ = 	snop  }
0x3b5: {  	[tilespmem:s23], [sflag:$0x3] =	stream.linear.gather [hbm4b:s8+s0], $0x4000, $0x38;
	[tilespmem:$0x1C100] =	vst v63  }
0x3b6: {  	s18 =	sand.u32 $0x2000, s0;
	s3 =	sand.u32 $0x1C00, s0;
	_ =	swait.ge [sflag:s11], $0x4000  }
0x3b7: {  	s1 =	sor.u32 s3, s18;
	s0 =	sand.u32 $0x380, s0;
	[sflag:s11] =	ssyncset.done $0x0  }
0x3b8: {  	s0 =	sor.u32 s0, s1;
	[sflag:s11] =	ssyncadd.s32 $0xFFFFC000  }
0x3b9: {  	v4 =	vld [tilespmem:s0+$0x70]  }
0x3ba: {  	v7 =	vld [tilespmem:s0+$0x0]  }
0x3bb: {  	v8 =	vld [tilespmem:s0+$0x10]  }
0x3bc: {  	v9 =	vld [tilespmem:s0+$0x20]  }
0x3bd: {  	v10 =	vld [tilespmem:s0+$0x30]  }
0x3be: {  	v6 =	vld [tilespmem:s0+$0x40]  }
0x3bf: {  	s1 =	sor.u32 $0x10070, s0;
	v5 =	vld [tilespmem:s0+$0x60]  }
0x3c0: {  	[tilespmem:s1+$0x0] =	vst.add.f32.msk $0xffff, v4  }
0x3c1: {  	s25 =	sor.u32 $0x10000, s0;
	v4 =	vld [tilespmem:s0+$0x50]  }
0x3c2: {  	s26 =	sor.u32 $0x10010, s0;
	[tilespmem:s25+$0x0] =	vst.add.f32.msk $0xffff, v7  }
0x3c3: {  	s30 =	simm.s32 $0x0;
	s3 =	simm.s32 $0x400;
	s28 =	sor.u32 $0x10020, s0;
	[tilespmem:s26+$0x0] =	vst.add.f32.msk $0xffff, v8  }
0x3c4: {  	s4 =	sor.u32 $0x10030, s0;
	s7 =	sor.u32 $0x10040, s0;
	s5 =	sor.u32 $0x10050, s0;
	[tilespmem:s28+$0x0] =	vst.add.f32.msk $0xffff, v9  }
0x3c5: {  	s6 =	sor.u32 $0x10060, s0;
	[tilespmem:s4+$0x0] =	vst.add.f32.msk $0xffff, v10;
	s0 =	simm.s32 $0x10;
	s4 =	simm.s32 $0x80  }
.LBB2_36:
0x3c6: {  	s1 =	sand.u32 $0x2000, s4;
	s8 =	sand.u32 $0x1C00, s3;
	s30 =	sadd.s32 $0x8, s30;
	[tilespmem:s7+$0x0] =	vst.add.f32.msk $0xffff, v6  }
0x3c7: {  	s7 =	sand.u32 $0x380, s0;
	s1 =	sor.u32 s8, s1;
	p0 =	slt.u32 s30, $0x3F8;
	[tilespmem:s5+$0x0] =	vst.add.f32.msk $0xffff, v4  }
0x3c8: {  	s1 =	sor.u32 s7, s1;
	[tilespmem:s6+$0x0] =	vst.add.f32.msk $0xffff, v5  }
0x3c9: {  	s8 =	sor.u32 $0x10000, s1;
	s18 =	sor.u32 $0x10010, s1;
	s25 =	sor.u32 $0x10020, s1;
	v4 =	vld [tilespmem:s1+$0x70]  }
0x3ca: {  	s26 =	sor.u32 $0x10030, s1;
	s7 =	sor.u32 $0x10040, s1;
	s5 =	sor.u32 $0x10050, s1;
	v7 =	vld [tilespmem:s1+$0x0]  }
0x3cb: {  	s6 =	sor.u32 $0x10060, s1;
	v8 =	vld [tilespmem:s1+$0x10]  }
0x3cc: {  	v9 =	vld [tilespmem:s1+$0x20]  }
0x3cd: {  	s28 =	sor.u32 $0x10070, s1;
	v10 =	vld [tilespmem:s1+$0x30]  }
0x3ce: {  	[tilespmem:s28+$0x0] =	vst.add.f32.msk $0xffff, v4  }
0x3cf: {  	v6 =	vld [tilespmem:s1+$0x40]  }
0x3d0: {  	v4 =	vld [tilespmem:s1+$0x50]  }
.Ltmp17:
0x3d1: {  	v5 =	vld [tilespmem:s1+$0x60];
	(pc) =	sbr.rel @p0 .LBB2_36-.Ltmp17, $4  }
0x3d2: {  	[tilespmem:s8+$0x0] =	vst.add.f32.msk $0xffff, v7  }
0x3d3: {  	[tilespmem:s18+$0x0] =	vst.add.f32.msk $0xffff, v8  }
0x3d4: {  	[tilespmem:s25+$0x0] =	vst.add.f32.msk $0xffff, v9  }
0x3d5: {  	s0 =	sadd.s32 $0x10, s0;
	s3 =	sadd.s32 $0x400, s3;
	s4 =	sadd.s32 $0x80, s4;
	[tilespmem:s26+$0x0] =	vst.add.f32.msk $0xffff, v10  }
0x3d6: {  	[tilespmem:s7+$0x0] =	vst.add.f32.msk $0xffff, v6  }
0x3d7: {  	[tilespmem:s5+$0x0] =	vst.add.f32.msk $0xffff, v4  }
0x3d8: {  	[tilespmem:s6+$0x0] =	vst.add.f32.msk $0xffff, v5  }
0x3d9: {  	s1 =	sld [smem:$0x7DD];
	_ =	sdelay $0x1  }
0x3da: {  	s0 =	simm.s32 $0x0;
	s3 =	simm.s32 $0x10000  }
0x3db: {  	[hbm4b:s1+s0] =	stream.linear.scatter [tilespmem:s3], [sflag:$0xA], $0x4000, $0x38;
	[tilespmem:$0x1C100] =	vst v63  }
0x3dc: {  	_ =	swait.ge [sflag:s15], $0x4000  }
0x3dd: {  	s7 =	sld [smem:$0x7E4]  }
0x3de: {  	[sflag:s15] =	ssyncset.done $0x0  }
0x3df: {  	[sflag:s15] =	ssyncadd.s32 $0xFFFFC000  }
0x3e0: {  	[tilespmem:s24], [sflag:$0x4] =	stream.linear.gather [hbm4b:s7+s0], $0x4000, $0x38;
	[tilespmem:$0x1C100] =	vst v63  }
0x3e1: {  	s8 =	sand.u32 $0x2000, s0;
	s18 =	sand.u32 $0x1C00, s0;
	_ =	swait.ge [sflag:s16], $0x4000  }
0x3e2: {  	s1 =	sor.u32 s18, s8;
	s0 =	sand.u32 $0x380, s0;
	[sflag:s16] =	ssyncset.done $0x0  }
0x3e3: {  	s0 =	sor.u32 s0, s1;
	[sflag:s16] =	ssyncadd.s32 $0xFFFFC000  }
0x3e4: {  	v4 =	vld [tilespmem:s0+$0x70]  }
0x3e5: {  	v7 =	vld [tilespmem:s0+$0x0]  }
0x3e6: {  	v8 =	vld [tilespmem:s0+$0x10]  }
0x3e7: {  	v9 =	vld [tilespmem:s0+$0x20]  }
0x3e8: {  	v10 =	vld [tilespmem:s0+$0x30]  }
0x3e9: {  	v6 =	vld [tilespmem:s0+$0x40]  }
0x3ea: {  	s1 =	sor.u32 $0x14070, s0;
	v5 =	vld [tilespmem:s0+$0x60]  }
0x3eb: {  	[tilespmem:s1+$0x0] =	vst.add.f32.msk $0xffff, v4  }
0x3ec: {  	s25 =	sor.u32 $0x14000, s0;
	v4 =	vld [tilespmem:s0+$0x50]  }
0x3ed: {  	s26 =	sor.u32 $0x14010, s0;
	[tilespmem:s25+$0x0] =	vst.add.f32.msk $0xffff, v7  }
0x3ee: {  	s30 =	simm.s32 $0x0;
	s3 =	simm.s32 $0x400;
	s28 =	sor.u32 $0x14020, s0;
	[tilespmem:s26+$0x0] =	vst.add.f32.msk $0xffff, v8  }
0x3ef: {  	s4 =	sor.u32 $0x14030, s0;
	s7 =	sor.u32 $0x14040, s0;
	s5 =	sor.u32 $0x14050, s0;
	[tilespmem:s28+$0x0] =	vst.add.f32.msk $0xffff, v9  }
0x3f0: {  	s6 =	sor.u32 $0x14060, s0;
	[tilespmem:s4+$0x0] =	vst.add.f32.msk $0xffff, v10;
	s0 =	simm.s32 $0x10;
	s4 =	simm.s32 $0x80  }
.LBB2_38:
0x3f1: {  	s1 =	sand.u32 $0x2000, s4;
	s8 =	sand.u32 $0x1C00, s3;
	s30 =	sadd.s32 $0x8, s30;
	[tilespmem:s7+$0x0] =	vst.add.f32.msk $0xffff, v6  }
0x3f2: {  	s7 =	sand.u32 $0x380, s0;
	s1 =	sor.u32 s8, s1;
	p0 =	slt.u32 s30, $0x3F8;
	[tilespmem:s5+$0x0] =	vst.add.f32.msk $0xffff, v4  }
0x3f3: {  	s1 =	sor.u32 s7, s1;
	[tilespmem:s6+$0x0] =	vst.add.f32.msk $0xffff, v5  }
0x3f4: {  	s8 =	sor.u32 $0x14000, s1;
	s18 =	sor.u32 $0x14010, s1;
	s25 =	sor.u32 $0x14020, s1;
	v4 =	vld [tilespmem:s1+$0x70]  }
0x3f5: {  	s26 =	sor.u32 $0x14030, s1;
	s7 =	sor.u32 $0x14040, s1;
	s5 =	sor.u32 $0x14050, s1;
	v7 =	vld [tilespmem:s1+$0x0]  }
0x3f6: {  	s6 =	sor.u32 $0x14060, s1;
	v8 =	vld [tilespmem:s1+$0x10]  }
0x3f7: {  	v9 =	vld [tilespmem:s1+$0x20]  }
0x3f8: {  	s28 =	sor.u32 $0x14070, s1;
	v10 =	vld [tilespmem:s1+$0x30]  }
0x3f9: {  	[tilespmem:s28+$0x0] =	vst.add.f32.msk $0xffff, v4  }
0x3fa: {  	v6 =	vld [tilespmem:s1+$0x40]  }
0x3fb: {  	v4 =	vld [tilespmem:s1+$0x50]  }
.Ltmp18:
0x3fc: {  	v5 =	vld [tilespmem:s1+$0x60];
	(pc) =	sbr.rel @p0 .LBB2_38-.Ltmp18, $4  }
0x3fd: {  	[tilespmem:s8+$0x0] =	vst.add.f32.msk $0xffff, v7  }
0x3fe: {  	[tilespmem:s18+$0x0] =	vst.add.f32.msk $0xffff, v8  }
0x3ff: {  	[tilespmem:s25+$0x0] =	vst.add.f32.msk $0xffff, v9  }
0x400: {  	s0 =	sadd.s32 $0x10, s0;
	s3 =	sadd.s32 $0x400, s3;
	s4 =	sadd.s32 $0x80, s4;
	[tilespmem:s26+$0x0] =	vst.add.f32.msk $0xffff, v10  }
0x401: {  	[tilespmem:s7+$0x0] =	vst.add.f32.msk $0xffff, v6  }
0x402: {  	[tilespmem:s5+$0x0] =	vst.add.f32.msk $0xffff, v4  }
0x403: {  	[tilespmem:s6+$0x0] =	vst.add.f32.msk $0xffff, v5  }
0x404: {  	s1 =	sld [smem:$0x7DF];
	_ =	sdelay $0x1  }
0x405: {  	s0 =	simm.s32 $0x0;
	s3 =	simm.s32 $0x14000  }
0x406: {  	[hbm4b:s1+s0] =	stream.linear.scatter [tilespmem:s3], [sflag:$0xB], $0x4000, $0x38;
	[tilespmem:$0x1C100] =	vst v63  }
0x407: {  	_ =	swait.ge [sflag:s17], $0x4000  }
0x408: {  	s6 =	sld [smem:$0x7E6]  }
0x409: {  	[sflag:s17] =	ssyncset.done $0x0  }
0x40a: {  	s7 =	simm.s32 $0x10000;
	[sflag:s17] =	ssyncadd.s32 $0xFFFFC000  }
0x40b: {  	[tilespmem:s7], [sflag:$0x5] =	stream.linear.gather [hbm4b:s6+s0], $0x4000, $0x38;
	[tilespmem:$0x1C100] =	vst v63  }
0x40c: {  	s8 =	sand.u32 $0x2000, s0;
	s18 =	sand.u32 $0x1C00, s0;
	_ =	swait.ge [sflag:s19], $0x4000  }
0x40d: {  	s1 =	sor.u32 s18, s8;
	s0 =	sand.u32 $0x380, s0;
	[sflag:s19] =	ssyncset.done $0x0  }
0x40e: {  	s0 =	sor.u32 s0, s1;
	[sflag:s19] =	ssyncadd.s32 $0xFFFFC000  }
0x40f: {  	v4 =	vld [tilespmem:s0+$0x70]  }
0x410: {  	v7 =	vld [tilespmem:s0+$0x0]  }
0x411: {  	v8 =	vld [tilespmem:s0+$0x10]  }
0x412: {  	v9 =	vld [tilespmem:s0+$0x20]  }
0x413: {  	v10 =	vld [tilespmem:s0+$0x30]  }
0x414: {  	v6 =	vld [tilespmem:s0+$0x40]  }
0x415: {  	s1 =	sor.u32 $0x18070, s0;
	v5 =	vld [tilespmem:s0+$0x60]  }
0x416: {  	[tilespmem:s1+$0x0] =	vst.add.f32.msk $0xffff, v4  }
0x417: {  	s25 =	sor.u32 $0x18000, s0;
	v4 =	vld [tilespmem:s0+$0x50]  }
0x418: {  	s26 =	sor.u32 $0x18010, s0;
	[tilespmem:s25+$0x0] =	vst.add.f32.msk $0xffff, v7  }
0x419: {  	s30 =	simm.s32 $0x0;
	s3 =	simm.s32 $0x400;
	s28 =	sor.u32 $0x18020, s0;
	[tilespmem:s26+$0x0] =	vst.add.f32.msk $0xffff, v8  }
0x41a: {  	s4 =	sor.u32 $0x18030, s0;
	s7 =	sor.u32 $0x18040, s0;
	s5 =	sor.u32 $0x18050, s0;
	[tilespmem:s28+$0x0] =	vst.add.f32.msk $0xffff, v9  }
0x41b: {  	s6 =	sor.u32 $0x18060, s0;
	[tilespmem:s4+$0x0] =	vst.add.f32.msk $0xffff, v10;
	s0 =	simm.s32 $0x10;
	s4 =	simm.s32 $0x80  }
.LBB2_40:
0x41c: {  	s1 =	sand.u32 $0x2000, s4;
	s8 =	sand.u32 $0x1C00, s3;
	s30 =	sadd.s32 $0x8, s30;
	[tilespmem:s7+$0x0] =	vst.add.f32.msk $0xffff, v6  }
0x41d: {  	s7 =	sand.u32 $0x380, s0;
	s1 =	sor.u32 s8, s1;
	p0 =	slt.u32 s30, $0x3F8;
	[tilespmem:s5+$0x0] =	vst.add.f32.msk $0xffff, v4  }
0x41e: {  	s1 =	sor.u32 s7, s1;
	[tilespmem:s6+$0x0] =	vst.add.f32.msk $0xffff, v5  }
0x41f: {  	s8 =	sor.u32 $0x18000, s1;
	s18 =	sor.u32 $0x18010, s1;
	s25 =	sor.u32 $0x18020, s1;
	v4 =	vld [tilespmem:s1+$0x70]  }
0x420: {  	s26 =	sor.u32 $0x18030, s1;
	s7 =	sor.u32 $0x18040, s1;
	s5 =	sor.u32 $0x18050, s1;
	v7 =	vld [tilespmem:s1+$0x0]  }
0x421: {  	s6 =	sor.u32 $0x18060, s1;
	v8 =	vld [tilespmem:s1+$0x10]  }
0x422: {  	v9 =	vld [tilespmem:s1+$0x20]  }
0x423: {  	s28 =	sor.u32 $0x18070, s1;
	v10 =	vld [tilespmem:s1+$0x30]  }
0x424: {  	[tilespmem:s28+$0x0] =	vst.add.f32.msk $0xffff, v4  }
0x425: {  	v6 =	vld [tilespmem:s1+$0x40]  }
0x426: {  	v4 =	vld [tilespmem:s1+$0x50]  }
.Ltmp19:
0x427: {  	v5 =	vld [tilespmem:s1+$0x60];
	(pc) =	sbr.rel @p0 .LBB2_40-.Ltmp19, $4  }
0x428: {  	[tilespmem:s8+$0x0] =	vst.add.f32.msk $0xffff, v7  }
0x429: {  	[tilespmem:s18+$0x0] =	vst.add.f32.msk $0xffff, v8  }
0x42a: {  	[tilespmem:s25+$0x0] =	vst.add.f32.msk $0xffff, v9  }
0x42b: {  	s0 =	sadd.s32 $0x10, s0;
	s3 =	sadd.s32 $0x400, s3;
	s4 =	sadd.s32 $0x80, s4;
	[tilespmem:s26+$0x0] =	vst.add.f32.msk $0xffff, v10  }
0x42c: {  	[tilespmem:s7+$0x0] =	vst.add.f32.msk $0xffff, v6  }
0x42d: {  	[tilespmem:s5+$0x0] =	vst.add.f32.msk $0xffff, v4  }
0x42e: {  	[tilespmem:s6+$0x0] =	vst.add.f32.msk $0xffff, v5  }
0x42f: {  	s1 =	sld [smem:$0x7E1];
	_ =	sdelay $0x1  }
0x430: {  	s0 =	simm.s32 $0x0;
	s3 =	simm.s32 $0x18000  }
0x431: {  	[hbm4b:s1+s0] =	stream.linear.scatter [tilespmem:s3], [sflag:$0xC], $0x4000, $0x38;
	[tilespmem:$0x1C100] =	vst v63  }
0x432: {  	_ =	swait.ge [sflag:s20], $0x4000  }
0x433: {  	s5 =	sld [smem:$0x7E8]  }
0x434: {  	[sflag:s20] =	ssyncset.done $0x0  }
0x435: {  	s6 =	simm.s32 $0x14000;
	s7 =	simm.s32 $0x2;
	[sflag:s20] =	ssyncadd.s32 $0xFFFFC000  }
0x436: {  	[tilespmem:s6], [sflag:$0x6] =	stream.linear.gather [hbm4b:s5+s0], $0x4000, $0x38;
	[tilespmem:$0x1C100] =	vst v63  }
0x437: {  	_ =	swait.ge [sflag:s7], $0x4000  }
0x438: {  	[sflag:s7] =	ssyncset.done $0x0  }
0x439: {  	[sflag:s7] =	ssyncadd.s32 $0xFFFFC000  }
0x43a: {  	s8 =	sand.u32 $0x2000, s0;
	s18 =	sand.u32 $0x1C00, s0;
	_ =	swait.ge [sflag:s29], $0x4000  }
0x43b: {  	s1 =	sor.u32 s18, s8;
	s0 =	sand.u32 $0x380, s0;
	[sflag:s29] =	ssyncset.done $0x0  }
0x43c: {  	s0 =	sor.u32 s0, s1;
	[sflag:s29] =	ssyncadd.s32 $0xFFFFC000  }
0x43d: {  	v4 =	vld [tilespmem:s0+$0x4070]  }
0x43e: {  	v7 =	vld [tilespmem:s0+$0x4000]  }
0x43f: {  	v8 =	vld [tilespmem:s0+$0x4010]  }
0x440: {  	v9 =	vld [tilespmem:s0+$0x4020]  }
0x441: {  	v10 =	vld [tilespmem:s0+$0x4030]  }
0x442: {  	v6 =	vld [tilespmem:s0+$0x4040]  }
0x443: {  	s1 =	sor.u32 $0x8070, s0;
	v5 =	vld [tilespmem:s0+$0x4060]  }
0x444: {  	[tilespmem:s1+$0x0] =	vst.add.f32.msk $0xffff, v4  }
0x445: {  	s25 =	sor.u32 $0x8000, s0;
	v4 =	vld [tilespmem:s0+$0x4050]  }
0x446: {  	s26 =	sor.u32 $0x8010, s0;
	[tilespmem:s25+$0x0] =	vst.add.f32.msk $0xffff, v7  }
0x447: {  	s30 =	simm.s32 $0x0;
	s3 =	simm.s32 $0x400;
	s28 =	sor.u32 $0x8020, s0;
	[tilespmem:s26+$0x0] =	vst.add.f32.msk $0xffff, v8  }
0x448: {  	s4 =	sor.u32 $0x8030, s0;
	s5 =	sor.u32 $0x8050, s0;
	s6 =	sor.u32 $0x8060, s0;
	[tilespmem:s28+$0x0] =	vst.add.f32.msk $0xffff, v9  }
0x449: {  	s7 =	sor.u32 $0x8040, s0;
	[tilespmem:s4+$0x0] =	vst.add.f32.msk $0xffff, v10;
	s0 =	simm.s32 $0x10;
	s4 =	simm.s32 $0x80  }
.LBB2_42:
0x44a: {  	s1 =	sand.u32 $0x2000, s4;
	s8 =	sand.u32 $0x1C00, s3;
	s30 =	sadd.s32 $0x8, s30;
	[tilespmem:s7+$0x0] =	vst.add.f32.msk $0xffff, v6  }
0x44b: {  	s7 =	sand.u32 $0x380, s0;
	s1 =	sor.u32 s8, s1;
	p0 =	slt.u32 s30, $0x3F8;
	[tilespmem:s5+$0x0] =	vst.add.f32.msk $0xffff, v4  }
0x44c: {  	s1 =	sor.u32 s7, s1;
	[tilespmem:s6+$0x0] =	vst.add.f32.msk $0xffff, v5  }
0x44d: {  	s8 =	sor.u32 $0x8000, s1;
	s18 =	sor.u32 $0x8010, s1;
	s25 =	sor.u32 $0x8020, s1;
	v4 =	vld [tilespmem:s1+$0x4070]  }
0x44e: {  	s26 =	sor.u32 $0x8030, s1;
	s7 =	sor.u32 $0x8040, s1;
	s5 =	sor.u32 $0x8050, s1;
	v7 =	vld [tilespmem:s1+$0x4000]  }
0x44f: {  	s6 =	sor.u32 $0x8060, s1;
	v8 =	vld [tilespmem:s1+$0x4010]  }
0x450: {  	v9 =	vld [tilespmem:s1+$0x4020]  }
0x451: {  	s28 =	sor.u32 $0x8070, s1;
	v10 =	vld [tilespmem:s1+$0x4030]  }
0x452: {  	[tilespmem:s28+$0x0] =	vst.add.f32.msk $0xffff, v4  }
0x453: {  	v6 =	vld [tilespmem:s1+$0x4040]  }
0x454: {  	v4 =	vld [tilespmem:s1+$0x4050]  }
.Ltmp20:
0x455: {  	v5 =	vld [tilespmem:s1+$0x4060];
	(pc) =	sbr.rel @p0 .LBB2_42-.Ltmp20, $4  }
0x456: {  	[tilespmem:s8+$0x0] =	vst.add.f32.msk $0xffff, v7  }
0x457: {  	[tilespmem:s18+$0x0] =	vst.add.f32.msk $0xffff, v8  }
0x458: {  	[tilespmem:s25+$0x0] =	vst.add.f32.msk $0xffff, v9  }
0x459: {  	s0 =	sadd.s32 $0x10, s0;
	s3 =	sadd.s32 $0x400, s3;
	s4 =	sadd.s32 $0x80, s4;
	[tilespmem:s26+$0x0] =	vst.add.f32.msk $0xffff, v10  }
0x45a: {  	[tilespmem:s7+$0x0] =	vst.add.f32.msk $0xffff, v6  }
0x45b: {  	[tilespmem:s5+$0x0] =	vst.add.f32.msk $0xffff, v4  }
0x45c: {  	[tilespmem:s6+$0x0] =	vst.add.f32.msk $0xffff, v5  }
0x45d: {  	s1 =	sld [smem:$0x7E3];
	_ =	sdelay $0x1  }
0x45e: {  	s0 =	simm.s32 $0x0  }
0x45f: {  	[hbm4b:s1+s0] =	stream.linear.scatter [tilespmem:s23], [sflag:$0x8], $0x4000, $0x38;
	[tilespmem:$0x1C100] =	vst v63  }
0x460: {  	_ =	swait.ge [sflag:s21], $0x4000  }
0x461: {  	[sflag:s21] =	ssyncset.done $0x0  }
0x462: {  	[sflag:s21] =	ssyncadd.s32 $0xFFFFC000  }
0x463: {  	v4 =	vld [tilespmem:$0x1C060];
	_ =	sdelay $0x4  }
0x464: {  	v5 =	vshll.u32 v4, $0x3  }
0x465: {  	v4 =	vand.u32 $0x7, v4;
	v5 =	vand.u32 $0xFFFFFFC0, v5  }
0x466: {  	v4 =	vor.u32 v4, v5  }
0x467: {  	v5 =	vperm.xlane v4, v1;
	_ =	sdelay $0x1  }
0x468: {  	v5 =	vadd.s32 v2, v5;
	_ =	sdelay $0x4  }
0x469: {  	[tilespmem:s0], [sflag:$0x1] =	stream.indirect_vreg.gather [hbm4b:s31+s0], $0x80, v5, vm0, $0xb8;
	[tilespmem:$0x1C100] =	vst v63  }
0x46a: {  	s25 =	simm.s32 $0x800;
	v4 =	vperm.xlane v4, v3  }
0x46b: {  	[tilespmem:s25], [sflag:$0x1] =	stream.indirect_vreg.gather [hbm4b:s12+s0], $0x80, v5, vm0, $0xb8;
	[tilespmem:$0x1C100] =	vst v63  }
0x46c: {  	s26 =	simm.s32 $0x1000;
	v4 =	vadd.s32 v2, v4  }
0x46d: {  	[tilespmem:s26], [sflag:$0x1] =	stream.indirect_vreg.gather [hbm4b:s13+s0], $0x80, v5, vm0, $0xb8;
	[tilespmem:$0x1C100] =	vst v63  }
0x46e: {  	s28 =	simm.s32 $0x1800  }
0x46f: {  	[tilespmem:s28], [sflag:$0x1] =	stream.indirect_vreg.gather [hbm4b:s14+s0], $0x80, v5, vm0, $0xb8;
	[tilespmem:$0x1C100] =	vst v63  }
0x470: {  	s3 =	simm.s32 $0x2000  }
0x471: {  	[tilespmem:s3], [sflag:$0x1] =	stream.indirect_vreg.gather [hbm4b:s31+s0], $0x80, v4, vm0, $0xb8;
	[tilespmem:$0x1C100] =	vst v63  }
0x472: {  	s4 =	simm.s32 $0x2800  }
0x473: {  	[tilespmem:s4], [sflag:$0x1] =	stream.indirect_vreg.gather [hbm4b:s12+s0], $0x80, v4, vm0, $0xb8;
	[tilespmem:$0x1C100] =	vst v63  }
0x474: {  	s5 =	simm.s32 $0x3000  }
0x475: {  	[tilespmem:s5], [sflag:$0x1] =	stream.indirect_vreg.gather [hbm4b:s13+s0], $0x80, v4, vm0, $0xb8;
	[tilespmem:$0x1C100] =	vst v63  }
0x476: {  	s6 =	simm.s32 $0x3800;
	s7 =	sld [smem:$0x7EA]  }
0x477: {  	[tilespmem:s6], [sflag:$0x1] =	stream.indirect_vreg.gather [hbm4b:s14+s0], $0x80, v4, vm0, $0xb8;
	[tilespmem:$0x1C100] =	vst v63  }
0x478: {  	s3 =	simm.s32 $0x18000  }
0x479: {  	[tilespmem:s3], [sflag:$0x7] =	stream.linear.gather [hbm4b:s7+s0], $0x4000, $0x38;
	[tilespmem:$0x1C100] =	vst v63  }
0x47a: {  	s8 =	sand.u32 $0x2000, s0;
	s18 =	sand.u32 $0x1C00, s0;
	_ =	swait.ge [sflag:s9], $0x4000  }
0x47b: {  	s1 =	sor.u32 s18, s8;
	s0 =	sand.u32 $0x380, s0;
	[sflag:s9] =	ssyncset.done $0x0  }
0x47c: {  	s0 =	sor.u32 s0, s1;
	[sflag:s9] =	ssyncadd.s32 $0xFFFFC000  }
0x47d: {  	v4 =	vld [tilespmem:s0+$0x4070]  }
0x47e: {  	v7 =	vld [tilespmem:s0+$0x4000]  }
0x47f: {  	v8 =	vld [tilespmem:s0+$0x4010]  }
0x480: {  	v9 =	vld [tilespmem:s0+$0x4020]  }
0x481: {  	v10 =	vld [tilespmem:s0+$0x4030]  }
0x482: {  	v6 =	vld [tilespmem:s0+$0x4040]  }
0x483: {  	s1 =	sor.u32 $0xC070, s0;
	v5 =	vld [tilespmem:s0+$0x4060]  }
0x484: {  	[tilespmem:s1+$0x0] =	vst.add.f32.msk $0xffff, v4  }
0x485: {  	s25 =	sor.u32 $0xC000, s0;
	v4 =	vld [tilespmem:s0+$0x4050]  }
0x486: {  	s26 =	sor.u32 $0xC010, s0;
	[tilespmem:s25+$0x0] =	vst.add.f32.msk $0xffff, v7  }
0x487: {  	s30 =	simm.s32 $0x0;
	s3 =	simm.s32 $0x400;
	s28 =	sor.u32 $0xC020, s0;
	[tilespmem:s26+$0x0] =	vst.add.f32.msk $0xffff, v8  }
0x488: {  	s4 =	sor.u32 $0xC030, s0;
	s7 =	sor.u32 $0xC040, s0;
	s5 =	sor.u32 $0xC050, s0;
	[tilespmem:s28+$0x0] =	vst.add.f32.msk $0xffff, v9  }
0x489: {  	s6 =	sor.u32 $0xC060, s0;
	[tilespmem:s4+$0x0] =	vst.add.f32.msk $0xffff, v10;
	s0 =	simm.s32 $0x10;
	s4 =	simm.s32 $0x80  }
.LBB2_44:
0x48a: {  	s1 =	sand.u32 $0x2000, s4;
	s8 =	sand.u32 $0x1C00, s3;
	s30 =	sadd.s32 $0x8, s30;
	[tilespmem:s7+$0x0] =	vst.add.f32.msk $0xffff, v6  }
0x48b: {  	s7 =	sand.u32 $0x380, s0;
	s1 =	sor.u32 s8, s1;
	p0 =	slt.u32 s30, $0x3F8;
	[tilespmem:s5+$0x0] =	vst.add.f32.msk $0xffff, v4  }
0x48c: {  	s1 =	sor.u32 s7, s1;
	[tilespmem:s6+$0x0] =	vst.add.f32.msk $0xffff, v5  }
0x48d: {  	s8 =	sor.u32 $0xC000, s1;
	s18 =	sor.u32 $0xC010, s1;
	s25 =	sor.u32 $0xC020, s1;
	v4 =	vld [tilespmem:s1+$0x4070]  }
0x48e: {  	s26 =	sor.u32 $0xC030, s1;
	s7 =	sor.u32 $0xC040, s1;
	s5 =	sor.u32 $0xC050, s1;
	v7 =	vld [tilespmem:s1+$0x4000]  }
0x48f: {  	s6 =	sor.u32 $0xC060, s1;
	v8 =	vld [tilespmem:s1+$0x4010]  }
0x490: {  	v9 =	vld [tilespmem:s1+$0x4020]  }
0x491: {  	s28 =	sor.u32 $0xC070, s1;
	v10 =	vld [tilespmem:s1+$0x4030]  }
0x492: {  	[tilespmem:s28+$0x0] =	vst.add.f32.msk $0xffff, v4  }
0x493: {  	v6 =	vld [tilespmem:s1+$0x4040]  }
0x494: {  	v4 =	vld [tilespmem:s1+$0x4050]  }
.Ltmp21:
0x495: {  	v5 =	vld [tilespmem:s1+$0x4060];
	(pc) =	sbr.rel @p0 .LBB2_44-.Ltmp21, $4  }
0x496: {  	[tilespmem:s8+$0x0] =	vst.add.f32.msk $0xffff, v7  }
0x497: {  	[tilespmem:s18+$0x0] =	vst.add.f32.msk $0xffff, v8  }
0x498: {  	[tilespmem:s25+$0x0] =	vst.add.f32.msk $0xffff, v9  }
0x499: {  	s0 =	sadd.s32 $0x10, s0;
	s3 =	sadd.s32 $0x400, s3;
	s4 =	sadd.s32 $0x80, s4;
	[tilespmem:s26+$0x0] =	vst.add.f32.msk $0xffff, v10  }
0x49a: {  	[tilespmem:s7+$0x0] =	vst.add.f32.msk $0xffff, v6  }
0x49b: {  	[tilespmem:s5+$0x0] =	vst.add.f32.msk $0xffff, v4  }
0x49c: {  	[tilespmem:s6+$0x0] =	vst.add.f32.msk $0xffff, v5  }
0x49d: {  	s1 =	sld [smem:$0x7E5];
	_ =	sdelay $0x1  }
0x49e: {  	s0 =	simm.s32 $0x0  }
0x49f: {  	[hbm4b:s1+s0] =	stream.linear.scatter [tilespmem:s24], [sflag:$0x9], $0x4000, $0x38;
	[tilespmem:$0x1C100] =	vst v63  }
0x4a0: {  	_ =	swait.ge [sflag:s10], $0x4000  }
0x4a1: {  	s8 =	sld [smem:$0x7EC]  }
0x4a2: {  	[sflag:s10] =	ssyncset.done $0x0  }
0x4a3: {  	[sflag:s10] =	ssyncadd.s32 $0xFFFFC000  }
0x4a4: {  	[tilespmem:s23], [sflag:$0x3] =	stream.linear.gather [hbm4b:s8+s0], $0x4000, $0x38;
	[tilespmem:$0x1C100] =	vst v63  }
0x4a5: {  	s18 =	sand.u32 $0x2000, s0;
	s3 =	sand.u32 $0x1C00, s0;
	_ =	swait.ge [sflag:s11], $0x4000  }
0x4a6: {  	s1 =	sor.u32 s3, s18;
	s0 =	sand.u32 $0x380, s0;
	[sflag:s11] =	ssyncset.done $0x0  }
0x4a7: {  	s0 =	sor.u32 s0, s1;
	[sflag:s11] =	ssyncadd.s32 $0xFFFFC000  }
0x4a8: {  	v4 =	vld [tilespmem:s0+$0x4070]  }
0x4a9: {  	v7 =	vld [tilespmem:s0+$0x4000]  }
0x4aa: {  	v8 =	vld [tilespmem:s0+$0x4010]  }
0x4ab: {  	v9 =	vld [tilespmem:s0+$0x4020]  }
0x4ac: {  	v10 =	vld [tilespmem:s0+$0x4030]  }
0x4ad: {  	v6 =	vld [tilespmem:s0+$0x4040]  }
0x4ae: {  	s1 =	sor.u32 $0x10070, s0;
	v5 =	vld [tilespmem:s0+$0x4060]  }
0x4af: {  	[tilespmem:s1+$0x0] =	vst.add.f32.msk $0xffff, v4  }
0x4b0: {  	s25 =	sor.u32 $0x10000, s0;
	v4 =	vld [tilespmem:s0+$0x4050]  }
0x4b1: {  	s26 =	sor.u32 $0x10010, s0;
	[tilespmem:s25+$0x0] =	vst.add.f32.msk $0xffff, v7  }
0x4b2: {  	s30 =	simm.s32 $0x0;
	s3 =	simm.s32 $0x400;
	s28 =	sor.u32 $0x10020, s0;
	[tilespmem:s26+$0x0] =	vst.add.f32.msk $0xffff, v8  }
0x4b3: {  	s4 =	sor.u32 $0x10030, s0;
	s7 =	sor.u32 $0x10040, s0;
	s5 =	sor.u32 $0x10050, s0;
	[tilespmem:s28+$0x0] =	vst.add.f32.msk $0xffff, v9  }
0x4b4: {  	s6 =	sor.u32 $0x10060, s0;
	[tilespmem:s4+$0x0] =	vst.add.f32.msk $0xffff, v10;
	s0 =	simm.s32 $0x10;
	s4 =	simm.s32 $0x80  }
.LBB2_46:
0x4b5: {  	s1 =	sand.u32 $0x2000, s4;
	s8 =	sand.u32 $0x1C00, s3;
	s30 =	sadd.s32 $0x8, s30;
	[tilespmem:s7+$0x0] =	vst.add.f32.msk $0xffff, v6  }
0x4b6: {  	s7 =	sand.u32 $0x380, s0;
	s1 =	sor.u32 s8, s1;
	p0 =	slt.u32 s30, $0x3F8;
	[tilespmem:s5+$0x0] =	vst.add.f32.msk $0xffff, v4  }
0x4b7: {  	s1 =	sor.u32 s7, s1;
	[tilespmem:s6+$0x0] =	vst.add.f32.msk $0xffff, v5  }
0x4b8: {  	s8 =	sor.u32 $0x10000, s1;
	s18 =	sor.u32 $0x10010, s1;
	s25 =	sor.u32 $0x10020, s1;
	v4 =	vld [tilespmem:s1+$0x4070]  }
0x4b9: {  	s26 =	sor.u32 $0x10030, s1;
	s7 =	sor.u32 $0x10040, s1;
	s5 =	sor.u32 $0x10050, s1;
	v7 =	vld [tilespmem:s1+$0x4000]  }
0x4ba: {  	s6 =	sor.u32 $0x10060, s1;
	v8 =	vld [tilespmem:s1+$0x4010]  }
0x4bb: {  	v9 =	vld [tilespmem:s1+$0x4020]  }
0x4bc: {  	s28 =	sor.u32 $0x10070, s1;
	v10 =	vld [tilespmem:s1+$0x4030]  }
0x4bd: {  	[tilespmem:s28+$0x0] =	vst.add.f32.msk $0xffff, v4  }
0x4be: {  	v6 =	vld [tilespmem:s1+$0x4040]  }
0x4bf: {  	v4 =	vld [tilespmem:s1+$0x4050]  }
.Ltmp22:
0x4c0: {  	v5 =	vld [tilespmem:s1+$0x4060];
	(pc) =	sbr.rel @p0 .LBB2_46-.Ltmp22, $4  }
0x4c1: {  	[tilespmem:s8+$0x0] =	vst.add.f32.msk $0xffff, v7  }
0x4c2: {  	[tilespmem:s18+$0x0] =	vst.add.f32.msk $0xffff, v8  }
0x4c3: {  	[tilespmem:s25+$0x0] =	vst.add.f32.msk $0xffff, v9  }
0x4c4: {  	s0 =	sadd.s32 $0x10, s0;
	s3 =	sadd.s32 $0x400, s3;
	s4 =	sadd.s32 $0x80, s4;
	[tilespmem:s26+$0x0] =	vst.add.f32.msk $0xffff, v10  }
0x4c5: {  	[tilespmem:s7+$0x0] =	vst.add.f32.msk $0xffff, v6  }
0x4c6: {  	[tilespmem:s5+$0x0] =	vst.add.f32.msk $0xffff, v4  }
0x4c7: {  	[tilespmem:s6+$0x0] =	vst.add.f32.msk $0xffff, v5  }
0x4c8: {  	s1 =	sld [smem:$0x7E7];
	_ =	sdelay $0x1  }
0x4c9: {  	s0 =	simm.s32 $0x0;
	s3 =	simm.s32 $0x10000  }
0x4ca: {  	[hbm4b:s1+s0] =	stream.linear.scatter [tilespmem:s3], [sflag:$0xA], $0x4000, $0x38;
	[tilespmem:$0x1C100] =	vst v63  }
0x4cb: {  	_ =	swait.ge [sflag:s15], $0x4000  }
0x4cc: {  	s7 =	sld [smem:$0x7EE]  }
0x4cd: {  	[sflag:s15] =	ssyncset.done $0x0  }
0x4ce: {  	[sflag:s15] =	ssyncadd.s32 $0xFFFFC000  }
0x4cf: {  	[tilespmem:s24], [sflag:$0x4] =	stream.linear.gather [hbm4b:s7+s0], $0x4000, $0x38;
	[tilespmem:$0x1C100] =	vst v63  }
0x4d0: {  	s8 =	sand.u32 $0x2000, s0;
	s18 =	sand.u32 $0x1C00, s0;
	_ =	swait.ge [sflag:s16], $0x4000  }
0x4d1: {  	s1 =	sor.u32 s18, s8;
	s0 =	sand.u32 $0x380, s0;
	[sflag:s16] =	ssyncset.done $0x0  }
0x4d2: {  	s0 =	sor.u32 s0, s1;
	[sflag:s16] =	ssyncadd.s32 $0xFFFFC000  }
0x4d3: {  	v4 =	vld [tilespmem:s0+$0x4070]  }
0x4d4: {  	v7 =	vld [tilespmem:s0+$0x4000]  }
0x4d5: {  	v8 =	vld [tilespmem:s0+$0x4010]  }
0x4d6: {  	v9 =	vld [tilespmem:s0+$0x4020]  }
0x4d7: {  	v10 =	vld [tilespmem:s0+$0x4030]  }
0x4d8: {  	v6 =	vld [tilespmem:s0+$0x4040]  }
0x4d9: {  	s1 =	sor.u32 $0x14070, s0;
	v5 =	vld [tilespmem:s0+$0x4060]  }
0x4da: {  	[tilespmem:s1+$0x0] =	vst.add.f32.msk $0xffff, v4  }
0x4db: {  	s25 =	sor.u32 $0x14000, s0;
	v4 =	vld [tilespmem:s0+$0x4050]  }
0x4dc: {  	s26 =	sor.u32 $0x14010, s0;
	[tilespmem:s25+$0x0] =	vst.add.f32.msk $0xffff, v7  }
0x4dd: {  	s30 =	simm.s32 $0x0;
	s3 =	simm.s32 $0x400;
	s28 =	sor.u32 $0x14020, s0;
	[tilespmem:s26+$0x0] =	vst.add.f32.msk $0xffff, v8  }
0x4de: {  	s4 =	sor.u32 $0x14030, s0;
	s7 =	sor.u32 $0x14040, s0;
	s5 =	sor.u32 $0x14050, s0;
	[tilespmem:s28+$0x0] =	vst.add.f32.msk $0xffff, v9  }
0x4df: {  	s6 =	sor.u32 $0x14060, s0;
	[tilespmem:s4+$0x0] =	vst.add.f32.msk $0xffff, v10;
	s0 =	simm.s32 $0x10;
	s4 =	simm.s32 $0x80  }
.LBB2_48:
0x4e0: {  	s1 =	sand.u32 $0x2000, s4;
	s8 =	sand.u32 $0x1C00, s3;
	s30 =	sadd.s32 $0x8, s30;
	[tilespmem:s7+$0x0] =	vst.add.f32.msk $0xffff, v6  }
0x4e1: {  	s7 =	sand.u32 $0x380, s0;
	s1 =	sor.u32 s8, s1;
	p0 =	slt.u32 s30, $0x3F8;
	[tilespmem:s5+$0x0] =	vst.add.f32.msk $0xffff, v4  }
0x4e2: {  	s1 =	sor.u32 s7, s1;
	[tilespmem:s6+$0x0] =	vst.add.f32.msk $0xffff, v5  }
0x4e3: {  	s8 =	sor.u32 $0x14000, s1;
	s18 =	sor.u32 $0x14010, s1;
	s25 =	sor.u32 $0x14020, s1;
	v4 =	vld [tilespmem:s1+$0x4070]  }
0x4e4: {  	s26 =	sor.u32 $0x14030, s1;
	s7 =	sor.u32 $0x14040, s1;
	s5 =	sor.u32 $0x14050, s1;
	v7 =	vld [tilespmem:s1+$0x4000]  }
0x4e5: {  	s6 =	sor.u32 $0x14060, s1;
	v8 =	vld [tilespmem:s1+$0x4010]  }
0x4e6: {  	v9 =	vld [tilespmem:s1+$0x4020]  }
0x4e7: {  	s28 =	sor.u32 $0x14070, s1;
	v10 =	vld [tilespmem:s1+$0x4030]  }
0x4e8: {  	[tilespmem:s28+$0x0] =	vst.add.f32.msk $0xffff, v4  }
0x4e9: {  	v6 =	vld [tilespmem:s1+$0x4040]  }
0x4ea: {  	v4 =	vld [tilespmem:s1+$0x4050]  }
.Ltmp23:
0x4eb: {  	v5 =	vld [tilespmem:s1+$0x4060];
	(pc) =	sbr.rel @p0 .LBB2_48-.Ltmp23, $4  }
0x4ec: {  	[tilespmem:s8+$0x0] =	vst.add.f32.msk $0xffff, v7  }
0x4ed: {  	[tilespmem:s18+$0x0] =	vst.add.f32.msk $0xffff, v8  }
0x4ee: {  	[tilespmem:s25+$0x0] =	vst.add.f32.msk $0xffff, v9  }
0x4ef: {  	s0 =	sadd.s32 $0x10, s0;
	s3 =	sadd.s32 $0x400, s3;
	s4 =	sadd.s32 $0x80, s4;
	[tilespmem:s26+$0x0] =	vst.add.f32.msk $0xffff, v10  }
0x4f0: {  	[tilespmem:s7+$0x0] =	vst.add.f32.msk $0xffff, v6  }
0x4f1: {  	[tilespmem:s5+$0x0] =	vst.add.f32.msk $0xffff, v4  }
0x4f2: {  	[tilespmem:s6+$0x0] =	vst.add.f32.msk $0xffff, v5  }
0x4f3: {  	s1 =	sld [smem:$0x7E9];
	_ =	sdelay $0x1  }
0x4f4: {  	s0 =	simm.s32 $0x0;
	s3 =	simm.s32 $0x14000  }
0x4f5: {  	[hbm4b:s1+s0] =	stream.linear.scatter [tilespmem:s3], [sflag:$0xB], $0x4000, $0x38;
	[tilespmem:$0x1C100] =	vst v63  }
0x4f6: {  	_ =	swait.ge [sflag:s17], $0x4000  }
0x4f7: {  	s5 =	sld [smem:$0x7F0]  }
0x4f8: {  	[sflag:s17] =	ssyncset.done $0x0  }
0x4f9: {  	s6 =	simm.s32 $0x10000;
	s7 =	simm.s32 $0x1;
	[sflag:s17] =	ssyncadd.s32 $0xFFFFC000  }
0x4fa: {  	[tilespmem:s6], [sflag:$0x5] =	stream.linear.gather [hbm4b:s5+s0], $0x4000, $0x38;
	[tilespmem:$0x1C100] =	vst v63  }
0x4fb: {  	_ =	swait.ge [sflag:s7], $0x4000  }
0x4fc: {  	[sflag:s7] =	ssyncset.done $0x0  }
0x4fd: {  	[sflag:s7] =	ssyncadd.s32 $0xFFFFC000  }
0x4fe: {  	s8 =	sand.u32 $0x2000, s0;
	s18 =	sand.u32 $0x1C00, s0;
	_ =	swait.ge [sflag:s19], $0x4000  }
0x4ff: {  	s1 =	sor.u32 s18, s8;
	s0 =	sand.u32 $0x380, s0;
	[sflag:s19] =	ssyncset.done $0x0  }
0x500: {  	s0 =	sor.u32 s0, s1;
	[sflag:s19] =	ssyncadd.s32 $0xFFFFC000  }
0x501: {  	v4 =	vld [tilespmem:s0+$0x70]  }
0x502: {  	v7 =	vld [tilespmem:s0+$0x0]  }
0x503: {  	v8 =	vld [tilespmem:s0+$0x10]  }
0x504: {  	v9 =	vld [tilespmem:s0+$0x20]  }
0x505: {  	v10 =	vld [tilespmem:s0+$0x30]  }
0x506: {  	v6 =	vld [tilespmem:s0+$0x40]  }
0x507: {  	s1 =	sor.u32 $0x18070, s0;
	v5 =	vld [tilespmem:s0+$0x60]  }
0x508: {  	[tilespmem:s1+$0x0] =	vst.add.f32.msk $0xffff, v4  }
0x509: {  	s25 =	sor.u32 $0x18000, s0;
	v4 =	vld [tilespmem:s0+$0x50]  }
0x50a: {  	s26 =	sor.u32 $0x18010, s0;
	[tilespmem:s25+$0x0] =	vst.add.f32.msk $0xffff, v7  }
0x50b: {  	s30 =	simm.s32 $0x0;
	s3 =	simm.s32 $0x400;
	s28 =	sor.u32 $0x18020, s0;
	[tilespmem:s26+$0x0] =	vst.add.f32.msk $0xffff, v8  }
0x50c: {  	s4 =	sor.u32 $0x18030, s0;
	s5 =	sor.u32 $0x18050, s0;
	s6 =	sor.u32 $0x18060, s0;
	[tilespmem:s28+$0x0] =	vst.add.f32.msk $0xffff, v9  }
0x50d: {  	s7 =	sor.u32 $0x18040, s0;
	[tilespmem:s4+$0x0] =	vst.add.f32.msk $0xffff, v10;
	s0 =	simm.s32 $0x10;
	s4 =	simm.s32 $0x80  }
.LBB2_50:
0x50e: {  	s1 =	sand.u32 $0x2000, s4;
	s8 =	sand.u32 $0x1C00, s3;
	s30 =	sadd.s32 $0x8, s30;
	[tilespmem:s7+$0x0] =	vst.add.f32.msk $0xffff, v6  }
0x50f: {  	s7 =	sand.u32 $0x380, s0;
	s1 =	sor.u32 s8, s1;
	p0 =	slt.u32 s30, $0x3F8;
	[tilespmem:s5+$0x0] =	vst.add.f32.msk $0xffff, v4  }
0x510: {  	s1 =	sor.u32 s7, s1;
	[tilespmem:s6+$0x0] =	vst.add.f32.msk $0xffff, v5  }
0x511: {  	s8 =	sor.u32 $0x18000, s1;
	s18 =	sor.u32 $0x18010, s1;
	s25 =	sor.u32 $0x18020, s1;
	v4 =	vld [tilespmem:s1+$0x70]  }
0x512: {  	s26 =	sor.u32 $0x18030, s1;
	s7 =	sor.u32 $0x18040, s1;
	s5 =	sor.u32 $0x18050, s1;
	v7 =	vld [tilespmem:s1+$0x0]  }
0x513: {  	s6 =	sor.u32 $0x18060, s1;
	v8 =	vld [tilespmem:s1+$0x10]  }
0x514: {  	v9 =	vld [tilespmem:s1+$0x20]  }
0x515: {  	s28 =	sor.u32 $0x18070, s1;
	v10 =	vld [tilespmem:s1+$0x30]  }
0x516: {  	[tilespmem:s28+$0x0] =	vst.add.f32.msk $0xffff, v4  }
0x517: {  	v6 =	vld [tilespmem:s1+$0x40]  }
0x518: {  	v4 =	vld [tilespmem:s1+$0x50]  }
.Ltmp24:
0x519: {  	v5 =	vld [tilespmem:s1+$0x60];
	(pc) =	sbr.rel @p0 .LBB2_50-.Ltmp24, $4  }
0x51a: {  	[tilespmem:s8+$0x0] =	vst.add.f32.msk $0xffff, v7  }
0x51b: {  	[tilespmem:s18+$0x0] =	vst.add.f32.msk $0xffff, v8  }
0x51c: {  	[tilespmem:s25+$0x0] =	vst.add.f32.msk $0xffff, v9  }
0x51d: {  	s0 =	sadd.s32 $0x10, s0;
	s3 =	sadd.s32 $0x400, s3;
	s4 =	sadd.s32 $0x80, s4;
	[tilespmem:s26+$0x0] =	vst.add.f32.msk $0xffff, v10  }
0x51e: {  	[tilespmem:s7+$0x0] =	vst.add.f32.msk $0xffff, v6  }
0x51f: {  	[tilespmem:s5+$0x0] =	vst.add.f32.msk $0xffff, v4  }
0x520: {  	[tilespmem:s6+$0x0] =	vst.add.f32.msk $0xffff, v5  }
0x521: {  	s1 =	sld [smem:$0x7EB];
	_ =	sdelay $0x1  }
0x522: {  	s0 =	simm.s32 $0x0;
	s3 =	simm.s32 $0x18000  }
0x523: {  	[hbm4b:s1+s0] =	stream.linear.scatter [tilespmem:s3], [sflag:$0xC], $0x4000, $0x38;
	[tilespmem:$0x1C100] =	vst v63  }
0x524: {  	_ =	swait.ge [sflag:s20], $0x4000  }
0x525: {  	[sflag:s20] =	ssyncset.done $0x0  }
0x526: {  	[sflag:s20] =	ssyncadd.s32 $0xFFFFC000  }
0x527: {  	v4 =	vld [tilespmem:$0x1C070];
	_ =	sdelay $0x4  }
0x528: {  	v5 =	vshll.u32 v4, $0x3  }
0x529: {  	v4 =	vand.u32 $0x7, v4;
	v5 =	vand.u32 $0xFFFFFFC0, v5  }
0x52a: {  	v4 =	vor.u32 v4, v5  }
0x52b: {  	v5 =	vperm.xlane v4, v1;
	_ =	sdelay $0x1  }
0x52c: {  	v5 =	vadd.s32 v2, v5;
	_ =	sdelay $0x3  }
0x52d: {  	s8 =	simm.s32 $0x4000  }
0x52e: {  	[tilespmem:s8], [sflag:$0x2] =	stream.indirect_vreg.gather [hbm4b:s31+s0], $0x80, v5, vm0, $0xb8;
	[tilespmem:$0x1C100] =	vst v63  }
0x52f: {  	s18 =	simm.s32 $0x4800;
	v4 =	vperm.xlane v4, v3  }
0x530: {  	[tilespmem:s18], [sflag:$0x2] =	stream.indirect_vreg.gather [hbm4b:s12+s0], $0x80, v5, vm0, $0xb8;
	[tilespmem:$0x1C100] =	vst v63  }
0x531: {  	s25 =	simm.s32 $0x5000;
	v4 =	vadd.s32 v2, v4  }
0x532: {  	[tilespmem:s25], [sflag:$0x2] =	stream.indirect_vreg.gather [hbm4b:s13+s0], $0x80, v5, vm0, $0xb8;
	[tilespmem:$0x1C100] =	vst v63  }
0x533: {  	s26 =	simm.s32 $0x5800  }
0x534: {  	[tilespmem:s26], [sflag:$0x2] =	stream.indirect_vreg.gather [hbm4b:s14+s0], $0x80, v5, vm0, $0xb8;
	[tilespmem:$0x1C100] =	vst v63  }
0x535: {  	s28 =	simm.s32 $0x6000  }
0x536: {  	[tilespmem:s28], [sflag:$0x2] =	stream.indirect_vreg.gather [hbm4b:s31+s0], $0x80, v4, vm0, $0xb8;
	[tilespmem:$0x1C100] =	vst v63  }
0x537: {  	s3 =	simm.s32 $0x6800  }
0x538: {  	[tilespmem:s3], [sflag:$0x2] =	stream.indirect_vreg.gather [hbm4b:s12+s0], $0x80, v4, vm0, $0xb8;
	[tilespmem:$0x1C100] =	vst v63  }
0x539: {  	s4 =	simm.s32 $0x7000  }
0x53a: {  	[tilespmem:s4], [sflag:$0x2] =	stream.indirect_vreg.gather [hbm4b:s13+s0], $0x80, v4, vm0, $0xb8;
	[tilespmem:$0x1C100] =	vst v63  }
0x53b: {  	s5 =	simm.s32 $0x7800;
	s6 =	sld [smem:$0x7F4]  }
0x53c: {  	[tilespmem:s5], [sflag:$0x2] =	stream.indirect_vreg.gather [hbm4b:s14+s0], $0x80, v4, vm0, $0xb8;
	[tilespmem:$0x1C100] =	vst v63  }
0x53d: {  	s7 =	simm.s32 $0x14000  }
0x53e: {  	[tilespmem:s7], [sflag:$0x6] =	stream.linear.gather [hbm4b:s6+s0], $0x4000, $0x38;
	[tilespmem:$0x1C100] =	vst v63  }
0x53f: {  	s8 =	sand.u32 $0x2000, s0;
	s18 =	sand.u32 $0x1C00, s0;
	_ =	swait.ge [sflag:s29], $0x4000  }
0x540: {  	s1 =	sor.u32 s18, s8;
	s0 =	sand.u32 $0x380, s0;
	[sflag:s29] =	ssyncset.done $0x0  }
0x541: {  	s0 =	sor.u32 s0, s1;
	[sflag:s29] =	ssyncadd.s32 $0xFFFFC000  }
0x542: {  	v4 =	vld [tilespmem:s0+$0x70]  }
0x543: {  	v7 =	vld [tilespmem:s0+$0x0]  }
0x544: {  	v8 =	vld [tilespmem:s0+$0x10]  }
0x545: {  	v9 =	vld [tilespmem:s0+$0x20]  }
0x546: {  	v10 =	vld [tilespmem:s0+$0x30]  }
0x547: {  	v6 =	vld [tilespmem:s0+$0x40]  }
0x548: {  	s1 =	sor.u32 $0x8070, s0;
	v5 =	vld [tilespmem:s0+$0x60]  }
0x549: {  	[tilespmem:s1+$0x0] =	vst.add.f32.msk $0xffff, v4  }
0x54a: {  	s25 =	sor.u32 $0x8000, s0;
	v4 =	vld [tilespmem:s0+$0x50]  }
0x54b: {  	s26 =	sor.u32 $0x8010, s0;
	[tilespmem:s25+$0x0] =	vst.add.f32.msk $0xffff, v7  }
0x54c: {  	s30 =	simm.s32 $0x0;
	s3 =	simm.s32 $0x400;
	s28 =	sor.u32 $0x8020, s0;
	[tilespmem:s26+$0x0] =	vst.add.f32.msk $0xffff, v8  }
0x54d: {  	s4 =	sor.u32 $0x8030, s0;
	s7 =	sor.u32 $0x8040, s0;
	s5 =	sor.u32 $0x8050, s0;
	[tilespmem:s28+$0x0] =	vst.add.f32.msk $0xffff, v9  }
0x54e: {  	s6 =	sor.u32 $0x8060, s0;
	[tilespmem:s4+$0x0] =	vst.add.f32.msk $0xffff, v10;
	s0 =	simm.s32 $0x10;
	s4 =	simm.s32 $0x80  }
.LBB2_52:
0x54f: {  	s1 =	sand.u32 $0x2000, s4;
	s8 =	sand.u32 $0x1C00, s3;
	s30 =	sadd.s32 $0x8, s30;
	[tilespmem:s7+$0x0] =	vst.add.f32.msk $0xffff, v6  }
0x550: {  	s7 =	sand.u32 $0x380, s0;
	s1 =	sor.u32 s8, s1;
	p0 =	slt.u32 s30, $0x3F8;
	[tilespmem:s5+$0x0] =	vst.add.f32.msk $0xffff, v4  }
0x551: {  	s1 =	sor.u32 s7, s1;
	[tilespmem:s6+$0x0] =	vst.add.f32.msk $0xffff, v5  }
0x552: {  	s8 =	sor.u32 $0x8000, s1;
	s18 =	sor.u32 $0x8010, s1;
	s25 =	sor.u32 $0x8020, s1;
	v4 =	vld [tilespmem:s1+$0x70]  }
0x553: {  	s26 =	sor.u32 $0x8030, s1;
	s7 =	sor.u32 $0x8040, s1;
	s5 =	sor.u32 $0x8050, s1;
	v7 =	vld [tilespmem:s1+$0x0]  }
0x554: {  	s6 =	sor.u32 $0x8060, s1;
	v8 =	vld [tilespmem:s1+$0x10]  }
0x555: {  	v9 =	vld [tilespmem:s1+$0x20]  }
0x556: {  	s28 =	sor.u32 $0x8070, s1;
	v10 =	vld [tilespmem:s1+$0x30]  }
0x557: {  	[tilespmem:s28+$0x0] =	vst.add.f32.msk $0xffff, v4  }
0x558: {  	v6 =	vld [tilespmem:s1+$0x40]  }
0x559: {  	v4 =	vld [tilespmem:s1+$0x50]  }
.Ltmp25:
0x55a: {  	v5 =	vld [tilespmem:s1+$0x60];
	(pc) =	sbr.rel @p0 .LBB2_52-.Ltmp25, $4  }
0x55b: {  	[tilespmem:s8+$0x0] =	vst.add.f32.msk $0xffff, v7  }
0x55c: {  	[tilespmem:s18+$0x0] =	vst.add.f32.msk $0xffff, v8  }
0x55d: {  	[tilespmem:s25+$0x0] =	vst.add.f32.msk $0xffff, v9  }
0x55e: {  	s0 =	sadd.s32 $0x10, s0;
	s3 =	sadd.s32 $0x400, s3;
	s4 =	sadd.s32 $0x80, s4;
	[tilespmem:s26+$0x0] =	vst.add.f32.msk $0xffff, v10  }
0x55f: {  	[tilespmem:s7+$0x0] =	vst.add.f32.msk $0xffff, v6  }
0x560: {  	[tilespmem:s5+$0x0] =	vst.add.f32.msk $0xffff, v4  }
0x561: {  	[tilespmem:s6+$0x0] =	vst.add.f32.msk $0xffff, v5  }
0x562: {  	s1 =	sld [smem:$0x7ED];
	_ =	sdelay $0x1  }
0x563: {  	s0 =	simm.s32 $0x0  }
0x564: {  	[hbm4b:s1+s0] =	stream.linear.scatter [tilespmem:s23], [sflag:$0x8], $0x4000, $0x38;
	[tilespmem:$0x1C100] =	vst v63  }
0x565: {  	_ =	swait.ge [sflag:s21], $0x4000  }
0x566: {  	s7 =	sld [smem:$0x7F5]  }
0x567: {  	[sflag:s21] =	ssyncset.done $0x0  }
0x568: {  	s3 =	simm.s32 $0x18000;
	[sflag:s21] =	ssyncadd.s32 $0xFFFFC000  }
0x569: {  	[tilespmem:s3], [sflag:$0x7] =	stream.linear.gather [hbm4b:s7+s0], $0x4000, $0x38;
	[tilespmem:$0x1C100] =	vst v63  }
0x56a: {  	s8 =	sand.u32 $0x2000, s0;
	s18 =	sand.u32 $0x1C00, s0;
	_ =	swait.ge [sflag:s9], $0x4000  }
0x56b: {  	s1 =	sor.u32 s18, s8;
	s0 =	sand.u32 $0x380, s0;
	[sflag:s9] =	ssyncset.done $0x0  }
0x56c: {  	s0 =	sor.u32 s0, s1;
	[sflag:s9] =	ssyncadd.s32 $0xFFFFC000  }
0x56d: {  	v4 =	vld [tilespmem:s0+$0x70]  }
0x56e: {  	v7 =	vld [tilespmem:s0+$0x0]  }
0x56f: {  	v8 =	vld [tilespmem:s0+$0x10]  }
0x570: {  	v9 =	vld [tilespmem:s0+$0x20]  }
0x571: {  	v10 =	vld [tilespmem:s0+$0x30]  }
0x572: {  	v6 =	vld [tilespmem:s0+$0x40]  }
0x573: {  	s1 =	sor.u32 $0xC070, s0;
	v5 =	vld [tilespmem:s0+$0x60]  }
0x574: {  	[tilespmem:s1+$0x0] =	vst.add.f32.msk $0xffff, v4  }
0x575: {  	s25 =	sor.u32 $0xC000, s0;
	v4 =	vld [tilespmem:s0+$0x50]  }
0x576: {  	s26 =	sor.u32 $0xC010, s0;
	[tilespmem:s25+$0x0] =	vst.add.f32.msk $0xffff, v7  }
0x577: {  	s30 =	simm.s32 $0x0;
	s3 =	simm.s32 $0x400;
	s28 =	sor.u32 $0xC020, s0;
	[tilespmem:s26+$0x0] =	vst.add.f32.msk $0xffff, v8  }
0x578: {  	s4 =	sor.u32 $0xC030, s0;
	s7 =	sor.u32 $0xC040, s0;
	s5 =	sor.u32 $0xC050, s0;
	[tilespmem:s28+$0x0] =	vst.add.f32.msk $0xffff, v9  }
0x579: {  	s6 =	sor.u32 $0xC060, s0;
	[tilespmem:s4+$0x0] =	vst.add.f32.msk $0xffff, v10;
	s0 =	simm.s32 $0x10;
	s4 =	simm.s32 $0x80  }
.LBB2_54:
0x57a: {  	s1 =	sand.u32 $0x2000, s4;
	s8 =	sand.u32 $0x1C00, s3;
	s30 =	sadd.s32 $0x8, s30;
	[tilespmem:s7+$0x0] =	vst.add.f32.msk $0xffff, v6  }
0x57b: {  	s7 =	sand.u32 $0x380, s0;
	s1 =	sor.u32 s8, s1;
	p0 =	slt.u32 s30, $0x3F8;
	[tilespmem:s5+$0x0] =	vst.add.f32.msk $0xffff, v4  }
0x57c: {  	s1 =	sor.u32 s7, s1;
	[tilespmem:s6+$0x0] =	vst.add.f32.msk $0xffff, v5  }
0x57d: {  	s8 =	sor.u32 $0xC000, s1;
	s18 =	sor.u32 $0xC010, s1;
	s25 =	sor.u32 $0xC020, s1;
	v4 =	vld [tilespmem:s1+$0x70]  }
0x57e: {  	s26 =	sor.u32 $0xC030, s1;
	s7 =	sor.u32 $0xC040, s1;
	s5 =	sor.u32 $0xC050, s1;
	v7 =	vld [tilespmem:s1+$0x0]  }
0x57f: {  	s6 =	sor.u32 $0xC060, s1;
	v8 =	vld [tilespmem:s1+$0x10]  }
0x580: {  	v9 =	vld [tilespmem:s1+$0x20]  }
0x581: {  	s28 =	sor.u32 $0xC070, s1;
	v10 =	vld [tilespmem:s1+$0x30]  }
0x582: {  	[tilespmem:s28+$0x0] =	vst.add.f32.msk $0xffff, v4  }
0x583: {  	v6 =	vld [tilespmem:s1+$0x40]  }
0x584: {  	v4 =	vld [tilespmem:s1+$0x50]  }
.Ltmp26:
0x585: {  	v5 =	vld [tilespmem:s1+$0x60];
	(pc) =	sbr.rel @p0 .LBB2_54-.Ltmp26, $4  }
0x586: {  	[tilespmem:s8+$0x0] =	vst.add.f32.msk $0xffff, v7  }
0x587: {  	[tilespmem:s18+$0x0] =	vst.add.f32.msk $0xffff, v8  }
0x588: {  	[tilespmem:s25+$0x0] =	vst.add.f32.msk $0xffff, v9  }
0x589: {  	s0 =	sadd.s32 $0x10, s0;
	s3 =	sadd.s32 $0x400, s3;
	s4 =	sadd.s32 $0x80, s4;
	[tilespmem:s26+$0x0] =	vst.add.f32.msk $0xffff, v10  }
0x58a: {  	[tilespmem:s7+$0x0] =	vst.add.f32.msk $0xffff, v6  }
0x58b: {  	[tilespmem:s5+$0x0] =	vst.add.f32.msk $0xffff, v4  }
0x58c: {  	[tilespmem:s6+$0x0] =	vst.add.f32.msk $0xffff, v5  }
0x58d: {  	s1 =	sld [smem:$0x7EF];
	_ =	sdelay $0x1  }
0x58e: {  	s0 =	simm.s32 $0x0  }
0x58f: {  	[hbm4b:s1+s0] =	stream.linear.scatter [tilespmem:s24], [sflag:$0x9], $0x4000, $0x38;
	[tilespmem:$0x1C100] =	vst v63  }
0x590: {  	_ =	swait.ge [sflag:s10], $0x4000  }
0x591: {  	s8 =	sld [smem:$0x7F6]  }
0x592: {  	[sflag:s10] =	ssyncset.done $0x0  }
0x593: {  	[sflag:s10] =	ssyncadd.s32 $0xFFFFC000  }
0x594: {  	[tilespmem:s23], [sflag:$0x3] =	stream.linear.gather [hbm4b:s8+s0], $0x4000, $0x38;
	[tilespmem:$0x1C100] =	vst v63  }
0x595: {  	s18 =	sand.u32 $0x2000, s0;
	s3 =	sand.u32 $0x1C00, s0;
	_ =	swait.ge [sflag:s11], $0x4000  }
0x596: {  	s1 =	sor.u32 s3, s18;
	s0 =	sand.u32 $0x380, s0;
	[sflag:s11] =	ssyncset.done $0x0  }
0x597: {  	s0 =	sor.u32 s0, s1;
	[sflag:s11] =	ssyncadd.s32 $0xFFFFC000  }
0x598: {  	v4 =	vld [tilespmem:s0+$0x70]  }
0x599: {  	v7 =	vld [tilespmem:s0+$0x0]  }
0x59a: {  	v8 =	vld [tilespmem:s0+$0x10]  }
0x59b: {  	v9 =	vld [tilespmem:s0+$0x20]  }
0x59c: {  	v10 =	vld [tilespmem:s0+$0x30]  }
0x59d: {  	v6 =	vld [tilespmem:s0+$0x40]  }
0x59e: {  	s1 =	sor.u32 $0x10070, s0;
	v5 =	vld [tilespmem:s0+$0x60]  }
0x59f: {  	[tilespmem:s1+$0x0] =	vst.add.f32.msk $0xffff, v4  }
0x5a0: {  	s25 =	sor.u32 $0x10000, s0;
	v4 =	vld [tilespmem:s0+$0x50]  }
0x5a1: {  	s26 =	sor.u32 $0x10010, s0;
	[tilespmem:s25+$0x0] =	vst.add.f32.msk $0xffff, v7  }
0x5a2: {  	s30 =	simm.s32 $0x0;
	s3 =	simm.s32 $0x400;
	s28 =	sor.u32 $0x10020, s0;
	[tilespmem:s26+$0x0] =	vst.add.f32.msk $0xffff, v8  }
0x5a3: {  	s4 =	sor.u32 $0x10030, s0;
	s7 =	sor.u32 $0x10040, s0;
	s5 =	sor.u32 $0x10050, s0;
	[tilespmem:s28+$0x0] =	vst.add.f32.msk $0xffff, v9  }
0x5a4: {  	s6 =	sor.u32 $0x10060, s0;
	[tilespmem:s4+$0x0] =	vst.add.f32.msk $0xffff, v10;
	s0 =	simm.s32 $0x10;
	s4 =	simm.s32 $0x80  }
.LBB2_56:
0x5a5: {  	s1 =	sand.u32 $0x2000, s4;
	s8 =	sand.u32 $0x1C00, s3;
	s30 =	sadd.s32 $0x8, s30;
	[tilespmem:s7+$0x0] =	vst.add.f32.msk $0xffff, v6  }
0x5a6: {  	s7 =	sand.u32 $0x380, s0;
	s1 =	sor.u32 s8, s1;
	p0 =	slt.u32 s30, $0x3F8;
	[tilespmem:s5+$0x0] =	vst.add.f32.msk $0xffff, v4  }
0x5a7: {  	s1 =	sor.u32 s7, s1;
	[tilespmem:s6+$0x0] =	vst.add.f32.msk $0xffff, v5  }
0x5a8: {  	s8 =	sor.u32 $0x10000, s1;
	s18 =	sor.u32 $0x10010, s1;
	s25 =	sor.u32 $0x10020, s1;
	v4 =	vld [tilespmem:s1+$0x70]  }
0x5a9: {  	s26 =	sor.u32 $0x10030, s1;
	s7 =	sor.u32 $0x10040, s1;
	s5 =	sor.u32 $0x10050, s1;
	v7 =	vld [tilespmem:s1+$0x0]  }
0x5aa: {  	s6 =	sor.u32 $0x10060, s1;
	v8 =	vld [tilespmem:s1+$0x10]  }
0x5ab: {  	v9 =	vld [tilespmem:s1+$0x20]  }
0x5ac: {  	s28 =	sor.u32 $0x10070, s1;
	v10 =	vld [tilespmem:s1+$0x30]  }
0x5ad: {  	[tilespmem:s28+$0x0] =	vst.add.f32.msk $0xffff, v4  }
0x5ae: {  	v6 =	vld [tilespmem:s1+$0x40]  }
0x5af: {  	v4 =	vld [tilespmem:s1+$0x50]  }
.Ltmp27:
0x5b0: {  	v5 =	vld [tilespmem:s1+$0x60];
	(pc) =	sbr.rel @p0 .LBB2_56-.Ltmp27, $4  }
0x5b1: {  	[tilespmem:s8+$0x0] =	vst.add.f32.msk $0xffff, v7  }
0x5b2: {  	[tilespmem:s18+$0x0] =	vst.add.f32.msk $0xffff, v8  }
0x5b3: {  	[tilespmem:s25+$0x0] =	vst.add.f32.msk $0xffff, v9  }
0x5b4: {  	s0 =	sadd.s32 $0x10, s0;
	s3 =	sadd.s32 $0x400, s3;
	s4 =	sadd.s32 $0x80, s4;
	[tilespmem:s26+$0x0] =	vst.add.f32.msk $0xffff, v10  }
0x5b5: {  	[tilespmem:s7+$0x0] =	vst.add.f32.msk $0xffff, v6  }
0x5b6: {  	[tilespmem:s5+$0x0] =	vst.add.f32.msk $0xffff, v4  }
0x5b7: {  	[tilespmem:s6+$0x0] =	vst.add.f32.msk $0xffff, v5  }
0x5b8: {  	s1 =	sld [smem:$0x7F1];
	_ =	sdelay $0x1  }
0x5b9: {  	s0 =	simm.s32 $0x0;
	s3 =	simm.s32 $0x10000  }
0x5ba: {  	[hbm4b:s1+s0] =	stream.linear.scatter [tilespmem:s3], [sflag:$0xA], $0x4000, $0x38;
	[tilespmem:$0x1C100] =	vst v63  }
0x5bb: {  	_ =	swait.ge [sflag:s15], $0x4000  }
0x5bc: {  	s6 =	sld [smem:$0x7F7]  }
0x5bd: {  	[sflag:s15] =	ssyncset.done $0x0  }
0x5be: {  	s7 =	simm.s32 $0x2;
	[sflag:s15] =	ssyncadd.s32 $0xFFFFC000  }
0x5bf: {  	[tilespmem:s24], [sflag:$0x4] =	stream.linear.gather [hbm4b:s6+s0], $0x4000, $0x38;
	[tilespmem:$0x1C100] =	vst v63  }
0x5c0: {  	_ =	swait.ge [sflag:s7], $0x4000  }
0x5c1: {  	[sflag:s7] =	ssyncset.done $0x0  }
0x5c2: {  	[sflag:s7] =	ssyncadd.s32 $0xFFFFC000  }
0x5c3: {  	s8 =	sand.u32 $0x2000, s0;
	s18 =	sand.u32 $0x1C00, s0;
	_ =	swait.ge [sflag:s16], $0x4000  }
0x5c4: {  	s1 =	sor.u32 s18, s8;
	s0 =	sand.u32 $0x380, s0;
	[sflag:s16] =	ssyncset.done $0x0  }
0x5c5: {  	s0 =	sor.u32 s0, s1;
	[sflag:s16] =	ssyncadd.s32 $0xFFFFC000  }
0x5c6: {  	v4 =	vld [tilespmem:s0+$0x4070]  }
0x5c7: {  	v7 =	vld [tilespmem:s0+$0x4000]  }
0x5c8: {  	v8 =	vld [tilespmem:s0+$0x4010]  }
0x5c9: {  	v9 =	vld [tilespmem:s0+$0x4020]  }
0x5ca: {  	v10 =	vld [tilespmem:s0+$0x4030]  }
0x5cb: {  	v6 =	vld [tilespmem:s0+$0x4040]  }
0x5cc: {  	s1 =	sor.u32 $0x14070, s0;
	v5 =	vld [tilespmem:s0+$0x4060]  }
0x5cd: {  	[tilespmem:s1+$0x0] =	vst.add.f32.msk $0xffff, v4  }
0x5ce: {  	s25 =	sor.u32 $0x14000, s0;
	v4 =	vld [tilespmem:s0+$0x4050]  }
0x5cf: {  	s26 =	sor.u32 $0x14010, s0;
	[tilespmem:s25+$0x0] =	vst.add.f32.msk $0xffff, v7  }
0x5d0: {  	s30 =	simm.s32 $0x0;
	s3 =	simm.s32 $0x400;
	s28 =	sor.u32 $0x14020, s0;
	[tilespmem:s26+$0x0] =	vst.add.f32.msk $0xffff, v8  }
0x5d1: {  	s4 =	sor.u32 $0x14030, s0;
	s5 =	sor.u32 $0x14050, s0;
	s6 =	sor.u32 $0x14060, s0;
	[tilespmem:s28+$0x0] =	vst.add.f32.msk $0xffff, v9  }
0x5d2: {  	s7 =	sor.u32 $0x14040, s0;
	[tilespmem:s4+$0x0] =	vst.add.f32.msk $0xffff, v10;
	s0 =	simm.s32 $0x10;
	s4 =	simm.s32 $0x80  }
.LBB2_58:
0x5d3: {  	s1 =	sand.u32 $0x2000, s4;
	s8 =	sand.u32 $0x1C00, s3;
	s30 =	sadd.s32 $0x8, s30;
	[tilespmem:s7+$0x0] =	vst.add.f32.msk $0xffff, v6  }
0x5d4: {  	s7 =	sand.u32 $0x380, s0;
	s1 =	sor.u32 s8, s1;
	p0 =	slt.u32 s30, $0x3F8;
	[tilespmem:s5+$0x0] =	vst.add.f32.msk $0xffff, v4  }
0x5d5: {  	s1 =	sor.u32 s7, s1;
	[tilespmem:s6+$0x0] =	vst.add.f32.msk $0xffff, v5  }
0x5d6: {  	s8 =	sor.u32 $0x14000, s1;
	s18 =	sor.u32 $0x14010, s1;
	s25 =	sor.u32 $0x14020, s1;
	v4 =	vld [tilespmem:s1+$0x4070]  }
0x5d7: {  	s26 =	sor.u32 $0x14030, s1;
	s7 =	sor.u32 $0x14040, s1;
	s5 =	sor.u32 $0x14050, s1;
	v7 =	vld [tilespmem:s1+$0x4000]  }
0x5d8: {  	s6 =	sor.u32 $0x14060, s1;
	v8 =	vld [tilespmem:s1+$0x4010]  }
0x5d9: {  	v9 =	vld [tilespmem:s1+$0x4020]  }
0x5da: {  	s28 =	sor.u32 $0x14070, s1;
	v10 =	vld [tilespmem:s1+$0x4030]  }
0x5db: {  	[tilespmem:s28+$0x0] =	vst.add.f32.msk $0xffff, v4  }
0x5dc: {  	v6 =	vld [tilespmem:s1+$0x4040]  }
0x5dd: {  	v4 =	vld [tilespmem:s1+$0x4050]  }
.Ltmp28:
0x5de: {  	v5 =	vld [tilespmem:s1+$0x4060];
	(pc) =	sbr.rel @p0 .LBB2_58-.Ltmp28, $4  }
0x5df: {  	[tilespmem:s8+$0x0] =	vst.add.f32.msk $0xffff, v7  }
0x5e0: {  	[tilespmem:s18+$0x0] =	vst.add.f32.msk $0xffff, v8  }
0x5e1: {  	[tilespmem:s25+$0x0] =	vst.add.f32.msk $0xffff, v9  }
0x5e2: {  	s0 =	sadd.s32 $0x10, s0;
	s3 =	sadd.s32 $0x400, s3;
	s4 =	sadd.s32 $0x80, s4;
	[tilespmem:s26+$0x0] =	vst.add.f32.msk $0xffff, v10  }
0x5e3: {  	[tilespmem:s7+$0x0] =	vst.add.f32.msk $0xffff, v6  }
0x5e4: {  	[tilespmem:s5+$0x0] =	vst.add.f32.msk $0xffff, v4  }
0x5e5: {  	[tilespmem:s6+$0x0] =	vst.add.f32.msk $0xffff, v5  }
0x5e6: {  	s1 =	sld [smem:$0x7F8];
	_ =	sdelay $0x1  }
0x5e7: {  	s0 =	simm.s32 $0x0;
	s3 =	simm.s32 $0x14000  }
0x5e8: {  	[hbm4b:s1+s0] =	stream.linear.scatter [tilespmem:s3], [sflag:$0xB], $0x4000, $0x38;
	[tilespmem:$0x1C100] =	vst v63  }
0x5e9: {  	s8 =	sand.u32 $0x2000, s0;
	s18 =	sand.u32 $0x1C00, s0;
	_ =	swait.ge [sflag:s19], $0x4000  }
0x5ea: {  	s1 =	sor.u32 s18, s8;
	s0 =	sand.u32 $0x380, s0;
	[sflag:s19] =	ssyncset.done $0x0  }
0x5eb: {  	s0 =	sor.u32 s0, s1;
	[sflag:s19] =	ssyncadd.s32 $0xFFFFC000  }
0x5ec: {  	v4 =	vld [tilespmem:s0+$0x4070]  }
0x5ed: {  	v7 =	vld [tilespmem:s0+$0x4000]  }
0x5ee: {  	v8 =	vld [tilespmem:s0+$0x4010]  }
0x5ef: {  	v9 =	vld [tilespmem:s0+$0x4020]  }
0x5f0: {  	v10 =	vld [tilespmem:s0+$0x4030]  }
0x5f1: {  	v6 =	vld [tilespmem:s0+$0x4040]  }
0x5f2: {  	s1 =	sor.u32 $0x18070, s0;
	v5 =	vld [tilespmem:s0+$0x4060]  }
0x5f3: {  	[tilespmem:s1+$0x0] =	vst.add.f32.msk $0xffff, v4  }
0x5f4: {  	s25 =	sor.u32 $0x18000, s0;
	v4 =	vld [tilespmem:s0+$0x4050]  }
0x5f5: {  	s26 =	sor.u32 $0x18010, s0;
	[tilespmem:s25+$0x0] =	vst.add.f32.msk $0xffff, v7  }
0x5f6: {  	s30 =	simm.s32 $0x0;
	s3 =	simm.s32 $0x400;
	s28 =	sor.u32 $0x18020, s0;
	[tilespmem:s26+$0x0] =	vst.add.f32.msk $0xffff, v8  }
0x5f7: {  	s4 =	sor.u32 $0x18030, s0;
	s7 =	sor.u32 $0x18040, s0;
	s5 =	sor.u32 $0x18050, s0;
	[tilespmem:s28+$0x0] =	vst.add.f32.msk $0xffff, v9  }
0x5f8: {  	s6 =	sor.u32 $0x18060, s0;
	[tilespmem:s4+$0x0] =	vst.add.f32.msk $0xffff, v10;
	s0 =	simm.s32 $0x10;
	s4 =	simm.s32 $0x80  }
.LBB2_60:
0x5f9: {  	s1 =	sand.u32 $0x2000, s4;
	s8 =	sand.u32 $0x1C00, s3;
	s30 =	sadd.s32 $0x8, s30;
	[tilespmem:s7+$0x0] =	vst.add.f32.msk $0xffff, v6  }
0x5fa: {  	s7 =	sand.u32 $0x380, s0;
	s1 =	sor.u32 s8, s1;
	p0 =	slt.u32 s30, $0x3F8;
	[tilespmem:s5+$0x0] =	vst.add.f32.msk $0xffff, v4  }
0x5fb: {  	s1 =	sor.u32 s7, s1;
	[tilespmem:s6+$0x0] =	vst.add.f32.msk $0xffff, v5  }
0x5fc: {  	s8 =	sor.u32 $0x18000, s1;
	s18 =	sor.u32 $0x18010, s1;
	s25 =	sor.u32 $0x18020, s1;
	v4 =	vld [tilespmem:s1+$0x4070]  }
0x5fd: {  	s26 =	sor.u32 $0x18030, s1;
	s7 =	sor.u32 $0x18040, s1;
	s5 =	sor.u32 $0x18050, s1;
	v7 =	vld [tilespmem:s1+$0x4000]  }
0x5fe: {  	s6 =	sor.u32 $0x18060, s1;
	v8 =	vld [tilespmem:s1+$0x4010]  }
0x5ff: {  	v9 =	vld [tilespmem:s1+$0x4020]  }
0x600: {  	s28 =	sor.u32 $0x18070, s1;
	v10 =	vld [tilespmem:s1+$0x4030]  }
0x601: {  	[tilespmem:s28+$0x0] =	vst.add.f32.msk $0xffff, v4  }
0x602: {  	v6 =	vld [tilespmem:s1+$0x4040]  }
0x603: {  	v4 =	vld [tilespmem:s1+$0x4050]  }
.Ltmp29:
0x604: {  	v5 =	vld [tilespmem:s1+$0x4060];
	(pc) =	sbr.rel @p0 .LBB2_60-.Ltmp29, $4  }
0x605: {  	[tilespmem:s8+$0x0] =	vst.add.f32.msk $0xffff, v7  }
0x606: {  	[tilespmem:s18+$0x0] =	vst.add.f32.msk $0xffff, v8  }
0x607: {  	[tilespmem:s25+$0x0] =	vst.add.f32.msk $0xffff, v9  }
0x608: {  	s0 =	sadd.s32 $0x10, s0;
	s3 =	sadd.s32 $0x400, s3;
	s4 =	sadd.s32 $0x80, s4;
	[tilespmem:s26+$0x0] =	vst.add.f32.msk $0xffff, v10  }
0x609: {  	[tilespmem:s7+$0x0] =	vst.add.f32.msk $0xffff, v6  }
0x60a: {  	[tilespmem:s5+$0x0] =	vst.add.f32.msk $0xffff, v4  }
0x60b: {  	[tilespmem:s6+$0x0] =	vst.add.f32.msk $0xffff, v5  }
0x60c: {  	s1 =	sld [smem:$0x7F9];
	_ =	sdelay $0x1  }
0x60d: {  	s0 =	simm.s32 $0x0;
	s3 =	simm.s32 $0x18000  }
0x60e: {  	[hbm4b:s1+s0] =	stream.linear.scatter [tilespmem:s3], [sflag:$0xC], $0x4000, $0x38;
	[tilespmem:$0x1C100] =	vst v63  }
0x60f: {  	s8 =	sand.u32 $0x2000, s0;
	s18 =	sand.u32 $0x1C00, s0;
	_ =	swait.ge [sflag:s29], $0x4000  }
0x610: {  	s1 =	sor.u32 s18, s8;
	s0 =	sand.u32 $0x380, s0;
	[sflag:s29] =	ssyncset.done $0x0  }
0x611: {  	s0 =	sor.u32 s0, s1;
	[sflag:s29] =	ssyncadd.s32 $0xFFFFC000  }
0x612: {  	v4 =	vld [tilespmem:s0+$0x4070]  }
0x613: {  	v7 =	vld [tilespmem:s0+$0x4000]  }
0x614: {  	v8 =	vld [tilespmem:s0+$0x4010]  }
0x615: {  	v9 =	vld [tilespmem:s0+$0x4020]  }
0x616: {  	v10 =	vld [tilespmem:s0+$0x4030]  }
0x617: {  	v6 =	vld [tilespmem:s0+$0x4040]  }
0x618: {  	s1 =	sor.u32 $0x8070, s0;
	v5 =	vld [tilespmem:s0+$0x4060]  }
0x619: {  	[tilespmem:s1+$0x0] =	vst.add.f32.msk $0xffff, v4  }
0x61a: {  	s25 =	sor.u32 $0x8000, s0;
	v4 =	vld [tilespmem:s0+$0x4050]  }
0x61b: {  	s26 =	sor.u32 $0x8010, s0;
	[tilespmem:s25+$0x0] =	vst.add.f32.msk $0xffff, v7  }
0x61c: {  	s30 =	simm.s32 $0x0;
	s3 =	simm.s32 $0x400;
	s28 =	sor.u32 $0x8020, s0;
	[tilespmem:s26+$0x0] =	vst.add.f32.msk $0xffff, v8  }
0x61d: {  	s4 =	sor.u32 $0x8030, s0;
	s7 =	sor.u32 $0x8040, s0;
	s5 =	sor.u32 $0x8050, s0;
	[tilespmem:s28+$0x0] =	vst.add.f32.msk $0xffff, v9  }
0x61e: {  	s6 =	sor.u32 $0x8060, s0;
	[tilespmem:s4+$0x0] =	vst.add.f32.msk $0xffff, v10;
	s0 =	simm.s32 $0x10;
	s4 =	simm.s32 $0x80  }
.LBB2_62:
0x61f: {  	s1 =	sand.u32 $0x2000, s4;
	s8 =	sand.u32 $0x1C00, s3;
	s30 =	sadd.s32 $0x8, s30;
	[tilespmem:s7+$0x0] =	vst.add.f32.msk $0xffff, v6  }
0x620: {  	s7 =	sand.u32 $0x380, s0;
	s1 =	sor.u32 s8, s1;
	p0 =	slt.u32 s30, $0x3F8;
	[tilespmem:s5+$0x0] =	vst.add.f32.msk $0xffff, v4  }
0x621: {  	s1 =	sor.u32 s7, s1;
	[tilespmem:s6+$0x0] =	vst.add.f32.msk $0xffff, v5  }
0x622: {  	s8 =	sor.u32 $0x8000, s1;
	s18 =	sor.u32 $0x8010, s1;
	s25 =	sor.u32 $0x8020, s1;
	v4 =	vld [tilespmem:s1+$0x4070]  }
0x623: {  	s26 =	sor.u32 $0x8030, s1;
	s7 =	sor.u32 $0x8040, s1;
	s5 =	sor.u32 $0x8050, s1;
	v7 =	vld [tilespmem:s1+$0x4000]  }
0x624: {  	s6 =	sor.u32 $0x8060, s1;
	v8 =	vld [tilespmem:s1+$0x4010]  }
0x625: {  	v9 =	vld [tilespmem:s1+$0x4020]  }
0x626: {  	s28 =	sor.u32 $0x8070, s1;
	v10 =	vld [tilespmem:s1+$0x4030]  }
0x627: {  	[tilespmem:s28+$0x0] =	vst.add.f32.msk $0xffff, v4  }
0x628: {  	v6 =	vld [tilespmem:s1+$0x4040]  }
0x629: {  	v4 =	vld [tilespmem:s1+$0x4050]  }
.Ltmp30:
0x62a: {  	v5 =	vld [tilespmem:s1+$0x4060];
	(pc) =	sbr.rel @p0 .LBB2_62-.Ltmp30, $4  }
0x62b: {  	[tilespmem:s8+$0x0] =	vst.add.f32.msk $0xffff, v7  }
0x62c: {  	[tilespmem:s18+$0x0] =	vst.add.f32.msk $0xffff, v8  }
0x62d: {  	[tilespmem:s25+$0x0] =	vst.add.f32.msk $0xffff, v9  }
0x62e: {  	s0 =	sadd.s32 $0x10, s0;
	s3 =	sadd.s32 $0x400, s3;
	s4 =	sadd.s32 $0x80, s4;
	[tilespmem:s26+$0x0] =	vst.add.f32.msk $0xffff, v10  }
0x62f: {  	[tilespmem:s7+$0x0] =	vst.add.f32.msk $0xffff, v6  }
0x630: {  	[tilespmem:s5+$0x0] =	vst.add.f32.msk $0xffff, v4  }
0x631: {  	[tilespmem:s6+$0x0] =	vst.add.f32.msk $0xffff, v5  }
0x632: {  	s1 =	sld [smem:$0x7FA];
	_ =	sdelay $0x1  }
0x633: {  	s0 =	simm.s32 $0x0  }
0x634: {  	[hbm4b:s1+s0] =	stream.linear.scatter [tilespmem:s23], [sflag:$0x8], $0x4000, $0x38;
	[tilespmem:$0x1C100] =	vst v63  }
0x635: {  	s18 =	sand.u32 $0x2000, s0;
	s3 =	sand.u32 $0x1C00, s0;
	_ =	swait.ge [sflag:s9], $0x4000  }
0x636: {  	s1 =	sor.u32 s3, s18;
	s0 =	sand.u32 $0x380, s0;
	[sflag:s9] =	ssyncset.done $0x0  }
0x637: {  	s0 =	sor.u32 s0, s1;
	[sflag:s9] =	ssyncadd.s32 $0xFFFFC000  }
0x638: {  	v4 =	vld [tilespmem:s0+$0x4070]  }
0x639: {  	v7 =	vld [tilespmem:s0+$0x4000]  }
0x63a: {  	v8 =	vld [tilespmem:s0+$0x4010]  }
0x63b: {  	v9 =	vld [tilespmem:s0+$0x4020]  }
0x63c: {  	v10 =	vld [tilespmem:s0+$0x4030]  }
0x63d: {  	v6 =	vld [tilespmem:s0+$0x4040]  }
0x63e: {  	s1 =	sor.u32 $0xC070, s0;
	v5 =	vld [tilespmem:s0+$0x4060]  }
0x63f: {  	[tilespmem:s1+$0x0] =	vst.add.f32.msk $0xffff, v4  }
0x640: {  	s25 =	sor.u32 $0xC000, s0;
	v4 =	vld [tilespmem:s0+$0x4050]  }
0x641: {  	s26 =	sor.u32 $0xC010, s0;
	[tilespmem:s25+$0x0] =	vst.add.f32.msk $0xffff, v7  }
0x642: {  	s30 =	simm.s32 $0x0;
	s3 =	simm.s32 $0x400;
	s28 =	sor.u32 $0xC020, s0;
	[tilespmem:s26+$0x0] =	vst.add.f32.msk $0xffff, v8  }
0x643: {  	s4 =	sor.u32 $0xC030, s0;
	s7 =	sor.u32 $0xC040, s0;
	s5 =	sor.u32 $0xC050, s0;
	[tilespmem:s28+$0x0] =	vst.add.f32.msk $0xffff, v9  }
0x644: {  	s6 =	sor.u32 $0xC060, s0;
	[tilespmem:s4+$0x0] =	vst.add.f32.msk $0xffff, v10;
	s0 =	simm.s32 $0x10;
	s4 =	simm.s32 $0x80  }
.LBB2_64:
0x645: {  	s1 =	sand.u32 $0x2000, s4;
	s8 =	sand.u32 $0x1C00, s3;
	s30 =	sadd.s32 $0x8, s30;
	[tilespmem:s7+$0x0] =	vst.add.f32.msk $0xffff, v6  }
0x646: {  	s7 =	sand.u32 $0x380, s0;
	s1 =	sor.u32 s8, s1;
	p0 =	slt.u32 s30, $0x3F8;
	[tilespmem:s5+$0x0] =	vst.add.f32.msk $0xffff, v4  }
0x647: {  	s1 =	sor.u32 s7, s1;
	[tilespmem:s6+$0x0] =	vst.add.f32.msk $0xffff, v5  }
0x648: {  	s8 =	sor.u32 $0xC000, s1;
	s18 =	sor.u32 $0xC010, s1;
	s25 =	sor.u32 $0xC020, s1;
	v4 =	vld [tilespmem:s1+$0x4070]  }
0x649: {  	s26 =	sor.u32 $0xC030, s1;
	s7 =	sor.u32 $0xC040, s1;
	s5 =	sor.u32 $0xC050, s1;
	v7 =	vld [tilespmem:s1+$0x4000]  }
0x64a: {  	s6 =	sor.u32 $0xC060, s1;
	v8 =	vld [tilespmem:s1+$0x4010]  }
0x64b: {  	v9 =	vld [tilespmem:s1+$0x4020]  }
0x64c: {  	s28 =	sor.u32 $0xC070, s1;
	v10 =	vld [tilespmem:s1+$0x4030]  }
0x64d: {  	[tilespmem:s28+$0x0] =	vst.add.f32.msk $0xffff, v4  }
0x64e: {  	v6 =	vld [tilespmem:s1+$0x4040]  }
0x64f: {  	v4 =	vld [tilespmem:s1+$0x4050]  }
.Ltmp31:
0x650: {  	v5 =	vld [tilespmem:s1+$0x4060];
	(pc) =	sbr.rel @p0 .LBB2_64-.Ltmp31, $4  }
0x651: {  	[tilespmem:s8+$0x0] =	vst.add.f32.msk $0xffff, v7  }
0x652: {  	[tilespmem:s18+$0x0] =	vst.add.f32.msk $0xffff, v8  }
0x653: {  	[tilespmem:s25+$0x0] =	vst.add.f32.msk $0xffff, v9  }
0x654: {  	s0 =	sadd.s32 $0x10, s0;
	s3 =	sadd.s32 $0x400, s3;
	s4 =	sadd.s32 $0x80, s4;
	[tilespmem:s26+$0x0] =	vst.add.f32.msk $0xffff, v10  }
0x655: {  	[tilespmem:s7+$0x0] =	vst.add.f32.msk $0xffff, v6  }
0x656: {  	[tilespmem:s5+$0x0] =	vst.add.f32.msk $0xffff, v4  }
0x657: {  	[tilespmem:s6+$0x0] =	vst.add.f32.msk $0xffff, v5  }
0x658: {  	s0 =	sld [smem:$0x7FB];
	_ =	sdelay $0x2  }
0x659: {  	[hbm4b:s0+s2] =	stream.linear.scatter [tilespmem:s24], [sflag:$0x9], $0x4000, $0x38;
	[tilespmem:$0x1C100] =	vst v63  }
0x65a: {  	_ =	swait.ge [sflag:s17], $0x4000  }
0x65b: {  	[sflag:s17] =	ssyncset.done $0x0  }
0x65c: {  	[sflag:s17] =	ssyncadd.s32 $0xFFFFC000  }
0x65d: {  	_ =	swait.ge [sflag:s20], $0x4000  }
0x65e: {  	[sflag:s20] =	ssyncset.done $0x0  }
0x65f: {  	[sflag:s20] =	ssyncadd.s32 $0xFFFFC000  }
0x660: {  	_ =	swait.ge [sflag:s21], $0x4000  }
0x661: {  	[sflag:s21] =	ssyncset.done $0x0  }
0x662: {  	[sflag:s21] =	ssyncadd.s32 $0xFFFFC000  }
0x663: {  	_ =	swait.ge [sflag:s10], $0x4000  }
0x664: {  	[sflag:s10] =	ssyncset.done $0x0  }
0x665: {  	[sflag:s10] =	ssyncadd.s32 $0xFFFFC000  }
0x666: {  	_ =	swait.ge [sflag:s15], $0x4000  }
0x667: {  	s30 =	sld [smem:$0x7FD];
	_ =	sdelay $0x1  }
0x668: {  	s22 =	sadd.s32 $0x1, s22  }
0x669: {  	p0 =	sne.s32 s22, s30  }
.Ltmp32:
0x66a: {  	_ = 	snop;
	(pc) =	sbr.rel @p0 .LBB2_1-.Ltmp32, $3  }
0x66b: {  	_ =	sdelay $0x1  }
0x66c: {  	[sflag:s15] =	ssyncset.done $0x0  }
0x66d: {  	[sflag:s15] =	ssyncadd.s32 $0xFFFFC000  }
0x66e: {  	_ =	sfence.sel $0x180000  }
0x66f: {  	[bflag:$0x0] =	sbarrier.arrive $0xFFFF  }
0x670: {  	_ =	strace $0x90000047  }
0x671: {  	s0 =	stileid.u32;
	[bflag:$0x2] =	sbarrier.arrive $0xFFFF  }
0x672: {  	p0 =	sne.s32 s0, $0x0;
	s0 =	rddreg [dreg:$0x4]  }
0x673: {  	s0 =	sadd.s32 @!p0 $0x100000, s0  }
0x674: {  	[sflag:s0] =	ssyncadd.tile.s32 @!p0 $0x1;
	_ =	shalt  }
.Lfunc_end2:
_tile_overlayer_lowered:
.L_overlay_start_2:
0x675: {  	(tag) =	ssettag $0x2  }
0x676: {  	s0 =	rddreg [dreg:$0x0];
	s2 =	stileid.u32  }
0x677: {  	s1 =	rddreg [dreg:$0x1];
	p0 =	sne.s32 s2, $0x0  }
0x678: {  	s3 =	rddreg [dreg:$0x2];
	[bflag:$0x3] =	sbarrier.arrive $0xFFFF;
	s2 =	simm.s32 @!p0 $0x1C0D  }
0x679: {  	[timem:s3], [sflag:s2] =	dma.local @!p0 [hbm:s0], s1  }
0x67a: {  	s0 =	simm.s32 @!p0 $0xD  }
0x67b: {  	_ =	swait.ge @!p0 [sflag:s0], s1  }
0x67c: {  	s1 =	ssub.s32 @!p0 $0x0, s1;
	[sflag:s0] =	ssyncset.done @!p0 $0x0  }
0x67d: {  	[sflag:s0] =	ssyncadd.s32 @!p0 s1  }
0x67e: {  	[bflag:$0x3] =	sbarrier.arrive $0xFFFF  }
0x67f: {  	_ =	shalt  }

</sc_bundles>
